<compile_context>
chip_gen: v7x
topology: tpu7x:2x2x1
jax: 0.10.2.dev20260603
libtpu: 0.0.44.dev20260713+nightly
codegen_flags: <defaults>
</compile_context>

<pallas_src>
import functools

import jax
import jax.numpy as jnp
from jax import lax
from jax.experimental import pallas as pl
from jax.experimental.pallas import tpu as pltpu
from jax.experimental.pallas import tpu_sc as plsc

NC = 2
NS = 16
NW = NC * NS
L = 16

CH = 64
B = 128
SUBS = 16
SE = B * SUBS


def _predict(n_total):
  assert n_total % NW == 0
  epw = n_total // NW
  n_super = epw // SE
  tail = epw - n_super * SE
  tail_full = tail // B
  tail_rem = tail % B
  assert n_super % 2 == 0 and tail_rem % L == 0
  assert tail_full < SUBS

  mesh = plsc.VectorSubcoreMesh(
      core_axis_name="c", subcore_axis_name="s", num_cores=NC,
      num_subcores=NS)

  @functools.partial(
      pl.kernel,
      out_type=jax.ShapeDtypeStruct((n_total,), jnp.float32),
      mesh=mesh,
      compiler_params=pltpu.CompilerParams(
          needs_layout_passes=False, use_tc_tiling_on_sc=False),
      scratch_types=dict(
          qidx0=pltpu.VMEM((SE,), jnp.int32),
          qidx1=pltpu.VMEM((SE,), jnp.int32),
          aidx0=pltpu.VMEM((SE,), jnp.int32),
          aidx1=pltpu.VMEM((SE,), jnp.int32),
          rq0=pltpu.VMEM((B, CH), jnp.bfloat16),
          rq1=pltpu.VMEM((B, CH), jnp.bfloat16),
          ra0=pltpu.VMEM((B, CH), jnp.bfloat16),
          ra1=pltpu.VMEM((B, CH), jnp.bfloat16),
          out0=pltpu.VMEM((SE,), jnp.float32),
          out1=pltpu.VMEM((SE,), jnp.float32),
          partials=pltpu.VMEM((B * L,), jnp.float32),
          siq0=pltpu.SemaphoreType.DMA,
          siq1=pltpu.SemaphoreType.DMA,
          sia0=pltpu.SemaphoreType.DMA,
          sia1=pltpu.SemaphoreType.DMA,
          sgq0=pltpu.SemaphoreType.DMA,
          sgq1=pltpu.SemaphoreType.DMA,
          sga0=pltpu.SemaphoreType.DMA,
          sga1=pltpu.SemaphoreType.DMA,
          so0=pltpu.SemaphoreType.DMA,
          so1=pltpu.SemaphoreType.DMA,
      ),
  )
  def sc_kernel(xq_hbm, xa_hbm, qi_hbm, ai_hbm, out_hbm, *,
                qidx0, qidx1, aidx0, aidx1, rq0, rq1, ra0, ra1, out0, out1,
                partials, siq0, siq1, sia0, sia1, sgq0, sgq1, sga0, sga1,
                so0, so1):
    wid = lax.axis_index("s") * NC + lax.axis_index("c")
    wbase = wid * epw
    lane = lax.iota(jnp.int32, L)
    ibufs = ((qidx0, aidx0, siq0, sia0), (qidx1, aidx1, siq1, sia1))
    rbufs = ((rq0, ra0, sgq0, sga0), (rq1, ra1, sgq1, sga1))
    obufs = ((out0, so0), (out1, so1))

    def idx_start(base, n, ib):
      qb, ab, sq, sa = ib
      pltpu.async_copy(qi_hbm.at[pl.ds(base, n)], qb.at[pl.ds(0, n)], sq)
      pltpu.async_copy(ai_hbm.at[pl.ds(base, n)], ab.at[pl.ds(0, n)], sa)

    def idx_wait(n, ib):
      qb, ab, sq, sa = ib
      pltpu.make_async_copy(
          qi_hbm.at[pl.ds(0, n)], qb.at[pl.ds(0, n)], sq).wait()
      pltpu.make_async_copy(
          ai_hbm.at[pl.ds(0, n)], ab.at[pl.ds(0, n)], sa).wait()

    def gather_start(ib, off, n, rb):
      qb, ab, _, _ = ib
      rq, ra, sgq, sga = rb
      pltpu.async_copy(
          xq_hbm.at[qb.at[pl.ds(off, n)]], rq.at[pl.ds(0, n)], sgq)
      pltpu.async_copy(
          xa_hbm.at[ab.at[pl.ds(off, n)]], ra.at[pl.ds(0, n)], sga)

    def gather_wait(ib, n, rb):
      qb, ab, _, _ = ib
      rq, ra, sgq, sga = rb
      pltpu.make_async_copy(
          xq_hbm.at[qb.at[pl.ds(0, n)]], rq.at[pl.ds(0, n)], sgq).wait()
      pltpu.make_async_copy(
          xa_hbm.at[ab.at[pl.ds(0, n)]], ra.at[pl.ds(0, n)], sga).wait()

    def compute(rb, ob, out_off, ngroups):
      rq, ra, _, _ = rb
      outbuf, _ = ob
      n = ngroups * L

      def edge_body(e, carry):
        p = None
        for k in range(CH // (2 * L)):
          q0, q1 = plsc.unpack(
              rq[e, pl.ds(k * 2 * L, 2 * L)], format=plsc.PackFormat.INTERLEAVED,
              preferred_element_type=jnp.float32)
          a0, a1 = plsc.unpack(
              ra[e, pl.ds(k * 2 * L, 2 * L)], format=plsc.PackFormat.INTERLEAVED,
              preferred_element_type=jnp.float32)
          t = q0 * a0 + q1 * a1
          p = t if p is None else p + t
        partials[pl.ds(e * L, L)] = p
        return carry

      lax.fori_loop(0, n, edge_body, 0)

      def group_body(g, carry):
        base = g * (L * L) + lane * L
        acc = plsc.load_gather(partials, [base])
        for l in range(1, L):
          acc = acc + plsc.load_gather(partials, [base + l])
        outbuf[pl.ds(out_off + g * L, L)] = acc
        return carry

      lax.fori_loop(0, ngroups, group_body, 0)

    def out_start(base, n, ob):
      outbuf, so = ob
      pltpu.async_copy(outbuf.at[pl.ds(0, n)], out_hbm.at[pl.ds(base, n)], so)

    def out_wait(n, ob):
      outbuf, so = ob
      pltpu.make_async_copy(
          outbuf.at[pl.ds(0, n)], out_hbm.at[pl.ds(0, n)], so).wait()

    idx_start(wbase, SE, ibufs[0])
    if n_super > 1:
      idx_start(wbase + SE, SE, ibufs[1])

    def super_body(s, ibi):
      ib = ibufs[ibi]
      ob = obufs[ibi]
      sbase = wbase + s * SE
      idx_wait(SE, ib)

      @pl.when(s >= 2)
      def _():
        out_wait(SE, ob)

      gather_start(ib, 0, B, rbufs[0])
      gather_start(ib, B, B, rbufs[1])

      def jj_body(jj, carry):
        for par in range(2):
          j = 2 * jj + par
          gather_wait(ib, B, rbufs[par])
          compute(rbufs[par], ob, j * B, B // L)

          @pl.when(j + 2 < SUBS)
          def _():
            gather_start(ib, (j + 2) * B, B, rbufs[par])

        return carry

      lax.fori_loop(0, SUBS // 2, jj_body, 0)
      out_start(sbase, SE, ob)

      nxt = s + 2

      @pl.when(nxt < n_super)
      def _():
        idx_start(wbase + nxt * SE, SE, ib)

      if tail:
        @pl.when(nxt == n_super)
        def _():
          idx_start(wbase + n_super * SE, tail, ib)

    def pair_body(s2, carry):
      super_body(2 * s2, 0)
      super_body(2 * s2 + 1, 1)
      return carry

    lax.fori_loop(0, n_super // 2, pair_body, 0)

    if tail:
      ib = ibufs[0]
      ob = obufs[0]
      tbase = wbase + n_super * SE
      idx_wait(tail, ib)
      if n_super >= 2:
        out_wait(SE, ob)
      n_subs = tail_full + (1 if tail_rem else 0)
      sizes = [B] * tail_full + ([tail_rem] if tail_rem else [])
      for j in range(min(2, n_subs)):
        gather_start(ib, j * B, sizes[j], rbufs[j % 2])
      for j in range(n_subs):
        gather_wait(ib, sizes[j], rbufs[j % 2])
        compute(rbufs[j % 2], ob, j * B, sizes[j] // L)
        if j + 2 < n_subs:
          gather_start(ib, (j + 2) * B, sizes[j + 2], rbufs[j % 2])
      out_start(tbase, tail, ob)

    if n_super >= 1:
      out_wait(SE, obufs[1] if n_super % 2 == 0 else obufs[0])
    if tail:
      out_wait(tail, obufs[0])
    elif n_super >= 2:
      out_wait(SE, obufs[0] if n_super % 2 == 0 else obufs[1])

  return sc_kernel


def kernel(x_question, x_answer, pos_edge_label_index, neg_edge_label_index):
  n_edges = pos_edge_label_index.shape[1]
  qi = jnp.concatenate([pos_edge_label_index[0], neg_edge_label_index[0]])
  ai = jnp.concatenate([pos_edge_label_index[1], neg_edge_label_index[1]])
  pred = _predict(2 * n_edges)(
      x_question.astype(jnp.bfloat16), x_answer.astype(jnp.bfloat16),
      qi.astype(jnp.int32), ai.astype(jnp.int32))
  return (pred[:n_edges], pred[n_edges:])

# --- scband reference (transcript-rebuilt; emitter-appended) ---
"""Pipeline reference for scband-medical-hgt-13056700580221 (READ-ONLY COPY).

The authoritative reference and input builder live on the scoring server;
editing this copy changes nothing except your own understanding.
"""

import jax, jax.numpy as jnp
import numpy as np

N_NODES = 50000
N_EDGES = 800000
CHANNELS = 64


def setup_inputs(seed: int = 0) -> dict:
    key = jax.random.key(seed)
    k1, k2, k3, k4 = jax.random.split(key, 4)
    x_question = jax.random.normal(k1, (N_NODES, CHANNELS), dtype=jnp.float32)
    x_answer = jax.random.normal(k2, (N_NODES, CHANNELS), dtype=jnp.float32)
    pos_edge_label_index = jax.random.randint(k3, (2, N_EDGES), 0, N_NODES, dtype=jnp.int64) if jax.config.jax_enable_x64 else jax.random.randint(k3, (2, N_EDGES), 0, N_NODES, dtype=jnp.int32)
    neg_edge_label_index = jax.random.randint(k4, (2, N_EDGES), 0, N_NODES, dtype=jnp.int32)
    return {
        'x_question': x_question,
        'x_answer': x_answer,
        'pos_edge_label_index': pos_edge_label_index,
        'neg_edge_label_index': neg_edge_label_index,
    }


def reference(x_question, x_answer, pos_edge_label_index, neg_edge_label_index):
    # Decoder of MedicalHGT: dot-product link predictor over pos/neg edges.
    # gather source ('question') and destination ('answer') node embeddings
    pos_edge_feat_question = jnp.take(x_question, pos_edge_label_index[0], axis=0)
    pos_edge_feat_answer = jnp.take(x_answer, pos_edge_label_index[1], axis=0)
    pos_pred = (pos_edge_feat_question * pos_edge_feat_answer).sum(axis=-1)

    neg_edge_feat_question = jnp.take(x_question, neg_edge_label_index[0], axis=0)
    neg_edge_feat_answer = jnp.take(x_answer, neg_edge_label_index[1], axis=0)
    neg_pred = (neg_edge_feat_question * neg_edge_feat_answer).sum(axis=-1)

    return (pos_pred, neg_pred)

if __name__ == "__main__":
    import jax
    _d = setup_inputs()
    print(jax.jit(kernel)(*tuple(_d.values())))

</pallas_src>

<mosaic_0001>
#map = affine_map<(d0, d1) -> (0, 0)>
#map1 = affine_map<(d0, d1) -> (0)>
module attributes {stable_mosaic.version = 14 : i64} {
  func.func @sc_kernel(%arg0: i32, %arg1: i32, %arg2: memref<50000x64xbf16, #tpu.memory_space<hbm>>, %arg3: memref<50000x64xbf16, #tpu.memory_space<hbm>>, %arg4: memref<1600000xi32, #tpu.memory_space<hbm>>, %arg5: memref<1600000xi32, #tpu.memory_space<hbm>>, %arg6: memref<1600000xf32, #tpu.memory_space<hbm>>, %arg7: memref<2048xi32, #tpu.memory_space<vmem>>, %arg8: memref<2048xi32, #tpu.memory_space<vmem>>, %arg9: memref<2048xf32, #tpu.memory_space<vmem>>, %arg10: memref<2048xf32, #tpu.memory_space<vmem>>, %arg11: memref<2048xf32, #tpu.memory_space<vmem>>, %arg12: memref<2048xi32, #tpu.memory_space<vmem>>, %arg13: memref<2048xi32, #tpu.memory_space<vmem>>, %arg14: memref<128x64xbf16, #tpu.memory_space<vmem>>, %arg15: memref<128x64xbf16, #tpu.memory_space<vmem>>, %arg16: memref<128x64xbf16, #tpu.memory_space<vmem>>, %arg17: memref<128x64xbf16, #tpu.memory_space<vmem>>, %arg18: memref<!tpu.dma_semaphore, #tpu.memory_space<semaphore_mem>>, %arg19: memref<!tpu.dma_semaphore, #tpu.memory_space<semaphore_mem>>, %arg20: memref<!tpu.dma_semaphore, #tpu.memory_space<semaphore_mem>>, %arg21: memref<!tpu.dma_semaphore, #tpu.memory_space<semaphore_mem>>, %arg22: memref<!tpu.dma_semaphore, #tpu.memory_space<semaphore_mem>>, %arg23: memref<!tpu.dma_semaphore, #tpu.memory_space<semaphore_mem>>, %arg24: memref<!tpu.dma_semaphore, #tpu.memory_space<semaphore_mem>>, %arg25: memref<!tpu.dma_semaphore, #tpu.memory_space<semaphore_mem>>, %arg26: memref<!tpu.dma_semaphore, #tpu.memory_space<semaphore_mem>>, %arg27: memref<!tpu.dma_semaphore, #tpu.memory_space<semaphore_mem>>) attributes {dimension_semantics = [#tpu.dimension_semantics<core_parallel>, #tpu.dimension_semantics<subcore_parallel>], iteration_bounds = array<i64: 2, 16>, scalar_prefetch = 0 : i64, scratch_operands = 21 : i64, tpu.core_type = #tpu.core_type<sc_vector_subcore>, window_params = [{transform_indices = #map}, {transform_indices = #map}, {transform_indices = #map1}, {transform_indices = #map1}, {transform_indices = #map1}]} {
    %mul3A = arith.constant 2 : i32
    %mul3A_0 = arith.muli %arg1, %mul3A : i32
    %add3A = arith.addi %mul3A_0, %arg0 : i32
    %mul3A_1 = arith.constant 50000 : i32
    %mul3A_2 = arith.muli %add3A, %mul3A_1 : i32
    %iota3A = tpu.iota {dimensions = array<i32: 0>} : vector<16xi32>
    %dma_start3A = arith.constant 0 : i32
    %dma_start3A_3 = tpu.memref_slice %arg12[%dma_start3A] : memref<2048xi32, #tpu.memory_space<vmem>> -> memref<2048xi32, #tpu.memory_space<vmem>>
    %dma_start3A_4 = tpu.memref_slice %arg4[%mul3A_2] : memref<1600000xi32, #tpu.memory_space<hbm>> -> memref<2048xi32, #tpu.memory_space<hbm>>
    %dma_start3A_5 = arith.constant 0 : i32
    %dma_start3A_6 = tpu.memref_slice %arg12[%dma_start3A_5] : memref<2048xi32, #tpu.memory_space<vmem>> -> memref<2048xi32, #tpu.memory_space<vmem>>
    %dma_start3A_7 = tpu.memref_slice %arg4[%mul3A_2] : memref<1600000xi32, #tpu.memory_space<hbm>> -> memref<2048xi32, #tpu.memory_space<hbm>>
    tpu.enqueue_dma source(%dma_start3A_7 : memref<2048xi32, #tpu.memory_space<hbm>>) target(%dma_start3A_6 : memref<2048xi32, #tpu.memory_space<vmem>>) target_semaphore(%arg24 : memref<!tpu.dma_semaphore, #tpu.memory_space<semaphore_mem>>)
    %dma_start3A_8 = arith.constant 0 : i32
    %dma_start3A_9 = tpu.memref_slice %arg7[%dma_start3A_8] : memref<2048xi32, #tpu.memory_space<vmem>> -> memref<2048xi32, #tpu.memory_space<vmem>>
    %dma_start3A_10 = tpu.memref_slice %arg5[%mul3A_2] : memref<1600000xi32, #tpu.memory_space<hbm>> -> memref<2048xi32, #tpu.memory_space<hbm>>
    %dma_start3A_11 = arith.constant 0 : i32
    %dma_start3A_12 = tpu.memref_slice %arg7[%dma_start3A_11] : memref<2048xi32, #tpu.memory_space<vmem>> -> memref<2048xi32, #tpu.memory_space<vmem>>
    %dma_start3A_13 = tpu.memref_slice %arg5[%mul3A_2] : memref<1600000xi32, #tpu.memory_space<hbm>> -> memref<2048xi32, #tpu.memory_space<hbm>>
    tpu.enqueue_dma source(%dma_start3A_13 : memref<2048xi32, #tpu.memory_space<hbm>>) target(%dma_start3A_12 : memref<2048xi32, #tpu.memory_space<vmem>>) target_semaphore(%arg22 : memref<!tpu.dma_semaphore, #tpu.memory_space<semaphore_mem>>)
    %add3A_14 = arith.constant 2048 : i32
    %add3A_15 = arith.addi %mul3A_2, %add3A_14 : i32
    %dma_start3A_16 = arith.constant 0 : i32
    %dma_start3A_17 = tpu.memref_slice %arg13[%dma_start3A_16] : memref<2048xi32, #tpu.memory_space<vmem>> -> memref<2048xi32, #tpu.memory_space<vmem>>
    %dma_start3A_18 = tpu.memref_slice %arg4[%add3A_15] : memref<1600000xi32, #tpu.memory_space<hbm>> -> memref<2048xi32, #tpu.memory_space<hbm>>
    %dma_start3A_19 = arith.constant 0 : i32
    %dma_start3A_20 = tpu.memref_slice %arg13[%dma_start3A_19] : memref<2048xi32, #tpu.memory_space<vmem>> -> memref<2048xi32, #tpu.memory_space<vmem>>
    %dma_start3A_21 = tpu.memref_slice %arg4[%add3A_15] : memref<1600000xi32, #tpu.memory_space<hbm>> -> memref<2048xi32, #tpu.memory_space<hbm>>
    tpu.enqueue_dma source(%dma_start3A_21 : memref<2048xi32, #tpu.memory_space<hbm>>) target(%dma_start3A_20 : memref<2048xi32, #tpu.memory_space<vmem>>) target_semaphore(%arg25 : memref<!tpu.dma_semaphore, #tpu.memory_space<semaphore_mem>>)
    %dma_start3A_22 = arith.constant 0 : i32
    %dma_start3A_23 = tpu.memref_slice %arg8[%dma_start3A_22] : memref<2048xi32, #tpu.memory_space<vmem>> -> memref<2048xi32, #tpu.memory_space<vmem>>
    %dma_start3A_24 = tpu.memref_slice %arg5[%add3A_15] : memref<1600000xi32, #tpu.memory_space<hbm>> -> memref<2048xi32, #tpu.memory_space<hbm>>
    %dma_start3A_25 = arith.constant 0 : i32
    %dma_start3A_26 = tpu.memref_slice %arg8[%dma_start3A_25] : memref<2048xi32, #tpu.memory_space<vmem>> -> memref<2048xi32, #tpu.memory_space<vmem>>
    %dma_start3A_27 = tpu.memref_slice %arg5[%add3A_15] : memref<1600000xi32, #tpu.memory_space<hbm>> -> memref<2048xi32, #tpu.memory_space<hbm>>
    tpu.enqueue_dma source(%dma_start3A_27 : memref<2048xi32, #tpu.memory_space<hbm>>) target(%dma_start3A_26 : memref<2048xi32, #tpu.memory_space<vmem>>) target_semaphore(%arg23 : memref<!tpu.dma_semaphore, #tpu.memory_space<semaphore_mem>>)
    %scan3A = arith.constant 0 : i32
    %scan3A_28 = arith.constant 0 : i32
    %scan3A_29 = arith.constant 12 : i32
    %scan3A_30 = arith.addi %scan3A_28, %scan3A_29 : i32
    %scan3A_31 = arith.constant 1 : i32
    scf.for %scan3A_388 = %scan3A_28 to %scan3A_30 step %scan3A_31  : i32 {
      %mul3A_389 = arith.constant 2 : i32
      %mul3A_390 = arith.muli %mul3A_389, %scan3A_388 : i32
      %mul3A_391 = arith.constant 2048 : i32
      %mul3A_392 = arith.muli %mul3A_390, %mul3A_391 : i32
      %add3A_393 = arith.addi %mul3A_2, %mul3A_392 : i32
      %dma_wait3A_394 = arith.constant 0 : i32
      %dma_wait3A_395 = tpu.memref_slice %arg12[%dma_wait3A_394] : memref<2048xi32, #tpu.memory_space<vmem>> -> memref<2048xi32, #tpu.memory_space<vmem>>
      %dma_wait3A_396 = arith.constant 0 : i32
      %dma_wait3A_397 = tpu.memref_slice %arg4[%dma_wait3A_396] : memref<1600000xi32, #tpu.memory_space<hbm>> -> memref<2048xi32, #tpu.memory_space<hbm>>
      %dma_wait3A_398 = arith.constant 0 : i32
      %dma_wait3A_399 = tpu.memref_slice %arg12[%dma_wait3A_398] : memref<2048xi32, #tpu.memory_space<vmem>> -> memref<2048xi32, #tpu.memory_space<vmem>>
      %dma_wait3A_400 = arith.constant 0 : i32
      %dma_wait3A_401 = tpu.memref_slice %arg4[%dma_wait3A_400] : memref<1600000xi32, #tpu.memory_space<hbm>> -> memref<2048xi32, #tpu.memory_space<hbm>>
      tpu.wait_dma2 semaphore(%arg24 : memref<!tpu.dma_semaphore, #tpu.memory_space<semaphore_mem>>) src(%dma_wait3A_401 : memref<2048xi32, #tpu.memory_space<hbm>>) dst(%dma_wait3A_399 : memref<2048xi32, #tpu.memory_space<vmem>>)
      %dma_wait3A_402 = arith.constant 0 : i32
      %dma_wait3A_403 = tpu.memref_slice %arg7[%dma_wait3A_402] : memref<2048xi32, #tpu.memory_space<vmem>> -> memref<2048xi32, #tpu.memory_space<vmem>>
      %dma_wait3A_404 = arith.constant 0 : i32
      %dma_wait3A_405 = tpu.memref_slice %arg5[%dma_wait3A_404] : memref<1600000xi32, #tpu.memory_space<hbm>> -> memref<2048xi32, #tpu.memory_space<hbm>>
      %dma_wait3A_406 = arith.constant 0 : i32
      %dma_wait3A_407 = tpu.memref_slice %arg7[%dma_wait3A_406] : memref<2048xi32, #tpu.memory_space<vmem>> -> memref<2048xi32, #tpu.memory_space<vmem>>
      %dma_wait3A_408 = arith.constant 0 : i32
      %dma_wait3A_409 = tpu.memref_slice %arg5[%dma_wait3A_408] : memref<1600000xi32, #tpu.memory_space<hbm>> -> memref<2048xi32, #tpu.memory_space<hbm>>
      tpu.wait_dma2 semaphore(%arg22 : memref<!tpu.dma_semaphore, #tpu.memory_space<semaphore_mem>>) src(%dma_wait3A_409 : memref<2048xi32, #tpu.memory_space<hbm>>) dst(%dma_wait3A_407 : memref<2048xi32, #tpu.memory_space<vmem>>)
      %ge3A = arith.constant 2 : i32
      %ge3A_410 = arith.cmpi sge, %mul3A_390, %ge3A : i32
      %convert_element_type3A = arith.extui %ge3A_410 : i1 to i32
      %cond3A = arith.constant 0 : i32
      %cond3A_411 = arith.cmpi ne, %convert_element_type3A, %cond3A : i32
      scf.if %cond3A_411 {
        %dma_wait3A_550 = arith.constant 0 : i32
        %dma_wait3A_551 = tpu.memref_slice %arg9[%dma_wait3A_550] : memref<2048xf32, #tpu.memory_space<vmem>> -> memref<2048xf32, #tpu.memory_space<vmem>>
        %dma_wait3A_552 = arith.constant 0 : i32
        %dma_wait3A_553 = tpu.memref_slice %arg6[%dma_wait3A_552] : memref<1600000xf32, #tpu.memory_space<hbm>> -> memref<2048xf32, #tpu.memory_space<hbm>>
        %dma_wait3A_554 = arith.constant 0 : i32
        %dma_wait3A_555 = tpu.memref_slice %arg6[%dma_wait3A_554] : memref<1600000xf32, #tpu.memory_space<hbm>> -> memref<2048xf32, #tpu.memory_space<hbm>>
        %dma_wait3A_556 = arith.constant 0 : i32
        %dma_wait3A_557 = tpu.memref_slice %arg9[%dma_wait3A_556] : memref<2048xf32, #tpu.memory_space<vmem>> -> memref<2048xf32, #tpu.memory_space<vmem>>
        tpu.wait_dma2 semaphore(%arg26 : memref<!tpu.dma_semaphore, #tpu.memory_space<semaphore_mem>>) src(%dma_wait3A_557 : memref<2048xf32, #tpu.memory_space<vmem>>) dst(%dma_wait3A_555 : memref<2048xf32, #tpu.memory_space<hbm>>)
      } else {
      }
      %dma_start3A_412 = arith.constant 0 : i32
      %dma_start3A_413 = arith.constant 0 : i32
      %dma_start3A_414 = tpu.memref_slice %arg16[%dma_start3A_412, %dma_start3A_413] : memref<128x64xbf16, #tpu.memory_space<vmem>> -> memref<128x64xbf16, #tpu.memory_space<vmem>>
      %dma_start3A_415 = arith.constant 0 : i32
      %dma_start3A_416 = tpu.memref_slice %arg12[%dma_start3A_415] : memref<2048xi32, #tpu.memory_space<vmem>> -> memref<128xi32, #tpu.memory_space<vmem>>
      %dma_start3A_417 = arith.constant 0 : i32
      %dma_start3A_418 = arith.constant 0 : i32
      %dma_start3A_419 = tpu.memref_slice %arg2[%dma_start3A_417, %dma_start3A_418] : memref<50000x64xbf16, #tpu.memory_space<hbm>> -> memref<50000x64xbf16, #tpu.memory_space<hbm>>
      tpu.enqueue_indirect_dma source(%dma_start3A_419 : memref<50000x64xbf16, #tpu.memory_space<hbm>>) target(%dma_start3A_414 : memref<128x64xbf16, #tpu.memory_space<vmem>>) offsets(%dma_start3A_416 : memref<128xi32, #tpu.memory_space<vmem>>) semaphore(%arg20 : memref<!tpu.dma_semaphore, #tpu.memory_space<semaphore_mem>>)
      %dma_start3A_420 = arith.constant 0 : i32
      %dma_start3A_421 = arith.constant 0 : i32
      %dma_start3A_422 = tpu.memref_slice %arg14[%dma_start3A_420, %dma_start3A_421] : memref<128x64xbf16, #tpu.memory_space<vmem>> -> memref<128x64xbf16, #tpu.memory_space<vmem>>
      %dma_start3A_423 = arith.constant 0 : i32
      %dma_start3A_424 = tpu.memref_slice %arg7[%dma_start3A_423] : memref<2048xi32, #tpu.memory_space<vmem>> -> memref<128xi32, #tpu.memory_space<vmem>>
      %dma_start3A_425 = arith.constant 0 : i32
      %dma_start3A_426 = arith.constant 0 : i32
      %dma_start3A_427 = tpu.memref_slice %arg3[%dma_start3A_425, %dma_start3A_426] : memref<50000x64xbf16, #tpu.memory_space<hbm>> -> memref<50000x64xbf16, #tpu.memory_space<hbm>>
      tpu.enqueue_indirect_dma source(%dma_start3A_427 : memref<50000x64xbf16, #tpu.memory_space<hbm>>) target(%dma_start3A_422 : memref<128x64xbf16, #tpu.memory_space<vmem>>) offsets(%dma_start3A_424 : memref<128xi32, #tpu.memory_space<vmem>>) semaphore(%arg18 : memref<!tpu.dma_semaphore, #tpu.memory_space<semaphore_mem>>)
      %dma_start3A_428 = arith.constant 0 : i32
      %dma_start3A_429 = arith.constant 0 : i32
      %dma_start3A_430 = tpu.memref_slice %arg17[%dma_start3A_428, %dma_start3A_429] : memref<128x64xbf16, #tpu.memory_space<vmem>> -> memref<128x64xbf16, #tpu.memory_space<vmem>>
      %dma_start3A_431 = arith.constant 128 : i32
      %dma_start3A_432 = tpu.memref_slice %arg12[%dma_start3A_431] : memref<2048xi32, #tpu.memory_space<vmem>> -> memref<128xi32, #tpu.memory_space<vmem>>
      %dma_start3A_433 = arith.constant 0 : i32
      %dma_start3A_434 = arith.constant 0 : i32
      %dma_start3A_435 = tpu.memref_slice %arg2[%dma_start3A_433, %dma_start3A_434] : memref<50000x64xbf16, #tpu.memory_space<hbm>> -> memref<50000x64xbf16, #tpu.memory_space<hbm>>
      tpu.enqueue_indirect_dma source(%dma_start3A_435 : memref<50000x64xbf16, #tpu.memory_space<hbm>>) target(%dma_start3A_430 : memref<128x64xbf16, #tpu.memory_space<vmem>>) offsets(%dma_start3A_432 : memref<128xi32, #tpu.memory_space<vmem>>) semaphore(%arg21 : memref<!tpu.dma_semaphore, #tpu.memory_space<semaphore_mem>>)
      %dma_start3A_436 = arith.constant 0 : i32
      %dma_start3A_437 = arith.constant 0 : i32
      %dma_start3A_438 = tpu.memref_slice %arg15[%dma_start3A_436, %dma_start3A_437] : memref<128x64xbf16, #tpu.memory_space<vmem>> -> memref<128x64xbf16, #tpu.memory_space<vmem>>
      %dma_start3A_439 = arith.constant 128 : i32
      %dma_start3A_440 = tpu.memref_slice %arg7[%dma_start3A_439] : memref<2048xi32, #tpu.memory_space<vmem>> -> memref<128xi32, #tpu.memory_space<vmem>>
      %dma_start3A_441 = arith.constant 0 : i32
      %dma_start3A_442 = arith.constant 0 : i32
      %dma_start3A_443 = tpu.memref_slice %arg3[%dma_start3A_441, %dma_start3A_442] : memref<50000x64xbf16, #tpu.memory_space<hbm>> -> memref<50000x64xbf16, #tpu.memory_space<hbm>>
      tpu.enqueue_indirect_dma source(%dma_start3A_443 : memref<50000x64xbf16, #tpu.memory_space<hbm>>) target(%dma_start3A_438 : memref<128x64xbf16, #tpu.memory_space<vmem>>) offsets(%dma_start3A_440 : memref<128xi32, #tpu.memory_space<vmem>>) semaphore(%arg19 : memref<!tpu.dma_semaphore, #tpu.memory_space<semaphore_mem>>)
      %scan3A_444 = arith.constant 0 : i32
      %scan3A_445 = arith.constant 0 : i32
      %scan3A_446 = arith.constant 8 : i32
      %scan3A_447 = arith.addi %scan3A_445, %scan3A_446 : i32
      %scan3A_448 = arith.constant 1 : i32
      scf.for %scan3A_550 = %scan3A_445 to %scan3A_447 step %scan3A_448  : i32 {
        %mul3A_551 = arith.constant 2 : i32
        %mul3A_552 = arith.muli %mul3A_551, %scan3A_550 : i32
        %add3A_553 = arith.constant 0 : i32
        %add3A_554 = arith.addi %mul3A_552, %add3A_553 : i32
        %dma_wait3A_555 = arith.constant 0 : i32
        %dma_wait3A_556 = arith.constant 0 : i32
        %dma_wait3A_557 = tpu.memref_slice %arg16[%dma_wait3A_555, %dma_wait3A_556] : memref<128x64xbf16, #tpu.memory_space<vmem>> -> memref<128x64xbf16, #tpu.memory_space<vmem>>
        %dma_wait3A_558 = arith.constant 0 : i32
        %dma_wait3A_559 = tpu.memref_slice %arg12[%dma_wait3A_558] : memref<2048xi32, #tpu.memory_space<vmem>> -> memref<128xi32, #tpu.memory_space<vmem>>
        %dma_wait3A_560 = arith.constant 0 : i32
        %dma_wait3A_561 = arith.constant 0 : i32
        %dma_wait3A_562 = tpu.memref_slice %arg2[%dma_wait3A_560, %dma_wait3A_561] : memref<50000x64xbf16, #tpu.memory_space<hbm>> -> memref<50000x64xbf16, #tpu.memory_space<hbm>>
        tpu.wait_indirect_dma semaphore(%arg20 : memref<!tpu.dma_semaphore, #tpu.memory_space<semaphore_mem>>) src(%dma_wait3A_562 : memref<50000x64xbf16, #tpu.memory_space<hbm>>) dst(%dma_wait3A_557 : memref<128x64xbf16, #tpu.memory_space<vmem>>)
        %dma_wait3A_563 = arith.constant 0 : i32
        %dma_wait3A_564 = arith.constant 0 : i32
        %dma_wait3A_565 = tpu.memref_slice %arg14[%dma_wait3A_563, %dma_wait3A_564] : memref<128x64xbf16, #tpu.memory_space<vmem>> -> memref<128x64xbf16, #tpu.memory_space<vmem>>
        %dma_wait3A_566 = arith.constant 0 : i32
        %dma_wait3A_567 = tpu.memref_slice %arg7[%dma_wait3A_566] : memref<2048xi32, #tpu.memory_space<vmem>> -> memref<128xi32, #tpu.memory_space<vmem>>
        %dma_wait3A_568 = arith.constant 0 : i32
        %dma_wait3A_569 = arith.constant 0 : i32
        %dma_wait3A_570 = tpu.memref_slice %arg3[%dma_wait3A_568, %dma_wait3A_569] : memref<50000x64xbf16, #tpu.memory_space<hbm>> -> memref<50000x64xbf16, #tpu.memory_space<hbm>>
        tpu.wait_indirect_dma semaphore(%arg18 : memref<!tpu.dma_semaphore, #tpu.memory_space<semaphore_mem>>) src(%dma_wait3A_570 : memref<50000x64xbf16, #tpu.memory_space<hbm>>) dst(%dma_wait3A_565 : memref<128x64xbf16, #tpu.memory_space<vmem>>)
        %mul3A_571 = arith.constant 128 : i32
        %mul3A_572 = arith.muli %add3A_554, %mul3A_571 : i32
        %scan3A_573 = arith.constant 0 : i32
        %scan3A_574 = arith.constant 0 : i32
        %scan3A_575 = arith.constant 128 : i32
        %scan3A_576 = arith.addi %scan3A_574, %scan3A_575 : i32
        %scan3A_577 = arith.constant 1 : i32
        scf.for %scan3A_633 = %scan3A_574 to %scan3A_576 step %scan3A_577  : i32 {
          %get3A = arith.index_cast %scan3A_633 : i32 to index
          %get3A_634 = arith.constant 0 : index
          %get3A_635 = tpu.vector_load %arg16[%get3A, %get3A_634] {strides = array<i32>} : memref<128x64xbf16, #tpu.memory_space<vmem>>, vector<32xbf16>,
          %unpack3A = tpu.unpack_subelements %get3A_635, 0 {pack_format = #tpu.pack_format<interleaved>} : vector<32xbf16> -> vector<16xf32>
          %unpack3A_636 = tpu.unpack_subelements %get3A_635, 1 {pack_format = #tpu.pack_format<interleaved>} : vector<32xbf16> -> vector<16xf32>
          %get3A_637 = arith.index_cast %scan3A_633 : i32 to index
          %get3A_638 = arith.constant 0 : index
          %get3A_639 = tpu.vector_load %arg14[%get3A_637, %get3A_638] {strides = array<i32>} : memref<128x64xbf16, #tpu.memory_space<vmem>>, vector<32xbf16>,
          %unpack3A_640 = tpu.unpack_subelements %get3A_639, 0 {pack_format = #tpu.pack_format<interleaved>} : vector<32xbf16> -> vector<16xf32>
          %unpack3A_641 = tpu.unpack_subelements %get3A_639, 1 {pack_format = #tpu.pack_format<interleaved>} : vector<32xbf16> -> vector<16xf32>
          %mul3A_642 = arith.mulf %unpack3A, %unpack3A_640 : vector<16xf32>
          %mul3A_643 = arith.mulf %unpack3A_636, %unpack3A_641 : vector<16xf32>
          %add3A_644 = arith.addf %mul3A_642, %mul3A_643 : vector<16xf32>
          %get3A_645 = arith.index_cast %scan3A_633 : i32 to index
          %get3A_646 = arith.constant 32 : index
          %get3A_647 = tpu.vector_load %arg16[%get3A_645, %get3A_646] {strides = array<i32>} : memref<128x64xbf16, #tpu.memory_space<vmem>>, vector<32xbf16>,
          %unpack3A_648 = tpu.unpack_subelements %get3A_647, 0 {pack_format = #tpu.pack_format<interleaved>} : vector<32xbf16> -> vector<16xf32>
          %unpack3A_649 = tpu.unpack_subelements %get3A_647, 1 {pack_format = #tpu.pack_format<interleaved>} : vector<32xbf16> -> vector<16xf32>
          %get3A_650 = arith.index_cast %scan3A_633 : i32 to index
          %get3A_651 = arith.constant 32 : index
          %get3A_652 = tpu.vector_load %arg14[%get3A_650, %get3A_651] {strides = array<i32>} : memref<128x64xbf16, #tpu.memory_space<vmem>>, vector<32xbf16>,
          %unpack3A_653 = tpu.unpack_subelements %get3A_652, 0 {pack_format = #tpu.pack_format<interleaved>} : vector<32xbf16> -> vector<16xf32>
          %unpack3A_654 = tpu.unpack_subelements %get3A_652, 1 {pack_format = #tpu.pack_format<interleaved>} : vector<32xbf16> -> vector<16xf32>
          %mul3A_655 = arith.mulf %unpack3A_648, %unpack3A_653 : vector<16xf32>
          %mul3A_656 = arith.mulf %unpack3A_649, %unpack3A_654 : vector<16xf32>
          %add3A_657 = arith.addf %mul3A_655, %mul3A_656 : vector<16xf32>
          %add3A_658 = arith.addf %add3A_644, %add3A_657 : vector<16xf32>
          %mul3A_659 = arith.constant 16 : i32
          %mul3A_660 = arith.muli %scan3A_633, %mul3A_659 : i32
          %swap3A = arith.index_cast %mul3A_660 : i32 to index
          %swap3A_661 = tpu.vector_load %arg11[%swap3A] {strides = array<i32>} : memref<2048xf32, #tpu.memory_space<vmem>>, vector<16xf32>,
          tpu.vector_store %arg11[%swap3A], %add3A_658 {strides = array<i32>} : memref<2048xf32, #tpu.memory_space<vmem>>, vector<16xf32>,
        }
        %scan3A_578 = arith.constant 128 : i32
        %scan3A_579 = arith.constant 0 : i32
        %scan3A_580 = arith.constant 0 : i32
        %scan3A_581 = arith.constant 8 : i32
        %scan3A_582 = arith.addi %scan3A_580, %scan3A_581 : i32
        %scan3A_583 = arith.constant 1 : i32
        scf.for %scan3A_633 = %scan3A_580 to %scan3A_582 step %scan3A_583  : i32 {
          %mul3A_634 = arith.constant 256 : i32
          %mul3A_635 = arith.muli %scan3A_633, %mul3A_634 : i32
          %mul3A_636 = arith.constant 16 : i32
          %mul3A_637 = vector.broadcast %mul3A_636 : i32 to vector<16xi32>
          %mul3A_638 = arith.muli %iota3A, %mul3A_637 : vector<16xi32>
          %add3A_639 = vector.broadcast %mul3A_635 : i32 to vector<16xi32>
          %add3A_640 = arith.addi %add3A_639, %mul3A_638 : vector<16xi32>
          %gather3A = tpu.vector_load_idx %arg11[%add3A_640] : memref<2048xf32, #tpu.memory_space<vmem>>[vector<16xi32>], vector<16xf32>,
          %add3A_641 = arith.constant 1 : i32
          %add3A_642 = vector.broadcast %add3A_641 : i32 to vector<16xi32>
          %add3A_643 = arith.addi %add3A_640, %add3A_642 : vector<16xi32>
          %gather3A_644 = tpu.vector_load_idx %arg11[%add3A_643] : memref<2048xf32, #tpu.memory_space<vmem>>[vector<16xi32>], vector<16xf32>,
          %add3A_645 = arith.addf %gather3A, %gather3A_644 : vector<16xf32>
          %add3A_646 = arith.constant 2 : i32
          %add3A_647 = vector.broadcast %add3A_646 : i32 to vector<16xi32>
          %add3A_648 = arith.addi %add3A_640, %add3A_647 : vector<16xi32>
          %gather3A_649 = tpu.vector_load_idx %arg11[%add3A_648] : memref<2048xf32, #tpu.memory_space<vmem>>[vector<16xi32>], vector<16xf32>,
          %add3A_650 = arith.addf %add3A_645, %gather3A_649 : vector<16xf32>
          %add3A_651 = arith.constant 3 : i32
          %add3A_652 = vector.broadcast %add3A_651 : i32 to vector<16xi32>
          %add3A_653 = arith.addi %add3A_640, %add3A_652 : vector<16xi32>
          %gather3A_654 = tpu.vector_load_idx %arg11[%add3A_653] : memref<2048xf32, #tpu.memory_space<vmem>>[vector<16xi32>], vector<16xf32>,
          %add3A_655 = arith.addf %add3A_650, %gather3A_654 : vector<16xf32>
          %add3A_656 = arith.constant 4 : i32
          %add3A_657 = vector.broadcast %add3A_656 : i32 to vector<16xi32>
          %add3A_658 = arith.addi %add3A_640, %add3A_657 : vector<16xi32>
          %gather3A_659 = tpu.vector_load_idx %arg11[%add3A_658] : memref<2048xf32, #tpu.memory_space<vmem>>[vector<16xi32>], vector<16xf32>,
          %add3A_660 = arith.addf %add3A_655, %gather3A_659 : vector<16xf32>
          %add3A_661 = arith.constant 5 : i32
          %add3A_662 = vector.broadcast %add3A_661 : i32 to vector<16xi32>
          %add3A_663 = arith.addi %add3A_640, %add3A_662 : vector<16xi32>
          %gather3A_664 = tpu.vector_load_idx %arg11[%add3A_663] : memref<2048xf32, #tpu.memory_space<vmem>>[vector<16xi32>], vector<16xf32>,
          %add3A_665 = arith.addf %add3A_660, %gather3A_664 : vector<16xf32>
          %add3A_666 = arith.constant 6 : i32
          %add3A_667 = vector.broadcast %add3A_666 : i32 to vector<16xi32>
          %add3A_668 = arith.addi %add3A_640, %add3A_667 : vector<16xi32>
          %gather3A_669 = tpu.vector_load_idx %arg11[%add3A_668] : memref<2048xf32, #tpu.memory_space<vmem>>[vector<16xi32>], vector<16xf32>,
          %add3A_670 = arith.addf %add3A_665, %gather3A_669 : vector<16xf32>
          %add3A_671 = arith.constant 7 : i32
          %add3A_672 = vector.broadcast %add3A_671 : i32 to vector<16xi32>
          %add3A_673 = arith.addi %add3A_640, %add3A_672 : vector<16xi32>
          %gather3A_674 = tpu.vector_load_idx %arg11[%add3A_673] : memref<2048xf32, #tpu.memory_space<vmem>>[vector<16xi32>], vector<16xf32>,
          %add3A_675 = arith.addf %add3A_670, %gather3A_674 : vector<16xf32>
          %add3A_676 = arith.constant 8 : i32
          %add3A_677 = vector.broadcast %add3A_676 : i32 to vector<16xi32>
          %add3A_678 = arith.addi %add3A_640, %add3A_677 : vector<16xi32>
          %gather3A_679 = tpu.vector_load_idx %arg11[%add3A_678] : memref<2048xf32, #tpu.memory_space<vmem>>[vector<16xi32>], vector<16xf32>,
          %add3A_680 = arith.addf %add3A_675, %gather3A_679 : vector<16xf32>
          %add3A_681 = arith.constant 9 : i32
          %add3A_682 = vector.broadcast %add3A_681 : i32 to vector<16xi32>
          %add3A_683 = arith.addi %add3A_640, %add3A_682 : vector<16xi32>
          %gather3A_684 = tpu.vector_load_idx %arg11[%add3A_683] : memref<2048xf32, #tpu.memory_space<vmem>>[vector<16xi32>], vector<16xf32>,
          %add3A_685 = arith.addf %add3A_680, %gather3A_684 : vector<16xf32>
          %add3A_686 = arith.constant 10 : i32
          %add3A_687 = vector.broadcast %add3A_686 : i32 to vector<16xi32>
          %add3A_688 = arith.addi %add3A_640, %add3A_687 : vector<16xi32>
          %gather3A_689 = tpu.vector_load_idx %arg11[%add3A_688] : memref<2048xf32, #tpu.memory_space<vmem>>[vector<16xi32>], vector<16xf32>,
          %add3A_690 = arith.addf %add3A_685, %gather3A_689 : vector<16xf32>
          %add3A_691 = arith.constant 11 : i32
          %add3A_692 = vector.broadcast %add3A_691 : i32 to vector<16xi32>
          %add3A_693 = arith.addi %add3A_640, %add3A_692 : vector<16xi32>
          %gather3A_694 = tpu.vector_load_idx %arg11[%add3A_693] : memref<2048xf32, #tpu.memory_space<vmem>>[vector<16xi32>], vector<16xf32>,
          %add3A_695 = arith.addf %add3A_690, %gather3A_694 : vector<16xf32>
          %add3A_696 = arith.constant 12 : i32
          %add3A_697 = vector.broadcast %add3A_696 : i32 to vector<16xi32>
          %add3A_698 = arith.addi %add3A_640, %add3A_697 : vector<16xi32>
          %gather3A_699 = tpu.vector_load_idx %arg11[%add3A_698] : memref<2048xf32, #tpu.memory_space<vmem>>[vector<16xi32>], vector<16xf32>,
          %add3A_700 = arith.addf %add3A_695, %gather3A_699 : vector<16xf32>
          %add3A_701 = arith.constant 13 : i32
          %add3A_702 = vector.broadcast %add3A_701 : i32 to vector<16xi32>
          %add3A_703 = arith.addi %add3A_640, %add3A_702 : vector<16xi32>
          %gather3A_704 = tpu.vector_load_idx %arg11[%add3A_703] : memref<2048xf32, #tpu.memory_space<vmem>>[vector<16xi32>], vector<16xf32>,
          %add3A_705 = arith.addf %add3A_700, %gather3A_704 : vector<16xf32>
          %add3A_706 = arith.constant 14 : i32
          %add3A_707 = vector.broadcast %add3A_706 : i32 to vector<16xi32>
          %add3A_708 = arith.addi %add3A_640, %add3A_707 : vector<16xi32>
          %gather3A_709 = tpu.vector_load_idx %arg11[%add3A_708] : memref<2048xf32, #tpu.memory_space<vmem>>[vector<16xi32>], vector<16xf32>,
          %add3A_710 = arith.addf %add3A_705, %gather3A_709 : vector<16xf32>
          %add3A_711 = arith.constant 15 : i32
          %add3A_712 = vector.broadcast %add3A_711 : i32 to vector<16xi32>
          %add3A_713 = arith.addi %add3A_640, %add3A_712 : vector<16xi32>
          %gather3A_714 = tpu.vector_load_idx %arg11[%add3A_713] : memref<2048xf32, #tpu.memory_space<vmem>>[vector<16xi32>], vector<16xf32>,
          %add3A_715 = arith.addf %add3A_710, %gather3A_714 : vector<16xf32>
          %mul3A_716 = arith.constant 16 : i32
          %mul3A_717 = arith.muli %scan3A_633, %mul3A_716 : i32
          %add3A_718 = arith.addi %mul3A_572, %mul3A_717 : i32
          %swap3A = arith.index_cast %add3A_718 : i32 to index
          %swap3A_719 = tpu.vector_load %arg9[%swap3A] {strides = array<i32>} : memref<2048xf32, #tpu.memory_space<vmem>>, vector<16xf32>,
          tpu.vector_store %arg9[%swap3A], %add3A_715 {strides = array<i32>} : memref<2048xf32, #tpu.memory_space<vmem>>, vector<16xf32>,
        }
        %scan3A_584 = arith.constant 8 : i32
        %add3A_585 = arith.constant 2 : i32
        %add3A_586 = arith.addi %add3A_554, %add3A_585 : i32
        %lt3A_587 = arith.constant 16 : i32
        %lt3A_588 = arith.cmpi slt, %add3A_586, %lt3A_587 : i32
        %convert_element_type3A_589 = arith.extui %lt3A_588 : i1 to i32
        %cond3A_590 = arith.constant 0 : i32
        %cond3A_591 = arith.cmpi ne, %convert_element_type3A_589, %cond3A_590 : i32
        scf.if %cond3A_591 {
          %add3A_633 = arith.constant 2 : i32
          %add3A_634 = arith.addi %add3A_554, %add3A_633 : i32
          %mul3A_635 = arith.constant 128 : i32
          %mul3A_636 = arith.muli %add3A_634, %mul3A_635 : i32
          %dma_start3A_637 = arith.constant 0 : i32
          %dma_start3A_638 = arith.constant 0 : i32
          %dma_start3A_639 = tpu.memref_slice %arg16[%dma_start3A_637, %dma_start3A_638] : memref<128x64xbf16, #tpu.memory_space<vmem>> -> memref<128x64xbf16, #tpu.memory_space<vmem>>
          %dma_start3A_640 = tpu.memref_slice %arg12[%mul3A_636] : memref<2048xi32, #tpu.memory_space<vmem>> -> memref<128xi32, #tpu.memory_space<vmem>>
          %dma_start3A_641 = arith.constant 0 : i32
          %dma_start3A_642 = arith.constant 0 : i32
          %dma_start3A_643 = tpu.memref_slice %arg2[%dma_start3A_641, %dma_start3A_642] : memref<50000x64xbf16, #tpu.memory_space<hbm>> -> memref<50000x64xbf16, #tpu.memory_space<hbm>>
          tpu.enqueue_indirect_dma source(%dma_start3A_643 : memref<50000x64xbf16, #tpu.memory_space<hbm>>) target(%dma_start3A_639 : memref<128x64xbf16, #tpu.memory_space<vmem>>) offsets(%dma_start3A_640 : memref<128xi32, #tpu.memory_space<vmem>>) semaphore(%arg20 : memref<!tpu.dma_semaphore, #tpu.memory_space<semaphore_mem>>)
          %dma_start3A_644 = arith.constant 0 : i32
          %dma_start3A_645 = arith.constant 0 : i32
          %dma_start3A_646 = tpu.memref_slice %arg14[%dma_start3A_644, %dma_start3A_645] : memref<128x64xbf16, #tpu.memory_space<vmem>> -> memref<128x64xbf16, #tpu.memory_space<vmem>>
          %dma_start3A_647 = tpu.memref_slice %arg7[%mul3A_636] : memref<2048xi32, #tpu.memory_space<vmem>> -> memref<128xi32, #tpu.memory_space<vmem>>
          %dma_start3A_648 = arith.constant 0 : i32
          %dma_start3A_649 = arith.constant 0 : i32
          %dma_start3A_650 = tpu.memref_slice %arg3[%dma_start3A_648, %dma_start3A_649] : memref<50000x64xbf16, #tpu.memory_space<hbm>> -> memref<50000x64xbf16, #tpu.memory_space<hbm>>
          tpu.enqueue_indirect_dma source(%dma_start3A_650 : memref<50000x64xbf16, #tpu.memory_space<hbm>>) target(%dma_start3A_646 : memref<128x64xbf16, #tpu.memory_space<vmem>>) offsets(%dma_start3A_647 : memref<128xi32, #tpu.memory_space<vmem>>) semaphore(%arg18 : memref<!tpu.dma_semaphore, #tpu.memory_space<semaphore_mem>>)
        } else {
        }
        %mul3A_592 = arith.constant 2 : i32
        %mul3A_593 = arith.muli %mul3A_592, %scan3A_550 : i32
        %add3A_594 = arith.constant 1 : i32
        %add3A_595 = arith.addi %mul3A_593, %add3A_594 : i32
        %dma_wait3A_596 = arith.constant 0 : i32
        %dma_wait3A_597 = arith.constant 0 : i32
        %dma_wait3A_598 = tpu.memref_slice %arg17[%dma_wait3A_596, %dma_wait3A_597] : memref<128x64xbf16, #tpu.memory_space<vmem>> -> memref<128x64xbf16, #tpu.memory_space<vmem>>
        %dma_wait3A_599 = arith.constant 0 : i32
        %dma_wait3A_600 = tpu.memref_slice %arg12[%dma_wait3A_599] : memref<2048xi32, #tpu.memory_space<vmem>> -> memref<128xi32, #tpu.memory_space<vmem>>
        %dma_wait3A_601 = arith.constant 0 : i32
        %dma_wait3A_602 = arith.constant 0 : i32
        %dma_wait3A_603 = tpu.memref_slice %arg2[%dma_wait3A_601, %dma_wait3A_602] : memref<50000x64xbf16, #tpu.memory_space<hbm>> -> memref<50000x64xbf16, #tpu.memory_space<hbm>>
        tpu.wait_indirect_dma semaphore(%arg21 : memref<!tpu.dma_semaphore, #tpu.memory_space<semaphore_mem>>) src(%dma_wait3A_603 : memref<50000x64xbf16, #tpu.memory_space<hbm>>) dst(%dma_wait3A_598 : memref<128x64xbf16, #tpu.memory_space<vmem>>)
        %dma_wait3A_604 = arith.constant 0 : i32
        %dma_wait3A_605 = arith.constant 0 : i32
        %dma_wait3A_606 = tpu.memref_slice %arg15[%dma_wait3A_604, %dma_wait3A_605] : memref<128x64xbf16, #tpu.memory_space<vmem>> -> memref<128x64xbf16, #tpu.memory_space<vmem>>
        %dma_wait3A_607 = arith.constant 0 : i32
        %dma_wait3A_608 = tpu.memref_slice %arg7[%dma_wait3A_607] : memref<2048xi32, #tpu.memory_space<vmem>> -> memref<128xi32, #tpu.memory_space<vmem>>
        %dma_wait3A_609 = arith.constant 0 : i32
        %dma_wait3A_610 = arith.constant 0 : i32
        %dma_wait3A_611 = tpu.memref_slice %arg3[%dma_wait3A_609, %dma_wait3A_610] : memref<50000x64xbf16, #tpu.memory_space<hbm>> -> memref<50000x64xbf16, #tpu.memory_space<hbm>>
        tpu.wait_indirect_dma semaphore(%arg19 : memref<!tpu.dma_semaphore, #tpu.memory_space<semaphore_mem>>) src(%dma_wait3A_611 : memref<50000x64xbf16, #tpu.memory_space<hbm>>) dst(%dma_wait3A_606 : memref<128x64xbf16, #tpu.memory_space<vmem>>)
        %mul3A_612 = arith.constant 128 : i32
        %mul3A_613 = arith.muli %add3A_595, %mul3A_612 : i32
        %scan3A_614 = arith.constant 0 : i32
        %scan3A_615 = arith.constant 0 : i32
        %scan3A_616 = arith.constant 128 : i32
        %scan3A_617 = arith.addi %scan3A_615, %scan3A_616 : i32
        %scan3A_618 = arith.constant 1 : i32
        scf.for %scan3A_633 = %scan3A_615 to %scan3A_617 step %scan3A_618  : i32 {
          %get3A = arith.index_cast %scan3A_633 : i32 to index
          %get3A_634 = arith.constant 0 : index
          %get3A_635 = tpu.vector_load %arg17[%get3A, %get3A_634] {strides = array<i32>} : memref<128x64xbf16, #tpu.memory_space<vmem>>, vector<32xbf16>,
          %unpack3A = tpu.unpack_subelements %get3A_635, 0 {pack_format = #tpu.pack_format<interleaved>} : vector<32xbf16> -> vector<16xf32>
          %unpack3A_636 = tpu.unpack_subelements %get3A_635, 1 {pack_format = #tpu.pack_format<interleaved>} : vector<32xbf16> -> vector<16xf32>
          %get3A_637 = arith.index_cast %scan3A_633 : i32 to index
          %get3A_638 = arith.constant 0 : index
          %get3A_639 = tpu.vector_load %arg15[%get3A_637, %get3A_638] {strides = array<i32>} : memref<128x64xbf16, #tpu.memory_space<vmem>>, vector<32xbf16>,
          %unpack3A_640 = tpu.unpack_subelements %get3A_639, 0 {pack_format = #tpu.pack_format<interleaved>} : vector<32xbf16> -> vector<16xf32>
          %unpack3A_641 = tpu.unpack_subelements %get3A_639, 1 {pack_format = #tpu.pack_format<interleaved>} : vector<32xbf16> -> vector<16xf32>
          %mul3A_642 = arith.mulf %unpack3A, %unpack3A_640 : vector<16xf32>
          %mul3A_643 = arith.mulf %unpack3A_636, %unpack3A_641 : vector<16xf32>
          %add3A_644 = arith.addf %mul3A_642, %mul3A_643 : vector<16xf32>
          %get3A_645 = arith.index_cast %scan3A_633 : i32 to index
          %get3A_646 = arith.constant 32 : index
          %get3A_647 = tpu.vector_load %arg17[%get3A_645, %get3A_646] {strides = array<i32>} : memref<128x64xbf16, #tpu.memory_space<vmem>>, vector<32xbf16>,
          %unpack3A_648 = tpu.unpack_subelements %get3A_647, 0 {pack_format = #tpu.pack_format<interleaved>} : vector<32xbf16> -> vector<16xf32>
          %unpack3A_649 = tpu.unpack_subelements %get3A_647, 1 {pack_format = #tpu.pack_format<interleaved>} : vector<32xbf16> -> vector<16xf32>
          %get3A_650 = arith.index_cast %scan3A_633 : i32 to index
          %get3A_651 = arith.constant 32 : index
          %get3A_652 = tpu.vector_load %arg15[%get3A_650, %get3A_651] {strides = array<i32>} : memref<128x64xbf16, #tpu.memory_space<vmem>>, vector<32xbf16>,
          %unpack3A_653 = tpu.unpack_subelements %get3A_652, 0 {pack_format = #tpu.pack_format<interleaved>} : vector<32xbf16> -> vector<16xf32>
          %unpack3A_654 = tpu.unpack_subelements %get3A_652, 1 {pack_format = #tpu.pack_format<interleaved>} : vector<32xbf16> -> vector<16xf32>
          %mul3A_655 = arith.mulf %unpack3A_648, %unpack3A_653 : vector<16xf32>
          %mul3A_656 = arith.mulf %unpack3A_649, %unpack3A_654 : vector<16xf32>
          %add3A_657 = arith.addf %mul3A_655, %mul3A_656 : vector<16xf32>
          %add3A_658 = arith.addf %add3A_644, %add3A_657 : vector<16xf32>
          %mul3A_659 = arith.constant 16 : i32
          %mul3A_660 = arith.muli %scan3A_633, %mul3A_659 : i32
          %swap3A = arith.index_cast %mul3A_660 : i32 to index
          %swap3A_661 = tpu.vector_load %arg11[%swap3A] {strides = array<i32>} : memref<2048xf32, #tpu.memory_space<vmem>>, vector<16xf32>,
          tpu.vector_store %arg11[%swap3A], %add3A_658 {strides = array<i32>} : memref<2048xf32, #tpu.memory_space<vmem>>, vector<16xf32>,
        }
        %scan3A_619 = arith.constant 128 : i32
        %scan3A_620 = arith.constant 0 : i32
        %scan3A_621 = arith.constant 0 : i32
        %scan3A_622 = arith.constant 8 : i32
        %scan3A_623 = arith.addi %scan3A_621, %scan3A_622 : i32
        %scan3A_624 = arith.constant 1 : i32
        scf.for %scan3A_633 = %scan3A_621 to %scan3A_623 step %scan3A_624  : i32 {
          %mul3A_634 = arith.constant 256 : i32
          %mul3A_635 = arith.muli %scan3A_633, %mul3A_634 : i32
          %mul3A_636 = arith.constant 16 : i32
          %mul3A_637 = vector.broadcast %mul3A_636 : i32 to vector<16xi32>
          %mul3A_638 = arith.muli %iota3A, %mul3A_637 : vector<16xi32>
          %add3A_639 = vector.broadcast %mul3A_635 : i32 to vector<16xi32>
          %add3A_640 = arith.addi %add3A_639, %mul3A_638 : vector<16xi32>
          %gather3A = tpu.vector_load_idx %arg11[%add3A_640] : memref<2048xf32, #tpu.memory_space<vmem>>[vector<16xi32>], vector<16xf32>,
          %add3A_641 = arith.constant 1 : i32
          %add3A_642 = vector.broadcast %add3A_641 : i32 to vector<16xi32>
          %add3A_643 = arith.addi %add3A_640, %add3A_642 : vector<16xi32>
          %gather3A_644 = tpu.vector_load_idx %arg11[%add3A_643] : memref<2048xf32, #tpu.memory_space<vmem>>[vector<16xi32>], vector<16xf32>,
          %add3A_645 = arith.addf %gather3A, %gather3A_644 : vector<16xf32>
          %add3A_646 = arith.constant 2 : i32
          %add3A_647 = vector.broadcast %add3A_646 : i32 to vector<16xi32>
          %add3A_648 = arith.addi %add3A_640, %add3A_647 : vector<16xi32>
          %gather3A_649 = tpu.vector_load_idx %arg11[%add3A_648] : memref<2048xf32, #tpu.memory_space<vmem>>[vector<16xi32>], vector<16xf32>,
          %add3A_650 = arith.addf %add3A_645, %gather3A_649 : vector<16xf32>
          %add3A_651 = arith.constant 3 : i32
          %add3A_652 = vector.broadcast %add3A_651 : i32 to vector<16xi32>
          %add3A_653 = arith.addi %add3A_640, %add3A_652 : vector<16xi32>
          %gather3A_654 = tpu.vector_load_idx %arg11[%add3A_653] : memref<2048xf32, #tpu.memory_space<vmem>>[vector<16xi32>], vector<16xf32>,
          %add3A_655 = arith.addf %add3A_650, %gather3A_654 : vector<16xf32>
          %add3A_656 = arith.constant 4 : i32
          %add3A_657 = vector.broadcast %add3A_656 : i32 to vector<16xi32>
          %add3A_658 = arith.addi %add3A_640, %add3A_657 : vector<16xi32>
          %gather3A_659 = tpu.vector_load_idx %arg11[%add3A_658] : memref<2048xf32, #tpu.memory_space<vmem>>[vector<16xi32>], vector<16xf32>,
          %add3A_660 = arith.addf %add3A_655, %gather3A_659 : vector<16xf32>
          %add3A_661 = arith.constant 5 : i32
          %add3A_662 = vector.broadcast %add3A_661 : i32 to vector<16xi32>
          %add3A_663 = arith.addi %add3A_640, %add3A_662 : vector<16xi32>
          %gather3A_664 = tpu.vector_load_idx %arg11[%add3A_663] : memref<2048xf32, #tpu.memory_space<vmem>>[vector<16xi32>], vector<16xf32>,
          %add3A_665 = arith.addf %add3A_660, %gather3A_664 : vector<16xf32>
          %add3A_666 = arith.constant 6 : i32
          %add3A_667 = vector.broadcast %add3A_666 : i32 to vector<16xi32>
          %add3A_668 = arith.addi %add3A_640, %add3A_667 : vector<16xi32>
          %gather3A_669 = tpu.vector_load_idx %arg11[%add3A_668] : memref<2048xf32, #tpu.memory_space<vmem>>[vector<16xi32>], vector<16xf32>,
          %add3A_670 = arith.addf %add3A_665, %gather3A_669 : vector<16xf32>
          %add3A_671 = arith.constant 7 : i32
          %add3A_672 = vector.broadcast %add3A_671 : i32 to vector<16xi32>
          %add3A_673 = arith.addi %add3A_640, %add3A_672 : vector<16xi32>
          %gather3A_674 = tpu.vector_load_idx %arg11[%add3A_673] : memref<2048xf32, #tpu.memory_space<vmem>>[vector<16xi32>], vector<16xf32>,
          %add3A_675 = arith.addf %add3A_670, %gather3A_674 : vector<16xf32>
          %add3A_676 = arith.constant 8 : i32
          %add3A_677 = vector.broadcast %add3A_676 : i32 to vector<16xi32>
          %add3A_678 = arith.addi %add3A_640, %add3A_677 : vector<16xi32>
          %gather3A_679 = tpu.vector_load_idx %arg11[%add3A_678] : memref<2048xf32, #tpu.memory_space<vmem>>[vector<16xi32>], vector<16xf32>,
          %add3A_680 = arith.addf %add3A_675, %gather3A_679 : vector<16xf32>
          %add3A_681 = arith.constant 9 : i32
          %add3A_682 = vector.broadcast %add3A_681 : i32 to vector<16xi32>
          %add3A_683 = arith.addi %add3A_640, %add3A_682 : vector<16xi32>
          %gather3A_684 = tpu.vector_load_idx %arg11[%add3A_683] : memref<2048xf32, #tpu.memory_space<vmem>>[vector<16xi32>], vector<16xf32>,
          %add3A_685 = arith.addf %add3A_680, %gather3A_684 : vector<16xf32>
          %add3A_686 = arith.constant 10 : i32
          %add3A_687 = vector.broadcast %add3A_686 : i32 to vector<16xi32>
          %add3A_688 = arith.addi %add3A_640, %add3A_687 : vector<16xi32>
          %gather3A_689 = tpu.vector_load_idx %arg11[%add3A_688] : memref<2048xf32, #tpu.memory_space<vmem>>[vector<16xi32>], vector<16xf32>,
          %add3A_690 = arith.addf %add3A_685, %gather3A_689 : vector<16xf32>
          %add3A_691 = arith.constant 11 : i32
          %add3A_692 = vector.broadcast %add3A_691 : i32 to vector<16xi32>
          %add3A_693 = arith.addi %add3A_640, %add3A_692 : vector<16xi32>
          %gather3A_694 = tpu.vector_load_idx %arg11[%add3A_693] : memref<2048xf32, #tpu.memory_space<vmem>>[vector<16xi32>], vector<16xf32>,
          %add3A_695 = arith.addf %add3A_690, %gather3A_694 : vector<16xf32>
          %add3A_696 = arith.constant 12 : i32
          %add3A_697 = vector.broadcast %add3A_696 : i32 to vector<16xi32>
          %add3A_698 = arith.addi %add3A_640, %add3A_697 : vector<16xi32>
          %gather3A_699 = tpu.vector_load_idx %arg11[%add3A_698] : memref<2048xf32, #tpu.memory_space<vmem>>[vector<16xi32>], vector<16xf32>,
          %add3A_700 = arith.addf %add3A_695, %gather3A_699 : vector<16xf32>
          %add3A_701 = arith.constant 13 : i32
          %add3A_702 = vector.broadcast %add3A_701 : i32 to vector<16xi32>
          %add3A_703 = arith.addi %add3A_640, %add3A_702 : vector<16xi32>
          %gather3A_704 = tpu.vector_load_idx %arg11[%add3A_703] : memref<2048xf32, #tpu.memory_space<vmem>>[vector<16xi32>], vector<16xf32>,
          %add3A_705 = arith.addf %add3A_700, %gather3A_704 : vector<16xf32>
          %add3A_706 = arith.constant 14 : i32
          %add3A_707 = vector.broadcast %add3A_706 : i32 to vector<16xi32>
          %add3A_708 = arith.addi %add3A_640, %add3A_707 : vector<16xi32>
          %gather3A_709 = tpu.vector_load_idx %arg11[%add3A_708] : memref<2048xf32, #tpu.memory_space<vmem>>[vector<16xi32>], vector<16xf32>,
          %add3A_710 = arith.addf %add3A_705, %gather3A_709 : vector<16xf32>
          %add3A_711 = arith.constant 15 : i32
          %add3A_712 = vector.broadcast %add3A_711 : i32 to vector<16xi32>
          %add3A_713 = arith.addi %add3A_640, %add3A_712 : vector<16xi32>
          %gather3A_714 = tpu.vector_load_idx %arg11[%add3A_713] : memref<2048xf32, #tpu.memory_space<vmem>>[vector<16xi32>], vector<16xf32>,
          %add3A_715 = arith.addf %add3A_710, %gather3A_714 : vector<16xf32>
          %mul3A_716 = arith.constant 16 : i32
          %mul3A_717 = arith.muli %scan3A_633, %mul3A_716 : i32
          %add3A_718 = arith.addi %mul3A_613, %mul3A_717 : i32
          %swap3A = arith.index_cast %add3A_718 : i32 to index
          %swap3A_719 = tpu.vector_load %arg9[%swap3A] {strides = array<i32>} : memref<2048xf32, #tpu.memory_space<vmem>>, vector<16xf32>,
          tpu.vector_store %arg9[%swap3A], %add3A_715 {strides = array<i32>} : memref<2048xf32, #tpu.memory_space<vmem>>, vector<16xf32>,
        }
        %scan3A_625 = arith.constant 8 : i32
        %add3A_626 = arith.constant 2 : i32
        %add3A_627 = arith.addi %add3A_595, %add3A_626 : i32
        %lt3A_628 = arith.constant 16 : i32
        %lt3A_629 = arith.cmpi slt, %add3A_627, %lt3A_628 : i32
        %convert_element_type3A_630 = arith.extui %lt3A_629 : i1 to i32
        %cond3A_631 = arith.constant 0 : i32
        %cond3A_632 = arith.cmpi ne, %convert_element_type3A_630, %cond3A_631 : i32
        scf.if %cond3A_632 {
          %add3A_633 = arith.constant 2 : i32
          %add3A_634 = arith.addi %add3A_595, %add3A_633 : i32
          %mul3A_635 = arith.constant 128 : i32
          %mul3A_636 = arith.muli %add3A_634, %mul3A_635 : i32
          %dma_start3A_637 = arith.constant 0 : i32
          %dma_start3A_638 = arith.constant 0 : i32
          %dma_start3A_639 = tpu.memref_slice %arg17[%dma_start3A_637, %dma_start3A_638] : memref<128x64xbf16, #tpu.memory_space<vmem>> -> memref<128x64xbf16, #tpu.memory_space<vmem>>
          %dma_start3A_640 = tpu.memref_slice %arg12[%mul3A_636] : memref<2048xi32, #tpu.memory_space<vmem>> -> memref<128xi32, #tpu.memory_space<vmem>>
          %dma_start3A_641 = arith.constant 0 : i32
          %dma_start3A_642 = arith.constant 0 : i32
          %dma_start3A_643 = tpu.memref_slice %arg2[%dma_start3A_641, %dma_start3A_642] : memref<50000x64xbf16, #tpu.memory_space<hbm>> -> memref<50000x64xbf16, #tpu.memory_space<hbm>>
          tpu.enqueue_indirect_dma source(%dma_start3A_643 : memref<50000x64xbf16, #tpu.memory_space<hbm>>) target(%dma_start3A_639 : memref<128x64xbf16, #tpu.memory_space<vmem>>) offsets(%dma_start3A_640 : memref<128xi32, #tpu.memory_space<vmem>>) semaphore(%arg21 : memref<!tpu.dma_semaphore, #tpu.memory_space<semaphore_mem>>)
          %dma_start3A_644 = arith.constant 0 : i32
          %dma_start3A_645 = arith.constant 0 : i32
          %dma_start3A_646 = tpu.memref_slice %arg15[%dma_start3A_644, %dma_start3A_645] : memref<128x64xbf16, #tpu.memory_space<vmem>> -> memref<128x64xbf16, #tpu.memory_space<vmem>>
          %dma_start3A_647 = tpu.memref_slice %arg7[%mul3A_636] : memref<2048xi32, #tpu.memory_space<vmem>> -> memref<128xi32, #tpu.memory_space<vmem>>
          %dma_start3A_648 = arith.constant 0 : i32
          %dma_start3A_649 = arith.constant 0 : i32
          %dma_start3A_650 = tpu.memref_slice %arg3[%dma_start3A_648, %dma_start3A_649] : memref<50000x64xbf16, #tpu.memory_space<hbm>> -> memref<50000x64xbf16, #tpu.memory_space<hbm>>
          tpu.enqueue_indirect_dma source(%dma_start3A_650 : memref<50000x64xbf16, #tpu.memory_space<hbm>>) target(%dma_start3A_646 : memref<128x64xbf16, #tpu.memory_space<vmem>>) offsets(%dma_start3A_647 : memref<128xi32, #tpu.memory_space<vmem>>) semaphore(%arg19 : memref<!tpu.dma_semaphore, #tpu.memory_space<semaphore_mem>>)
        } else {
        }
      }
      %scan3A_449 = arith.constant 8 : i32
      %dma_start3A_450 = arith.constant 0 : i32
      %dma_start3A_451 = tpu.memref_slice %arg9[%dma_start3A_450] : memref<2048xf32, #tpu.memory_space<vmem>> -> memref<2048xf32, #tpu.memory_space<vmem>>
      %dma_start3A_452 = tpu.memref_slice %arg6[%add3A_393] : memref<1600000xf32, #tpu.memory_space<hbm>> -> memref<2048xf32, #tpu.memory_space<hbm>>
      %dma_start3A_453 = tpu.memref_slice %arg6[%add3A_393] : memref<1600000xf32, #tpu.memory_space<hbm>> -> memref<2048xf32, #tpu.memory_space<hbm>>
      %dma_start3A_454 = arith.constant 0 : i32
      %dma_start3A_455 = tpu.memref_slice %arg9[%dma_start3A_454] : memref<2048xf32, #tpu.memory_space<vmem>> -> memref<2048xf32, #tpu.memory_space<vmem>>
      tpu.enqueue_dma source(%dma_start3A_455 : memref<2048xf32, #tpu.memory_space<vmem>>) target(%dma_start3A_453 : memref<2048xf32, #tpu.memory_space<hbm>>) target_semaphore(%arg26 : memref<!tpu.dma_semaphore, #tpu.memory_space<semaphore_mem>>)
      %add3A_456 = arith.constant 2 : i32
      %add3A_457 = arith.addi %mul3A_390, %add3A_456 : i32
      %lt3A = arith.constant 24 : i32
      %lt3A_458 = arith.cmpi slt, %add3A_457, %lt3A : i32
      %convert_element_type3A_459 = arith.extui %lt3A_458 : i1 to i32
      %cond3A_460 = arith.constant 0 : i32
      %cond3A_461 = arith.cmpi ne, %convert_element_type3A_459, %cond3A_460 : i32
      scf.if %cond3A_461 {
        %mul3A_550 = arith.constant 2048 : i32
        %mul3A_551 = arith.muli %add3A_457, %mul3A_550 : i32
        %add3A_552 = arith.addi %mul3A_2, %mul3A_551 : i32
        %dma_start3A_553 = arith.constant 0 : i32
        %dma_start3A_554 = tpu.memref_slice %arg12[%dma_start3A_553] : memref<2048xi32, #tpu.memory_space<vmem>> -> memref<2048xi32, #tpu.memory_space<vmem>>
        %dma_start3A_555 = tpu.memref_slice %arg4[%add3A_552] : memref<1600000xi32, #tpu.memory_space<hbm>> -> memref<2048xi32, #tpu.memory_space<hbm>>
        %dma_start3A_556 = arith.constant 0 : i32
        %dma_start3A_557 = tpu.memref_slice %arg12[%dma_start3A_556] : memref<2048xi32, #tpu.memory_space<vmem>> -> memref<2048xi32, #tpu.memory_space<vmem>>
        %dma_start3A_558 = tpu.memref_slice %arg4[%add3A_552] : memref<1600000xi32, #tpu.memory_space<hbm>> -> memref<2048xi32, #tpu.memory_space<hbm>>
        tpu.enqueue_dma source(%dma_start3A_558 : memref<2048xi32, #tpu.memory_space<hbm>>) target(%dma_start3A_557 : memref<2048xi32, #tpu.memory_space<vmem>>) target_semaphore(%arg24 : memref<!tpu.dma_semaphore, #tpu.memory_space<semaphore_mem>>)
        %dma_start3A_559 = arith.constant 0 : i32
        %dma_start3A_560 = tpu.memref_slice %arg7[%dma_start3A_559] : memref<2048xi32, #tpu.memory_space<vmem>> -> memref<2048xi32, #tpu.memory_space<vmem>>
        %dma_start3A_561 = tpu.memref_slice %arg5[%add3A_552] : memref<1600000xi32, #tpu.memory_space<hbm>> -> memref<2048xi32, #tpu.memory_space<hbm>>
        %dma_start3A_562 = arith.constant 0 : i32
        %dma_start3A_563 = tpu.memref_slice %arg7[%dma_start3A_562] : memref<2048xi32, #tpu.memory_space<vmem>> -> memref<2048xi32, #tpu.memory_space<vmem>>
        %dma_start3A_564 = tpu.memref_slice %arg5[%add3A_552] : memref<1600000xi32, #tpu.memory_space<hbm>> -> memref<2048xi32, #tpu.memory_space<hbm>>
        tpu.enqueue_dma source(%dma_start3A_564 : memref<2048xi32, #tpu.memory_space<hbm>>) target(%dma_start3A_563 : memref<2048xi32, #tpu.memory_space<vmem>>) target_semaphore(%arg22 : memref<!tpu.dma_semaphore, #tpu.memory_space<semaphore_mem>>)
      } else {
      }
      %eq3A = arith.constant 24 : i32
      %eq3A_462 = arith.cmpi eq, %add3A_457, %eq3A : i32
      %convert_element_type3A_463 = arith.extui %eq3A_462 : i1 to i32
      %cond3A_464 = arith.constant 0 : i32
      %cond3A_465 = arith.cmpi ne, %convert_element_type3A_463, %cond3A_464 : i32
      scf.if %cond3A_465 {
        %add3A_550 = arith.constant 49152 : i32
        %add3A_551 = arith.addi %mul3A_2, %add3A_550 : i32
        %dma_start3A_552 = arith.constant 0 : i32
        %dma_start3A_553 = tpu.memref_slice %arg12[%dma_start3A_552] : memref<2048xi32, #tpu.memory_space<vmem>> -> memref<848xi32, #tpu.memory_space<vmem>>
        %dma_start3A_554 = tpu.memref_slice %arg4[%add3A_551] : memref<1600000xi32, #tpu.memory_space<hbm>> -> memref<848xi32, #tpu.memory_space<hbm>>
        %dma_start3A_555 = arith.constant 0 : i32
        %dma_start3A_556 = tpu.memref_slice %arg12[%dma_start3A_555] : memref<2048xi32, #tpu.memory_space<vmem>> -> memref<848xi32, #tpu.memory_space<vmem>>
        %dma_start3A_557 = tpu.memref_slice %arg4[%add3A_551] : memref<1600000xi32, #tpu.memory_space<hbm>> -> memref<848xi32, #tpu.memory_space<hbm>>
        tpu.enqueue_dma source(%dma_start3A_557 : memref<848xi32, #tpu.memory_space<hbm>>) target(%dma_start3A_556 : memref<848xi32, #tpu.memory_space<vmem>>) target_semaphore(%arg24 : memref<!tpu.dma_semaphore, #tpu.memory_space<semaphore_mem>>)
        %dma_start3A_558 = arith.constant 0 : i32
        %dma_start3A_559 = tpu.memref_slice %arg7[%dma_start3A_558] : memref<2048xi32, #tpu.memory_space<vmem>> -> memref<848xi32, #tpu.memory_space<vmem>>
        %dma_start3A_560 = tpu.memref_slice %arg5[%add3A_551] : memref<1600000xi32, #tpu.memory_space<hbm>> -> memref<848xi32, #tpu.memory_space<hbm>>
        %dma_start3A_561 = arith.constant 0 : i32
        %dma_start3A_562 = tpu.memref_slice %arg7[%dma_start3A_561] : memref<2048xi32, #tpu.memory_space<vmem>> -> memref<848xi32, #tpu.memory_space<vmem>>
        %dma_start3A_563 = tpu.memref_slice %arg5[%add3A_551] : memref<1600000xi32, #tpu.memory_space<hbm>> -> memref<848xi32, #tpu.memory_space<hbm>>
        tpu.enqueue_dma source(%dma_start3A_563 : memref<848xi32, #tpu.memory_space<hbm>>) target(%dma_start3A_562 : memref<848xi32, #tpu.memory_space<vmem>>) target_semaphore(%arg22 : memref<!tpu.dma_semaphore, #tpu.memory_space<semaphore_mem>>)
      } else {
      }
      %mul3A_466 = arith.constant 2 : i32
      %mul3A_467 = arith.muli %mul3A_466, %scan3A_388 : i32
      %add3A_468 = arith.constant 1 : i32
      %add3A_469 = arith.addi %mul3A_467, %add3A_468 : i32
      %mul3A_470 = arith.constant 2048 : i32
      %mul3A_471 = arith.muli %add3A_469, %mul3A_470 : i32
      %add3A_472 = arith.addi %mul3A_2, %mul3A_471 : i32
      %dma_wait3A_473 = arith.constant 0 : i32
      %dma_wait3A_474 = tpu.memref_slice %arg13[%dma_wait3A_473] : memref<2048xi32, #tpu.memory_space<vmem>> -> memref<2048xi32, #tpu.memory_space<vmem>>
      %dma_wait3A_475 = arith.constant 0 : i32
      %dma_wait3A_476 = tpu.memref_slice %arg4[%dma_wait3A_475] : memref<1600000xi32, #tpu.memory_space<hbm>> -> memref<2048xi32, #tpu.memory_space<hbm>>
      %dma_wait3A_477 = arith.constant 0 : i32
      %dma_wait3A_478 = tpu.memref_slice %arg13[%dma_wait3A_477] : memref<2048xi32, #tpu.memory_space<vmem>> -> memref<2048xi32, #tpu.memory_space<vmem>>
      %dma_wait3A_479 = arith.constant 0 : i32
      %dma_wait3A_480 = tpu.memref_slice %arg4[%dma_wait3A_479] : memref<1600000xi32, #tpu.memory_space<hbm>> -> memref<2048xi32, #tpu.memory_space<hbm>>
      tpu.wait_dma2 semaphore(%arg25 : memref<!tpu.dma_semaphore, #tpu.memory_space<semaphore_mem>>) src(%dma_wait3A_480 : memref<2048xi32, #tpu.memory_space<hbm>>) dst(%dma_wait3A_478 : memref<2048xi32, #tpu.memory_space<vmem>>)
      %dma_wait3A_481 = arith.constant 0 : i32
      %dma_wait3A_482 = tpu.memref_slice %arg8[%dma_wait3A_481] : memref<2048xi32, #tpu.memory_space<vmem>> -> memref<2048xi32, #tpu.memory_space<vmem>>
      %dma_wait3A_483 = arith.constant 0 : i32
      %dma_wait3A_484 = tpu.memref_slice %arg5[%dma_wait3A_483] : memref<1600000xi32, #tpu.memory_space<hbm>> -> memref<2048xi32, #tpu.memory_space<hbm>>
      %dma_wait3A_485 = arith.constant 0 : i32
      %dma_wait3A_486 = tpu.memref_slice %arg8[%dma_wait3A_485] : memref<2048xi32, #tpu.memory_space<vmem>> -> memref<2048xi32, #tpu.memory_space<vmem>>
      %dma_wait3A_487 = arith.constant 0 : i32
      %dma_wait3A_488 = tpu.memref_slice %arg5[%dma_wait3A_487] : memref<1600000xi32, #tpu.memory_space<hbm>> -> memref<2048xi32, #tpu.memory_space<hbm>>
      tpu.wait_dma2 semaphore(%arg23 : memref<!tpu.dma_semaphore, #tpu.memory_space<semaphore_mem>>) src(%dma_wait3A_488 : memref<2048xi32, #tpu.memory_space<hbm>>) dst(%dma_wait3A_486 : memref<2048xi32, #tpu.memory_space<vmem>>)
      %ge3A_489 = arith.constant 2 : i32
      %ge3A_490 = arith.cmpi sge, %add3A_469, %ge3A_489 : i32
      %convert_element_type3A_491 = arith.extui %ge3A_490 : i1 to i32
      %cond3A_492 = arith.constant 0 : i32
      %cond3A_493 = arith.cmpi ne, %convert_element_type3A_491, %cond3A_492 : i32
      scf.if %cond3A_493 {
        %dma_wait3A_550 = arith.constant 0 : i32
        %dma_wait3A_551 = tpu.memref_slice %arg10[%dma_wait3A_550] : memref<2048xf32, #tpu.memory_space<vmem>> -> memref<2048xf32, #tpu.memory_space<vmem>>
        %dma_wait3A_552 = arith.constant 0 : i32
        %dma_wait3A_553 = tpu.memref_slice %arg6[%dma_wait3A_552] : memref<1600000xf32, #tpu.memory_space<hbm>> -> memref<2048xf32, #tpu.memory_space<hbm>>
        %dma_wait3A_554 = arith.constant 0 : i32
        %dma_wait3A_555 = tpu.memref_slice %arg6[%dma_wait3A_554] : memref<1600000xf32, #tpu.memory_space<hbm>> -> memref<2048xf32, #tpu.memory_space<hbm>>
        %dma_wait3A_556 = arith.constant 0 : i32
        %dma_wait3A_557 = tpu.memref_slice %arg10[%dma_wait3A_556] : memref<2048xf32, #tpu.memory_space<vmem>> -> memref<2048xf32, #tpu.memory_space<vmem>>
        tpu.wait_dma2 semaphore(%arg27 : memref<!tpu.dma_semaphore, #tpu.memory_space<semaphore_mem>>) src(%dma_wait3A_557 : memref<2048xf32, #tpu.memory_space<vmem>>) dst(%dma_wait3A_555 : memref<2048xf32, #tpu.memory_space<hbm>>)
      } else {
      }
      %dma_start3A_494 = arith.constant 0 : i32
      %dma_start3A_495 = arith.constant 0 : i32
      %dma_start3A_496 = tpu.memref_slice %arg16[%dma_start3A_494, %dma_start3A_495] : memref<128x64xbf16, #tpu.memory_space<vmem>> -> memref<128x64xbf16, #tpu.memory_space<vmem>>
      %dma_start3A_497 = arith.constant 0 : i32
      %dma_start3A_498 = tpu.memref_slice %arg13[%dma_start3A_497] : memref<2048xi32, #tpu.memory_space<vmem>> -> memref<128xi32, #tpu.memory_space<vmem>>
      %dma_start3A_499 = arith.constant 0 : i32
      %dma_start3A_500 = arith.constant 0 : i32
      %dma_start3A_501 = tpu.memref_slice %arg2[%dma_start3A_499, %dma_start3A_500] : memref<50000x64xbf16, #tpu.memory_space<hbm>> -> memref<50000x64xbf16, #tpu.memory_space<hbm>>
      tpu.enqueue_indirect_dma source(%dma_start3A_501 : memref<50000x64xbf16, #tpu.memory_space<hbm>>) target(%dma_start3A_496 : memref<128x64xbf16, #tpu.memory_space<vmem>>) offsets(%dma_start3A_498 : memref<128xi32, #tpu.memory_space<vmem>>) semaphore(%arg20 : memref<!tpu.dma_semaphore, #tpu.memory_space<semaphore_mem>>)
      %dma_start3A_502 = arith.constant 0 : i32
      %dma_start3A_503 = arith.constant 0 : i32
      %dma_start3A_504 = tpu.memref_slice %arg14[%dma_start3A_502, %dma_start3A_503] : memref<128x64xbf16, #tpu.memory_space<vmem>> -> memref<128x64xbf16, #tpu.memory_space<vmem>>
      %dma_start3A_505 = arith.constant 0 : i32
      %dma_start3A_506 = tpu.memref_slice %arg8[%dma_start3A_505] : memref<2048xi32, #tpu.memory_space<vmem>> -> memref<128xi32, #tpu.memory_space<vmem>>
      %dma_start3A_507 = arith.constant 0 : i32
      %dma_start3A_508 = arith.constant 0 : i32
      %dma_start3A_509 = tpu.memref_slice %arg3[%dma_start3A_507, %dma_start3A_508] : memref<50000x64xbf16, #tpu.memory_space<hbm>> -> memref<50000x64xbf16, #tpu.memory_space<hbm>>
      tpu.enqueue_indirect_dma source(%dma_start3A_509 : memref<50000x64xbf16, #tpu.memory_space<hbm>>) target(%dma_start3A_504 : memref<128x64xbf16, #tpu.memory_space<vmem>>) offsets(%dma_start3A_506 : memref<128xi32, #tpu.memory_space<vmem>>) semaphore(%arg18 : memref<!tpu.dma_semaphore, #tpu.memory_space<semaphore_mem>>)
      %dma_start3A_510 = arith.constant 0 : i32
      %dma_start3A_511 = arith.constant 0 : i32
      %dma_start3A_512 = tpu.memref_slice %arg17[%dma_start3A_510, %dma_start3A_511] : memref<128x64xbf16, #tpu.memory_space<vmem>> -> memref<128x64xbf16, #tpu.memory_space<vmem>>
      %dma_start3A_513 = arith.constant 128 : i32
      %dma_start3A_514 = tpu.memref_slice %arg13[%dma_start3A_513] : memref<2048xi32, #tpu.memory_space<vmem>> -> memref<128xi32, #tpu.memory_space<vmem>>
      %dma_start3A_515 = arith.constant 0 : i32
      %dma_start3A_516 = arith.constant 0 : i32
      %dma_start3A_517 = tpu.memref_slice %arg2[%dma_start3A_515, %dma_start3A_516] : memref<50000x64xbf16, #tpu.memory_space<hbm>> -> memref<50000x64xbf16, #tpu.memory_space<hbm>>
      tpu.enqueue_indirect_dma source(%dma_start3A_517 : memref<50000x64xbf16, #tpu.memory_space<hbm>>) target(%dma_start3A_512 : memref<128x64xbf16, #tpu.memory_space<vmem>>) offsets(%dma_start3A_514 : memref<128xi32, #tpu.memory_space<vmem>>) semaphore(%arg21 : memref<!tpu.dma_semaphore, #tpu.memory_space<semaphore_mem>>)
      %dma_start3A_518 = arith.constant 0 : i32
      %dma_start3A_519 = arith.constant 0 : i32
      %dma_start3A_520 = tpu.memref_slice %arg15[%dma_start3A_518, %dma_start3A_519] : memref<128x64xbf16, #tpu.memory_space<vmem>> -> memref<128x64xbf16, #tpu.memory_space<vmem>>
      %dma_start3A_521 = arith.constant 128 : i32
      %dma_start3A_522 = tpu.memref_slice %arg8[%dma_start3A_521] : memref<2048xi32, #tpu.memory_space<vmem>> -> memref<128xi32, #tpu.memory_space<vmem>>
      %dma_start3A_523 = arith.constant 0 : i32
      %dma_start3A_524 = arith.constant 0 : i32
      %dma_start3A_525 = tpu.memref_slice %arg3[%dma_start3A_523, %dma_start3A_524] : memref<50000x64xbf16, #tpu.memory_space<hbm>> -> memref<50000x64xbf16, #tpu.memory_space<hbm>>
      tpu.enqueue_indirect_dma source(%dma_start3A_525 : memref<50000x64xbf16, #tpu.memory_space<hbm>>) target(%dma_start3A_520 : memref<128x64xbf16, #tpu.memory_space<vmem>>) offsets(%dma_start3A_522 : memref<128xi32, #tpu.memory_space<vmem>>) semaphore(%arg19 : memref<!tpu.dma_semaphore, #tpu.memory_space<semaphore_mem>>)
      %scan3A_526 = arith.constant 0 : i32
      %scan3A_527 = arith.constant 0 : i32
      %scan3A_528 = arith.constant 8 : i32
      %scan3A_529 = arith.addi %scan3A_527, %scan3A_528 : i32
      %scan3A_530 = arith.constant 1 : i32
      scf.for %scan3A_550 = %scan3A_527 to %scan3A_529 step %scan3A_530  : i32 {
        %mul3A_551 = arith.constant 2 : i32
        %mul3A_552 = arith.muli %mul3A_551, %scan3A_550 : i32
        %add3A_553 = arith.constant 0 : i32
        %add3A_554 = arith.addi %mul3A_552, %add3A_553 : i32
        %dma_wait3A_555 = arith.constant 0 : i32
        %dma_wait3A_556 = arith.constant 0 : i32
        %dma_wait3A_557 = tpu.memref_slice %arg16[%dma_wait3A_555, %dma_wait3A_556] : memref<128x64xbf16, #tpu.memory_space<vmem>> -> memref<128x64xbf16, #tpu.memory_space<vmem>>
        %dma_wait3A_558 = arith.constant 0 : i32
        %dma_wait3A_559 = tpu.memref_slice %arg13[%dma_wait3A_558] : memref<2048xi32, #tpu.memory_space<vmem>> -> memref<128xi32, #tpu.memory_space<vmem>>
        %dma_wait3A_560 = arith.constant 0 : i32
        %dma_wait3A_561 = arith.constant 0 : i32
        %dma_wait3A_562 = tpu.memref_slice %arg2[%dma_wait3A_560, %dma_wait3A_561] : memref<50000x64xbf16, #tpu.memory_space<hbm>> -> memref<50000x64xbf16, #tpu.memory_space<hbm>>
        tpu.wait_indirect_dma semaphore(%arg20 : memref<!tpu.dma_semaphore, #tpu.memory_space<semaphore_mem>>) src(%dma_wait3A_562 : memref<50000x64xbf16, #tpu.memory_space<hbm>>) dst(%dma_wait3A_557 : memref<128x64xbf16, #tpu.memory_space<vmem>>)
        %dma_wait3A_563 = arith.constant 0 : i32
        %dma_wait3A_564 = arith.constant 0 : i32
        %dma_wait3A_565 = tpu.memref_slice %arg14[%dma_wait3A_563, %dma_wait3A_564] : memref<128x64xbf16, #tpu.memory_space<vmem>> -> memref<128x64xbf16, #tpu.memory_space<vmem>>
        %dma_wait3A_566 = arith.constant 0 : i32
        %dma_wait3A_567 = tpu.memref_slice %arg8[%dma_wait3A_566] : memref<2048xi32, #tpu.memory_space<vmem>> -> memref<128xi32, #tpu.memory_space<vmem>>
        %dma_wait3A_568 = arith.constant 0 : i32
        %dma_wait3A_569 = arith.constant 0 : i32
        %dma_wait3A_570 = tpu.memref_slice %arg3[%dma_wait3A_568, %dma_wait3A_569] : memref<50000x64xbf16, #tpu.memory_space<hbm>> -> memref<50000x64xbf16, #tpu.memory_space<hbm>>
        tpu.wait_indirect_dma semaphore(%arg18 : memref<!tpu.dma_semaphore, #tpu.memory_space<semaphore_mem>>) src(%dma_wait3A_570 : memref<50000x64xbf16, #tpu.memory_space<hbm>>) dst(%dma_wait3A_565 : memref<128x64xbf16, #tpu.memory_space<vmem>>)
        %mul3A_571 = arith.constant 128 : i32
        %mul3A_572 = arith.muli %add3A_554, %mul3A_571 : i32
        %scan3A_573 = arith.constant 0 : i32
        %scan3A_574 = arith.constant 0 : i32
        %scan3A_575 = arith.constant 128 : i32
        %scan3A_576 = arith.addi %scan3A_574, %scan3A_575 : i32
        %scan3A_577 = arith.constant 1 : i32
        scf.for %scan3A_633 = %scan3A_574 to %scan3A_576 step %scan3A_577  : i32 {
          %get3A = arith.index_cast %scan3A_633 : i32 to index
          %get3A_634 = arith.constant 0 : index
          %get3A_635 = tpu.vector_load %arg16[%get3A, %get3A_634] {strides = array<i32>} : memref<128x64xbf16, #tpu.memory_space<vmem>>, vector<32xbf16>,
          %unpack3A = tpu.unpack_subelements %get3A_635, 0 {pack_format = #tpu.pack_format<interleaved>} : vector<32xbf16> -> vector<16xf32>
          %unpack3A_636 = tpu.unpack_subelements %get3A_635, 1 {pack_format = #tpu.pack_format<interleaved>} : vector<32xbf16> -> vector<16xf32>
          %get3A_637 = arith.index_cast %scan3A_633 : i32 to index
          %get3A_638 = arith.constant 0 : index
          %get3A_639 = tpu.vector_load %arg14[%get3A_637, %get3A_638] {strides = array<i32>} : memref<128x64xbf16, #tpu.memory_space<vmem>>, vector<32xbf16>,
          %unpack3A_640 = tpu.unpack_subelements %get3A_639, 0 {pack_format = #tpu.pack_format<interleaved>} : vector<32xbf16> -> vector<16xf32>
          %unpack3A_641 = tpu.unpack_subelements %get3A_639, 1 {pack_format = #tpu.pack_format<interleaved>} : vector<32xbf16> -> vector<16xf32>
          %mul3A_642 = arith.mulf %unpack3A, %unpack3A_640 : vector<16xf32>
          %mul3A_643 = arith.mulf %unpack3A_636, %unpack3A_641 : vector<16xf32>
          %add3A_644 = arith.addf %mul3A_642, %mul3A_643 : vector<16xf32>
          %get3A_645 = arith.index_cast %scan3A_633 : i32 to index
          %get3A_646 = arith.constant 32 : index
          %get3A_647 = tpu.vector_load %arg16[%get3A_645, %get3A_646] {strides = array<i32>} : memref<128x64xbf16, #tpu.memory_space<vmem>>, vector<32xbf16>,
          %unpack3A_648 = tpu.unpack_subelements %get3A_647, 0 {pack_format = #tpu.pack_format<interleaved>} : vector<32xbf16> -> vector<16xf32>
          %unpack3A_649 = tpu.unpack_subelements %get3A_647, 1 {pack_format = #tpu.pack_format<interleaved>} : vector<32xbf16> -> vector<16xf32>
          %get3A_650 = arith.index_cast %scan3A_633 : i32 to index
          %get3A_651 = arith.constant 32 : index
          %get3A_652 = tpu.vector_load %arg14[%get3A_650, %get3A_651] {strides = array<i32>} : memref<128x64xbf16, #tpu.memory_space<vmem>>, vector<32xbf16>,
          %unpack3A_653 = tpu.unpack_subelements %get3A_652, 0 {pack_format = #tpu.pack_format<interleaved>} : vector<32xbf16> -> vector<16xf32>
          %unpack3A_654 = tpu.unpack_subelements %get3A_652, 1 {pack_format = #tpu.pack_format<interleaved>} : vector<32xbf16> -> vector<16xf32>
          %mul3A_655 = arith.mulf %unpack3A_648, %unpack3A_653 : vector<16xf32>
          %mul3A_656 = arith.mulf %unpack3A_649, %unpack3A_654 : vector<16xf32>
          %add3A_657 = arith.addf %mul3A_655, %mul3A_656 : vector<16xf32>
          %add3A_658 = arith.addf %add3A_644, %add3A_657 : vector<16xf32>
          %mul3A_659 = arith.constant 16 : i32
          %mul3A_660 = arith.muli %scan3A_633, %mul3A_659 : i32
          %swap3A = arith.index_cast %mul3A_660 : i32 to index
          %swap3A_661 = tpu.vector_load %arg11[%swap3A] {strides = array<i32>} : memref<2048xf32, #tpu.memory_space<vmem>>, vector<16xf32>,
          tpu.vector_store %arg11[%swap3A], %add3A_658 {strides = array<i32>} : memref<2048xf32, #tpu.memory_space<vmem>>, vector<16xf32>,
        }
        %scan3A_578 = arith.constant 128 : i32
        %scan3A_579 = arith.constant 0 : i32
        %scan3A_580 = arith.constant 0 : i32
        %scan3A_581 = arith.constant 8 : i32
        %scan3A_582 = arith.addi %scan3A_580, %scan3A_581 : i32
        %scan3A_583 = arith.constant 1 : i32
        scf.for %scan3A_633 = %scan3A_580 to %scan3A_582 step %scan3A_583  : i32 {
          %mul3A_634 = arith.constant 256 : i32
          %mul3A_635 = arith.muli %scan3A_633, %mul3A_634 : i32
          %mul3A_636 = arith.constant 16 : i32
          %mul3A_637 = vector.broadcast %mul3A_636 : i32 to vector<16xi32>
          %mul3A_638 = arith.muli %iota3A, %mul3A_637 : vector<16xi32>
          %add3A_639 = vector.broadcast %mul3A_635 : i32 to vector<16xi32>
          %add3A_640 = arith.addi %add3A_639, %mul3A_638 : vector<16xi32>
          %gather3A = tpu.vector_load_idx %arg11[%add3A_640] : memref<2048xf32, #tpu.memory_space<vmem>>[vector<16xi32>], vector<16xf32>,
          %add3A_641 = arith.constant 1 : i32
          %add3A_642 = vector.broadcast %add3A_641 : i32 to vector<16xi32>
          %add3A_643 = arith.addi %add3A_640, %add3A_642 : vector<16xi32>
          %gather3A_644 = tpu.vector_load_idx %arg11[%add3A_643] : memref<2048xf32, #tpu.memory_space<vmem>>[vector<16xi32>], vector<16xf32>,
          %add3A_645 = arith.addf %gather3A, %gather3A_644 : vector<16xf32>
          %add3A_646 = arith.constant 2 : i32
          %add3A_647 = vector.broadcast %add3A_646 : i32 to vector<16xi32>
          %add3A_648 = arith.addi %add3A_640, %add3A_647 : vector<16xi32>
          %gather3A_649 = tpu.vector_load_idx %arg11[%add3A_648] : memref<2048xf32, #tpu.memory_space<vmem>>[vector<16xi32>], vector<16xf32>,
          %add3A_650 = arith.addf %add3A_645, %gather3A_649 : vector<16xf32>
          %add3A_651 = arith.constant 3 : i32
          %add3A_652 = vector.broadcast %add3A_651 : i32 to vector<16xi32>
          %add3A_653 = arith.addi %add3A_640, %add3A_652 : vector<16xi32>
          %gather3A_654 = tpu.vector_load_idx %arg11[%add3A_653] : memref<2048xf32, #tpu.memory_space<vmem>>[vector<16xi32>], vector<16xf32>,
          %add3A_655 = arith.addf %add3A_650, %gather3A_654 : vector<16xf32>
          %add3A_656 = arith.constant 4 : i32
          %add3A_657 = vector.broadcast %add3A_656 : i32 to vector<16xi32>
          %add3A_658 = arith.addi %add3A_640, %add3A_657 : vector<16xi32>
          %gather3A_659 = tpu.vector_load_idx %arg11[%add3A_658] : memref<2048xf32, #tpu.memory_space<vmem>>[vector<16xi32>], vector<16xf32>,
          %add3A_660 = arith.addf %add3A_655, %gather3A_659 : vector<16xf32>
          %add3A_661 = arith.constant 5 : i32
          %add3A_662 = vector.broadcast %add3A_661 : i32 to vector<16xi32>
          %add3A_663 = arith.addi %add3A_640, %add3A_662 : vector<16xi32>
          %gather3A_664 = tpu.vector_load_idx %arg11[%add3A_663] : memref<2048xf32, #tpu.memory_space<vmem>>[vector<16xi32>], vector<16xf32>,
          %add3A_665 = arith.addf %add3A_660, %gather3A_664 : vector<16xf32>
          %add3A_666 = arith.constant 6 : i32
          %add3A_667 = vector.broadcast %add3A_666 : i32 to vector<16xi32>
          %add3A_668 = arith.addi %add3A_640, %add3A_667 : vector<16xi32>
          %gather3A_669 = tpu.vector_load_idx %arg11[%add3A_668] : memref<2048xf32, #tpu.memory_space<vmem>>[vector<16xi32>], vector<16xf32>,
          %add3A_670 = arith.addf %add3A_665, %gather3A_669 : vector<16xf32>
          %add3A_671 = arith.constant 7 : i32
          %add3A_672 = vector.broadcast %add3A_671 : i32 to vector<16xi32>
          %add3A_673 = arith.addi %add3A_640, %add3A_672 : vector<16xi32>
          %gather3A_674 = tpu.vector_load_idx %arg11[%add3A_673] : memref<2048xf32, #tpu.memory_space<vmem>>[vector<16xi32>], vector<16xf32>,
          %add3A_675 = arith.addf %add3A_670, %gather3A_674 : vector<16xf32>
          %add3A_676 = arith.constant 8 : i32
          %add3A_677 = vector.broadcast %add3A_676 : i32 to vector<16xi32>
          %add3A_678 = arith.addi %add3A_640, %add3A_677 : vector<16xi32>
          %gather3A_679 = tpu.vector_load_idx %arg11[%add3A_678] : memref<2048xf32, #tpu.memory_space<vmem>>[vector<16xi32>], vector<16xf32>,
          %add3A_680 = arith.addf %add3A_675, %gather3A_679 : vector<16xf32>
          %add3A_681 = arith.constant 9 : i32
          %add3A_682 = vector.broadcast %add3A_681 : i32 to vector<16xi32>
          %add3A_683 = arith.addi %add3A_640, %add3A_682 : vector<16xi32>
          %gather3A_684 = tpu.vector_load_idx %arg11[%add3A_683] : memref<2048xf32, #tpu.memory_space<vmem>>[vector<16xi32>], vector<16xf32>,
          %add3A_685 = arith.addf %add3A_680, %gather3A_684 : vector<16xf32>
          %add3A_686 = arith.constant 10 : i32
          %add3A_687 = vector.broadcast %add3A_686 : i32 to vector<16xi32>
          %add3A_688 = arith.addi %add3A_640, %add3A_687 : vector<16xi32>
          %gather3A_689 = tpu.vector_load_idx %arg11[%add3A_688] : memref<2048xf32, #tpu.memory_space<vmem>>[vector<16xi32>], vector<16xf32>,
          %add3A_690 = arith.addf %add3A_685, %gather3A_689 : vector<16xf32>
          %add3A_691 = arith.constant 11 : i32
          %add3A_692 = vector.broadcast %add3A_691 : i32 to vector<16xi32>
          %add3A_693 = arith.addi %add3A_640, %add3A_692 : vector<16xi32>
          %gather3A_694 = tpu.vector_load_idx %arg11[%add3A_693] : memref<2048xf32, #tpu.memory_space<vmem>>[vector<16xi32>], vector<16xf32>,
          %add3A_695 = arith.addf %add3A_690, %gather3A_694 : vector<16xf32>
          %add3A_696 = arith.constant 12 : i32
          %add3A_697 = vector.broadcast %add3A_696 : i32 to vector<16xi32>
          %add3A_698 = arith.addi %add3A_640, %add3A_697 : vector<16xi32>
          %gather3A_699 = tpu.vector_load_idx %arg11[%add3A_698] : memref<2048xf32, #tpu.memory_space<vmem>>[vector<16xi32>], vector<16xf32>,
          %add3A_700 = arith.addf %add3A_695, %gather3A_699 : vector<16xf32>
          %add3A_701 = arith.constant 13 : i32
          %add3A_702 = vector.broadcast %add3A_701 : i32 to vector<16xi32>
          %add3A_703 = arith.addi %add3A_640, %add3A_702 : vector<16xi32>
          %gather3A_704 = tpu.vector_load_idx %arg11[%add3A_703] : memref<2048xf32, #tpu.memory_space<vmem>>[vector<16xi32>], vector<16xf32>,
          %add3A_705 = arith.addf %add3A_700, %gather3A_704 : vector<16xf32>
          %add3A_706 = arith.constant 14 : i32
          %add3A_707 = vector.broadcast %add3A_706 : i32 to vector<16xi32>
          %add3A_708 = arith.addi %add3A_640, %add3A_707 : vector<16xi32>
          %gather3A_709 = tpu.vector_load_idx %arg11[%add3A_708] : memref<2048xf32, #tpu.memory_space<vmem>>[vector<16xi32>], vector<16xf32>,
          %add3A_710 = arith.addf %add3A_705, %gather3A_709 : vector<16xf32>
          %add3A_711 = arith.constant 15 : i32
          %add3A_712 = vector.broadcast %add3A_711 : i32 to vector<16xi32>
          %add3A_713 = arith.addi %add3A_640, %add3A_712 : vector<16xi32>
          %gather3A_714 = tpu.vector_load_idx %arg11[%add3A_713] : memref<2048xf32, #tpu.memory_space<vmem>>[vector<16xi32>], vector<16xf32>,
          %add3A_715 = arith.addf %add3A_710, %gather3A_714 : vector<16xf32>
          %mul3A_716 = arith.constant 16 : i32
          %mul3A_717 = arith.muli %scan3A_633, %mul3A_716 : i32
          %add3A_718 = arith.addi %mul3A_572, %mul3A_717 : i32
          %swap3A = arith.index_cast %add3A_718 : i32 to index
          %swap3A_719 = tpu.vector_load %arg10[%swap3A] {strides = array<i32>} : memref<2048xf32, #tpu.memory_space<vmem>>, vector<16xf32>,
          tpu.vector_store %arg10[%swap3A], %add3A_715 {strides = array<i32>} : memref<2048xf32, #tpu.memory_space<vmem>>, vector<16xf32>,
        }
        %scan3A_584 = arith.constant 8 : i32
        %add3A_585 = arith.constant 2 : i32
        %add3A_586 = arith.addi %add3A_554, %add3A_585 : i32
        %lt3A_587 = arith.constant 16 : i32
        %lt3A_588 = arith.cmpi slt, %add3A_586, %lt3A_587 : i32
        %convert_element_type3A_589 = arith.extui %lt3A_588 : i1 to i32
        %cond3A_590 = arith.constant 0 : i32
        %cond3A_591 = arith.cmpi ne, %convert_element_type3A_589, %cond3A_590 : i32
        scf.if %cond3A_591 {
          %add3A_633 = arith.constant 2 : i32
          %add3A_634 = arith.addi %add3A_554, %add3A_633 : i32
          %mul3A_635 = arith.constant 128 : i32
          %mul3A_636 = arith.muli %add3A_634, %mul3A_635 : i32
          %dma_start3A_637 = arith.constant 0 : i32
          %dma_start3A_638 = arith.constant 0 : i32
          %dma_start3A_639 = tpu.memref_slice %arg16[%dma_start3A_637, %dma_start3A_638] : memref<128x64xbf16, #tpu.memory_space<vmem>> -> memref<128x64xbf16, #tpu.memory_space<vmem>>
          %dma_start3A_640 = tpu.memref_slice %arg13[%mul3A_636] : memref<2048xi32, #tpu.memory_space<vmem>> -> memref<128xi32, #tpu.memory_space<vmem>>
          %dma_start3A_641 = arith.constant 0 : i32
          %dma_start3A_642 = arith.constant 0 : i32
          %dma_start3A_643 = tpu.memref_slice %arg2[%dma_start3A_641, %dma_start3A_642] : memref<50000x64xbf16, #tpu.memory_space<hbm>> -> memref<50000x64xbf16, #tpu.memory_space<hbm>>
          tpu.enqueue_indirect_dma source(%dma_start3A_643 : memref<50000x64xbf16, #tpu.memory_space<hbm>>) target(%dma_start3A_639 : memref<128x64xbf16, #tpu.memory_space<vmem>>) offsets(%dma_start3A_640 : memref<128xi32, #tpu.memory_space<vmem>>) semaphore(%arg20 : memref<!tpu.dma_semaphore, #tpu.memory_space<semaphore_mem>>)
          %dma_start3A_644 = arith.constant 0 : i32
          %dma_start3A_645 = arith.constant 0 : i32
          %dma_start3A_646 = tpu.memref_slice %arg14[%dma_start3A_644, %dma_start3A_645] : memref<128x64xbf16, #tpu.memory_space<vmem>> -> memref<128x64xbf16, #tpu.memory_space<vmem>>
          %dma_start3A_647 = tpu.memref_slice %arg8[%mul3A_636] : memref<2048xi32, #tpu.memory_space<vmem>> -> memref<128xi32, #tpu.memory_space<vmem>>
          %dma_start3A_648 = arith.constant 0 : i32
          %dma_start3A_649 = arith.constant 0 : i32
          %dma_start3A_650 = tpu.memref_slice %arg3[%dma_start3A_648, %dma_start3A_649] : memref<50000x64xbf16, #tpu.memory_space<hbm>> -> memref<50000x64xbf16, #tpu.memory_space<hbm>>
          tpu.enqueue_indirect_dma source(%dma_start3A_650 : memref<50000x64xbf16, #tpu.memory_space<hbm>>) target(%dma_start3A_646 : memref<128x64xbf16, #tpu.memory_space<vmem>>) offsets(%dma_start3A_647 : memref<128xi32, #tpu.memory_space<vmem>>) semaphore(%arg18 : memref<!tpu.dma_semaphore, #tpu.memory_space<semaphore_mem>>)
        } else {
        }
        %mul3A_592 = arith.constant 2 : i32
        %mul3A_593 = arith.muli %mul3A_592, %scan3A_550 : i32
        %add3A_594 = arith.constant 1 : i32
        %add3A_595 = arith.addi %mul3A_593, %add3A_594 : i32
        %dma_wait3A_596 = arith.constant 0 : i32
        %dma_wait3A_597 = arith.constant 0 : i32
        %dma_wait3A_598 = tpu.memref_slice %arg17[%dma_wait3A_596, %dma_wait3A_597] : memref<128x64xbf16, #tpu.memory_space<vmem>> -> memref<128x64xbf16, #tpu.memory_space<vmem>>
        %dma_wait3A_599 = arith.constant 0 : i32
        %dma_wait3A_600 = tpu.memref_slice %arg13[%dma_wait3A_599] : memref<2048xi32, #tpu.memory_space<vmem>> -> memref<128xi32, #tpu.memory_space<vmem>>
        %dma_wait3A_601 = arith.constant 0 : i32
        %dma_wait3A_602 = arith.constant 0 : i32
        %dma_wait3A_603 = tpu.memref_slice %arg2[%dma_wait3A_601, %dma_wait3A_602] : memref<50000x64xbf16, #tpu.memory_space<hbm>> -> memref<50000x64xbf16, #tpu.memory_space<hbm>>
        tpu.wait_indirect_dma semaphore(%arg21 : memref<!tpu.dma_semaphore, #tpu.memory_space<semaphore_mem>>) src(%dma_wait3A_603 : memref<50000x64xbf16, #tpu.memory_space<hbm>>) dst(%dma_wait3A_598 : memref<128x64xbf16, #tpu.memory_space<vmem>>)
        %dma_wait3A_604 = arith.constant 0 : i32
        %dma_wait3A_605 = arith.constant 0 : i32
        %dma_wait3A_606 = tpu.memref_slice %arg15[%dma_wait3A_604, %dma_wait3A_605] : memref<128x64xbf16, #tpu.memory_space<vmem>> -> memref<128x64xbf16, #tpu.memory_space<vmem>>
        %dma_wait3A_607 = arith.constant 0 : i32
        %dma_wait3A_608 = tpu.memref_slice %arg8[%dma_wait3A_607] : memref<2048xi32, #tpu.memory_space<vmem>> -> memref<128xi32, #tpu.memory_space<vmem>>
        %dma_wait3A_609 = arith.constant 0 : i32
        %dma_wait3A_610 = arith.constant 0 : i32
        %dma_wait3A_611 = tpu.memref_slice %arg3[%dma_wait3A_609, %dma_wait3A_610] : memref<50000x64xbf16, #tpu.memory_space<hbm>> -> memref<50000x64xbf16, #tpu.memory_space<hbm>>
        tpu.wait_indirect_dma semaphore(%arg19 : memref<!tpu.dma_semaphore, #tpu.memory_space<semaphore_mem>>) src(%dma_wait3A_611 : memref<50000x64xbf16, #tpu.memory_space<hbm>>) dst(%dma_wait3A_606 : memref<128x64xbf16, #tpu.memory_space<vmem>>)
        %mul3A_612 = arith.constant 128 : i32
        %mul3A_613 = arith.muli %add3A_595, %mul3A_612 : i32
        %scan3A_614 = arith.constant 0 : i32
        %scan3A_615 = arith.constant 0 : i32
        %scan3A_616 = arith.constant 128 : i32
        %scan3A_617 = arith.addi %scan3A_615, %scan3A_616 : i32
        %scan3A_618 = arith.constant 1 : i32
        scf.for %scan3A_633 = %scan3A_615 to %scan3A_617 step %scan3A_618  : i32 {
          %get3A = arith.index_cast %scan3A_633 : i32 to index
          %get3A_634 = arith.constant 0 : index
          %get3A_635 = tpu.vector_load %arg17[%get3A, %get3A_634] {strides = array<i32>} : memref<128x64xbf16, #tpu.memory_space<vmem>>, vector<32xbf16>,
          %unpack3A = tpu.unpack_subelements %get3A_635, 0 {pack_format = #tpu.pack_format<interleaved>} : vector<32xbf16> -> vector<16xf32>
          %unpack3A_636 = tpu.unpack_subelements %get3A_635, 1 {pack_format = #tpu.pack_format<interleaved>} : vector<32xbf16> -> vector<16xf32>
          %get3A_637 = arith.index_cast %scan3A_633 : i32 to index
          %get3A_638 = arith.constant 0 : index
          %get3A_639 = tpu.vector_load %arg15[%get3A_637, %get3A_638] {strides = array<i32>} : memref<128x64xbf16, #tpu.memory_space<vmem>>, vector<32xbf16>,
          %unpack3A_640 = tpu.unpack_subelements %get3A_639, 0 {pack_format = #tpu.pack_format<interleaved>} : vector<32xbf16> -> vector<16xf32>
          %unpack3A_641 = tpu.unpack_subelements %get3A_639, 1 {pack_format = #tpu.pack_format<interleaved>} : vector<32xbf16> -> vector<16xf32>
          %mul3A_642 = arith.mulf %unpack3A, %unpack3A_640 : vector<16xf32>
          %mul3A_643 = arith.mulf %unpack3A_636, %unpack3A_641 : vector<16xf32>
          %add3A_644 = arith.addf %mul3A_642, %mul3A_643 : vector<16xf32>
          %get3A_645 = arith.index_cast %scan3A_633 : i32 to index
          %get3A_646 = arith.constant 32 : index
          %get3A_647 = tpu.vector_load %arg17[%get3A_645, %get3A_646] {strides = array<i32>} : memref<128x64xbf16, #tpu.memory_space<vmem>>, vector<32xbf16>,
          %unpack3A_648 = tpu.unpack_subelements %get3A_647, 0 {pack_format = #tpu.pack_format<interleaved>} : vector<32xbf16> -> vector<16xf32>
          %unpack3A_649 = tpu.unpack_subelements %get3A_647, 1 {pack_format = #tpu.pack_format<interleaved>} : vector<32xbf16> -> vector<16xf32>
          %get3A_650 = arith.index_cast %scan3A_633 : i32 to index
          %get3A_651 = arith.constant 32 : index
          %get3A_652 = tpu.vector_load %arg15[%get3A_650, %get3A_651] {strides = array<i32>} : memref<128x64xbf16, #tpu.memory_space<vmem>>, vector<32xbf16>,
          %unpack3A_653 = tpu.unpack_subelements %get3A_652, 0 {pack_format = #tpu.pack_format<interleaved>} : vector<32xbf16> -> vector<16xf32>
          %unpack3A_654 = tpu.unpack_subelements %get3A_652, 1 {pack_format = #tpu.pack_format<interleaved>} : vector<32xbf16> -> vector<16xf32>
          %mul3A_655 = arith.mulf %unpack3A_648, %unpack3A_653 : vector<16xf32>
          %mul3A_656 = arith.mulf %unpack3A_649, %unpack3A_654 : vector<16xf32>
          %add3A_657 = arith.addf %mul3A_655, %mul3A_656 : vector<16xf32>
          %add3A_658 = arith.addf %add3A_644, %add3A_657 : vector<16xf32>
          %mul3A_659 = arith.constant 16 : i32
          %mul3A_660 = arith.muli %scan3A_633, %mul3A_659 : i32
          %swap3A = arith.index_cast %mul3A_660 : i32 to index
          %swap3A_661 = tpu.vector_load %arg11[%swap3A] {strides = array<i32>} : memref<2048xf32, #tpu.memory_space<vmem>>, vector<16xf32>,
          tpu.vector_store %arg11[%swap3A], %add3A_658 {strides = array<i32>} : memref<2048xf32, #tpu.memory_space<vmem>>, vector<16xf32>,
        }
        %scan3A_619 = arith.constant 128 : i32
        %scan3A_620 = arith.constant 0 : i32
        %scan3A_621 = arith.constant 0 : i32
        %scan3A_622 = arith.constant 8 : i32
        %scan3A_623 = arith.addi %scan3A_621, %scan3A_622 : i32
        %scan3A_624 = arith.constant 1 : i32
        scf.for %scan3A_633 = %scan3A_621 to %scan3A_623 step %scan3A_624  : i32 {
          %mul3A_634 = arith.constant 256 : i32
          %mul3A_635 = arith.muli %scan3A_633, %mul3A_634 : i32
          %mul3A_636 = arith.constant 16 : i32
          %mul3A_637 = vector.broadcast %mul3A_636 : i32 to vector<16xi32>
          %mul3A_638 = arith.muli %iota3A, %mul3A_637 : vector<16xi32>
          %add3A_639 = vector.broadcast %mul3A_635 : i32 to vector<16xi32>
          %add3A_640 = arith.addi %add3A_639, %mul3A_638 : vector<16xi32>
          %gather3A = tpu.vector_load_idx %arg11[%add3A_640] : memref<2048xf32, #tpu.memory_space<vmem>>[vector<16xi32>], vector<16xf32>,
          %add3A_641 = arith.constant 1 : i32
          %add3A_642 = vector.broadcast %add3A_641 : i32 to vector<16xi32>
          %add3A_643 = arith.addi %add3A_640, %add3A_642 : vector<16xi32>
          %gather3A_644 = tpu.vector_load_idx %arg11[%add3A_643] : memref<2048xf32, #tpu.memory_space<vmem>>[vector<16xi32>], vector<16xf32>,
          %add3A_645 = arith.addf %gather3A, %gather3A_644 : vector<16xf32>
          %add3A_646 = arith.constant 2 : i32
          %add3A_647 = vector.broadcast %add3A_646 : i32 to vector<16xi32>
          %add3A_648 = arith.addi %add3A_640, %add3A_647 : vector<16xi32>
          %gather3A_649 = tpu.vector_load_idx %arg11[%add3A_648] : memref<2048xf32, #tpu.memory_space<vmem>>[vector<16xi32>], vector<16xf32>,
          %add3A_650 = arith.addf %add3A_645, %gather3A_649 : vector<16xf32>
          %add3A_651 = arith.constant 3 : i32
          %add3A_652 = vector.broadcast %add3A_651 : i32 to vector<16xi32>
          %add3A_653 = arith.addi %add3A_640, %add3A_652 : vector<16xi32>
          %gather3A_654 = tpu.vector_load_idx %arg11[%add3A_653] : memref<2048xf32, #tpu.memory_space<vmem>>[vector<16xi32>], vector<16xf32>,
          %add3A_655 = arith.addf %add3A_650, %gather3A_654 : vector<16xf32>
          %add3A_656 = arith.constant 4 : i32
          %add3A_657 = vector.broadcast %add3A_656 : i32 to vector<16xi32>
          %add3A_658 = arith.addi %add3A_640, %add3A_657 : vector<16xi32>
          %gather3A_659 = tpu.vector_load_idx %arg11[%add3A_658] : memref<2048xf32, #tpu.memory_space<vmem>>[vector<16xi32>], vector<16xf32>,
          %add3A_660 = arith.addf %add3A_655, %gather3A_659 : vector<16xf32>
          %add3A_661 = arith.constant 5 : i32
          %add3A_662 = vector.broadcast %add3A_661 : i32 to vector<16xi32>
          %add3A_663 = arith.addi %add3A_640, %add3A_662 : vector<16xi32>
          %gather3A_664 = tpu.vector_load_idx %arg11[%add3A_663] : memref<2048xf32, #tpu.memory_space<vmem>>[vector<16xi32>], vector<16xf32>,
          %add3A_665 = arith.addf %add3A_660, %gather3A_664 : vector<16xf32>
          %add3A_666 = arith.constant 6 : i32
          %add3A_667 = vector.broadcast %add3A_666 : i32 to vector<16xi32>
          %add3A_668 = arith.addi %add3A_640, %add3A_667 : vector<16xi32>
          %gather3A_669 = tpu.vector_load_idx %arg11[%add3A_668] : memref<2048xf32, #tpu.memory_space<vmem>>[vector<16xi32>], vector<16xf32>,
          %add3A_670 = arith.addf %add3A_665, %gather3A_669 : vector<16xf32>
          %add3A_671 = arith.constant 7 : i32
          %add3A_672 = vector.broadcast %add3A_671 : i32 to vector<16xi32>
          %add3A_673 = arith.addi %add3A_640, %add3A_672 : vector<16xi32>
          %gather3A_674 = tpu.vector_load_idx %arg11[%add3A_673] : memref<2048xf32, #tpu.memory_space<vmem>>[vector<16xi32>], vector<16xf32>,
          %add3A_675 = arith.addf %add3A_670, %gather3A_674 : vector<16xf32>
          %add3A_676 = arith.constant 8 : i32
          %add3A_677 = vector.broadcast %add3A_676 : i32 to vector<16xi32>
          %add3A_678 = arith.addi %add3A_640, %add3A_677 : vector<16xi32>
          %gather3A_679 = tpu.vector_load_idx %arg11[%add3A_678] : memref<2048xf32, #tpu.memory_space<vmem>>[vector<16xi32>], vector<16xf32>,
          %add3A_680 = arith.addf %add3A_675, %gather3A_679 : vector<16xf32>
          %add3A_681 = arith.constant 9 : i32
          %add3A_682 = vector.broadcast %add3A_681 : i32 to vector<16xi32>
          %add3A_683 = arith.addi %add3A_640, %add3A_682 : vector<16xi32>
          %gather3A_684 = tpu.vector_load_idx %arg11[%add3A_683] : memref<2048xf32, #tpu.memory_space<vmem>>[vector<16xi32>], vector<16xf32>,
          %add3A_685 = arith.addf %add3A_680, %gather3A_684 : vector<16xf32>
          %add3A_686 = arith.constant 10 : i32
          %add3A_687 = vector.broadcast %add3A_686 : i32 to vector<16xi32>
          %add3A_688 = arith.addi %add3A_640, %add3A_687 : vector<16xi32>
          %gather3A_689 = tpu.vector_load_idx %arg11[%add3A_688] : memref<2048xf32, #tpu.memory_space<vmem>>[vector<16xi32>], vector<16xf32>,
          %add3A_690 = arith.addf %add3A_685, %gather3A_689 : vector<16xf32>
          %add3A_691 = arith.constant 11 : i32
          %add3A_692 = vector.broadcast %add3A_691 : i32 to vector<16xi32>
          %add3A_693 = arith.addi %add3A_640, %add3A_692 : vector<16xi32>
          %gather3A_694 = tpu.vector_load_idx %arg11[%add3A_693] : memref<2048xf32, #tpu.memory_space<vmem>>[vector<16xi32>], vector<16xf32>,
          %add3A_695 = arith.addf %add3A_690, %gather3A_694 : vector<16xf32>
          %add3A_696 = arith.constant 12 : i32
          %add3A_697 = vector.broadcast %add3A_696 : i32 to vector<16xi32>
          %add3A_698 = arith.addi %add3A_640, %add3A_697 : vector<16xi32>
          %gather3A_699 = tpu.vector_load_idx %arg11[%add3A_698] : memref<2048xf32, #tpu.memory_space<vmem>>[vector<16xi32>], vector<16xf32>,
          %add3A_700 = arith.addf %add3A_695, %gather3A_699 : vector<16xf32>
          %add3A_701 = arith.constant 13 : i32
          %add3A_702 = vector.broadcast %add3A_701 : i32 to vector<16xi32>
          %add3A_703 = arith.addi %add3A_640, %add3A_702 : vector<16xi32>
          %gather3A_704 = tpu.vector_load_idx %arg11[%add3A_703] : memref<2048xf32, #tpu.memory_space<vmem>>[vector<16xi32>], vector<16xf32>,
          %add3A_705 = arith.addf %add3A_700, %gather3A_704 : vector<16xf32>
          %add3A_706 = arith.constant 14 : i32
          %add3A_707 = vector.broadcast %add3A_706 : i32 to vector<16xi32>
          %add3A_708 = arith.addi %add3A_640, %add3A_707 : vector<16xi32>
          %gather3A_709 = tpu.vector_load_idx %arg11[%add3A_708] : memref<2048xf32, #tpu.memory_space<vmem>>[vector<16xi32>], vector<16xf32>,
          %add3A_710 = arith.addf %add3A_705, %gather3A_709 : vector<16xf32>
          %add3A_711 = arith.constant 15 : i32
          %add3A_712 = vector.broadcast %add3A_711 : i32 to vector<16xi32>
          %add3A_713 = arith.addi %add3A_640, %add3A_712 : vector<16xi32>
          %gather3A_714 = tpu.vector_load_idx %arg11[%add3A_713] : memref<2048xf32, #tpu.memory_space<vmem>>[vector<16xi32>], vector<16xf32>,
          %add3A_715 = arith.addf %add3A_710, %gather3A_714 : vector<16xf32>
          %mul3A_716 = arith.constant 16 : i32
          %mul3A_717 = arith.muli %scan3A_633, %mul3A_716 : i32
          %add3A_718 = arith.addi %mul3A_613, %mul3A_717 : i32
          %swap3A = arith.index_cast %add3A_718 : i32 to index
          %swap3A_719 = tpu.vector_load %arg10[%swap3A] {strides = array<i32>} : memref<2048xf32, #tpu.memory_space<vmem>>, vector<16xf32>,
          tpu.vector_store %arg10[%swap3A], %add3A_715 {strides = array<i32>} : memref<2048xf32, #tpu.memory_space<vmem>>, vector<16xf32>,
        }
        %scan3A_625 = arith.constant 8 : i32
        %add3A_626 = arith.constant 2 : i32
        %add3A_627 = arith.addi %add3A_595, %add3A_626 : i32
        %lt3A_628 = arith.constant 16 : i32
        %lt3A_629 = arith.cmpi slt, %add3A_627, %lt3A_628 : i32
        %convert_element_type3A_630 = arith.extui %lt3A_629 : i1 to i32
        %cond3A_631 = arith.constant 0 : i32
        %cond3A_632 = arith.cmpi ne, %convert_element_type3A_630, %cond3A_631 : i32
        scf.if %cond3A_632 {
          %add3A_633 = arith.constant 2 : i32
          %add3A_634 = arith.addi %add3A_595, %add3A_633 : i32
          %mul3A_635 = arith.constant 128 : i32
          %mul3A_636 = arith.muli %add3A_634, %mul3A_635 : i32
          %dma_start3A_637 = arith.constant 0 : i32
          %dma_start3A_638 = arith.constant 0 : i32
          %dma_start3A_639 = tpu.memref_slice %arg17[%dma_start3A_637, %dma_start3A_638] : memref<128x64xbf16, #tpu.memory_space<vmem>> -> memref<128x64xbf16, #tpu.memory_space<vmem>>
          %dma_start3A_640 = tpu.memref_slice %arg13[%mul3A_636] : memref<2048xi32, #tpu.memory_space<vmem>> -> memref<128xi32, #tpu.memory_space<vmem>>
          %dma_start3A_641 = arith.constant 0 : i32
          %dma_start3A_642 = arith.constant 0 : i32
          %dma_start3A_643 = tpu.memref_slice %arg2[%dma_start3A_641, %dma_start3A_642] : memref<50000x64xbf16, #tpu.memory_space<hbm>> -> memref<50000x64xbf16, #tpu.memory_space<hbm>>
          tpu.enqueue_indirect_dma source(%dma_start3A_643 : memref<50000x64xbf16, #tpu.memory_space<hbm>>) target(%dma_start3A_639 : memref<128x64xbf16, #tpu.memory_space<vmem>>) offsets(%dma_start3A_640 : memref<128xi32, #tpu.memory_space<vmem>>) semaphore(%arg21 : memref<!tpu.dma_semaphore, #tpu.memory_space<semaphore_mem>>)
          %dma_start3A_644 = arith.constant 0 : i32
          %dma_start3A_645 = arith.constant 0 : i32
          %dma_start3A_646 = tpu.memref_slice %arg15[%dma_start3A_644, %dma_start3A_645] : memref<128x64xbf16, #tpu.memory_space<vmem>> -> memref<128x64xbf16, #tpu.memory_space<vmem>>
          %dma_start3A_647 = tpu.memref_slice %arg8[%mul3A_636] : memref<2048xi32, #tpu.memory_space<vmem>> -> memref<128xi32, #tpu.memory_space<vmem>>
          %dma_start3A_648 = arith.constant 0 : i32
          %dma_start3A_649 = arith.constant 0 : i32
          %dma_start3A_650 = tpu.memref_slice %arg3[%dma_start3A_648, %dma_start3A_649] : memref<50000x64xbf16, #tpu.memory_space<hbm>> -> memref<50000x64xbf16, #tpu.memory_space<hbm>>
          tpu.enqueue_indirect_dma source(%dma_start3A_650 : memref<50000x64xbf16, #tpu.memory_space<hbm>>) target(%dma_start3A_646 : memref<128x64xbf16, #tpu.memory_space<vmem>>) offsets(%dma_start3A_647 : memref<128xi32, #tpu.memory_space<vmem>>) semaphore(%arg19 : memref<!tpu.dma_semaphore, #tpu.memory_space<semaphore_mem>>)
        } else {
        }
      }
      %scan3A_531 = arith.constant 8 : i32
      %dma_start3A_532 = arith.constant 0 : i32
      %dma_start3A_533 = tpu.memref_slice %arg10[%dma_start3A_532] : memref<2048xf32, #tpu.memory_space<vmem>> -> memref<2048xf32, #tpu.memory_space<vmem>>
      %dma_start3A_534 = tpu.memref_slice %arg6[%add3A_472] : memref<1600000xf32, #tpu.memory_space<hbm>> -> memref<2048xf32, #tpu.memory_space<hbm>>
      %dma_start3A_535 = tpu.memref_slice %arg6[%add3A_472] : memref<1600000xf32, #tpu.memory_space<hbm>> -> memref<2048xf32, #tpu.memory_space<hbm>>
      %dma_start3A_536 = arith.constant 0 : i32
      %dma_start3A_537 = tpu.memref_slice %arg10[%dma_start3A_536] : memref<2048xf32, #tpu.memory_space<vmem>> -> memref<2048xf32, #tpu.memory_space<vmem>>
      tpu.enqueue_dma source(%dma_start3A_537 : memref<2048xf32, #tpu.memory_space<vmem>>) target(%dma_start3A_535 : memref<2048xf32, #tpu.memory_space<hbm>>) target_semaphore(%arg27 : memref<!tpu.dma_semaphore, #tpu.memory_space<semaphore_mem>>)
      %add3A_538 = arith.constant 2 : i32
      %add3A_539 = arith.addi %add3A_469, %add3A_538 : i32
      %lt3A_540 = arith.constant 24 : i32
      %lt3A_541 = arith.cmpi slt, %add3A_539, %lt3A_540 : i32
      %convert_element_type3A_542 = arith.extui %lt3A_541 : i1 to i32
      %cond3A_543 = arith.constant 0 : i32
      %cond3A_544 = arith.cmpi ne, %convert_element_type3A_542, %cond3A_543 : i32
      scf.if %cond3A_544 {
        %mul3A_550 = arith.constant 2048 : i32
        %mul3A_551 = arith.muli %add3A_539, %mul3A_550 : i32
        %add3A_552 = arith.addi %mul3A_2, %mul3A_551 : i32
        %dma_start3A_553 = arith.constant 0 : i32
        %dma_start3A_554 = tpu.memref_slice %arg13[%dma_start3A_553] : memref<2048xi32, #tpu.memory_space<vmem>> -> memref<2048xi32, #tpu.memory_space<vmem>>
        %dma_start3A_555 = tpu.memref_slice %arg4[%add3A_552] : memref<1600000xi32, #tpu.memory_space<hbm>> -> memref<2048xi32, #tpu.memory_space<hbm>>
        %dma_start3A_556 = arith.constant 0 : i32
        %dma_start3A_557 = tpu.memref_slice %arg13[%dma_start3A_556] : memref<2048xi32, #tpu.memory_space<vmem>> -> memref<2048xi32, #tpu.memory_space<vmem>>
        %dma_start3A_558 = tpu.memref_slice %arg4[%add3A_552] : memref<1600000xi32, #tpu.memory_space<hbm>> -> memref<2048xi32, #tpu.memory_space<hbm>>
        tpu.enqueue_dma source(%dma_start3A_558 : memref<2048xi32, #tpu.memory_space<hbm>>) target(%dma_start3A_557 : memref<2048xi32, #tpu.memory_space<vmem>>) target_semaphore(%arg25 : memref<!tpu.dma_semaphore, #tpu.memory_space<semaphore_mem>>)
        %dma_start3A_559 = arith.constant 0 : i32
        %dma_start3A_560 = tpu.memref_slice %arg8[%dma_start3A_559] : memref<2048xi32, #tpu.memory_space<vmem>> -> memref<2048xi32, #tpu.memory_space<vmem>>
        %dma_start3A_561 = tpu.memref_slice %arg5[%add3A_552] : memref<1600000xi32, #tpu.memory_space<hbm>> -> memref<2048xi32, #tpu.memory_space<hbm>>
        %dma_start3A_562 = arith.constant 0 : i32
        %dma_start3A_563 = tpu.memref_slice %arg8[%dma_start3A_562] : memref<2048xi32, #tpu.memory_space<vmem>> -> memref<2048xi32, #tpu.memory_space<vmem>>
        %dma_start3A_564 = tpu.memref_slice %arg5[%add3A_552] : memref<1600000xi32, #tpu.memory_space<hbm>> -> memref<2048xi32, #tpu.memory_space<hbm>>
        tpu.enqueue_dma source(%dma_start3A_564 : memref<2048xi32, #tpu.memory_space<hbm>>) target(%dma_start3A_563 : memref<2048xi32, #tpu.memory_space<vmem>>) target_semaphore(%arg23 : memref<!tpu.dma_semaphore, #tpu.memory_space<semaphore_mem>>)
      } else {
      }
      %eq3A_545 = arith.constant 24 : i32
      %eq3A_546 = arith.cmpi eq, %add3A_539, %eq3A_545 : i32
      %convert_element_type3A_547 = arith.extui %eq3A_546 : i1 to i32
      %cond3A_548 = arith.constant 0 : i32
      %cond3A_549 = arith.cmpi ne, %convert_element_type3A_547, %cond3A_548 : i32
      scf.if %cond3A_549 {
        %add3A_550 = arith.constant 49152 : i32
        %add3A_551 = arith.addi %mul3A_2, %add3A_550 : i32
        %dma_start3A_552 = arith.constant 0 : i32
        %dma_start3A_553 = tpu.memref_slice %arg13[%dma_start3A_552] : memref<2048xi32, #tpu.memory_space<vmem>> -> memref<848xi32, #tpu.memory_space<vmem>>
        %dma_start3A_554 = tpu.memref_slice %arg4[%add3A_551] : memref<1600000xi32, #tpu.memory_space<hbm>> -> memref<848xi32, #tpu.memory_space<hbm>>
        %dma_start3A_555 = arith.constant 0 : i32
        %dma_start3A_556 = tpu.memref_slice %arg13[%dma_start3A_555] : memref<2048xi32, #tpu.memory_space<vmem>> -> memref<848xi32, #tpu.memory_space<vmem>>
        %dma_start3A_557 = tpu.memref_slice %arg4[%add3A_551] : memref<1600000xi32, #tpu.memory_space<hbm>> -> memref<848xi32, #tpu.memory_space<hbm>>
        tpu.enqueue_dma source(%dma_start3A_557 : memref<848xi32, #tpu.memory_space<hbm>>) target(%dma_start3A_556 : memref<848xi32, #tpu.memory_space<vmem>>) target_semaphore(%arg25 : memref<!tpu.dma_semaphore, #tpu.memory_space<semaphore_mem>>)
        %dma_start3A_558 = arith.constant 0 : i32
        %dma_start3A_559 = tpu.memref_slice %arg8[%dma_start3A_558] : memref<2048xi32, #tpu.memory_space<vmem>> -> memref<848xi32, #tpu.memory_space<vmem>>
        %dma_start3A_560 = tpu.memref_slice %arg5[%add3A_551] : memref<1600000xi32, #tpu.memory_space<hbm>> -> memref<848xi32, #tpu.memory_space<hbm>>
        %dma_start3A_561 = arith.constant 0 : i32
        %dma_start3A_562 = tpu.memref_slice %arg8[%dma_start3A_561] : memref<2048xi32, #tpu.memory_space<vmem>> -> memref<848xi32, #tpu.memory_space<vmem>>
        %dma_start3A_563 = tpu.memref_slice %arg5[%add3A_551] : memref<1600000xi32, #tpu.memory_space<hbm>> -> memref<848xi32, #tpu.memory_space<hbm>>
        tpu.enqueue_dma source(%dma_start3A_563 : memref<848xi32, #tpu.memory_space<hbm>>) target(%dma_start3A_562 : memref<848xi32, #tpu.memory_space<vmem>>) target_semaphore(%arg23 : memref<!tpu.dma_semaphore, #tpu.memory_space<semaphore_mem>>)
      } else {
      }
    }
    %scan3A_32 = arith.constant 12 : i32
    %add3A_33 = arith.constant 49152 : i32
    %add3A_34 = arith.addi %mul3A_2, %add3A_33 : i32
    %dma_wait3A = arith.constant 0 : i32
    %dma_wait3A_35 = tpu.memref_slice %arg12[%dma_wait3A] : memref<2048xi32, #tpu.memory_space<vmem>> -> memref<848xi32, #tpu.memory_space<vmem>>
    %dma_wait3A_36 = arith.constant 0 : i32
    %dma_wait3A_37 = tpu.memref_slice %arg4[%dma_wait3A_36] : memref<1600000xi32, #tpu.memory_space<hbm>> -> memref<848xi32, #tpu.memory_space<hbm>>
    %dma_wait3A_38 = arith.constant 0 : i32
    %dma_wait3A_39 = tpu.memref_slice %arg12[%dma_wait3A_38] : memref<2048xi32, #tpu.memory_space<vmem>> -> memref<848xi32, #tpu.memory_space<vmem>>
    %dma_wait3A_40 = arith.constant 0 : i32
    %dma_wait3A_41 = tpu.memref_slice %arg4[%dma_wait3A_40] : memref<1600000xi32, #tpu.memory_space<hbm>> -> memref<848xi32, #tpu.memory_space<hbm>>
    tpu.wait_dma2 semaphore(%arg24 : memref<!tpu.dma_semaphore, #tpu.memory_space<semaphore_mem>>) src(%dma_wait3A_41 : memref<848xi32, #tpu.memory_space<hbm>>) dst(%dma_wait3A_39 : memref<848xi32, #tpu.memory_space<vmem>>)
    %dma_wait3A_42 = arith.constant 0 : i32
    %dma_wait3A_43 = tpu.memref_slice %arg7[%dma_wait3A_42] : memref<2048xi32, #tpu.memory_space<vmem>> -> memref<848xi32, #tpu.memory_space<vmem>>
    %dma_wait3A_44 = arith.constant 0 : i32
    %dma_wait3A_45 = tpu.memref_slice %arg5[%dma_wait3A_44] : memref<1600000xi32, #tpu.memory_space<hbm>> -> memref<848xi32, #tpu.memory_space<hbm>>
    %dma_wait3A_46 = arith.constant 0 : i32
    %dma_wait3A_47 = tpu.memref_slice %arg7[%dma_wait3A_46] : memref<2048xi32, #tpu.memory_space<vmem>> -> memref<848xi32, #tpu.memory_space<vmem>>
    %dma_wait3A_48 = arith.constant 0 : i32
    %dma_wait3A_49 = tpu.memref_slice %arg5[%dma_wait3A_48] : memref<1600000xi32, #tpu.memory_space<hbm>> -> memref<848xi32, #tpu.memory_space<hbm>>
    tpu.wait_dma2 semaphore(%arg22 : memref<!tpu.dma_semaphore, #tpu.memory_space<semaphore_mem>>) src(%dma_wait3A_49 : memref<848xi32, #tpu.memory_space<hbm>>) dst(%dma_wait3A_47 : memref<848xi32, #tpu.memory_space<vmem>>)
    %dma_wait3A_50 = arith.constant 0 : i32
    %dma_wait3A_51 = tpu.memref_slice %arg9[%dma_wait3A_50] : memref<2048xf32, #tpu.memory_space<vmem>> -> memref<2048xf32, #tpu.memory_space<vmem>>
    %dma_wait3A_52 = arith.constant 0 : i32
    %dma_wait3A_53 = tpu.memref_slice %arg6[%dma_wait3A_52] : memref<1600000xf32, #tpu.memory_space<hbm>> -> memref<2048xf32, #tpu.memory_space<hbm>>
    %dma_wait3A_54 = arith.constant 0 : i32
    %dma_wait3A_55 = tpu.memref_slice %arg6[%dma_wait3A_54] : memref<1600000xf32, #tpu.memory_space<hbm>> -> memref<2048xf32, #tpu.memory_space<hbm>>
    %dma_wait3A_56 = arith.constant 0 : i32
    %dma_wait3A_57 = tpu.memref_slice %arg9[%dma_wait3A_56] : memref<2048xf32, #tpu.memory_space<vmem>> -> memref<2048xf32, #tpu.memory_space<vmem>>
    tpu.wait_dma2 semaphore(%arg26 : memref<!tpu.dma_semaphore, #tpu.memory_space<semaphore_mem>>) src(%dma_wait3A_57 : memref<2048xf32, #tpu.memory_space<vmem>>) dst(%dma_wait3A_55 : memref<2048xf32, #tpu.memory_space<hbm>>)
    %dma_start3A_58 = arith.constant 0 : i32
    %dma_start3A_59 = arith.constant 0 : i32
    %dma_start3A_60 = tpu.memref_slice %arg16[%dma_start3A_58, %dma_start3A_59] : memref<128x64xbf16, #tpu.memory_space<vmem>> -> memref<128x64xbf16, #tpu.memory_space<vmem>>
    %dma_start3A_61 = arith.constant 0 : i32
    %dma_start3A_62 = tpu.memref_slice %arg12[%dma_start3A_61] : memref<2048xi32, #tpu.memory_space<vmem>> -> memref<128xi32, #tpu.memory_space<vmem>>
    %dma_start3A_63 = arith.constant 0 : i32
    %dma_start3A_64 = arith.constant 0 : i32
    %dma_start3A_65 = tpu.memref_slice %arg2[%dma_start3A_63, %dma_start3A_64] : memref<50000x64xbf16, #tpu.memory_space<hbm>> -> memref<50000x64xbf16, #tpu.memory_space<hbm>>
    tpu.enqueue_indirect_dma source(%dma_start3A_65 : memref<50000x64xbf16, #tpu.memory_space<hbm>>) target(%dma_start3A_60 : memref<128x64xbf16, #tpu.memory_space<vmem>>) offsets(%dma_start3A_62 : memref<128xi32, #tpu.memory_space<vmem>>) semaphore(%arg20 : memref<!tpu.dma_semaphore, #tpu.memory_space<semaphore_mem>>)
    %dma_start3A_66 = arith.constant 0 : i32
    %dma_start3A_67 = arith.constant 0 : i32
    %dma_start3A_68 = tpu.memref_slice %arg14[%dma_start3A_66, %dma_start3A_67] : memref<128x64xbf16, #tpu.memory_space<vmem>> -> memref<128x64xbf16, #tpu.memory_space<vmem>>
    %dma_start3A_69 = arith.constant 0 : i32
    %dma_start3A_70 = tpu.memref_slice %arg7[%dma_start3A_69] : memref<2048xi32, #tpu.memory_space<vmem>> -> memref<128xi32, #tpu.memory_space<vmem>>
    %dma_start3A_71 = arith.constant 0 : i32
    %dma_start3A_72 = arith.constant 0 : i32
    %dma_start3A_73 = tpu.memref_slice %arg3[%dma_start3A_71, %dma_start3A_72] : memref<50000x64xbf16, #tpu.memory_space<hbm>> -> memref<50000x64xbf16, #tpu.memory_space<hbm>>
    tpu.enqueue_indirect_dma source(%dma_start3A_73 : memref<50000x64xbf16, #tpu.memory_space<hbm>>) target(%dma_start3A_68 : memref<128x64xbf16, #tpu.memory_space<vmem>>) offsets(%dma_start3A_70 : memref<128xi32, #tpu.memory_space<vmem>>) semaphore(%arg18 : memref<!tpu.dma_semaphore, #tpu.memory_space<semaphore_mem>>)
    %dma_start3A_74 = arith.constant 0 : i32
    %dma_start3A_75 = arith.constant 0 : i32
    %dma_start3A_76 = tpu.memref_slice %arg17[%dma_start3A_74, %dma_start3A_75] : memref<128x64xbf16, #tpu.memory_space<vmem>> -> memref<128x64xbf16, #tpu.memory_space<vmem>>
    %dma_start3A_77 = arith.constant 128 : i32
    %dma_start3A_78 = tpu.memref_slice %arg12[%dma_start3A_77] : memref<2048xi32, #tpu.memory_space<vmem>> -> memref<128xi32, #tpu.memory_space<vmem>>
    %dma_start3A_79 = arith.constant 0 : i32
    %dma_start3A_80 = arith.constant 0 : i32
    %dma_start3A_81 = tpu.memref_slice %arg2[%dma_start3A_79, %dma_start3A_80] : memref<50000x64xbf16, #tpu.memory_space<hbm>> -> memref<50000x64xbf16, #tpu.memory_space<hbm>>
    tpu.enqueue_indirect_dma source(%dma_start3A_81 : memref<50000x64xbf16, #tpu.memory_space<hbm>>) target(%dma_start3A_76 : memref<128x64xbf16, #tpu.memory_space<vmem>>) offsets(%dma_start3A_78 : memref<128xi32, #tpu.memory_space<vmem>>) semaphore(%arg21 : memref<!tpu.dma_semaphore, #tpu.memory_space<semaphore_mem>>)
    %dma_start3A_82 = arith.constant 0 : i32
    %dma_start3A_83 = arith.constant 0 : i32
    %dma_start3A_84 = tpu.memref_slice %arg15[%dma_start3A_82, %dma_start3A_83] : memref<128x64xbf16, #tpu.memory_space<vmem>> -> memref<128x64xbf16, #tpu.memory_space<vmem>>
    %dma_start3A_85 = arith.constant 128 : i32
    %dma_start3A_86 = tpu.memref_slice %arg7[%dma_start3A_85] : memref<2048xi32, #tpu.memory_space<vmem>> -> memref<128xi32, #tpu.memory_space<vmem>>
    %dma_start3A_87 = arith.constant 0 : i32
    %dma_start3A_88 = arith.constant 0 : i32
    %dma_start3A_89 = tpu.memref_slice %arg3[%dma_start3A_87, %dma_start3A_88] : memref<50000x64xbf16, #tpu.memory_space<hbm>> -> memref<50000x64xbf16, #tpu.memory_space<hbm>>
    tpu.enqueue_indirect_dma source(%dma_start3A_89 : memref<50000x64xbf16, #tpu.memory_space<hbm>>) target(%dma_start3A_84 : memref<128x64xbf16, #tpu.memory_space<vmem>>) offsets(%dma_start3A_86 : memref<128xi32, #tpu.memory_space<vmem>>) semaphore(%arg19 : memref<!tpu.dma_semaphore, #tpu.memory_space<semaphore_mem>>)
    %dma_wait3A_90 = arith.constant 0 : i32
    %dma_wait3A_91 = arith.constant 0 : i32
    %dma_wait3A_92 = tpu.memref_slice %arg16[%dma_wait3A_90, %dma_wait3A_91] : memref<128x64xbf16, #tpu.memory_space<vmem>> -> memref<128x64xbf16, #tpu.memory_space<vmem>>
    %dma_wait3A_93 = arith.constant 0 : i32
    %dma_wait3A_94 = tpu.memref_slice %arg12[%dma_wait3A_93] : memref<2048xi32, #tpu.memory_space<vmem>> -> memref<128xi32, #tpu.memory_space<vmem>>
    %dma_wait3A_95 = arith.constant 0 : i32
    %dma_wait3A_96 = arith.constant 0 : i32
    %dma_wait3A_97 = tpu.memref_slice %arg2[%dma_wait3A_95, %dma_wait3A_96] : memref<50000x64xbf16, #tpu.memory_space<hbm>> -> memref<50000x64xbf16, #tpu.memory_space<hbm>>
    tpu.wait_indirect_dma semaphore(%arg20 : memref<!tpu.dma_semaphore, #tpu.memory_space<semaphore_mem>>) src(%dma_wait3A_97 : memref<50000x64xbf16, #tpu.memory_space<hbm>>) dst(%dma_wait3A_92 : memref<128x64xbf16, #tpu.memory_space<vmem>>)
    %dma_wait3A_98 = arith.constant 0 : i32
    %dma_wait3A_99 = arith.constant 0 : i32
    %dma_wait3A_100 = tpu.memref_slice %arg14[%dma_wait3A_98, %dma_wait3A_99] : memref<128x64xbf16, #tpu.memory_space<vmem>> -> memref<128x64xbf16, #tpu.memory_space<vmem>>
    %dma_wait3A_101 = arith.constant 0 : i32
    %dma_wait3A_102 = tpu.memref_slice %arg7[%dma_wait3A_101] : memref<2048xi32, #tpu.memory_space<vmem>> -> memref<128xi32, #tpu.memory_space<vmem>>
    %dma_wait3A_103 = arith.constant 0 : i32
    %dma_wait3A_104 = arith.constant 0 : i32
    %dma_wait3A_105 = tpu.memref_slice %arg3[%dma_wait3A_103, %dma_wait3A_104] : memref<50000x64xbf16, #tpu.memory_space<hbm>> -> memref<50000x64xbf16, #tpu.memory_space<hbm>>
    tpu.wait_indirect_dma semaphore(%arg18 : memref<!tpu.dma_semaphore, #tpu.memory_space<semaphore_mem>>) src(%dma_wait3A_105 : memref<50000x64xbf16, #tpu.memory_space<hbm>>) dst(%dma_wait3A_100 : memref<128x64xbf16, #tpu.memory_space<vmem>>)
    %scan3A_106 = arith.constant 0 : i32
    %scan3A_107 = arith.constant 0 : i32
    %scan3A_108 = arith.constant 128 : i32
    %scan3A_109 = arith.addi %scan3A_107, %scan3A_108 : i32
    %scan3A_110 = arith.constant 1 : i32
    scf.for %scan3A_388 = %scan3A_107 to %scan3A_109 step %scan3A_110  : i32 {
      %get3A = arith.index_cast %scan3A_388 : i32 to index
      %get3A_389 = arith.constant 0 : index
      %get3A_390 = tpu.vector_load %arg16[%get3A, %get3A_389] {strides = array<i32>} : memref<128x64xbf16, #tpu.memory_space<vmem>>, vector<32xbf16>,
      %unpack3A = tpu.unpack_subelements %get3A_390, 0 {pack_format = #tpu.pack_format<interleaved>} : vector<32xbf16> -> vector<16xf32>
      %unpack3A_391 = tpu.unpack_subelements %get3A_390, 1 {pack_format = #tpu.pack_format<interleaved>} : vector<32xbf16> -> vector<16xf32>
      %get3A_392 = arith.index_cast %scan3A_388 : i32 to index
      %get3A_393 = arith.constant 0 : index
      %get3A_394 = tpu.vector_load %arg14[%get3A_392, %get3A_393] {strides = array<i32>} : memref<128x64xbf16, #tpu.memory_space<vmem>>, vector<32xbf16>,
      %unpack3A_395 = tpu.unpack_subelements %get3A_394, 0 {pack_format = #tpu.pack_format<interleaved>} : vector<32xbf16> -> vector<16xf32>
      %unpack3A_396 = tpu.unpack_subelements %get3A_394, 1 {pack_format = #tpu.pack_format<interleaved>} : vector<32xbf16> -> vector<16xf32>
      %mul3A_397 = arith.mulf %unpack3A, %unpack3A_395 : vector<16xf32>
      %mul3A_398 = arith.mulf %unpack3A_391, %unpack3A_396 : vector<16xf32>
      %add3A_399 = arith.addf %mul3A_397, %mul3A_398 : vector<16xf32>
      %get3A_400 = arith.index_cast %scan3A_388 : i32 to index
      %get3A_401 = arith.constant 32 : index
      %get3A_402 = tpu.vector_load %arg16[%get3A_400, %get3A_401] {strides = array<i32>} : memref<128x64xbf16, #tpu.memory_space<vmem>>, vector<32xbf16>,
      %unpack3A_403 = tpu.unpack_subelements %get3A_402, 0 {pack_format = #tpu.pack_format<interleaved>} : vector<32xbf16> -> vector<16xf32>
      %unpack3A_404 = tpu.unpack_subelements %get3A_402, 1 {pack_format = #tpu.pack_format<interleaved>} : vector<32xbf16> -> vector<16xf32>
      %get3A_405 = arith.index_cast %scan3A_388 : i32 to index
      %get3A_406 = arith.constant 32 : index
      %get3A_407 = tpu.vector_load %arg14[%get3A_405, %get3A_406] {strides = array<i32>} : memref<128x64xbf16, #tpu.memory_space<vmem>>, vector<32xbf16>,
      %unpack3A_408 = tpu.unpack_subelements %get3A_407, 0 {pack_format = #tpu.pack_format<interleaved>} : vector<32xbf16> -> vector<16xf32>
      %unpack3A_409 = tpu.unpack_subelements %get3A_407, 1 {pack_format = #tpu.pack_format<interleaved>} : vector<32xbf16> -> vector<16xf32>
      %mul3A_410 = arith.mulf %unpack3A_403, %unpack3A_408 : vector<16xf32>
      %mul3A_411 = arith.mulf %unpack3A_404, %unpack3A_409 : vector<16xf32>
      %add3A_412 = arith.addf %mul3A_410, %mul3A_411 : vector<16xf32>
      %add3A_413 = arith.addf %add3A_399, %add3A_412 : vector<16xf32>
      %mul3A_414 = arith.constant 16 : i32
      %mul3A_415 = arith.muli %scan3A_388, %mul3A_414 : i32
      %swap3A = arith.index_cast %mul3A_415 : i32 to index
      %swap3A_416 = tpu.vector_load %arg11[%swap3A] {strides = array<i32>} : memref<2048xf32, #tpu.memory_space<vmem>>, vector<16xf32>,
      tpu.vector_store %arg11[%swap3A], %add3A_413 {strides = array<i32>} : memref<2048xf32, #tpu.memory_space<vmem>>, vector<16xf32>,
    }
    %scan3A_111 = arith.constant 128 : i32
    %scan3A_112 = arith.constant 0 : i32
    %scan3A_113 = arith.constant 0 : i32
    %scan3A_114 = arith.constant 8 : i32
    %scan3A_115 = arith.addi %scan3A_113, %scan3A_114 : i32
    %scan3A_116 = arith.constant 1 : i32
    scf.for %scan3A_388 = %scan3A_113 to %scan3A_115 step %scan3A_116  : i32 {
      %mul3A_389 = arith.constant 256 : i32
      %mul3A_390 = arith.muli %scan3A_388, %mul3A_389 : i32
      %mul3A_391 = arith.constant 16 : i32
      %mul3A_392 = vector.broadcast %mul3A_391 : i32 to vector<16xi32>
      %mul3A_393 = arith.muli %iota3A, %mul3A_392 : vector<16xi32>
      %add3A_394 = vector.broadcast %mul3A_390 : i32 to vector<16xi32>
      %add3A_395 = arith.addi %add3A_394, %mul3A_393 : vector<16xi32>
      %gather3A = tpu.vector_load_idx %arg11[%add3A_395] : memref<2048xf32, #tpu.memory_space<vmem>>[vector<16xi32>], vector<16xf32>,
      %add3A_396 = arith.constant 1 : i32
      %add3A_397 = vector.broadcast %add3A_396 : i32 to vector<16xi32>
      %add3A_398 = arith.addi %add3A_395, %add3A_397 : vector<16xi32>
      %gather3A_399 = tpu.vector_load_idx %arg11[%add3A_398] : memref<2048xf32, #tpu.memory_space<vmem>>[vector<16xi32>], vector<16xf32>,
      %add3A_400 = arith.addf %gather3A, %gather3A_399 : vector<16xf32>
      %add3A_401 = arith.constant 2 : i32
      %add3A_402 = vector.broadcast %add3A_401 : i32 to vector<16xi32>
      %add3A_403 = arith.addi %add3A_395, %add3A_402 : vector<16xi32>
      %gather3A_404 = tpu.vector_load_idx %arg11[%add3A_403] : memref<2048xf32, #tpu.memory_space<vmem>>[vector<16xi32>], vector<16xf32>,
      %add3A_405 = arith.addf %add3A_400, %gather3A_404 : vector<16xf32>
      %add3A_406 = arith.constant 3 : i32
      %add3A_407 = vector.broadcast %add3A_406 : i32 to vector<16xi32>
      %add3A_408 = arith.addi %add3A_395, %add3A_407 : vector<16xi32>
      %gather3A_409 = tpu.vector_load_idx %arg11[%add3A_408] : memref<2048xf32, #tpu.memory_space<vmem>>[vector<16xi32>], vector<16xf32>,
      %add3A_410 = arith.addf %add3A_405, %gather3A_409 : vector<16xf32>
      %add3A_411 = arith.constant 4 : i32
      %add3A_412 = vector.broadcast %add3A_411 : i32 to vector<16xi32>
      %add3A_413 = arith.addi %add3A_395, %add3A_412 : vector<16xi32>
      %gather3A_414 = tpu.vector_load_idx %arg11[%add3A_413] : memref<2048xf32, #tpu.memory_space<vmem>>[vector<16xi32>], vector<16xf32>,
      %add3A_415 = arith.addf %add3A_410, %gather3A_414 : vector<16xf32>
      %add3A_416 = arith.constant 5 : i32
      %add3A_417 = vector.broadcast %add3A_416 : i32 to vector<16xi32>
      %add3A_418 = arith.addi %add3A_395, %add3A_417 : vector<16xi32>
      %gather3A_419 = tpu.vector_load_idx %arg11[%add3A_418] : memref<2048xf32, #tpu.memory_space<vmem>>[vector<16xi32>], vector<16xf32>,
      %add3A_420 = arith.addf %add3A_415, %gather3A_419 : vector<16xf32>
      %add3A_421 = arith.constant 6 : i32
      %add3A_422 = vector.broadcast %add3A_421 : i32 to vector<16xi32>
      %add3A_423 = arith.addi %add3A_395, %add3A_422 : vector<16xi32>
      %gather3A_424 = tpu.vector_load_idx %arg11[%add3A_423] : memref<2048xf32, #tpu.memory_space<vmem>>[vector<16xi32>], vector<16xf32>,
      %add3A_425 = arith.addf %add3A_420, %gather3A_424 : vector<16xf32>
      %add3A_426 = arith.constant 7 : i32
      %add3A_427 = vector.broadcast %add3A_426 : i32 to vector<16xi32>
      %add3A_428 = arith.addi %add3A_395, %add3A_427 : vector<16xi32>
      %gather3A_429 = tpu.vector_load_idx %arg11[%add3A_428] : memref<2048xf32, #tpu.memory_space<vmem>>[vector<16xi32>], vector<16xf32>,
      %add3A_430 = arith.addf %add3A_425, %gather3A_429 : vector<16xf32>
      %add3A_431 = arith.constant 8 : i32
      %add3A_432 = vector.broadcast %add3A_431 : i32 to vector<16xi32>
      %add3A_433 = arith.addi %add3A_395, %add3A_432 : vector<16xi32>
      %gather3A_434 = tpu.vector_load_idx %arg11[%add3A_433] : memref<2048xf32, #tpu.memory_space<vmem>>[vector<16xi32>], vector<16xf32>,
      %add3A_435 = arith.addf %add3A_430, %gather3A_434 : vector<16xf32>
      %add3A_436 = arith.constant 9 : i32
      %add3A_437 = vector.broadcast %add3A_436 : i32 to vector<16xi32>
      %add3A_438 = arith.addi %add3A_395, %add3A_437 : vector<16xi32>
      %gather3A_439 = tpu.vector_load_idx %arg11[%add3A_438] : memref<2048xf32, #tpu.memory_space<vmem>>[vector<16xi32>], vector<16xf32>,
      %add3A_440 = arith.addf %add3A_435, %gather3A_439 : vector<16xf32>
      %add3A_441 = arith.constant 10 : i32
      %add3A_442 = vector.broadcast %add3A_441 : i32 to vector<16xi32>
      %add3A_443 = arith.addi %add3A_395, %add3A_442 : vector<16xi32>
      %gather3A_444 = tpu.vector_load_idx %arg11[%add3A_443] : memref<2048xf32, #tpu.memory_space<vmem>>[vector<16xi32>], vector<16xf32>,
      %add3A_445 = arith.addf %add3A_440, %gather3A_444 : vector<16xf32>
      %add3A_446 = arith.constant 11 : i32
      %add3A_447 = vector.broadcast %add3A_446 : i32 to vector<16xi32>
      %add3A_448 = arith.addi %add3A_395, %add3A_447 : vector<16xi32>
      %gather3A_449 = tpu.vector_load_idx %arg11[%add3A_448] : memref<2048xf32, #tpu.memory_space<vmem>>[vector<16xi32>], vector<16xf32>,
      %add3A_450 = arith.addf %add3A_445, %gather3A_449 : vector<16xf32>
      %add3A_451 = arith.constant 12 : i32
      %add3A_452 = vector.broadcast %add3A_451 : i32 to vector<16xi32>
      %add3A_453 = arith.addi %add3A_395, %add3A_452 : vector<16xi32>
      %gather3A_454 = tpu.vector_load_idx %arg11[%add3A_453] : memref<2048xf32, #tpu.memory_space<vmem>>[vector<16xi32>], vector<16xf32>,
      %add3A_455 = arith.addf %add3A_450, %gather3A_454 : vector<16xf32>
      %add3A_456 = arith.constant 13 : i32
      %add3A_457 = vector.broadcast %add3A_456 : i32 to vector<16xi32>
      %add3A_458 = arith.addi %add3A_395, %add3A_457 : vector<16xi32>
      %gather3A_459 = tpu.vector_load_idx %arg11[%add3A_458] : memref<2048xf32, #tpu.memory_space<vmem>>[vector<16xi32>], vector<16xf32>,
      %add3A_460 = arith.addf %add3A_455, %gather3A_459 : vector<16xf32>
      %add3A_461 = arith.constant 14 : i32
      %add3A_462 = vector.broadcast %add3A_461 : i32 to vector<16xi32>
      %add3A_463 = arith.addi %add3A_395, %add3A_462 : vector<16xi32>
      %gather3A_464 = tpu.vector_load_idx %arg11[%add3A_463] : memref<2048xf32, #tpu.memory_space<vmem>>[vector<16xi32>], vector<16xf32>,
      %add3A_465 = arith.addf %add3A_460, %gather3A_464 : vector<16xf32>
      %add3A_466 = arith.constant 15 : i32
      %add3A_467 = vector.broadcast %add3A_466 : i32 to vector<16xi32>
      %add3A_468 = arith.addi %add3A_395, %add3A_467 : vector<16xi32>
      %gather3A_469 = tpu.vector_load_idx %arg11[%add3A_468] : memref<2048xf32, #tpu.memory_space<vmem>>[vector<16xi32>], vector<16xf32>,
      %add3A_470 = arith.addf %add3A_465, %gather3A_469 : vector<16xf32>
      %mul3A_471 = arith.constant 16 : i32
      %mul3A_472 = arith.muli %scan3A_388, %mul3A_471 : i32
      %add3A_473 = arith.constant 0 : i32
      %add3A_474 = arith.addi %add3A_473, %mul3A_472 : i32
      %swap3A = arith.index_cast %add3A_474 : i32 to index
      %swap3A_475 = tpu.vector_load %arg9[%swap3A] {strides = array<i32>} : memref<2048xf32, #tpu.memory_space<vmem>>, vector<16xf32>,
      tpu.vector_store %arg9[%swap3A], %add3A_470 {strides = array<i32>} : memref<2048xf32, #tpu.memory_space<vmem>>, vector<16xf32>,
    }
    %scan3A_117 = arith.constant 8 : i32
    %dma_start3A_118 = arith.constant 0 : i32
    %dma_start3A_119 = arith.constant 0 : i32
    %dma_start3A_120 = tpu.memref_slice %arg16[%dma_start3A_118, %dma_start3A_119] : memref<128x64xbf16, #tpu.memory_space<vmem>> -> memref<128x64xbf16, #tpu.memory_space<vmem>>
    %dma_start3A_121 = arith.constant 256 : i32
    %dma_start3A_122 = tpu.memref_slice %arg12[%dma_start3A_121] : memref<2048xi32, #tpu.memory_space<vmem>> -> memref<128xi32, #tpu.memory_space<vmem>>
    %dma_start3A_123 = arith.constant 0 : i32
    %dma_start3A_124 = arith.constant 0 : i32
    %dma_start3A_125 = tpu.memref_slice %arg2[%dma_start3A_123, %dma_start3A_124] : memref<50000x64xbf16, #tpu.memory_space<hbm>> -> memref<50000x64xbf16, #tpu.memory_space<hbm>>
    tpu.enqueue_indirect_dma source(%dma_start3A_125 : memref<50000x64xbf16, #tpu.memory_space<hbm>>) target(%dma_start3A_120 : memref<128x64xbf16, #tpu.memory_space<vmem>>) offsets(%dma_start3A_122 : memref<128xi32, #tpu.memory_space<vmem>>) semaphore(%arg20 : memref<!tpu.dma_semaphore, #tpu.memory_space<semaphore_mem>>)
    %dma_start3A_126 = arith.constant 0 : i32
    %dma_start3A_127 = arith.constant 0 : i32
    %dma_start3A_128 = tpu.memref_slice %arg14[%dma_start3A_126, %dma_start3A_127] : memref<128x64xbf16, #tpu.memory_space<vmem>> -> memref<128x64xbf16, #tpu.memory_space<vmem>>
    %dma_start3A_129 = arith.constant 256 : i32
    %dma_start3A_130 = tpu.memref_slice %arg7[%dma_start3A_129] : memref<2048xi32, #tpu.memory_space<vmem>> -> memref<128xi32, #tpu.memory_space<vmem>>
    %dma_start3A_131 = arith.constant 0 : i32
    %dma_start3A_132 = arith.constant 0 : i32
    %dma_start3A_133 = tpu.memref_slice %arg3[%dma_start3A_131, %dma_start3A_132] : memref<50000x64xbf16, #tpu.memory_space<hbm>> -> memref<50000x64xbf16, #tpu.memory_space<hbm>>
    tpu.enqueue_indirect_dma source(%dma_start3A_133 : memref<50000x64xbf16, #tpu.memory_space<hbm>>) target(%dma_start3A_128 : memref<128x64xbf16, #tpu.memory_space<vmem>>) offsets(%dma_start3A_130 : memref<128xi32, #tpu.memory_space<vmem>>) semaphore(%arg18 : memref<!tpu.dma_semaphore, #tpu.memory_space<semaphore_mem>>)
    %dma_wait3A_134 = arith.constant 0 : i32
    %dma_wait3A_135 = arith.constant 0 : i32
    %dma_wait3A_136 = tpu.memref_slice %arg17[%dma_wait3A_134, %dma_wait3A_135] : memref<128x64xbf16, #tpu.memory_space<vmem>> -> memref<128x64xbf16, #tpu.memory_space<vmem>>
    %dma_wait3A_137 = arith.constant 0 : i32
    %dma_wait3A_138 = tpu.memref_slice %arg12[%dma_wait3A_137] : memref<2048xi32, #tpu.memory_space<vmem>> -> memref<128xi32, #tpu.memory_space<vmem>>
    %dma_wait3A_139 = arith.constant 0 : i32
    %dma_wait3A_140 = arith.constant 0 : i32
    %dma_wait3A_141 = tpu.memref_slice %arg2[%dma_wait3A_139, %dma_wait3A_140] : memref<50000x64xbf16, #tpu.memory_space<hbm>> -> memref<50000x64xbf16, #tpu.memory_space<hbm>>
    tpu.wait_indirect_dma semaphore(%arg21 : memref<!tpu.dma_semaphore, #tpu.memory_space<semaphore_mem>>) src(%dma_wait3A_141 : memref<50000x64xbf16, #tpu.memory_space<hbm>>) dst(%dma_wait3A_136 : memref<128x64xbf16, #tpu.memory_space<vmem>>)
    %dma_wait3A_142 = arith.constant 0 : i32
    %dma_wait3A_143 = arith.constant 0 : i32
    %dma_wait3A_144 = tpu.memref_slice %arg15[%dma_wait3A_142, %dma_wait3A_143] : memref<128x64xbf16, #tpu.memory_space<vmem>> -> memref<128x64xbf16, #tpu.memory_space<vmem>>
    %dma_wait3A_145 = arith.constant 0 : i32
    %dma_wait3A_146 = tpu.memref_slice %arg7[%dma_wait3A_145] : memref<2048xi32, #tpu.memory_space<vmem>> -> memref<128xi32, #tpu.memory_space<vmem>>
    %dma_wait3A_147 = arith.constant 0 : i32
    %dma_wait3A_148 = arith.constant 0 : i32
    %dma_wait3A_149 = tpu.memref_slice %arg3[%dma_wait3A_147, %dma_wait3A_148] : memref<50000x64xbf16, #tpu.memory_space<hbm>> -> memref<50000x64xbf16, #tpu.memory_space<hbm>>
    tpu.wait_indirect_dma semaphore(%arg19 : memref<!tpu.dma_semaphore, #tpu.memory_space<semaphore_mem>>) src(%dma_wait3A_149 : memref<50000x64xbf16, #tpu.memory_space<hbm>>) dst(%dma_wait3A_144 : memref<128x64xbf16, #tpu.memory_space<vmem>>)
    %scan3A_150 = arith.constant 0 : i32
    %scan3A_151 = arith.constant 0 : i32
    %scan3A_152 = arith.constant 128 : i32
    %scan3A_153 = arith.addi %scan3A_151, %scan3A_152 : i32
    %scan3A_154 = arith.constant 1 : i32
    scf.for %scan3A_388 = %scan3A_151 to %scan3A_153 step %scan3A_154  : i32 {
      %get3A = arith.index_cast %scan3A_388 : i32 to index
      %get3A_389 = arith.constant 0 : index
      %get3A_390 = tpu.vector_load %arg17[%get3A, %get3A_389] {strides = array<i32>} : memref<128x64xbf16, #tpu.memory_space<vmem>>, vector<32xbf16>,
      %unpack3A = tpu.unpack_subelements %get3A_390, 0 {pack_format = #tpu.pack_format<interleaved>} : vector<32xbf16> -> vector<16xf32>
      %unpack3A_391 = tpu.unpack_subelements %get3A_390, 1 {pack_format = #tpu.pack_format<interleaved>} : vector<32xbf16> -> vector<16xf32>
      %get3A_392 = arith.index_cast %scan3A_388 : i32 to index
      %get3A_393 = arith.constant 0 : index
      %get3A_394 = tpu.vector_load %arg15[%get3A_392, %get3A_393] {strides = array<i32>} : memref<128x64xbf16, #tpu.memory_space<vmem>>, vector<32xbf16>,
      %unpack3A_395 = tpu.unpack_subelements %get3A_394, 0 {pack_format = #tpu.pack_format<interleaved>} : vector<32xbf16> -> vector<16xf32>
      %unpack3A_396 = tpu.unpack_subelements %get3A_394, 1 {pack_format = #tpu.pack_format<interleaved>} : vector<32xbf16> -> vector<16xf32>
      %mul3A_397 = arith.mulf %unpack3A, %unpack3A_395 : vector<16xf32>
      %mul3A_398 = arith.mulf %unpack3A_391, %unpack3A_396 : vector<16xf32>
      %add3A_399 = arith.addf %mul3A_397, %mul3A_398 : vector<16xf32>
      %get3A_400 = arith.index_cast %scan3A_388 : i32 to index
      %get3A_401 = arith.constant 32 : index
      %get3A_402 = tpu.vector_load %arg17[%get3A_400, %get3A_401] {strides = array<i32>} : memref<128x64xbf16, #tpu.memory_space<vmem>>, vector<32xbf16>,
      %unpack3A_403 = tpu.unpack_subelements %get3A_402, 0 {pack_format = #tpu.pack_format<interleaved>} : vector<32xbf16> -> vector<16xf32>
      %unpack3A_404 = tpu.unpack_subelements %get3A_402, 1 {pack_format = #tpu.pack_format<interleaved>} : vector<32xbf16> -> vector<16xf32>
      %get3A_405 = arith.index_cast %scan3A_388 : i32 to index
      %get3A_406 = arith.constant 32 : index
      %get3A_407 = tpu.vector_load %arg15[%get3A_405, %get3A_406] {strides = array<i32>} : memref<128x64xbf16, #tpu.memory_space<vmem>>, vector<32xbf16>,
      %unpack3A_408 = tpu.unpack_subelements %get3A_407, 0 {pack_format = #tpu.pack_format<interleaved>} : vector<32xbf16> -> vector<16xf32>
      %unpack3A_409 = tpu.unpack_subelements %get3A_407, 1 {pack_format = #tpu.pack_format<interleaved>} : vector<32xbf16> -> vector<16xf32>
      %mul3A_410 = arith.mulf %unpack3A_403, %unpack3A_408 : vector<16xf32>
      %mul3A_411 = arith.mulf %unpack3A_404, %unpack3A_409 : vector<16xf32>
      %add3A_412 = arith.addf %mul3A_410, %mul3A_411 : vector<16xf32>
      %add3A_413 = arith.addf %add3A_399, %add3A_412 : vector<16xf32>
      %mul3A_414 = arith.constant 16 : i32
      %mul3A_415 = arith.muli %scan3A_388, %mul3A_414 : i32
      %swap3A = arith.index_cast %mul3A_415 : i32 to index
      %swap3A_416 = tpu.vector_load %arg11[%swap3A] {strides = array<i32>} : memref<2048xf32, #tpu.memory_space<vmem>>, vector<16xf32>,
      tpu.vector_store %arg11[%swap3A], %add3A_413 {strides = array<i32>} : memref<2048xf32, #tpu.memory_space<vmem>>, vector<16xf32>,
    }
    %scan3A_155 = arith.constant 128 : i32
    %scan3A_156 = arith.constant 0 : i32
    %scan3A_157 = arith.constant 0 : i32
    %scan3A_158 = arith.constant 8 : i32
    %scan3A_159 = arith.addi %scan3A_157, %scan3A_158 : i32
    %scan3A_160 = arith.constant 1 : i32
    scf.for %scan3A_388 = %scan3A_157 to %scan3A_159 step %scan3A_160  : i32 {
      %mul3A_389 = arith.constant 256 : i32
      %mul3A_390 = arith.muli %scan3A_388, %mul3A_389 : i32
      %mul3A_391 = arith.constant 16 : i32
      %mul3A_392 = vector.broadcast %mul3A_391 : i32 to vector<16xi32>
      %mul3A_393 = arith.muli %iota3A, %mul3A_392 : vector<16xi32>
      %add3A_394 = vector.broadcast %mul3A_390 : i32 to vector<16xi32>
      %add3A_395 = arith.addi %add3A_394, %mul3A_393 : vector<16xi32>
      %gather3A = tpu.vector_load_idx %arg11[%add3A_395] : memref<2048xf32, #tpu.memory_space<vmem>>[vector<16xi32>], vector<16xf32>,
      %add3A_396 = arith.constant 1 : i32
      %add3A_397 = vector.broadcast %add3A_396 : i32 to vector<16xi32>
      %add3A_398 = arith.addi %add3A_395, %add3A_397 : vector<16xi32>
      %gather3A_399 = tpu.vector_load_idx %arg11[%add3A_398] : memref<2048xf32, #tpu.memory_space<vmem>>[vector<16xi32>], vector<16xf32>,
      %add3A_400 = arith.addf %gather3A, %gather3A_399 : vector<16xf32>
      %add3A_401 = arith.constant 2 : i32
      %add3A_402 = vector.broadcast %add3A_401 : i32 to vector<16xi32>
      %add3A_403 = arith.addi %add3A_395, %add3A_402 : vector<16xi32>
      %gather3A_404 = tpu.vector_load_idx %arg11[%add3A_403] : memref<2048xf32, #tpu.memory_space<vmem>>[vector<16xi32>], vector<16xf32>,
      %add3A_405 = arith.addf %add3A_400, %gather3A_404 : vector<16xf32>
      %add3A_406 = arith.constant 3 : i32
      %add3A_407 = vector.broadcast %add3A_406 : i32 to vector<16xi32>
      %add3A_408 = arith.addi %add3A_395, %add3A_407 : vector<16xi32>
      %gather3A_409 = tpu.vector_load_idx %arg11[%add3A_408] : memref<2048xf32, #tpu.memory_space<vmem>>[vector<16xi32>], vector<16xf32>,
      %add3A_410 = arith.addf %add3A_405, %gather3A_409 : vector<16xf32>
      %add3A_411 = arith.constant 4 : i32
      %add3A_412 = vector.broadcast %add3A_411 : i32 to vector<16xi32>
      %add3A_413 = arith.addi %add3A_395, %add3A_412 : vector<16xi32>
      %gather3A_414 = tpu.vector_load_idx %arg11[%add3A_413] : memref<2048xf32, #tpu.memory_space<vmem>>[vector<16xi32>], vector<16xf32>,
      %add3A_415 = arith.addf %add3A_410, %gather3A_414 : vector<16xf32>
      %add3A_416 = arith.constant 5 : i32
      %add3A_417 = vector.broadcast %add3A_416 : i32 to vector<16xi32>
      %add3A_418 = arith.addi %add3A_395, %add3A_417 : vector<16xi32>
      %gather3A_419 = tpu.vector_load_idx %arg11[%add3A_418] : memref<2048xf32, #tpu.memory_space<vmem>>[vector<16xi32>], vector<16xf32>,
      %add3A_420 = arith.addf %add3A_415, %gather3A_419 : vector<16xf32>
      %add3A_421 = arith.constant 6 : i32
      %add3A_422 = vector.broadcast %add3A_421 : i32 to vector<16xi32>
      %add3A_423 = arith.addi %add3A_395, %add3A_422 : vector<16xi32>
      %gather3A_424 = tpu.vector_load_idx %arg11[%add3A_423] : memref<2048xf32, #tpu.memory_space<vmem>>[vector<16xi32>], vector<16xf32>,
      %add3A_425 = arith.addf %add3A_420, %gather3A_424 : vector<16xf32>
      %add3A_426 = arith.constant 7 : i32
      %add3A_427 = vector.broadcast %add3A_426 : i32 to vector<16xi32>
      %add3A_428 = arith.addi %add3A_395, %add3A_427 : vector<16xi32>
      %gather3A_429 = tpu.vector_load_idx %arg11[%add3A_428] : memref<2048xf32, #tpu.memory_space<vmem>>[vector<16xi32>], vector<16xf32>,
      %add3A_430 = arith.addf %add3A_425, %gather3A_429 : vector<16xf32>
      %add3A_431 = arith.constant 8 : i32
      %add3A_432 = vector.broadcast %add3A_431 : i32 to vector<16xi32>
      %add3A_433 = arith.addi %add3A_395, %add3A_432 : vector<16xi32>
      %gather3A_434 = tpu.vector_load_idx %arg11[%add3A_433] : memref<2048xf32, #tpu.memory_space<vmem>>[vector<16xi32>], vector<16xf32>,
      %add3A_435 = arith.addf %add3A_430, %gather3A_434 : vector<16xf32>
      %add3A_436 = arith.constant 9 : i32
      %add3A_437 = vector.broadcast %add3A_436 : i32 to vector<16xi32>
      %add3A_438 = arith.addi %add3A_395, %add3A_437 : vector<16xi32>
      %gather3A_439 = tpu.vector_load_idx %arg11[%add3A_438] : memref<2048xf32, #tpu.memory_space<vmem>>[vector<16xi32>], vector<16xf32>,
      %add3A_440 = arith.addf %add3A_435, %gather3A_439 : vector<16xf32>
      %add3A_441 = arith.constant 10 : i32
      %add3A_442 = vector.broadcast %add3A_441 : i32 to vector<16xi32>
      %add3A_443 = arith.addi %add3A_395, %add3A_442 : vector<16xi32>
      %gather3A_444 = tpu.vector_load_idx %arg11[%add3A_443] : memref<2048xf32, #tpu.memory_space<vmem>>[vector<16xi32>], vector<16xf32>,
      %add3A_445 = arith.addf %add3A_440, %gather3A_444 : vector<16xf32>
      %add3A_446 = arith.constant 11 : i32
      %add3A_447 = vector.broadcast %add3A_446 : i32 to vector<16xi32>
      %add3A_448 = arith.addi %add3A_395, %add3A_447 : vector<16xi32>
      %gather3A_449 = tpu.vector_load_idx %arg11[%add3A_448] : memref<2048xf32, #tpu.memory_space<vmem>>[vector<16xi32>], vector<16xf32>,
      %add3A_450 = arith.addf %add3A_445, %gather3A_449 : vector<16xf32>
      %add3A_451 = arith.constant 12 : i32
      %add3A_452 = vector.broadcast %add3A_451 : i32 to vector<16xi32>
      %add3A_453 = arith.addi %add3A_395, %add3A_452 : vector<16xi32>
      %gather3A_454 = tpu.vector_load_idx %arg11[%add3A_453] : memref<2048xf32, #tpu.memory_space<vmem>>[vector<16xi32>], vector<16xf32>,
      %add3A_455 = arith.addf %add3A_450, %gather3A_454 : vector<16xf32>
      %add3A_456 = arith.constant 13 : i32
      %add3A_457 = vector.broadcast %add3A_456 : i32 to vector<16xi32>
      %add3A_458 = arith.addi %add3A_395, %add3A_457 : vector<16xi32>
      %gather3A_459 = tpu.vector_load_idx %arg11[%add3A_458] : memref<2048xf32, #tpu.memory_space<vmem>>[vector<16xi32>], vector<16xf32>,
      %add3A_460 = arith.addf %add3A_455, %gather3A_459 : vector<16xf32>
      %add3A_461 = arith.constant 14 : i32
      %add3A_462 = vector.broadcast %add3A_461 : i32 to vector<16xi32>
      %add3A_463 = arith.addi %add3A_395, %add3A_462 : vector<16xi32>
      %gather3A_464 = tpu.vector_load_idx %arg11[%add3A_463] : memref<2048xf32, #tpu.memory_space<vmem>>[vector<16xi32>], vector<16xf32>,
      %add3A_465 = arith.addf %add3A_460, %gather3A_464 : vector<16xf32>
      %add3A_466 = arith.constant 15 : i32
      %add3A_467 = vector.broadcast %add3A_466 : i32 to vector<16xi32>
      %add3A_468 = arith.addi %add3A_395, %add3A_467 : vector<16xi32>
      %gather3A_469 = tpu.vector_load_idx %arg11[%add3A_468] : memref<2048xf32, #tpu.memory_space<vmem>>[vector<16xi32>], vector<16xf32>,
      %add3A_470 = arith.addf %add3A_465, %gather3A_469 : vector<16xf32>
      %mul3A_471 = arith.constant 16 : i32
      %mul3A_472 = arith.muli %scan3A_388, %mul3A_471 : i32
      %add3A_473 = arith.constant 128 : i32
      %add3A_474 = arith.addi %add3A_473, %mul3A_472 : i32
      %swap3A = arith.index_cast %add3A_474 : i32 to index
      %swap3A_475 = tpu.vector_load %arg9[%swap3A] {strides = array<i32>} : memref<2048xf32, #tpu.memory_space<vmem>>, vector<16xf32>,
      tpu.vector_store %arg9[%swap3A], %add3A_470 {strides = array<i32>} : memref<2048xf32, #tpu.memory_space<vmem>>, vector<16xf32>,
    }
    %scan3A_161 = arith.constant 8 : i32
    %dma_start3A_162 = arith.constant 0 : i32
    %dma_start3A_163 = arith.constant 0 : i32
    %dma_start3A_164 = tpu.memref_slice %arg17[%dma_start3A_162, %dma_start3A_163] : memref<128x64xbf16, #tpu.memory_space<vmem>> -> memref<128x64xbf16, #tpu.memory_space<vmem>>
    %dma_start3A_165 = arith.constant 384 : i32
    %dma_start3A_166 = tpu.memref_slice %arg12[%dma_start3A_165] : memref<2048xi32, #tpu.memory_space<vmem>> -> memref<128xi32, #tpu.memory_space<vmem>>
    %dma_start3A_167 = arith.constant 0 : i32
    %dma_start3A_168 = arith.constant 0 : i32
    %dma_start3A_169 = tpu.memref_slice %arg2[%dma_start3A_167, %dma_start3A_168] : memref<50000x64xbf16, #tpu.memory_space<hbm>> -> memref<50000x64xbf16, #tpu.memory_space<hbm>>
    tpu.enqueue_indirect_dma source(%dma_start3A_169 : memref<50000x64xbf16, #tpu.memory_space<hbm>>) target(%dma_start3A_164 : memref<128x64xbf16, #tpu.memory_space<vmem>>) offsets(%dma_start3A_166 : memref<128xi32, #tpu.memory_space<vmem>>) semaphore(%arg21 : memref<!tpu.dma_semaphore, #tpu.memory_space<semaphore_mem>>)
    %dma_start3A_170 = arith.constant 0 : i32
    %dma_start3A_171 = arith.constant 0 : i32
    %dma_start3A_172 = tpu.memref_slice %arg15[%dma_start3A_170, %dma_start3A_171] : memref<128x64xbf16, #tpu.memory_space<vmem>> -> memref<128x64xbf16, #tpu.memory_space<vmem>>
    %dma_start3A_173 = arith.constant 384 : i32
    %dma_start3A_174 = tpu.memref_slice %arg7[%dma_start3A_173] : memref<2048xi32, #tpu.memory_space<vmem>> -> memref<128xi32, #tpu.memory_space<vmem>>
    %dma_start3A_175 = arith.constant 0 : i32
    %dma_start3A_176 = arith.constant 0 : i32
    %dma_start3A_177 = tpu.memref_slice %arg3[%dma_start3A_175, %dma_start3A_176] : memref<50000x64xbf16, #tpu.memory_space<hbm>> -> memref<50000x64xbf16, #tpu.memory_space<hbm>>
    tpu.enqueue_indirect_dma source(%dma_start3A_177 : memref<50000x64xbf16, #tpu.memory_space<hbm>>) target(%dma_start3A_172 : memref<128x64xbf16, #tpu.memory_space<vmem>>) offsets(%dma_start3A_174 : memref<128xi32, #tpu.memory_space<vmem>>) semaphore(%arg19 : memref<!tpu.dma_semaphore, #tpu.memory_space<semaphore_mem>>)
    %dma_wait3A_178 = arith.constant 0 : i32
    %dma_wait3A_179 = arith.constant 0 : i32
    %dma_wait3A_180 = tpu.memref_slice %arg16[%dma_wait3A_178, %dma_wait3A_179] : memref<128x64xbf16, #tpu.memory_space<vmem>> -> memref<128x64xbf16, #tpu.memory_space<vmem>>
    %dma_wait3A_181 = arith.constant 0 : i32
    %dma_wait3A_182 = tpu.memref_slice %arg12[%dma_wait3A_181] : memref<2048xi32, #tpu.memory_space<vmem>> -> memref<128xi32, #tpu.memory_space<vmem>>
    %dma_wait3A_183 = arith.constant 0 : i32
    %dma_wait3A_184 = arith.constant 0 : i32
    %dma_wait3A_185 = tpu.memref_slice %arg2[%dma_wait3A_183, %dma_wait3A_184] : memref<50000x64xbf16, #tpu.memory_space<hbm>> -> memref<50000x64xbf16, #tpu.memory_space<hbm>>
    tpu.wait_indirect_dma semaphore(%arg20 : memref<!tpu.dma_semaphore, #tpu.memory_space<semaphore_mem>>) src(%dma_wait3A_185 : memref<50000x64xbf16, #tpu.memory_space<hbm>>) dst(%dma_wait3A_180 : memref<128x64xbf16, #tpu.memory_space<vmem>>)
    %dma_wait3A_186 = arith.constant 0 : i32
    %dma_wait3A_187 = arith.constant 0 : i32
    %dma_wait3A_188 = tpu.memref_slice %arg14[%dma_wait3A_186, %dma_wait3A_187] : memref<128x64xbf16, #tpu.memory_space<vmem>> -> memref<128x64xbf16, #tpu.memory_space<vmem>>
    %dma_wait3A_189 = arith.constant 0 : i32
    %dma_wait3A_190 = tpu.memref_slice %arg7[%dma_wait3A_189] : memref<2048xi32, #tpu.memory_space<vmem>> -> memref<128xi32, #tpu.memory_space<vmem>>
    %dma_wait3A_191 = arith.constant 0 : i32
    %dma_wait3A_192 = arith.constant 0 : i32
    %dma_wait3A_193 = tpu.memref_slice %arg3[%dma_wait3A_191, %dma_wait3A_192] : memref<50000x64xbf16, #tpu.memory_space<hbm>> -> memref<50000x64xbf16, #tpu.memory_space<hbm>>
    tpu.wait_indirect_dma semaphore(%arg18 : memref<!tpu.dma_semaphore, #tpu.memory_space<semaphore_mem>>) src(%dma_wait3A_193 : memref<50000x64xbf16, #tpu.memory_space<hbm>>) dst(%dma_wait3A_188 : memref<128x64xbf16, #tpu.memory_space<vmem>>)
    %scan3A_194 = arith.constant 0 : i32
    %scan3A_195 = arith.constant 0 : i32
    %scan3A_196 = arith.constant 128 : i32
    %scan3A_197 = arith.addi %scan3A_195, %scan3A_196 : i32
    %scan3A_198 = arith.constant 1 : i32
    scf.for %scan3A_388 = %scan3A_195 to %scan3A_197 step %scan3A_198  : i32 {
      %get3A = arith.index_cast %scan3A_388 : i32 to index
      %get3A_389 = arith.constant 0 : index
      %get3A_390 = tpu.vector_load %arg16[%get3A, %get3A_389] {strides = array<i32>} : memref<128x64xbf16, #tpu.memory_space<vmem>>, vector<32xbf16>,
      %unpack3A = tpu.unpack_subelements %get3A_390, 0 {pack_format = #tpu.pack_format<interleaved>} : vector<32xbf16> -> vector<16xf32>
      %unpack3A_391 = tpu.unpack_subelements %get3A_390, 1 {pack_format = #tpu.pack_format<interleaved>} : vector<32xbf16> -> vector<16xf32>
      %get3A_392 = arith.index_cast %scan3A_388 : i32 to index
      %get3A_393 = arith.constant 0 : index
      %get3A_394 = tpu.vector_load %arg14[%get3A_392, %get3A_393] {strides = array<i32>} : memref<128x64xbf16, #tpu.memory_space<vmem>>, vector<32xbf16>,
      %unpack3A_395 = tpu.unpack_subelements %get3A_394, 0 {pack_format = #tpu.pack_format<interleaved>} : vector<32xbf16> -> vector<16xf32>
      %unpack3A_396 = tpu.unpack_subelements %get3A_394, 1 {pack_format = #tpu.pack_format<interleaved>} : vector<32xbf16> -> vector<16xf32>
      %mul3A_397 = arith.mulf %unpack3A, %unpack3A_395 : vector<16xf32>
      %mul3A_398 = arith.mulf %unpack3A_391, %unpack3A_396 : vector<16xf32>
      %add3A_399 = arith.addf %mul3A_397, %mul3A_398 : vector<16xf32>
      %get3A_400 = arith.index_cast %scan3A_388 : i32 to index
      %get3A_401 = arith.constant 32 : index
      %get3A_402 = tpu.vector_load %arg16[%get3A_400, %get3A_401] {strides = array<i32>} : memref<128x64xbf16, #tpu.memory_space<vmem>>, vector<32xbf16>,
      %unpack3A_403 = tpu.unpack_subelements %get3A_402, 0 {pack_format = #tpu.pack_format<interleaved>} : vector<32xbf16> -> vector<16xf32>
      %unpack3A_404 = tpu.unpack_subelements %get3A_402, 1 {pack_format = #tpu.pack_format<interleaved>} : vector<32xbf16> -> vector<16xf32>
      %get3A_405 = arith.index_cast %scan3A_388 : i32 to index
      %get3A_406 = arith.constant 32 : index
      %get3A_407 = tpu.vector_load %arg14[%get3A_405, %get3A_406] {strides = array<i32>} : memref<128x64xbf16, #tpu.memory_space<vmem>>, vector<32xbf16>,
      %unpack3A_408 = tpu.unpack_subelements %get3A_407, 0 {pack_format = #tpu.pack_format<interleaved>} : vector<32xbf16> -> vector<16xf32>
      %unpack3A_409 = tpu.unpack_subelements %get3A_407, 1 {pack_format = #tpu.pack_format<interleaved>} : vector<32xbf16> -> vector<16xf32>
      %mul3A_410 = arith.mulf %unpack3A_403, %unpack3A_408 : vector<16xf32>
      %mul3A_411 = arith.mulf %unpack3A_404, %unpack3A_409 : vector<16xf32>
      %add3A_412 = arith.addf %mul3A_410, %mul3A_411 : vector<16xf32>
      %add3A_413 = arith.addf %add3A_399, %add3A_412 : vector<16xf32>
      %mul3A_414 = arith.constant 16 : i32
      %mul3A_415 = arith.muli %scan3A_388, %mul3A_414 : i32
      %swap3A = arith.index_cast %mul3A_415 : i32 to index
      %swap3A_416 = tpu.vector_load %arg11[%swap3A] {strides = array<i32>} : memref<2048xf32, #tpu.memory_space<vmem>>, vector<16xf32>,
      tpu.vector_store %arg11[%swap3A], %add3A_413 {strides = array<i32>} : memref<2048xf32, #tpu.memory_space<vmem>>, vector<16xf32>,
    }
    %scan3A_199 = arith.constant 128 : i32
    %scan3A_200 = arith.constant 0 : i32
    %scan3A_201 = arith.constant 0 : i32
    %scan3A_202 = arith.constant 8 : i32
    %scan3A_203 = arith.addi %scan3A_201, %scan3A_202 : i32
    %scan3A_204 = arith.constant 1 : i32
    scf.for %scan3A_388 = %scan3A_201 to %scan3A_203 step %scan3A_204  : i32 {
      %mul3A_389 = arith.constant 256 : i32
      %mul3A_390 = arith.muli %scan3A_388, %mul3A_389 : i32
      %mul3A_391 = arith.constant 16 : i32
      %mul3A_392 = vector.broadcast %mul3A_391 : i32 to vector<16xi32>
      %mul3A_393 = arith.muli %iota3A, %mul3A_392 : vector<16xi32>
      %add3A_394 = vector.broadcast %mul3A_390 : i32 to vector<16xi32>
      %add3A_395 = arith.addi %add3A_394, %mul3A_393 : vector<16xi32>
      %gather3A = tpu.vector_load_idx %arg11[%add3A_395] : memref<2048xf32, #tpu.memory_space<vmem>>[vector<16xi32>], vector<16xf32>,
      %add3A_396 = arith.constant 1 : i32
      %add3A_397 = vector.broadcast %add3A_396 : i32 to vector<16xi32>
      %add3A_398 = arith.addi %add3A_395, %add3A_397 : vector<16xi32>
      %gather3A_399 = tpu.vector_load_idx %arg11[%add3A_398] : memref<2048xf32, #tpu.memory_space<vmem>>[vector<16xi32>], vector<16xf32>,
      %add3A_400 = arith.addf %gather3A, %gather3A_399 : vector<16xf32>
      %add3A_401 = arith.constant 2 : i32
      %add3A_402 = vector.broadcast %add3A_401 : i32 to vector<16xi32>
      %add3A_403 = arith.addi %add3A_395, %add3A_402 : vector<16xi32>
      %gather3A_404 = tpu.vector_load_idx %arg11[%add3A_403] : memref<2048xf32, #tpu.memory_space<vmem>>[vector<16xi32>], vector<16xf32>,
      %add3A_405 = arith.addf %add3A_400, %gather3A_404 : vector<16xf32>
      %add3A_406 = arith.constant 3 : i32
      %add3A_407 = vector.broadcast %add3A_406 : i32 to vector<16xi32>
      %add3A_408 = arith.addi %add3A_395, %add3A_407 : vector<16xi32>
      %gather3A_409 = tpu.vector_load_idx %arg11[%add3A_408] : memref<2048xf32, #tpu.memory_space<vmem>>[vector<16xi32>], vector<16xf32>,
      %add3A_410 = arith.addf %add3A_405, %gather3A_409 : vector<16xf32>
      %add3A_411 = arith.constant 4 : i32
      %add3A_412 = vector.broadcast %add3A_411 : i32 to vector<16xi32>
      %add3A_413 = arith.addi %add3A_395, %add3A_412 : vector<16xi32>
      %gather3A_414 = tpu.vector_load_idx %arg11[%add3A_413] : memref<2048xf32, #tpu.memory_space<vmem>>[vector<16xi32>], vector<16xf32>,
      %add3A_415 = arith.addf %add3A_410, %gather3A_414 : vector<16xf32>
      %add3A_416 = arith.constant 5 : i32
      %add3A_417 = vector.broadcast %add3A_416 : i32 to vector<16xi32>
      %add3A_418 = arith.addi %add3A_395, %add3A_417 : vector<16xi32>
      %gather3A_419 = tpu.vector_load_idx %arg11[%add3A_418] : memref<2048xf32, #tpu.memory_space<vmem>>[vector<16xi32>], vector<16xf32>,
      %add3A_420 = arith.addf %add3A_415, %gather3A_419 : vector<16xf32>
      %add3A_421 = arith.constant 6 : i32
      %add3A_422 = vector.broadcast %add3A_421 : i32 to vector<16xi32>
      %add3A_423 = arith.addi %add3A_395, %add3A_422 : vector<16xi32>
      %gather3A_424 = tpu.vector_load_idx %arg11[%add3A_423] : memref<2048xf32, #tpu.memory_space<vmem>>[vector<16xi32>], vector<16xf32>,
      %add3A_425 = arith.addf %add3A_420, %gather3A_424 : vector<16xf32>
      %add3A_426 = arith.constant 7 : i32
      %add3A_427 = vector.broadcast %add3A_426 : i32 to vector<16xi32>
      %add3A_428 = arith.addi %add3A_395, %add3A_427 : vector<16xi32>
      %gather3A_429 = tpu.vector_load_idx %arg11[%add3A_428] : memref<2048xf32, #tpu.memory_space<vmem>>[vector<16xi32>], vector<16xf32>,
      %add3A_430 = arith.addf %add3A_425, %gather3A_429 : vector<16xf32>
      %add3A_431 = arith.constant 8 : i32
      %add3A_432 = vector.broadcast %add3A_431 : i32 to vector<16xi32>
      %add3A_433 = arith.addi %add3A_395, %add3A_432 : vector<16xi32>
      %gather3A_434 = tpu.vector_load_idx %arg11[%add3A_433] : memref<2048xf32, #tpu.memory_space<vmem>>[vector<16xi32>], vector<16xf32>,
      %add3A_435 = arith.addf %add3A_430, %gather3A_434 : vector<16xf32>
      %add3A_436 = arith.constant 9 : i32
      %add3A_437 = vector.broadcast %add3A_436 : i32 to vector<16xi32>
      %add3A_438 = arith.addi %add3A_395, %add3A_437 : vector<16xi32>
      %gather3A_439 = tpu.vector_load_idx %arg11[%add3A_438] : memref<2048xf32, #tpu.memory_space<vmem>>[vector<16xi32>], vector<16xf32>,
      %add3A_440 = arith.addf %add3A_435, %gather3A_439 : vector<16xf32>
      %add3A_441 = arith.constant 10 : i32
      %add3A_442 = vector.broadcast %add3A_441 : i32 to vector<16xi32>
      %add3A_443 = arith.addi %add3A_395, %add3A_442 : vector<16xi32>
      %gather3A_444 = tpu.vector_load_idx %arg11[%add3A_443] : memref<2048xf32, #tpu.memory_space<vmem>>[vector<16xi32>], vector<16xf32>,
      %add3A_445 = arith.addf %add3A_440, %gather3A_444 : vector<16xf32>
      %add3A_446 = arith.constant 11 : i32
      %add3A_447 = vector.broadcast %add3A_446 : i32 to vector<16xi32>
      %add3A_448 = arith.addi %add3A_395, %add3A_447 : vector<16xi32>
      %gather3A_449 = tpu.vector_load_idx %arg11[%add3A_448] : memref<2048xf32, #tpu.memory_space<vmem>>[vector<16xi32>], vector<16xf32>,
      %add3A_450 = arith.addf %add3A_445, %gather3A_449 : vector<16xf32>
      %add3A_451 = arith.constant 12 : i32
      %add3A_452 = vector.broadcast %add3A_451 : i32 to vector<16xi32>
      %add3A_453 = arith.addi %add3A_395, %add3A_452 : vector<16xi32>
      %gather3A_454 = tpu.vector_load_idx %arg11[%add3A_453] : memref<2048xf32, #tpu.memory_space<vmem>>[vector<16xi32>], vector<16xf32>,
      %add3A_455 = arith.addf %add3A_450, %gather3A_454 : vector<16xf32>
      %add3A_456 = arith.constant 13 : i32
      %add3A_457 = vector.broadcast %add3A_456 : i32 to vector<16xi32>
      %add3A_458 = arith.addi %add3A_395, %add3A_457 : vector<16xi32>
      %gather3A_459 = tpu.vector_load_idx %arg11[%add3A_458] : memref<2048xf32, #tpu.memory_space<vmem>>[vector<16xi32>], vector<16xf32>,
      %add3A_460 = arith.addf %add3A_455, %gather3A_459 : vector<16xf32>
      %add3A_461 = arith.constant 14 : i32
      %add3A_462 = vector.broadcast %add3A_461 : i32 to vector<16xi32>
      %add3A_463 = arith.addi %add3A_395, %add3A_462 : vector<16xi32>
      %gather3A_464 = tpu.vector_load_idx %arg11[%add3A_463] : memref<2048xf32, #tpu.memory_space<vmem>>[vector<16xi32>], vector<16xf32>,
      %add3A_465 = arith.addf %add3A_460, %gather3A_464 : vector<16xf32>
      %add3A_466 = arith.constant 15 : i32
      %add3A_467 = vector.broadcast %add3A_466 : i32 to vector<16xi32>
      %add3A_468 = arith.addi %add3A_395, %add3A_467 : vector<16xi32>
      %gather3A_469 = tpu.vector_load_idx %arg11[%add3A_468] : memref<2048xf32, #tpu.memory_space<vmem>>[vector<16xi32>], vector<16xf32>,
      %add3A_470 = arith.addf %add3A_465, %gather3A_469 : vector<16xf32>
      %mul3A_471 = arith.constant 16 : i32
      %mul3A_472 = arith.muli %scan3A_388, %mul3A_471 : i32
      %add3A_473 = arith.constant 256 : i32
      %add3A_474 = arith.addi %add3A_473, %mul3A_472 : i32
      %swap3A = arith.index_cast %add3A_474 : i32 to index
      %swap3A_475 = tpu.vector_load %arg9[%swap3A] {strides = array<i32>} : memref<2048xf32, #tpu.memory_space<vmem>>, vector<16xf32>,
      tpu.vector_store %arg9[%swap3A], %add3A_470 {strides = array<i32>} : memref<2048xf32, #tpu.memory_space<vmem>>, vector<16xf32>,
    }
    %scan3A_205 = arith.constant 8 : i32
    %dma_start3A_206 = arith.constant 0 : i32
    %dma_start3A_207 = arith.constant 0 : i32
    %dma_start3A_208 = tpu.memref_slice %arg16[%dma_start3A_206, %dma_start3A_207] : memref<128x64xbf16, #tpu.memory_space<vmem>> -> memref<128x64xbf16, #tpu.memory_space<vmem>>
    %dma_start3A_209 = arith.constant 512 : i32
    %dma_start3A_210 = tpu.memref_slice %arg12[%dma_start3A_209] : memref<2048xi32, #tpu.memory_space<vmem>> -> memref<128xi32, #tpu.memory_space<vmem>>
    %dma_start3A_211 = arith.constant 0 : i32
    %dma_start3A_212 = arith.constant 0 : i32
    %dma_start3A_213 = tpu.memref_slice %arg2[%dma_start3A_211, %dma_start3A_212] : memref<50000x64xbf16, #tpu.memory_space<hbm>> -> memref<50000x64xbf16, #tpu.memory_space<hbm>>
    tpu.enqueue_indirect_dma source(%dma_start3A_213 : memref<50000x64xbf16, #tpu.memory_space<hbm>>) target(%dma_start3A_208 : memref<128x64xbf16, #tpu.memory_space<vmem>>) offsets(%dma_start3A_210 : memref<128xi32, #tpu.memory_space<vmem>>) semaphore(%arg20 : memref<!tpu.dma_semaphore, #tpu.memory_space<semaphore_mem>>)
    %dma_start3A_214 = arith.constant 0 : i32
    %dma_start3A_215 = arith.constant 0 : i32
    %dma_start3A_216 = tpu.memref_slice %arg14[%dma_start3A_214, %dma_start3A_215] : memref<128x64xbf16, #tpu.memory_space<vmem>> -> memref<128x64xbf16, #tpu.memory_space<vmem>>
    %dma_start3A_217 = arith.constant 512 : i32
    %dma_start3A_218 = tpu.memref_slice %arg7[%dma_start3A_217] : memref<2048xi32, #tpu.memory_space<vmem>> -> memref<128xi32, #tpu.memory_space<vmem>>
    %dma_start3A_219 = arith.constant 0 : i32
    %dma_start3A_220 = arith.constant 0 : i32
    %dma_start3A_221 = tpu.memref_slice %arg3[%dma_start3A_219, %dma_start3A_220] : memref<50000x64xbf16, #tpu.memory_space<hbm>> -> memref<50000x64xbf16, #tpu.memory_space<hbm>>
    tpu.enqueue_indirect_dma source(%dma_start3A_221 : memref<50000x64xbf16, #tpu.memory_space<hbm>>) target(%dma_start3A_216 : memref<128x64xbf16, #tpu.memory_space<vmem>>) offsets(%dma_start3A_218 : memref<128xi32, #tpu.memory_space<vmem>>) semaphore(%arg18 : memref<!tpu.dma_semaphore, #tpu.memory_space<semaphore_mem>>)
    %dma_wait3A_222 = arith.constant 0 : i32
    %dma_wait3A_223 = arith.constant 0 : i32
    %dma_wait3A_224 = tpu.memref_slice %arg17[%dma_wait3A_222, %dma_wait3A_223] : memref<128x64xbf16, #tpu.memory_space<vmem>> -> memref<128x64xbf16, #tpu.memory_space<vmem>>
    %dma_wait3A_225 = arith.constant 0 : i32
    %dma_wait3A_226 = tpu.memref_slice %arg12[%dma_wait3A_225] : memref<2048xi32, #tpu.memory_space<vmem>> -> memref<128xi32, #tpu.memory_space<vmem>>
    %dma_wait3A_227 = arith.constant 0 : i32
    %dma_wait3A_228 = arith.constant 0 : i32
    %dma_wait3A_229 = tpu.memref_slice %arg2[%dma_wait3A_227, %dma_wait3A_228] : memref<50000x64xbf16, #tpu.memory_space<hbm>> -> memref<50000x64xbf16, #tpu.memory_space<hbm>>
    tpu.wait_indirect_dma semaphore(%arg21 : memref<!tpu.dma_semaphore, #tpu.memory_space<semaphore_mem>>) src(%dma_wait3A_229 : memref<50000x64xbf16, #tpu.memory_space<hbm>>) dst(%dma_wait3A_224 : memref<128x64xbf16, #tpu.memory_space<vmem>>)
    %dma_wait3A_230 = arith.constant 0 : i32
    %dma_wait3A_231 = arith.constant 0 : i32
    %dma_wait3A_232 = tpu.memref_slice %arg15[%dma_wait3A_230, %dma_wait3A_231] : memref<128x64xbf16, #tpu.memory_space<vmem>> -> memref<128x64xbf16, #tpu.memory_space<vmem>>
    %dma_wait3A_233 = arith.constant 0 : i32
    %dma_wait3A_234 = tpu.memref_slice %arg7[%dma_wait3A_233] : memref<2048xi32, #tpu.memory_space<vmem>> -> memref<128xi32, #tpu.memory_space<vmem>>
    %dma_wait3A_235 = arith.constant 0 : i32
    %dma_wait3A_236 = arith.constant 0 : i32
    %dma_wait3A_237 = tpu.memref_slice %arg3[%dma_wait3A_235, %dma_wait3A_236] : memref<50000x64xbf16, #tpu.memory_space<hbm>> -> memref<50000x64xbf16, #tpu.memory_space<hbm>>
    tpu.wait_indirect_dma semaphore(%arg19 : memref<!tpu.dma_semaphore, #tpu.memory_space<semaphore_mem>>) src(%dma_wait3A_237 : memref<50000x64xbf16, #tpu.memory_space<hbm>>) dst(%dma_wait3A_232 : memref<128x64xbf16, #tpu.memory_space<vmem>>)
    %scan3A_238 = arith.constant 0 : i32
    %scan3A_239 = arith.constant 0 : i32
    %scan3A_240 = arith.constant 128 : i32
    %scan3A_241 = arith.addi %scan3A_239, %scan3A_240 : i32
    %scan3A_242 = arith.constant 1 : i32
    scf.for %scan3A_388 = %scan3A_239 to %scan3A_241 step %scan3A_242  : i32 {
      %get3A = arith.index_cast %scan3A_388 : i32 to index
      %get3A_389 = arith.constant 0 : index
      %get3A_390 = tpu.vector_load %arg17[%get3A, %get3A_389] {strides = array<i32>} : memref<128x64xbf16, #tpu.memory_space<vmem>>, vector<32xbf16>,
      %unpack3A = tpu.unpack_subelements %get3A_390, 0 {pack_format = #tpu.pack_format<interleaved>} : vector<32xbf16> -> vector<16xf32>
      %unpack3A_391 = tpu.unpack_subelements %get3A_390, 1 {pack_format = #tpu.pack_format<interleaved>} : vector<32xbf16> -> vector<16xf32>
      %get3A_392 = arith.index_cast %scan3A_388 : i32 to index
      %get3A_393 = arith.constant 0 : index
      %get3A_394 = tpu.vector_load %arg15[%get3A_392, %get3A_393] {strides = array<i32>} : memref<128x64xbf16, #tpu.memory_space<vmem>>, vector<32xbf16>,
      %unpack3A_395 = tpu.unpack_subelements %get3A_394, 0 {pack_format = #tpu.pack_format<interleaved>} : vector<32xbf16> -> vector<16xf32>
      %unpack3A_396 = tpu.unpack_subelements %get3A_394, 1 {pack_format = #tpu.pack_format<interleaved>} : vector<32xbf16> -> vector<16xf32>
      %mul3A_397 = arith.mulf %unpack3A, %unpack3A_395 : vector<16xf32>
      %mul3A_398 = arith.mulf %unpack3A_391, %unpack3A_396 : vector<16xf32>
      %add3A_399 = arith.addf %mul3A_397, %mul3A_398 : vector<16xf32>
      %get3A_400 = arith.index_cast %scan3A_388 : i32 to index
      %get3A_401 = arith.constant 32 : index
      %get3A_402 = tpu.vector_load %arg17[%get3A_400, %get3A_401] {strides = array<i32>} : memref<128x64xbf16, #tpu.memory_space<vmem>>, vector<32xbf16>,
      %unpack3A_403 = tpu.unpack_subelements %get3A_402, 0 {pack_format = #tpu.pack_format<interleaved>} : vector<32xbf16> -> vector<16xf32>
      %unpack3A_404 = tpu.unpack_subelements %get3A_402, 1 {pack_format = #tpu.pack_format<interleaved>} : vector<32xbf16> -> vector<16xf32>
      %get3A_405 = arith.index_cast %scan3A_388 : i32 to index
      %get3A_406 = arith.constant 32 : index
      %get3A_407 = tpu.vector_load %arg15[%get3A_405, %get3A_406] {strides = array<i32>} : memref<128x64xbf16, #tpu.memory_space<vmem>>, vector<32xbf16>,
      %unpack3A_408 = tpu.unpack_subelements %get3A_407, 0 {pack_format = #tpu.pack_format<interleaved>} : vector<32xbf16> -> vector<16xf32>
      %unpack3A_409 = tpu.unpack_subelements %get3A_407, 1 {pack_format = #tpu.pack_format<interleaved>} : vector<32xbf16> -> vector<16xf32>
      %mul3A_410 = arith.mulf %unpack3A_403, %unpack3A_408 : vector<16xf32>
      %mul3A_411 = arith.mulf %unpack3A_404, %unpack3A_409 : vector<16xf32>
      %add3A_412 = arith.addf %mul3A_410, %mul3A_411 : vector<16xf32>
      %add3A_413 = arith.addf %add3A_399, %add3A_412 : vector<16xf32>
      %mul3A_414 = arith.constant 16 : i32
      %mul3A_415 = arith.muli %scan3A_388, %mul3A_414 : i32
      %swap3A = arith.index_cast %mul3A_415 : i32 to index
      %swap3A_416 = tpu.vector_load %arg11[%swap3A] {strides = array<i32>} : memref<2048xf32, #tpu.memory_space<vmem>>, vector<16xf32>,
      tpu.vector_store %arg11[%swap3A], %add3A_413 {strides = array<i32>} : memref<2048xf32, #tpu.memory_space<vmem>>, vector<16xf32>,
    }
    %scan3A_243 = arith.constant 128 : i32
    %scan3A_244 = arith.constant 0 : i32
    %scan3A_245 = arith.constant 0 : i32
    %scan3A_246 = arith.constant 8 : i32
    %scan3A_247 = arith.addi %scan3A_245, %scan3A_246 : i32
    %scan3A_248 = arith.constant 1 : i32
    scf.for %scan3A_388 = %scan3A_245 to %scan3A_247 step %scan3A_248  : i32 {
      %mul3A_389 = arith.constant 256 : i32
      %mul3A_390 = arith.muli %scan3A_388, %mul3A_389 : i32
      %mul3A_391 = arith.constant 16 : i32
      %mul3A_392 = vector.broadcast %mul3A_391 : i32 to vector<16xi32>
      %mul3A_393 = arith.muli %iota3A, %mul3A_392 : vector<16xi32>
      %add3A_394 = vector.broadcast %mul3A_390 : i32 to vector<16xi32>
      %add3A_395 = arith.addi %add3A_394, %mul3A_393 : vector<16xi32>
      %gather3A = tpu.vector_load_idx %arg11[%add3A_395] : memref<2048xf32, #tpu.memory_space<vmem>>[vector<16xi32>], vector<16xf32>,
      %add3A_396 = arith.constant 1 : i32
      %add3A_397 = vector.broadcast %add3A_396 : i32 to vector<16xi32>
      %add3A_398 = arith.addi %add3A_395, %add3A_397 : vector<16xi32>
      %gather3A_399 = tpu.vector_load_idx %arg11[%add3A_398] : memref<2048xf32, #tpu.memory_space<vmem>>[vector<16xi32>], vector<16xf32>,
      %add3A_400 = arith.addf %gather3A, %gather3A_399 : vector<16xf32>
      %add3A_401 = arith.constant 2 : i32
      %add3A_402 = vector.broadcast %add3A_401 : i32 to vector<16xi32>
      %add3A_403 = arith.addi %add3A_395, %add3A_402 : vector<16xi32>
      %gather3A_404 = tpu.vector_load_idx %arg11[%add3A_403] : memref<2048xf32, #tpu.memory_space<vmem>>[vector<16xi32>], vector<16xf32>,
      %add3A_405 = arith.addf %add3A_400, %gather3A_404 : vector<16xf32>
      %add3A_406 = arith.constant 3 : i32
      %add3A_407 = vector.broadcast %add3A_406 : i32 to vector<16xi32>
      %add3A_408 = arith.addi %add3A_395, %add3A_407 : vector<16xi32>
      %gather3A_409 = tpu.vector_load_idx %arg11[%add3A_408] : memref<2048xf32, #tpu.memory_space<vmem>>[vector<16xi32>], vector<16xf32>,
      %add3A_410 = arith.addf %add3A_405, %gather3A_409 : vector<16xf32>
      %add3A_411 = arith.constant 4 : i32
      %add3A_412 = vector.broadcast %add3A_411 : i32 to vector<16xi32>
      %add3A_413 = arith.addi %add3A_395, %add3A_412 : vector<16xi32>
      %gather3A_414 = tpu.vector_load_idx %arg11[%add3A_413] : memref<2048xf32, #tpu.memory_space<vmem>>[vector<16xi32>], vector<16xf32>,
      %add3A_415 = arith.addf %add3A_410, %gather3A_414 : vector<16xf32>
      %add3A_416 = arith.constant 5 : i32
      %add3A_417 = vector.broadcast %add3A_416 : i32 to vector<16xi32>
      %add3A_418 = arith.addi %add3A_395, %add3A_417 : vector<16xi32>
      %gather3A_419 = tpu.vector_load_idx %arg11[%add3A_418] : memref<2048xf32, #tpu.memory_space<vmem>>[vector<16xi32>], vector<16xf32>,
      %add3A_420 = arith.addf %add3A_415, %gather3A_419 : vector<16xf32>
      %add3A_421 = arith.constant 6 : i32
      %add3A_422 = vector.broadcast %add3A_421 : i32 to vector<16xi32>
      %add3A_423 = arith.addi %add3A_395, %add3A_422 : vector<16xi32>
      %gather3A_424 = tpu.vector_load_idx %arg11[%add3A_423] : memref<2048xf32, #tpu.memory_space<vmem>>[vector<16xi32>], vector<16xf32>,
      %add3A_425 = arith.addf %add3A_420, %gather3A_424 : vector<16xf32>
      %add3A_426 = arith.constant 7 : i32
      %add3A_427 = vector.broadcast %add3A_426 : i32 to vector<16xi32>
      %add3A_428 = arith.addi %add3A_395, %add3A_427 : vector<16xi32>
      %gather3A_429 = tpu.vector_load_idx %arg11[%add3A_428] : memref<2048xf32, #tpu.memory_space<vmem>>[vector<16xi32>], vector<16xf32>,
      %add3A_430 = arith.addf %add3A_425, %gather3A_429 : vector<16xf32>
      %add3A_431 = arith.constant 8 : i32
      %add3A_432 = vector.broadcast %add3A_431 : i32 to vector<16xi32>
      %add3A_433 = arith.addi %add3A_395, %add3A_432 : vector<16xi32>
      %gather3A_434 = tpu.vector_load_idx %arg11[%add3A_433] : memref<2048xf32, #tpu.memory_space<vmem>>[vector<16xi32>], vector<16xf32>,
      %add3A_435 = arith.addf %add3A_430, %gather3A_434 : vector<16xf32>
      %add3A_436 = arith.constant 9 : i32
      %add3A_437 = vector.broadcast %add3A_436 : i32 to vector<16xi32>
      %add3A_438 = arith.addi %add3A_395, %add3A_437 : vector<16xi32>
      %gather3A_439 = tpu.vector_load_idx %arg11[%add3A_438] : memref<2048xf32, #tpu.memory_space<vmem>>[vector<16xi32>], vector<16xf32>,
      %add3A_440 = arith.addf %add3A_435, %gather3A_439 : vector<16xf32>
      %add3A_441 = arith.constant 10 : i32
      %add3A_442 = vector.broadcast %add3A_441 : i32 to vector<16xi32>
      %add3A_443 = arith.addi %add3A_395, %add3A_442 : vector<16xi32>
      %gather3A_444 = tpu.vector_load_idx %arg11[%add3A_443] : memref<2048xf32, #tpu.memory_space<vmem>>[vector<16xi32>], vector<16xf32>,
      %add3A_445 = arith.addf %add3A_440, %gather3A_444 : vector<16xf32>
      %add3A_446 = arith.constant 11 : i32
      %add3A_447 = vector.broadcast %add3A_446 : i32 to vector<16xi32>
      %add3A_448 = arith.addi %add3A_395, %add3A_447 : vector<16xi32>
      %gather3A_449 = tpu.vector_load_idx %arg11[%add3A_448] : memref<2048xf32, #tpu.memory_space<vmem>>[vector<16xi32>], vector<16xf32>,
      %add3A_450 = arith.addf %add3A_445, %gather3A_449 : vector<16xf32>
      %add3A_451 = arith.constant 12 : i32
      %add3A_452 = vector.broadcast %add3A_451 : i32 to vector<16xi32>
      %add3A_453 = arith.addi %add3A_395, %add3A_452 : vector<16xi32>
      %gather3A_454 = tpu.vector_load_idx %arg11[%add3A_453] : memref<2048xf32, #tpu.memory_space<vmem>>[vector<16xi32>], vector<16xf32>,
      %add3A_455 = arith.addf %add3A_450, %gather3A_454 : vector<16xf32>
      %add3A_456 = arith.constant 13 : i32
      %add3A_457 = vector.broadcast %add3A_456 : i32 to vector<16xi32>
      %add3A_458 = arith.addi %add3A_395, %add3A_457 : vector<16xi32>
      %gather3A_459 = tpu.vector_load_idx %arg11[%add3A_458] : memref<2048xf32, #tpu.memory_space<vmem>>[vector<16xi32>], vector<16xf32>,
      %add3A_460 = arith.addf %add3A_455, %gather3A_459 : vector<16xf32>
      %add3A_461 = arith.constant 14 : i32
      %add3A_462 = vector.broadcast %add3A_461 : i32 to vector<16xi32>
      %add3A_463 = arith.addi %add3A_395, %add3A_462 : vector<16xi32>
      %gather3A_464 = tpu.vector_load_idx %arg11[%add3A_463] : memref<2048xf32, #tpu.memory_space<vmem>>[vector<16xi32>], vector<16xf32>,
      %add3A_465 = arith.addf %add3A_460, %gather3A_464 : vector<16xf32>
      %add3A_466 = arith.constant 15 : i32
      %add3A_467 = vector.broadcast %add3A_466 : i32 to vector<16xi32>
      %add3A_468 = arith.addi %add3A_395, %add3A_467 : vector<16xi32>
      %gather3A_469 = tpu.vector_load_idx %arg11[%add3A_468] : memref<2048xf32, #tpu.memory_space<vmem>>[vector<16xi32>], vector<16xf32>,
      %add3A_470 = arith.addf %add3A_465, %gather3A_469 : vector<16xf32>
      %mul3A_471 = arith.constant 16 : i32
      %mul3A_472 = arith.muli %scan3A_388, %mul3A_471 : i32
      %add3A_473 = arith.constant 384 : i32
      %add3A_474 = arith.addi %add3A_473, %mul3A_472 : i32
      %swap3A = arith.index_cast %add3A_474 : i32 to index
      %swap3A_475 = tpu.vector_load %arg9[%swap3A] {strides = array<i32>} : memref<2048xf32, #tpu.memory_space<vmem>>, vector<16xf32>,
      tpu.vector_store %arg9[%swap3A], %add3A_470 {strides = array<i32>} : memref<2048xf32, #tpu.memory_space<vmem>>, vector<16xf32>,
    }
    %scan3A_249 = arith.constant 8 : i32
    %dma_start3A_250 = arith.constant 0 : i32
    %dma_start3A_251 = arith.constant 0 : i32
    %dma_start3A_252 = tpu.memref_slice %arg17[%dma_start3A_250, %dma_start3A_251] : memref<128x64xbf16, #tpu.memory_space<vmem>> -> memref<128x64xbf16, #tpu.memory_space<vmem>>
    %dma_start3A_253 = arith.constant 640 : i32
    %dma_start3A_254 = tpu.memref_slice %arg12[%dma_start3A_253] : memref<2048xi32, #tpu.memory_space<vmem>> -> memref<128xi32, #tpu.memory_space<vmem>>
    %dma_start3A_255 = arith.constant 0 : i32
    %dma_start3A_256 = arith.constant 0 : i32
    %dma_start3A_257 = tpu.memref_slice %arg2[%dma_start3A_255, %dma_start3A_256] : memref<50000x64xbf16, #tpu.memory_space<hbm>> -> memref<50000x64xbf16, #tpu.memory_space<hbm>>
    tpu.enqueue_indirect_dma source(%dma_start3A_257 : memref<50000x64xbf16, #tpu.memory_space<hbm>>) target(%dma_start3A_252 : memref<128x64xbf16, #tpu.memory_space<vmem>>) offsets(%dma_start3A_254 : memref<128xi32, #tpu.memory_space<vmem>>) semaphore(%arg21 : memref<!tpu.dma_semaphore, #tpu.memory_space<semaphore_mem>>)
    %dma_start3A_258 = arith.constant 0 : i32
    %dma_start3A_259 = arith.constant 0 : i32
    %dma_start3A_260 = tpu.memref_slice %arg15[%dma_start3A_258, %dma_start3A_259] : memref<128x64xbf16, #tpu.memory_space<vmem>> -> memref<128x64xbf16, #tpu.memory_space<vmem>>
    %dma_start3A_261 = arith.constant 640 : i32
    %dma_start3A_262 = tpu.memref_slice %arg7[%dma_start3A_261] : memref<2048xi32, #tpu.memory_space<vmem>> -> memref<128xi32, #tpu.memory_space<vmem>>
    %dma_start3A_263 = arith.constant 0 : i32
    %dma_start3A_264 = arith.constant 0 : i32
    %dma_start3A_265 = tpu.memref_slice %arg3[%dma_start3A_263, %dma_start3A_264] : memref<50000x64xbf16, #tpu.memory_space<hbm>> -> memref<50000x64xbf16, #tpu.memory_space<hbm>>
    tpu.enqueue_indirect_dma source(%dma_start3A_265 : memref<50000x64xbf16, #tpu.memory_space<hbm>>) target(%dma_start3A_260 : memref<128x64xbf16, #tpu.memory_space<vmem>>) offsets(%dma_start3A_262 : memref<128xi32, #tpu.memory_space<vmem>>) semaphore(%arg19 : memref<!tpu.dma_semaphore, #tpu.memory_space<semaphore_mem>>)
    %dma_wait3A_266 = arith.constant 0 : i32
    %dma_wait3A_267 = arith.constant 0 : i32
    %dma_wait3A_268 = tpu.memref_slice %arg16[%dma_wait3A_266, %dma_wait3A_267] : memref<128x64xbf16, #tpu.memory_space<vmem>> -> memref<128x64xbf16, #tpu.memory_space<vmem>>
    %dma_wait3A_269 = arith.constant 0 : i32
    %dma_wait3A_270 = tpu.memref_slice %arg12[%dma_wait3A_269] : memref<2048xi32, #tpu.memory_space<vmem>> -> memref<128xi32, #tpu.memory_space<vmem>>
    %dma_wait3A_271 = arith.constant 0 : i32
    %dma_wait3A_272 = arith.constant 0 : i32
    %dma_wait3A_273 = tpu.memref_slice %arg2[%dma_wait3A_271, %dma_wait3A_272] : memref<50000x64xbf16, #tpu.memory_space<hbm>> -> memref<50000x64xbf16, #tpu.memory_space<hbm>>
    tpu.wait_indirect_dma semaphore(%arg20 : memref<!tpu.dma_semaphore, #tpu.memory_space<semaphore_mem>>) src(%dma_wait3A_273 : memref<50000x64xbf16, #tpu.memory_space<hbm>>) dst(%dma_wait3A_268 : memref<128x64xbf16, #tpu.memory_space<vmem>>)
    %dma_wait3A_274 = arith.constant 0 : i32
    %dma_wait3A_275 = arith.constant 0 : i32
    %dma_wait3A_276 = tpu.memref_slice %arg14[%dma_wait3A_274, %dma_wait3A_275] : memref<128x64xbf16, #tpu.memory_space<vmem>> -> memref<128x64xbf16, #tpu.memory_space<vmem>>
    %dma_wait3A_277 = arith.constant 0 : i32
    %dma_wait3A_278 = tpu.memref_slice %arg7[%dma_wait3A_277] : memref<2048xi32, #tpu.memory_space<vmem>> -> memref<128xi32, #tpu.memory_space<vmem>>
    %dma_wait3A_279 = arith.constant 0 : i32
    %dma_wait3A_280 = arith.constant 0 : i32
    %dma_wait3A_281 = tpu.memref_slice %arg3[%dma_wait3A_279, %dma_wait3A_280] : memref<50000x64xbf16, #tpu.memory_space<hbm>> -> memref<50000x64xbf16, #tpu.memory_space<hbm>>
    tpu.wait_indirect_dma semaphore(%arg18 : memref<!tpu.dma_semaphore, #tpu.memory_space<semaphore_mem>>) src(%dma_wait3A_281 : memref<50000x64xbf16, #tpu.memory_space<hbm>>) dst(%dma_wait3A_276 : memref<128x64xbf16, #tpu.memory_space<vmem>>)
    %scan3A_282 = arith.constant 0 : i32
    %scan3A_283 = arith.constant 0 : i32
    %scan3A_284 = arith.constant 128 : i32
    %scan3A_285 = arith.addi %scan3A_283, %scan3A_284 : i32
    %scan3A_286 = arith.constant 1 : i32
    scf.for %scan3A_388 = %scan3A_283 to %scan3A_285 step %scan3A_286  : i32 {
      %get3A = arith.index_cast %scan3A_388 : i32 to index
      %get3A_389 = arith.constant 0 : index
      %get3A_390 = tpu.vector_load %arg16[%get3A, %get3A_389] {strides = array<i32>} : memref<128x64xbf16, #tpu.memory_space<vmem>>, vector<32xbf16>,
      %unpack3A = tpu.unpack_subelements %get3A_390, 0 {pack_format = #tpu.pack_format<interleaved>} : vector<32xbf16> -> vector<16xf32>
      %unpack3A_391 = tpu.unpack_subelements %get3A_390, 1 {pack_format = #tpu.pack_format<interleaved>} : vector<32xbf16> -> vector<16xf32>
      %get3A_392 = arith.index_cast %scan3A_388 : i32 to index
      %get3A_393 = arith.constant 0 : index
      %get3A_394 = tpu.vector_load %arg14[%get3A_392, %get3A_393] {strides = array<i32>} : memref<128x64xbf16, #tpu.memory_space<vmem>>, vector<32xbf16>,
      %unpack3A_395 = tpu.unpack_subelements %get3A_394, 0 {pack_format = #tpu.pack_format<interleaved>} : vector<32xbf16> -> vector<16xf32>
      %unpack3A_396 = tpu.unpack_subelements %get3A_394, 1 {pack_format = #tpu.pack_format<interleaved>} : vector<32xbf16> -> vector<16xf32>
      %mul3A_397 = arith.mulf %unpack3A, %unpack3A_395 : vector<16xf32>
      %mul3A_398 = arith.mulf %unpack3A_391, %unpack3A_396 : vector<16xf32>
      %add3A_399 = arith.addf %mul3A_397, %mul3A_398 : vector<16xf32>
      %get3A_400 = arith.index_cast %scan3A_388 : i32 to index
      %get3A_401 = arith.constant 32 : index
      %get3A_402 = tpu.vector_load %arg16[%get3A_400, %get3A_401] {strides = array<i32>} : memref<128x64xbf16, #tpu.memory_space<vmem>>, vector<32xbf16>,
      %unpack3A_403 = tpu.unpack_subelements %get3A_402, 0 {pack_format = #tpu.pack_format<interleaved>} : vector<32xbf16> -> vector<16xf32>
      %unpack3A_404 = tpu.unpack_subelements %get3A_402, 1 {pack_format = #tpu.pack_format<interleaved>} : vector<32xbf16> -> vector<16xf32>
      %get3A_405 = arith.index_cast %scan3A_388 : i32 to index
      %get3A_406 = arith.constant 32 : index
      %get3A_407 = tpu.vector_load %arg14[%get3A_405, %get3A_406] {strides = array<i32>} : memref<128x64xbf16, #tpu.memory_space<vmem>>, vector<32xbf16>,
      %unpack3A_408 = tpu.unpack_subelements %get3A_407, 0 {pack_format = #tpu.pack_format<interleaved>} : vector<32xbf16> -> vector<16xf32>
      %unpack3A_409 = tpu.unpack_subelements %get3A_407, 1 {pack_format = #tpu.pack_format<interleaved>} : vector<32xbf16> -> vector<16xf32>
      %mul3A_410 = arith.mulf %unpack3A_403, %unpack3A_408 : vector<16xf32>
      %mul3A_411 = arith.mulf %unpack3A_404, %unpack3A_409 : vector<16xf32>
      %add3A_412 = arith.addf %mul3A_410, %mul3A_411 : vector<16xf32>
      %add3A_413 = arith.addf %add3A_399, %add3A_412 : vector<16xf32>
      %mul3A_414 = arith.constant 16 : i32
      %mul3A_415 = arith.muli %scan3A_388, %mul3A_414 : i32
      %swap3A = arith.index_cast %mul3A_415 : i32 to index
      %swap3A_416 = tpu.vector_load %arg11[%swap3A] {strides = array<i32>} : memref<2048xf32, #tpu.memory_space<vmem>>, vector<16xf32>,
      tpu.vector_store %arg11[%swap3A], %add3A_413 {strides = array<i32>} : memref<2048xf32, #tpu.memory_space<vmem>>, vector<16xf32>,
    }
    %scan3A_287 = arith.constant 128 : i32
    %scan3A_288 = arith.constant 0 : i32
    %scan3A_289 = arith.constant 0 : i32
    %scan3A_290 = arith.constant 8 : i32
    %scan3A_291 = arith.addi %scan3A_289, %scan3A_290 : i32
    %scan3A_292 = arith.constant 1 : i32
    scf.for %scan3A_388 = %scan3A_289 to %scan3A_291 step %scan3A_292  : i32 {
      %mul3A_389 = arith.constant 256 : i32
      %mul3A_390 = arith.muli %scan3A_388, %mul3A_389 : i32
      %mul3A_391 = arith.constant 16 : i32
      %mul3A_392 = vector.broadcast %mul3A_391 : i32 to vector<16xi32>
      %mul3A_393 = arith.muli %iota3A, %mul3A_392 : vector<16xi32>
      %add3A_394 = vector.broadcast %mul3A_390 : i32 to vector<16xi32>
      %add3A_395 = arith.addi %add3A_394, %mul3A_393 : vector<16xi32>
      %gather3A = tpu.vector_load_idx %arg11[%add3A_395] : memref<2048xf32, #tpu.memory_space<vmem>>[vector<16xi32>], vector<16xf32>,
      %add3A_396 = arith.constant 1 : i32
      %add3A_397 = vector.broadcast %add3A_396 : i32 to vector<16xi32>
      %add3A_398 = arith.addi %add3A_395, %add3A_397 : vector<16xi32>
      %gather3A_399 = tpu.vector_load_idx %arg11[%add3A_398] : memref<2048xf32, #tpu.memory_space<vmem>>[vector<16xi32>], vector<16xf32>,
      %add3A_400 = arith.addf %gather3A, %gather3A_399 : vector<16xf32>
      %add3A_401 = arith.constant 2 : i32
      %add3A_402 = vector.broadcast %add3A_401 : i32 to vector<16xi32>
      %add3A_403 = arith.addi %add3A_395, %add3A_402 : vector<16xi32>
      %gather3A_404 = tpu.vector_load_idx %arg11[%add3A_403] : memref<2048xf32, #tpu.memory_space<vmem>>[vector<16xi32>], vector<16xf32>,
      %add3A_405 = arith.addf %add3A_400, %gather3A_404 : vector<16xf32>
      %add3A_406 = arith.constant 3 : i32
      %add3A_407 = vector.broadcast %add3A_406 : i32 to vector<16xi32>
      %add3A_408 = arith.addi %add3A_395, %add3A_407 : vector<16xi32>
      %gather3A_409 = tpu.vector_load_idx %arg11[%add3A_408] : memref<2048xf32, #tpu.memory_space<vmem>>[vector<16xi32>], vector<16xf32>,
      %add3A_410 = arith.addf %add3A_405, %gather3A_409 : vector<16xf32>
      %add3A_411 = arith.constant 4 : i32
      %add3A_412 = vector.broadcast %add3A_411 : i32 to vector<16xi32>
      %add3A_413 = arith.addi %add3A_395, %add3A_412 : vector<16xi32>
      %gather3A_414 = tpu.vector_load_idx %arg11[%add3A_413] : memref<2048xf32, #tpu.memory_space<vmem>>[vector<16xi32>], vector<16xf32>,
      %add3A_415 = arith.addf %add3A_410, %gather3A_414 : vector<16xf32>
      %add3A_416 = arith.constant 5 : i32
      %add3A_417 = vector.broadcast %add3A_416 : i32 to vector<16xi32>
      %add3A_418 = arith.addi %add3A_395, %add3A_417 : vector<16xi32>
      %gather3A_419 = tpu.vector_load_idx %arg11[%add3A_418] : memref<2048xf32, #tpu.memory_space<vmem>>[vector<16xi32>], vector<16xf32>,
      %add3A_420 = arith.addf %add3A_415, %gather3A_419 : vector<16xf32>
      %add3A_421 = arith.constant 6 : i32
      %add3A_422 = vector.broadcast %add3A_421 : i32 to vector<16xi32>
      %add3A_423 = arith.addi %add3A_395, %add3A_422 : vector<16xi32>
      %gather3A_424 = tpu.vector_load_idx %arg11[%add3A_423] : memref<2048xf32, #tpu.memory_space<vmem>>[vector<16xi32>], vector<16xf32>,
      %add3A_425 = arith.addf %add3A_420, %gather3A_424 : vector<16xf32>
      %add3A_426 = arith.constant 7 : i32
      %add3A_427 = vector.broadcast %add3A_426 : i32 to vector<16xi32>
      %add3A_428 = arith.addi %add3A_395, %add3A_427 : vector<16xi32>
      %gather3A_429 = tpu.vector_load_idx %arg11[%add3A_428] : memref<2048xf32, #tpu.memory_space<vmem>>[vector<16xi32>], vector<16xf32>,
      %add3A_430 = arith.addf %add3A_425, %gather3A_429 : vector<16xf32>
      %add3A_431 = arith.constant 8 : i32
      %add3A_432 = vector.broadcast %add3A_431 : i32 to vector<16xi32>
      %add3A_433 = arith.addi %add3A_395, %add3A_432 : vector<16xi32>
      %gather3A_434 = tpu.vector_load_idx %arg11[%add3A_433] : memref<2048xf32, #tpu.memory_space<vmem>>[vector<16xi32>], vector<16xf32>,
      %add3A_435 = arith.addf %add3A_430, %gather3A_434 : vector<16xf32>
      %add3A_436 = arith.constant 9 : i32
      %add3A_437 = vector.broadcast %add3A_436 : i32 to vector<16xi32>
      %add3A_438 = arith.addi %add3A_395, %add3A_437 : vector<16xi32>
      %gather3A_439 = tpu.vector_load_idx %arg11[%add3A_438] : memref<2048xf32, #tpu.memory_space<vmem>>[vector<16xi32>], vector<16xf32>,
      %add3A_440 = arith.addf %add3A_435, %gather3A_439 : vector<16xf32>
      %add3A_441 = arith.constant 10 : i32
      %add3A_442 = vector.broadcast %add3A_441 : i32 to vector<16xi32>
      %add3A_443 = arith.addi %add3A_395, %add3A_442 : vector<16xi32>
      %gather3A_444 = tpu.vector_load_idx %arg11[%add3A_443] : memref<2048xf32, #tpu.memory_space<vmem>>[vector<16xi32>], vector<16xf32>,
      %add3A_445 = arith.addf %add3A_440, %gather3A_444 : vector<16xf32>
      %add3A_446 = arith.constant 11 : i32
      %add3A_447 = vector.broadcast %add3A_446 : i32 to vector<16xi32>
      %add3A_448 = arith.addi %add3A_395, %add3A_447 : vector<16xi32>
      %gather3A_449 = tpu.vector_load_idx %arg11[%add3A_448] : memref<2048xf32, #tpu.memory_space<vmem>>[vector<16xi32>], vector<16xf32>,
      %add3A_450 = arith.addf %add3A_445, %gather3A_449 : vector<16xf32>
      %add3A_451 = arith.constant 12 : i32
      %add3A_452 = vector.broadcast %add3A_451 : i32 to vector<16xi32>
      %add3A_453 = arith.addi %add3A_395, %add3A_452 : vector<16xi32>
      %gather3A_454 = tpu.vector_load_idx %arg11[%add3A_453] : memref<2048xf32, #tpu.memory_space<vmem>>[vector<16xi32>], vector<16xf32>,
      %add3A_455 = arith.addf %add3A_450, %gather3A_454 : vector<16xf32>
      %add3A_456 = arith.constant 13 : i32
      %add3A_457 = vector.broadcast %add3A_456 : i32 to vector<16xi32>
      %add3A_458 = arith.addi %add3A_395, %add3A_457 : vector<16xi32>
      %gather3A_459 = tpu.vector_load_idx %arg11[%add3A_458] : memref<2048xf32, #tpu.memory_space<vmem>>[vector<16xi32>], vector<16xf32>,
      %add3A_460 = arith.addf %add3A_455, %gather3A_459 : vector<16xf32>
      %add3A_461 = arith.constant 14 : i32
      %add3A_462 = vector.broadcast %add3A_461 : i32 to vector<16xi32>
      %add3A_463 = arith.addi %add3A_395, %add3A_462 : vector<16xi32>
      %gather3A_464 = tpu.vector_load_idx %arg11[%add3A_463] : memref<2048xf32, #tpu.memory_space<vmem>>[vector<16xi32>], vector<16xf32>,
      %add3A_465 = arith.addf %add3A_460, %gather3A_464 : vector<16xf32>
      %add3A_466 = arith.constant 15 : i32
      %add3A_467 = vector.broadcast %add3A_466 : i32 to vector<16xi32>
      %add3A_468 = arith.addi %add3A_395, %add3A_467 : vector<16xi32>
      %gather3A_469 = tpu.vector_load_idx %arg11[%add3A_468] : memref<2048xf32, #tpu.memory_space<vmem>>[vector<16xi32>], vector<16xf32>,
      %add3A_470 = arith.addf %add3A_465, %gather3A_469 : vector<16xf32>
      %mul3A_471 = arith.constant 16 : i32
      %mul3A_472 = arith.muli %scan3A_388, %mul3A_471 : i32
      %add3A_473 = arith.constant 512 : i32
      %add3A_474 = arith.addi %add3A_473, %mul3A_472 : i32
      %swap3A = arith.index_cast %add3A_474 : i32 to index
      %swap3A_475 = tpu.vector_load %arg9[%swap3A] {strides = array<i32>} : memref<2048xf32, #tpu.memory_space<vmem>>, vector<16xf32>,
      tpu.vector_store %arg9[%swap3A], %add3A_470 {strides = array<i32>} : memref<2048xf32, #tpu.memory_space<vmem>>, vector<16xf32>,
    }
    %scan3A_293 = arith.constant 8 : i32
    %dma_start3A_294 = arith.constant 0 : i32
    %dma_start3A_295 = arith.constant 0 : i32
    %dma_start3A_296 = tpu.memref_slice %arg16[%dma_start3A_294, %dma_start3A_295] : memref<128x64xbf16, #tpu.memory_space<vmem>> -> memref<80x64xbf16, #tpu.memory_space<vmem>>
    %dma_start3A_297 = arith.constant 768 : i32
    %dma_start3A_298 = tpu.memref_slice %arg12[%dma_start3A_297] : memref<2048xi32, #tpu.memory_space<vmem>> -> memref<80xi32, #tpu.memory_space<vmem>>
    %dma_start3A_299 = arith.constant 0 : i32
    %dma_start3A_300 = arith.constant 0 : i32
    %dma_start3A_301 = tpu.memref_slice %arg2[%dma_start3A_299, %dma_start3A_300] : memref<50000x64xbf16, #tpu.memory_space<hbm>> -> memref<50000x64xbf16, #tpu.memory_space<hbm>>
    tpu.enqueue_indirect_dma source(%dma_start3A_301 : memref<50000x64xbf16, #tpu.memory_space<hbm>>) target(%dma_start3A_296 : memref<80x64xbf16, #tpu.memory_space<vmem>>) offsets(%dma_start3A_298 : memref<80xi32, #tpu.memory_space<vmem>>) semaphore(%arg20 : memref<!tpu.dma_semaphore, #tpu.memory_space<semaphore_mem>>)
    %dma_start3A_302 = arith.constant 0 : i32
    %dma_start3A_303 = arith.constant 0 : i32
    %dma_start3A_304 = tpu.memref_slice %arg14[%dma_start3A_302, %dma_start3A_303] : memref<128x64xbf16, #tpu.memory_space<vmem>> -> memref<80x64xbf16, #tpu.memory_space<vmem>>
    %dma_start3A_305 = arith.constant 768 : i32
    %dma_start3A_306 = tpu.memref_slice %arg7[%dma_start3A_305] : memref<2048xi32, #tpu.memory_space<vmem>> -> memref<80xi32, #tpu.memory_space<vmem>>
    %dma_start3A_307 = arith.constant 0 : i32
    %dma_start3A_308 = arith.constant 0 : i32
    %dma_start3A_309 = tpu.memref_slice %arg3[%dma_start3A_307, %dma_start3A_308] : memref<50000x64xbf16, #tpu.memory_space<hbm>> -> memref<50000x64xbf16, #tpu.memory_space<hbm>>
    tpu.enqueue_indirect_dma source(%dma_start3A_309 : memref<50000x64xbf16, #tpu.memory_space<hbm>>) target(%dma_start3A_304 : memref<80x64xbf16, #tpu.memory_space<vmem>>) offsets(%dma_start3A_306 : memref<80xi32, #tpu.memory_space<vmem>>) semaphore(%arg18 : memref<!tpu.dma_semaphore, #tpu.memory_space<semaphore_mem>>)
    %dma_wait3A_310 = arith.constant 0 : i32
    %dma_wait3A_311 = arith.constant 0 : i32
    %dma_wait3A_312 = tpu.memref_slice %arg17[%dma_wait3A_310, %dma_wait3A_311] : memref<128x64xbf16, #tpu.memory_space<vmem>> -> memref<128x64xbf16, #tpu.memory_space<vmem>>
    %dma_wait3A_313 = arith.constant 0 : i32
    %dma_wait3A_314 = tpu.memref_slice %arg12[%dma_wait3A_313] : memref<2048xi32, #tpu.memory_space<vmem>> -> memref<128xi32, #tpu.memory_space<vmem>>
    %dma_wait3A_315 = arith.constant 0 : i32
    %dma_wait3A_316 = arith.constant 0 : i32
    %dma_wait3A_317 = tpu.memref_slice %arg2[%dma_wait3A_315, %dma_wait3A_316] : memref<50000x64xbf16, #tpu.memory_space<hbm>> -> memref<50000x64xbf16, #tpu.memory_space<hbm>>
    tpu.wait_indirect_dma semaphore(%arg21 : memref<!tpu.dma_semaphore, #tpu.memory_space<semaphore_mem>>) src(%dma_wait3A_317 : memref<50000x64xbf16, #tpu.memory_space<hbm>>) dst(%dma_wait3A_312 : memref<128x64xbf16, #tpu.memory_space<vmem>>)
    %dma_wait3A_318 = arith.constant 0 : i32
    %dma_wait3A_319 = arith.constant 0 : i32
    %dma_wait3A_320 = tpu.memref_slice %arg15[%dma_wait3A_318, %dma_wait3A_319] : memref<128x64xbf16, #tpu.memory_space<vmem>> -> memref<128x64xbf16, #tpu.memory_space<vmem>>
    %dma_wait3A_321 = arith.constant 0 : i32
    %dma_wait3A_322 = tpu.memref_slice %arg7[%dma_wait3A_321] : memref<2048xi32, #tpu.memory_space<vmem>> -> memref<128xi32, #tpu.memory_space<vmem>>
    %dma_wait3A_323 = arith.constant 0 : i32
    %dma_wait3A_324 = arith.constant 0 : i32
    %dma_wait3A_325 = tpu.memref_slice %arg3[%dma_wait3A_323, %dma_wait3A_324] : memref<50000x64xbf16, #tpu.memory_space<hbm>> -> memref<50000x64xbf16, #tpu.memory_space<hbm>>
    tpu.wait_indirect_dma semaphore(%arg19 : memref<!tpu.dma_semaphore, #tpu.memory_space<semaphore_mem>>) src(%dma_wait3A_325 : memref<50000x64xbf16, #tpu.memory_space<hbm>>) dst(%dma_wait3A_320 : memref<128x64xbf16, #tpu.memory_space<vmem>>)
    %scan3A_326 = arith.constant 0 : i32
    %scan3A_327 = arith.constant 0 : i32
    %scan3A_328 = arith.constant 128 : i32
    %scan3A_329 = arith.addi %scan3A_327, %scan3A_328 : i32
    %scan3A_330 = arith.constant 1 : i32
    scf.for %scan3A_388 = %scan3A_327 to %scan3A_329 step %scan3A_330  : i32 {
      %get3A = arith.index_cast %scan3A_388 : i32 to index
      %get3A_389 = arith.constant 0 : index
      %get3A_390 = tpu.vector_load %arg17[%get3A, %get3A_389] {strides = array<i32>} : memref<128x64xbf16, #tpu.memory_space<vmem>>, vector<32xbf16>,
      %unpack3A = tpu.unpack_subelements %get3A_390, 0 {pack_format = #tpu.pack_format<interleaved>} : vector<32xbf16> -> vector<16xf32>
      %unpack3A_391 = tpu.unpack_subelements %get3A_390, 1 {pack_format = #tpu.pack_format<interleaved>} : vector<32xbf16> -> vector<16xf32>
      %get3A_392 = arith.index_cast %scan3A_388 : i32 to index
      %get3A_393 = arith.constant 0 : index
      %get3A_394 = tpu.vector_load %arg15[%get3A_392, %get3A_393] {strides = array<i32>} : memref<128x64xbf16, #tpu.memory_space<vmem>>, vector<32xbf16>,
      %unpack3A_395 = tpu.unpack_subelements %get3A_394, 0 {pack_format = #tpu.pack_format<interleaved>} : vector<32xbf16> -> vector<16xf32>
      %unpack3A_396 = tpu.unpack_subelements %get3A_394, 1 {pack_format = #tpu.pack_format<interleaved>} : vector<32xbf16> -> vector<16xf32>
      %mul3A_397 = arith.mulf %unpack3A, %unpack3A_395 : vector<16xf32>
      %mul3A_398 = arith.mulf %unpack3A_391, %unpack3A_396 : vector<16xf32>
      %add3A_399 = arith.addf %mul3A_397, %mul3A_398 : vector<16xf32>
      %get3A_400 = arith.index_cast %scan3A_388 : i32 to index
      %get3A_401 = arith.constant 32 : index
      %get3A_402 = tpu.vector_load %arg17[%get3A_400, %get3A_401] {strides = array<i32>} : memref<128x64xbf16, #tpu.memory_space<vmem>>, vector<32xbf16>,
      %unpack3A_403 = tpu.unpack_subelements %get3A_402, 0 {pack_format = #tpu.pack_format<interleaved>} : vector<32xbf16> -> vector<16xf32>
      %unpack3A_404 = tpu.unpack_subelements %get3A_402, 1 {pack_format = #tpu.pack_format<interleaved>} : vector<32xbf16> -> vector<16xf32>
      %get3A_405 = arith.index_cast %scan3A_388 : i32 to index
      %get3A_406 = arith.constant 32 : index
      %get3A_407 = tpu.vector_load %arg15[%get3A_405, %get3A_406] {strides = array<i32>} : memref<128x64xbf16, #tpu.memory_space<vmem>>, vector<32xbf16>,
      %unpack3A_408 = tpu.unpack_subelements %get3A_407, 0 {pack_format = #tpu.pack_format<interleaved>} : vector<32xbf16> -> vector<16xf32>
      %unpack3A_409 = tpu.unpack_subelements %get3A_407, 1 {pack_format = #tpu.pack_format<interleaved>} : vector<32xbf16> -> vector<16xf32>
      %mul3A_410 = arith.mulf %unpack3A_403, %unpack3A_408 : vector<16xf32>
      %mul3A_411 = arith.mulf %unpack3A_404, %unpack3A_409 : vector<16xf32>
      %add3A_412 = arith.addf %mul3A_410, %mul3A_411 : vector<16xf32>
      %add3A_413 = arith.addf %add3A_399, %add3A_412 : vector<16xf32>
      %mul3A_414 = arith.constant 16 : i32
      %mul3A_415 = arith.muli %scan3A_388, %mul3A_414 : i32
      %swap3A = arith.index_cast %mul3A_415 : i32 to index
      %swap3A_416 = tpu.vector_load %arg11[%swap3A] {strides = array<i32>} : memref<2048xf32, #tpu.memory_space<vmem>>, vector<16xf32>,
      tpu.vector_store %arg11[%swap3A], %add3A_413 {strides = array<i32>} : memref<2048xf32, #tpu.memory_space<vmem>>, vector<16xf32>,
    }
    %scan3A_331 = arith.constant 128 : i32
    %scan3A_332 = arith.constant 0 : i32
    %scan3A_333 = arith.constant 0 : i32
    %scan3A_334 = arith.constant 8 : i32
    %scan3A_335 = arith.addi %scan3A_333, %scan3A_334 : i32
    %scan3A_336 = arith.constant 1 : i32
    scf.for %scan3A_388 = %scan3A_333 to %scan3A_335 step %scan3A_336  : i32 {
      %mul3A_389 = arith.constant 256 : i32
      %mul3A_390 = arith.muli %scan3A_388, %mul3A_389 : i32
      %mul3A_391 = arith.constant 16 : i32
      %mul3A_392 = vector.broadcast %mul3A_391 : i32 to vector<16xi32>
      %mul3A_393 = arith.muli %iota3A, %mul3A_392 : vector<16xi32>
      %add3A_394 = vector.broadcast %mul3A_390 : i32 to vector<16xi32>
      %add3A_395 = arith.addi %add3A_394, %mul3A_393 : vector<16xi32>
      %gather3A = tpu.vector_load_idx %arg11[%add3A_395] : memref<2048xf32, #tpu.memory_space<vmem>>[vector<16xi32>], vector<16xf32>,
      %add3A_396 = arith.constant 1 : i32
      %add3A_397 = vector.broadcast %add3A_396 : i32 to vector<16xi32>
      %add3A_398 = arith.addi %add3A_395, %add3A_397 : vector<16xi32>
      %gather3A_399 = tpu.vector_load_idx %arg11[%add3A_398] : memref<2048xf32, #tpu.memory_space<vmem>>[vector<16xi32>], vector<16xf32>,
      %add3A_400 = arith.addf %gather3A, %gather3A_399 : vector<16xf32>
      %add3A_401 = arith.constant 2 : i32
      %add3A_402 = vector.broadcast %add3A_401 : i32 to vector<16xi32>
      %add3A_403 = arith.addi %add3A_395, %add3A_402 : vector<16xi32>
      %gather3A_404 = tpu.vector_load_idx %arg11[%add3A_403] : memref<2048xf32, #tpu.memory_space<vmem>>[vector<16xi32>], vector<16xf32>,
      %add3A_405 = arith.addf %add3A_400, %gather3A_404 : vector<16xf32>
      %add3A_406 = arith.constant 3 : i32
      %add3A_407 = vector.broadcast %add3A_406 : i32 to vector<16xi32>
      %add3A_408 = arith.addi %add3A_395, %add3A_407 : vector<16xi32>
      %gather3A_409 = tpu.vector_load_idx %arg11[%add3A_408] : memref<2048xf32, #tpu.memory_space<vmem>>[vector<16xi32>], vector<16xf32>,
      %add3A_410 = arith.addf %add3A_405, %gather3A_409 : vector<16xf32>
      %add3A_411 = arith.constant 4 : i32
      %add3A_412 = vector.broadcast %add3A_411 : i32 to vector<16xi32>
      %add3A_413 = arith.addi %add3A_395, %add3A_412 : vector<16xi32>
      %gather3A_414 = tpu.vector_load_idx %arg11[%add3A_413] : memref<2048xf32, #tpu.memory_space<vmem>>[vector<16xi32>], vector<16xf32>,
      %add3A_415 = arith.addf %add3A_410, %gather3A_414 : vector<16xf32>
      %add3A_416 = arith.constant 5 : i32
      %add3A_417 = vector.broadcast %add3A_416 : i32 to vector<16xi32>
      %add3A_418 = arith.addi %add3A_395, %add3A_417 : vector<16xi32>
      %gather3A_419 = tpu.vector_load_idx %arg11[%add3A_418] : memref<2048xf32, #tpu.memory_space<vmem>>[vector<16xi32>], vector<16xf32>,
      %add3A_420 = arith.addf %add3A_415, %gather3A_419 : vector<16xf32>
      %add3A_421 = arith.constant 6 : i32
      %add3A_422 = vector.broadcast %add3A_421 : i32 to vector<16xi32>
      %add3A_423 = arith.addi %add3A_395, %add3A_422 : vector<16xi32>
      %gather3A_424 = tpu.vector_load_idx %arg11[%add3A_423] : memref<2048xf32, #tpu.memory_space<vmem>>[vector<16xi32>], vector<16xf32>,
      %add3A_425 = arith.addf %add3A_420, %gather3A_424 : vector<16xf32>
      %add3A_426 = arith.constant 7 : i32
      %add3A_427 = vector.broadcast %add3A_426 : i32 to vector<16xi32>
      %add3A_428 = arith.addi %add3A_395, %add3A_427 : vector<16xi32>
      %gather3A_429 = tpu.vector_load_idx %arg11[%add3A_428] : memref<2048xf32, #tpu.memory_space<vmem>>[vector<16xi32>], vector<16xf32>,
      %add3A_430 = arith.addf %add3A_425, %gather3A_429 : vector<16xf32>
      %add3A_431 = arith.constant 8 : i32
      %add3A_432 = vector.broadcast %add3A_431 : i32 to vector<16xi32>
      %add3A_433 = arith.addi %add3A_395, %add3A_432 : vector<16xi32>
      %gather3A_434 = tpu.vector_load_idx %arg11[%add3A_433] : memref<2048xf32, #tpu.memory_space<vmem>>[vector<16xi32>], vector<16xf32>,
      %add3A_435 = arith.addf %add3A_430, %gather3A_434 : vector<16xf32>
      %add3A_436 = arith.constant 9 : i32
      %add3A_437 = vector.broadcast %add3A_436 : i32 to vector<16xi32>
      %add3A_438 = arith.addi %add3A_395, %add3A_437 : vector<16xi32>
      %gather3A_439 = tpu.vector_load_idx %arg11[%add3A_438] : memref<2048xf32, #tpu.memory_space<vmem>>[vector<16xi32>], vector<16xf32>,
      %add3A_440 = arith.addf %add3A_435, %gather3A_439 : vector<16xf32>
      %add3A_441 = arith.constant 10 : i32
      %add3A_442 = vector.broadcast %add3A_441 : i32 to vector<16xi32>
      %add3A_443 = arith.addi %add3A_395, %add3A_442 : vector<16xi32>
      %gather3A_444 = tpu.vector_load_idx %arg11[%add3A_443] : memref<2048xf32, #tpu.memory_space<vmem>>[vector<16xi32>], vector<16xf32>,
      %add3A_445 = arith.addf %add3A_440, %gather3A_444 : vector<16xf32>
      %add3A_446 = arith.constant 11 : i32
      %add3A_447 = vector.broadcast %add3A_446 : i32 to vector<16xi32>
      %add3A_448 = arith.addi %add3A_395, %add3A_447 : vector<16xi32>
      %gather3A_449 = tpu.vector_load_idx %arg11[%add3A_448] : memref<2048xf32, #tpu.memory_space<vmem>>[vector<16xi32>], vector<16xf32>,
      %add3A_450 = arith.addf %add3A_445, %gather3A_449 : vector<16xf32>
      %add3A_451 = arith.constant 12 : i32
      %add3A_452 = vector.broadcast %add3A_451 : i32 to vector<16xi32>
      %add3A_453 = arith.addi %add3A_395, %add3A_452 : vector<16xi32>
      %gather3A_454 = tpu.vector_load_idx %arg11[%add3A_453] : memref<2048xf32, #tpu.memory_space<vmem>>[vector<16xi32>], vector<16xf32>,
      %add3A_455 = arith.addf %add3A_450, %gather3A_454 : vector<16xf32>
      %add3A_456 = arith.constant 13 : i32
      %add3A_457 = vector.broadcast %add3A_456 : i32 to vector<16xi32>
      %add3A_458 = arith.addi %add3A_395, %add3A_457 : vector<16xi32>
      %gather3A_459 = tpu.vector_load_idx %arg11[%add3A_458] : memref<2048xf32, #tpu.memory_space<vmem>>[vector<16xi32>], vector<16xf32>,
      %add3A_460 = arith.addf %add3A_455, %gather3A_459 : vector<16xf32>
      %add3A_461 = arith.constant 14 : i32
      %add3A_462 = vector.broadcast %add3A_461 : i32 to vector<16xi32>
      %add3A_463 = arith.addi %add3A_395, %add3A_462 : vector<16xi32>
      %gather3A_464 = tpu.vector_load_idx %arg11[%add3A_463] : memref<2048xf32, #tpu.memory_space<vmem>>[vector<16xi32>], vector<16xf32>,
      %add3A_465 = arith.addf %add3A_460, %gather3A_464 : vector<16xf32>
      %add3A_466 = arith.constant 15 : i32
      %add3A_467 = vector.broadcast %add3A_466 : i32 to vector<16xi32>
      %add3A_468 = arith.addi %add3A_395, %add3A_467 : vector<16xi32>
      %gather3A_469 = tpu.vector_load_idx %arg11[%add3A_468] : memref<2048xf32, #tpu.memory_space<vmem>>[vector<16xi32>], vector<16xf32>,
      %add3A_470 = arith.addf %add3A_465, %gather3A_469 : vector<16xf32>
      %mul3A_471 = arith.constant 16 : i32
      %mul3A_472 = arith.muli %scan3A_388, %mul3A_471 : i32
      %add3A_473 = arith.constant 640 : i32
      %add3A_474 = arith.addi %add3A_473, %mul3A_472 : i32
      %swap3A = arith.index_cast %add3A_474 : i32 to index
      %swap3A_475 = tpu.vector_load %arg9[%swap3A] {strides = array<i32>} : memref<2048xf32, #tpu.memory_space<vmem>>, vector<16xf32>,
      tpu.vector_store %arg9[%swap3A], %add3A_470 {strides = array<i32>} : memref<2048xf32, #tpu.memory_space<vmem>>, vector<16xf32>,
    }
    %scan3A_337 = arith.constant 8 : i32
    %dma_wait3A_338 = arith.constant 0 : i32
    %dma_wait3A_339 = arith.constant 0 : i32
    %dma_wait3A_340 = tpu.memref_slice %arg16[%dma_wait3A_338, %dma_wait3A_339] : memref<128x64xbf16, #tpu.memory_space<vmem>> -> memref<80x64xbf16, #tpu.memory_space<vmem>>
    %dma_wait3A_341 = arith.constant 0 : i32
    %dma_wait3A_342 = tpu.memref_slice %arg12[%dma_wait3A_341] : memref<2048xi32, #tpu.memory_space<vmem>> -> memref<80xi32, #tpu.memory_space<vmem>>
    %dma_wait3A_343 = arith.constant 0 : i32
    %dma_wait3A_344 = arith.constant 0 : i32
    %dma_wait3A_345 = tpu.memref_slice %arg2[%dma_wait3A_343, %dma_wait3A_344] : memref<50000x64xbf16, #tpu.memory_space<hbm>> -> memref<50000x64xbf16, #tpu.memory_space<hbm>>
    tpu.wait_indirect_dma semaphore(%arg20 : memref<!tpu.dma_semaphore, #tpu.memory_space<semaphore_mem>>) src(%dma_wait3A_345 : memref<50000x64xbf16, #tpu.memory_space<hbm>>) dst(%dma_wait3A_340 : memref<80x64xbf16, #tpu.memory_space<vmem>>)
    %dma_wait3A_346 = arith.constant 0 : i32
    %dma_wait3A_347 = arith.constant 0 : i32
    %dma_wait3A_348 = tpu.memref_slice %arg14[%dma_wait3A_346, %dma_wait3A_347] : memref<128x64xbf16, #tpu.memory_space<vmem>> -> memref<80x64xbf16, #tpu.memory_space<vmem>>
    %dma_wait3A_349 = arith.constant 0 : i32
    %dma_wait3A_350 = tpu.memref_slice %arg7[%dma_wait3A_349] : memref<2048xi32, #tpu.memory_space<vmem>> -> memref<80xi32, #tpu.memory_space<vmem>>
    %dma_wait3A_351 = arith.constant 0 : i32
    %dma_wait3A_352 = arith.constant 0 : i32
    %dma_wait3A_353 = tpu.memref_slice %arg3[%dma_wait3A_351, %dma_wait3A_352] : memref<50000x64xbf16, #tpu.memory_space<hbm>> -> memref<50000x64xbf16, #tpu.memory_space<hbm>>
    tpu.wait_indirect_dma semaphore(%arg18 : memref<!tpu.dma_semaphore, #tpu.memory_space<semaphore_mem>>) src(%dma_wait3A_353 : memref<50000x64xbf16, #tpu.memory_space<hbm>>) dst(%dma_wait3A_348 : memref<80x64xbf16, #tpu.memory_space<vmem>>)
    %scan3A_354 = arith.constant 0 : i32
    %scan3A_355 = arith.constant 0 : i32
    %scan3A_356 = arith.constant 80 : i32
    %scan3A_357 = arith.addi %scan3A_355, %scan3A_356 : i32
    %scan3A_358 = arith.constant 1 : i32
    scf.for %scan3A_388 = %scan3A_355 to %scan3A_357 step %scan3A_358  : i32 {
      %get3A = arith.index_cast %scan3A_388 : i32 to index
      %get3A_389 = arith.constant 0 : index
      %get3A_390 = tpu.vector_load %arg16[%get3A, %get3A_389] {strides = array<i32>} : memref<128x64xbf16, #tpu.memory_space<vmem>>, vector<32xbf16>,
      %unpack3A = tpu.unpack_subelements %get3A_390, 0 {pack_format = #tpu.pack_format<interleaved>} : vector<32xbf16> -> vector<16xf32>
      %unpack3A_391 = tpu.unpack_subelements %get3A_390, 1 {pack_format = #tpu.pack_format<interleaved>} : vector<32xbf16> -> vector<16xf32>
      %get3A_392 = arith.index_cast %scan3A_388 : i32 to index
      %get3A_393 = arith.constant 0 : index
      %get3A_394 = tpu.vector_load %arg14[%get3A_392, %get3A_393] {strides = array<i32>} : memref<128x64xbf16, #tpu.memory_space<vmem>>, vector<32xbf16>,
      %unpack3A_395 = tpu.unpack_subelements %get3A_394, 0 {pack_format = #tpu.pack_format<interleaved>} : vector<32xbf16> -> vector<16xf32>
      %unpack3A_396 = tpu.unpack_subelements %get3A_394, 1 {pack_format = #tpu.pack_format<interleaved>} : vector<32xbf16> -> vector<16xf32>
      %mul3A_397 = arith.mulf %unpack3A, %unpack3A_395 : vector<16xf32>
      %mul3A_398 = arith.mulf %unpack3A_391, %unpack3A_396 : vector<16xf32>
      %add3A_399 = arith.addf %mul3A_397, %mul3A_398 : vector<16xf32>
      %get3A_400 = arith.index_cast %scan3A_388 : i32 to index
      %get3A_401 = arith.constant 32 : index
      %get3A_402 = tpu.vector_load %arg16[%get3A_400, %get3A_401] {strides = array<i32>} : memref<128x64xbf16, #tpu.memory_space<vmem>>, vector<32xbf16>,
      %unpack3A_403 = tpu.unpack_subelements %get3A_402, 0 {pack_format = #tpu.pack_format<interleaved>} : vector<32xbf16> -> vector<16xf32>
      %unpack3A_404 = tpu.unpack_subelements %get3A_402, 1 {pack_format = #tpu.pack_format<interleaved>} : vector<32xbf16> -> vector<16xf32>
      %get3A_405 = arith.index_cast %scan3A_388 : i32 to index
      %get3A_406 = arith.constant 32 : index
      %get3A_407 = tpu.vector_load %arg14[%get3A_405, %get3A_406] {strides = array<i32>} : memref<128x64xbf16, #tpu.memory_space<vmem>>, vector<32xbf16>,
      %unpack3A_408 = tpu.unpack_subelements %get3A_407, 0 {pack_format = #tpu.pack_format<interleaved>} : vector<32xbf16> -> vector<16xf32>
      %unpack3A_409 = tpu.unpack_subelements %get3A_407, 1 {pack_format = #tpu.pack_format<interleaved>} : vector<32xbf16> -> vector<16xf32>
      %mul3A_410 = arith.mulf %unpack3A_403, %unpack3A_408 : vector<16xf32>
      %mul3A_411 = arith.mulf %unpack3A_404, %unpack3A_409 : vector<16xf32>
      %add3A_412 = arith.addf %mul3A_410, %mul3A_411 : vector<16xf32>
      %add3A_413 = arith.addf %add3A_399, %add3A_412 : vector<16xf32>
      %mul3A_414 = arith.constant 16 : i32
      %mul3A_415 = arith.muli %scan3A_388, %mul3A_414 : i32
      %swap3A = arith.index_cast %mul3A_415 : i32 to index
      %swap3A_416 = tpu.vector_load %arg11[%swap3A] {strides = array<i32>} : memref<2048xf32, #tpu.memory_space<vmem>>, vector<16xf32>,
      tpu.vector_store %arg11[%swap3A], %add3A_413 {strides = array<i32>} : memref<2048xf32, #tpu.memory_space<vmem>>, vector<16xf32>,
    }
    %scan3A_359 = arith.constant 80 : i32
    %scan3A_360 = arith.constant 0 : i32
    %scan3A_361 = arith.constant 0 : i32
    %scan3A_362 = arith.constant 5 : i32
    %scan3A_363 = arith.addi %scan3A_361, %scan3A_362 : i32
    %scan3A_364 = arith.constant 1 : i32
    scf.for %scan3A_388 = %scan3A_361 to %scan3A_363 step %scan3A_364  : i32 {
      %mul3A_389 = arith.constant 256 : i32
      %mul3A_390 = arith.muli %scan3A_388, %mul3A_389 : i32
      %mul3A_391 = arith.constant 16 : i32
      %mul3A_392 = vector.broadcast %mul3A_391 : i32 to vector<16xi32>
      %mul3A_393 = arith.muli %iota3A, %mul3A_392 : vector<16xi32>
      %add3A_394 = vector.broadcast %mul3A_390 : i32 to vector<16xi32>
      %add3A_395 = arith.addi %add3A_394, %mul3A_393 : vector<16xi32>
      %gather3A = tpu.vector_load_idx %arg11[%add3A_395] : memref<2048xf32, #tpu.memory_space<vmem>>[vector<16xi32>], vector<16xf32>,
      %add3A_396 = arith.constant 1 : i32
      %add3A_397 = vector.broadcast %add3A_396 : i32 to vector<16xi32>
      %add3A_398 = arith.addi %add3A_395, %add3A_397 : vector<16xi32>
      %gather3A_399 = tpu.vector_load_idx %arg11[%add3A_398] : memref<2048xf32, #tpu.memory_space<vmem>>[vector<16xi32>], vector<16xf32>,
      %add3A_400 = arith.addf %gather3A, %gather3A_399 : vector<16xf32>
      %add3A_401 = arith.constant 2 : i32
      %add3A_402 = vector.broadcast %add3A_401 : i32 to vector<16xi32>
      %add3A_403 = arith.addi %add3A_395, %add3A_402 : vector<16xi32>
      %gather3A_404 = tpu.vector_load_idx %arg11[%add3A_403] : memref<2048xf32, #tpu.memory_space<vmem>>[vector<16xi32>], vector<16xf32>,
      %add3A_405 = arith.addf %add3A_400, %gather3A_404 : vector<16xf32>
      %add3A_406 = arith.constant 3 : i32
      %add3A_407 = vector.broadcast %add3A_406 : i32 to vector<16xi32>
      %add3A_408 = arith.addi %add3A_395, %add3A_407 : vector<16xi32>
      %gather3A_409 = tpu.vector_load_idx %arg11[%add3A_408] : memref<2048xf32, #tpu.memory_space<vmem>>[vector<16xi32>], vector<16xf32>,
      %add3A_410 = arith.addf %add3A_405, %gather3A_409 : vector<16xf32>
      %add3A_411 = arith.constant 4 : i32
      %add3A_412 = vector.broadcast %add3A_411 : i32 to vector<16xi32>
      %add3A_413 = arith.addi %add3A_395, %add3A_412 : vector<16xi32>
      %gather3A_414 = tpu.vector_load_idx %arg11[%add3A_413] : memref<2048xf32, #tpu.memory_space<vmem>>[vector<16xi32>], vector<16xf32>,
      %add3A_415 = arith.addf %add3A_410, %gather3A_414 : vector<16xf32>
      %add3A_416 = arith.constant 5 : i32
      %add3A_417 = vector.broadcast %add3A_416 : i32 to vector<16xi32>
      %add3A_418 = arith.addi %add3A_395, %add3A_417 : vector<16xi32>
      %gather3A_419 = tpu.vector_load_idx %arg11[%add3A_418] : memref<2048xf32, #tpu.memory_space<vmem>>[vector<16xi32>], vector<16xf32>,
      %add3A_420 = arith.addf %add3A_415, %gather3A_419 : vector<16xf32>
      %add3A_421 = arith.constant 6 : i32
      %add3A_422 = vector.broadcast %add3A_421 : i32 to vector<16xi32>
      %add3A_423 = arith.addi %add3A_395, %add3A_422 : vector<16xi32>
      %gather3A_424 = tpu.vector_load_idx %arg11[%add3A_423] : memref<2048xf32, #tpu.memory_space<vmem>>[vector<16xi32>], vector<16xf32>,
      %add3A_425 = arith.addf %add3A_420, %gather3A_424 : vector<16xf32>
      %add3A_426 = arith.constant 7 : i32
      %add3A_427 = vector.broadcast %add3A_426 : i32 to vector<16xi32>
      %add3A_428 = arith.addi %add3A_395, %add3A_427 : vector<16xi32>
      %gather3A_429 = tpu.vector_load_idx %arg11[%add3A_428] : memref<2048xf32, #tpu.memory_space<vmem>>[vector<16xi32>], vector<16xf32>,
      %add3A_430 = arith.addf %add3A_425, %gather3A_429 : vector<16xf32>
      %add3A_431 = arith.constant 8 : i32
      %add3A_432 = vector.broadcast %add3A_431 : i32 to vector<16xi32>
      %add3A_433 = arith.addi %add3A_395, %add3A_432 : vector<16xi32>
      %gather3A_434 = tpu.vector_load_idx %arg11[%add3A_433] : memref<2048xf32, #tpu.memory_space<vmem>>[vector<16xi32>], vector<16xf32>,
      %add3A_435 = arith.addf %add3A_430, %gather3A_434 : vector<16xf32>
      %add3A_436 = arith.constant 9 : i32
      %add3A_437 = vector.broadcast %add3A_436 : i32 to vector<16xi32>
      %add3A_438 = arith.addi %add3A_395, %add3A_437 : vector<16xi32>
      %gather3A_439 = tpu.vector_load_idx %arg11[%add3A_438] : memref<2048xf32, #tpu.memory_space<vmem>>[vector<16xi32>], vector<16xf32>,
      %add3A_440 = arith.addf %add3A_435, %gather3A_439 : vector<16xf32>
      %add3A_441 = arith.constant 10 : i32
      %add3A_442 = vector.broadcast %add3A_441 : i32 to vector<16xi32>
      %add3A_443 = arith.addi %add3A_395, %add3A_442 : vector<16xi32>
      %gather3A_444 = tpu.vector_load_idx %arg11[%add3A_443] : memref<2048xf32, #tpu.memory_space<vmem>>[vector<16xi32>], vector<16xf32>,
      %add3A_445 = arith.addf %add3A_440, %gather3A_444 : vector<16xf32>
      %add3A_446 = arith.constant 11 : i32
      %add3A_447 = vector.broadcast %add3A_446 : i32 to vector<16xi32>
      %add3A_448 = arith.addi %add3A_395, %add3A_447 : vector<16xi32>
      %gather3A_449 = tpu.vector_load_idx %arg11[%add3A_448] : memref<2048xf32, #tpu.memory_space<vmem>>[vector<16xi32>], vector<16xf32>,
      %add3A_450 = arith.addf %add3A_445, %gather3A_449 : vector<16xf32>
      %add3A_451 = arith.constant 12 : i32
      %add3A_452 = vector.broadcast %add3A_451 : i32 to vector<16xi32>
      %add3A_453 = arith.addi %add3A_395, %add3A_452 : vector<16xi32>
      %gather3A_454 = tpu.vector_load_idx %arg11[%add3A_453] : memref<2048xf32, #tpu.memory_space<vmem>>[vector<16xi32>], vector<16xf32>,
      %add3A_455 = arith.addf %add3A_450, %gather3A_454 : vector<16xf32>
      %add3A_456 = arith.constant 13 : i32
      %add3A_457 = vector.broadcast %add3A_456 : i32 to vector<16xi32>
      %add3A_458 = arith.addi %add3A_395, %add3A_457 : vector<16xi32>
      %gather3A_459 = tpu.vector_load_idx %arg11[%add3A_458] : memref<2048xf32, #tpu.memory_space<vmem>>[vector<16xi32>], vector<16xf32>,
      %add3A_460 = arith.addf %add3A_455, %gather3A_459 : vector<16xf32>
      %add3A_461 = arith.constant 14 : i32
      %add3A_462 = vector.broadcast %add3A_461 : i32 to vector<16xi32>
      %add3A_463 = arith.addi %add3A_395, %add3A_462 : vector<16xi32>
      %gather3A_464 = tpu.vector_load_idx %arg11[%add3A_463] : memref<2048xf32, #tpu.memory_space<vmem>>[vector<16xi32>], vector<16xf32>,
      %add3A_465 = arith.addf %add3A_460, %gather3A_464 : vector<16xf32>
      %add3A_466 = arith.constant 15 : i32
      %add3A_467 = vector.broadcast %add3A_466 : i32 to vector<16xi32>
      %add3A_468 = arith.addi %add3A_395, %add3A_467 : vector<16xi32>
      %gather3A_469 = tpu.vector_load_idx %arg11[%add3A_468] : memref<2048xf32, #tpu.memory_space<vmem>>[vector<16xi32>], vector<16xf32>,
      %add3A_470 = arith.addf %add3A_465, %gather3A_469 : vector<16xf32>
      %mul3A_471 = arith.constant 16 : i32
      %mul3A_472 = arith.muli %scan3A_388, %mul3A_471 : i32
      %add3A_473 = arith.constant 768 : i32
      %add3A_474 = arith.addi %add3A_473, %mul3A_472 : i32
      %swap3A = arith.index_cast %add3A_474 : i32 to index
      %swap3A_475 = tpu.vector_load %arg9[%swap3A] {strides = array<i32>} : memref<2048xf32, #tpu.memory_space<vmem>>, vector<16xf32>,
      tpu.vector_store %arg9[%swap3A], %add3A_470 {strides = array<i32>} : memref<2048xf32, #tpu.memory_space<vmem>>, vector<16xf32>,
    }
    %scan3A_365 = arith.constant 5 : i32
    %dma_start3A_366 = arith.constant 0 : i32
    %dma_start3A_367 = tpu.memref_slice %arg9[%dma_start3A_366] : memref<2048xf32, #tpu.memory_space<vmem>> -> memref<848xf32, #tpu.memory_space<vmem>>
    %dma_start3A_368 = tpu.memref_slice %arg6[%add3A_34] : memref<1600000xf32, #tpu.memory_space<hbm>> -> memref<848xf32, #tpu.memory_space<hbm>>
    %dma_start3A_369 = tpu.memref_slice %arg6[%add3A_34] : memref<1600000xf32, #tpu.memory_space<hbm>> -> memref<848xf32, #tpu.memory_space<hbm>>
    %dma_start3A_370 = arith.constant 0 : i32
    %dma_start3A_371 = tpu.memref_slice %arg9[%dma_start3A_370] : memref<2048xf32, #tpu.memory_space<vmem>> -> memref<848xf32, #tpu.memory_space<vmem>>
    tpu.enqueue_dma source(%dma_start3A_371 : memref<848xf32, #tpu.memory_space<vmem>>) target(%dma_start3A_369 : memref<848xf32, #tpu.memory_space<hbm>>) target_semaphore(%arg26 : memref<!tpu.dma_semaphore, #tpu.memory_space<semaphore_mem>>)
    %dma_wait3A_372 = arith.constant 0 : i32
    %dma_wait3A_373 = tpu.memref_slice %arg10[%dma_wait3A_372] : memref<2048xf32, #tpu.memory_space<vmem>> -> memref<2048xf32, #tpu.memory_space<vmem>>
    %dma_wait3A_374 = arith.constant 0 : i32
    %dma_wait3A_375 = tpu.memref_slice %arg6[%dma_wait3A_374] : memref<1600000xf32, #tpu.memory_space<hbm>> -> memref<2048xf32, #tpu.memory_space<hbm>>
    %dma_wait3A_376 = arith.constant 0 : i32
    %dma_wait3A_377 = tpu.memref_slice %arg6[%dma_wait3A_376] : memref<1600000xf32, #tpu.memory_space<hbm>> -> memref<2048xf32, #tpu.memory_space<hbm>>
    %dma_wait3A_378 = arith.constant 0 : i32
    %dma_wait3A_379 = tpu.memref_slice %arg10[%dma_wait3A_378] : memref<2048xf32, #tpu.memory_space<vmem>> -> memref<2048xf32, #tpu.memory_space<vmem>>
    tpu.wait_dma2 semaphore(%arg27 : memref<!tpu.dma_semaphore, #tpu.memory_space<semaphore_mem>>) src(%dma_wait3A_379 : memref<2048xf32, #tpu.memory_space<vmem>>) dst(%dma_wait3A_377 : memref<2048xf32, #tpu.memory_space<hbm>>)
    %dma_wait3A_380 = arith.constant 0 : i32
    %dma_wait3A_381 = tpu.memref_slice %arg9[%dma_wait3A_380] : memref<2048xf32, #tpu.memory_space<vmem>> -> memref<848xf32, #tpu.memory_space<vmem>>
    %dma_wait3A_382 = arith.constant 0 : i32
    %dma_wait3A_383 = tpu.memref_slice %arg6[%dma_wait3A_382] : memref<1600000xf32, #tpu.memory_space<hbm>> -> memref<848xf32, #tpu.memory_space<hbm>>
    %dma_wait3A_384 = arith.constant 0 : i32
    %dma_wait3A_385 = tpu.memref_slice %arg6[%dma_wait3A_384] : memref<1600000xf32, #tpu.memory_space<hbm>> -> memref<848xf32, #tpu.memory_space<hbm>>
    %dma_wait3A_386 = arith.constant 0 : i32
    %dma_wait3A_387 = tpu.memref_slice %arg9[%dma_wait3A_386] : memref<2048xf32, #tpu.memory_space<vmem>> -> memref<848xf32, #tpu.memory_space<vmem>>
    tpu.wait_dma2 semaphore(%arg26 : memref<!tpu.dma_semaphore, #tpu.memory_space<semaphore_mem>>) src(%dma_wait3A_387 : memref<848xf32, #tpu.memory_space<vmem>>) dst(%dma_wait3A_385 : memref<848xf32, #tpu.memory_space<hbm>>)
    return
  }
}

</mosaic_0001>

<sc_bundles>
// kernel: kernel.3.cloned.1.call-start
scs
__scs_entry_jumppad:
0x0: {  	(pc) =	sbr.rel $0x88, $3  }
0x1: {  	(tag) =	ssettag $0x0;
	lr =	simm.s32 $0x1  }
0x2: {  	[smem:$0x3F9D] =	sst lr;
	_ =	strace $0xD0000000  }
0x3: {  	_ = 	snop  }
0x4: {  	_ = 	snop  }
0x5: {  	_ = 	snop  }
0x6: {  	_ = 	snop  }
0x7: {  	_ = 	snop  }
__scs_overlays_trampoline_lowered:
0x8: {  	[smem:$0x3FAC] =	sst s0  }
0x9: {  	[smem:$0x3FAD] =	sst s1  }
0xa: {  	[smem:$0x3FAE] =	sst s2  }
0xb: {  	[smem:$0x3FAF] =	sst s3  }
0xc: {  	[smem:$0x3FB0] =	sst s4  }
0xd: {  	[smem:$0x3FB1] =	sst s5  }
0xe: {  	[smem:$0x3FB2] =	sst s6  }
0xf: {  	[smem:$0x3FB3] =	sst s7  }
0x10: {  	[smem:$0x3FB4] =	sst s8  }
0x11: {  	[smem:$0x3FB5] =	sst s9;
	s0 =	simm.s32 @!p0 $0x0  }
0x12: {  	s1 =	sld [smem:$0x3F9B];
	s0 =	simm.s32 @p0 $0x1  }
0x13: {  	[smem:$0x3FB6] =	sst s0;
	s0 =	simm.s32 @!p1 $0x0  }
0x14: {  	s2 =	sld [smem:$0x3F9A];
	s0 =	simm.s32 @p1 $0x1  }
0x15: {  	[smem:$0x3FB7] =	sst s0;
	s0 =	simm.s32 @!p2 $0x0  }
0x16: {  	s3 =	sld [smem:$0x3FDB];
	s0 =	simm.s32 @p2 $0x1  }
0x17: {  	s4 =	simm.s32 $0x1BF5;
	[smem:$0x3FB9] =	sst s0  }
0x18: {  	s0 =	sld [smem:$0x3F9C];
	_ =	swait.ge [sflag:s4], $0x0  }
0x19: {  	s7 =	sld [smem:$0x3F9D]  }
0x1a: {  	s8 =	sadd.s32 $0xFFFFE003, lr  }
0x1b: {  	s9 =	sadd.s32 $0xFFFFFEF7, lr;
	s5 =	simm.s32 $0xFFFFFFFF;
	p2 =	slt.u32 s8, $0xFFFFF086  }
0x1c: {  	p1 =	slt.u32 s9, $0xF7A;
	s5 =	simm.s32 @!p2 $0x0  }
0x1d: {  	s5 =	simm.s32 @p1 $0x1;
	p0 =	seq.s32 s7, s2  }
0x1e: {  	s7 =	smul.u32 @!p0 $0xF7A, s2;
	p2 =	seq.s32 @!p0 s5, $0x0  }
0x1f: {  	s9 =	smul.u32 $0xF7A, s1;
	s8 =	simm.s32 @!p0 $0x1BF5;
	p2 =	por !p2, p0  }
0x20: {  	[sflag:s8] =	ssyncset.s32 @!p0 $0xFFFFF086;
	s6 =	sadd.s32 @!p0 s3, s7;
	s7 =	simm.s32 @!p0 $0x108  }
0x21: {  	s3 =	sadd.s32 s3, s9;
	s6 =	sadd.s32 @!p0 $0x88, s6;
	s7 =	simm.s32 @p2 $0x1082  }
0x22: {  	[simem:s7], [sflag:s8] =	dma.local @!p0 [hbm:s6], $0xF7A  }
0x23: {  	s9 =	sor.u32 $0xD0000000, s2;
	s6 =	simm.s32 $0x108;
	_ =	swait.ge @!p0 [sflag:s8], $0x0  }
0x24: {  	s3 =	sadd.s32 $0x88, s3;
	s6 =	simm.s32 @!p1 $0x1082;
	[sflag:s4] =	ssyncset.s32 $0xFFFFF086  }
0x25: {  	[simem:s6], [sflag:s4] =	dma.local [hbm:s3], $0xF7A  }
0x26: {  	[smem:$0x3F9D] =	sst s1;
	(tag) =	ssettag s2;
	_ =	strace s9  }
0x27: {  	s1 =	sld [smem:$0x3FAD]  }
0x28: {  	s2 =	sld [smem:$0x3FAE]  }
0x29: {  	s4 =	sld [smem:$0x3FB0]  }
0x2a: {  	p0 =	seq.s32 s5, $0x0;
	s5 =	sld [smem:$0x3FB1]  }
0x2b: {  	s6 =	sld [smem:$0x3FB2]  }
0x2c: {  	s7 =	sld [smem:$0x3FB3]  }
0x2d: {  	s3 =	simm.s32 $0x108;
	s8 =	sld [smem:$0x3FB4]  }
0x2e: {  	s3 =	simm.s32 @!p0 $0x1082;
	s9 =	sld [smem:$0x3FB5]  }
0x2f: {  	lr =	sadd.s32 s0, s3;
	s0 =	sld [smem:$0x3FAC]  }
0x30: {  	s3 =	sld [smem:$0x3FAF]  }
0x31: {  	[smem:$0x3FB8] =	sst s10  }
0x32: {  	s10 =	sld [smem:$0x3FB6];
	_ =	sdelay $0x3  }
0x33: {  	p0 =	seq.s32 s10, $0x1;
	s10 =	sld [smem:$0x3FB8];
	_ =	sdelay $0x3  }
0x34: {  	[smem:$0x3FB8] =	sst s10  }
0x35: {  	s10 =	sld [smem:$0x3FB7];
	_ =	sdelay $0x3  }
0x36: {  	p1 =	seq.s32 s10, $0x1;
	s10 =	sld [smem:$0x3FB8];
	_ =	sdelay $0x3  }
0x37: {  	[smem:$0x3FB8] =	sst s10  }
0x38: {  	s10 =	sld [smem:$0x3FB9]  }
0x39: {  	_ = 	snop;
	(pc) =	sbr.ind lr, $3  }
0x3a: {  	_ = 	snop  }
0x3b: {  	_ = 	snop  }
0x3c: {  	p2 =	seq.s32 s10, $0x1;
	s10 =	sld [smem:$0x3FB8]  }
0x3d: {  	_ =	shalt  }
0x3e: {  	_ =	shalt  }
0x3f: {  	_ =	shalt  }
0x40: {  	_ =	shalt  }
0x41: {  	_ =	shalt  }
0x42: {  	_ =	shalt  }
0x43: {  	_ =	shalt  }
0x44: {  	_ =	shalt  }
0x45: {  	_ =	shalt  }
0x46: {  	_ =	shalt  }
0x47: {  	_ =	shalt  }
0x48: {  	_ =	shalt  }
0x49: {  	_ =	shalt  }
0x4a: {  	_ =	shalt  }
0x4b: {  	_ =	shalt  }
0x4c: {  	_ =	shalt  }
0x4d: {  	_ =	shalt  }
0x4e: {  	_ =	shalt  }
0x4f: {  	_ =	shalt  }
0x50: {  	_ =	shalt  }
0x51: {  	_ =	shalt  }
0x52: {  	_ =	shalt  }
0x53: {  	_ =	shalt  }
0x54: {  	_ =	shalt  }
0x55: {  	_ =	shalt  }
0x56: {  	_ =	shalt  }
0x57: {  	_ =	shalt  }
0x58: {  	_ =	shalt  }
0x59: {  	_ =	shalt  }
0x5a: {  	_ =	shalt  }
0x5b: {  	_ =	shalt  }
0x5c: {  	_ =	shalt  }
0x5d: {  	_ =	shalt  }
0x5e: {  	_ =	shalt  }
0x5f: {  	_ =	shalt  }
0x60: {  	_ =	shalt  }
0x61: {  	_ =	shalt  }
0x62: {  	_ =	shalt  }
0x63: {  	_ =	shalt  }
0x64: {  	_ =	shalt  }
0x65: {  	_ =	shalt  }
0x66: {  	_ =	shalt  }
0x67: {  	_ =	shalt  }
0x68: {  	_ =	shalt  }
0x69: {  	_ =	shalt  }
0x6a: {  	_ =	shalt  }
0x6b: {  	_ =	shalt  }
0x6c: {  	_ =	shalt  }
0x6d: {  	_ =	shalt  }
0x6e: {  	_ =	shalt  }
0x6f: {  	_ =	shalt  }
0x70: {  	_ =	shalt  }
0x71: {  	_ =	shalt  }
0x72: {  	_ =	shalt  }
0x73: {  	_ =	shalt  }
0x74: {  	_ =	shalt  }
0x75: {  	_ =	shalt  }
0x76: {  	_ =	shalt  }
0x77: {  	_ =	shalt  }
0x78: {  	_ =	shalt  }
0x79: {  	_ =	shalt  }
0x7a: {  	_ =	shalt  }
0x7b: {  	_ =	shalt  }
0x7c: {  	_ =	shalt  }
0x7d: {  	_ =	shalt  }
0x7e: {  	_ =	shalt  }
0x7f: {  	_ =	shalt  }
0x80: {  	_ =	shalt  }
0x81: {  	_ =	shalt  }
0x82: {  	_ =	shalt  }
0x83: {  	_ =	shalt  }
0x84: {  	_ =	shalt  }
0x85: {  	_ =	shalt  }
0x86: {  	_ =	shalt  }
0x87: {  	_ =	shalt  }
.Lfunc_end0:
.L_simem_size_0:
called_computation_lowered:
.L_overlay_start_0:
0x88: {  	s2 =	sld [smem:$0x3FD9]  }
0x89: {  	s3 =	sld [smem:$0x3FFE];
	_ =	sdelay $0x1  }
0x8a: {  	s1 =	srdreg.scid  }
0x8b: {  	s0 =	sand.u32 $0x1, s1  }
0x8c: {  	s16 =	sshll.u32 s0, $0xA;
	s2 =	sadd.s32 s3, s2  }
0x8d: {  	s2 =	sadd.s32 s2, s16  }
0x8e: {  	[smem:$0x3FC4] =	sst s2  }
0x8f: {  	_ = 	snop  }
0x90: {  	(tm) =	ssettm $0x1  }
0x91: {  	s17 =	sld [smem:$0x3FFB];
	_ =	sdelay $0x3  }
0x92: {  	_ =	strace s17  }
0x93: {  	s2 =	sld [smem:$0x3FFC];
	_ =	sdelay $0x3  }
0x94: {  	_ =	strace s2  }
0x95: {  	s2 =	sld [smem:$0x3FFD];
	_ =	sdelay $0x3  }
0x96: {  	_ =	strace s2  }
0x97: {  	_ =	strace $0x8FFFFFFF  }
0x98: {  	s18 =	sld [smem:$0x3FDB];
	_ =	sdelay $0x1  }
0x99: {  	s19 =	simm.s32 $_scs_section_size  }
0x9a: {  	s4 =	simm.s32 $_size__tile_overlayer_lowered;
	s5 =	simm.s32 $_tile_overlayer_lowered  }
0x9b: {  	s22 =	simm.s32 $0x1BFF;
	s21 =	sshll.u32 s5, $0x1;
	s2 =	sadd.s32 s19, s18  }
0x9c: {  	s6 =	simm.s32 $0x0;
	s20 =	sshll.u32 s4, $0x1;
	s4 =	sadd.s32 s21, s2  }
0x9d: {  	[timem:s6], [sflag:s22] =	dma.local [hbm:s4], s20  }
0x9e: {  	_ =	swait.ge [sflag:s22], s20  }
0x9f: {  	s3 =	ssub.s32 $0x0, s20;
	[sflag:s22] =	ssyncset.done $0x0  }
0xa0: {  	[sflag:s22] =	ssyncadd.s32 s3;
	_ =	sdelay $0x1  }
0xa1: {  	s23 =	simm.s32 $0x1B8B  }
0xa2: {  	_ =	swait.ge [sflag:s23], $0x1  }
0xa3: {  	[sflag:s23] =	ssyncset.done $0x0  }
0xa4: {  	s25 =	simm.s32 $0x1B8E;
	s24 =	sld [smem:$0x3FFE];
	[sflag:s23] =	ssyncadd.s32 $0xFFFFFFFF  }
0xa5: {  	s26 =	simm.s32 $execute0_lowered;
	[smem:$0x3FD2] =	sst s25  }
0xa6: {  	s4 =	sshll.u32 s26, $0x1;
	_ =	strace $0x80000046;
	[dreg:$0x1] =	wrdreg $0xFFFFFFFF  }
0xa7: {  	s28 =	simm.s32 $_size_execute0_lowered;
	s2 =	sadd.s32 s2, s4;
	[dreg:$0x0] =	wrdreg $0x0  }
0xa8: {  	s4 =	sshll.u32 s28, $0x1;
	[dreg:$0x2] =	wrdreg s2  }
0xa9: {  	[dreg:$0x3] =	wrdreg s4  }
0xaa: {  	[dreg:$0x4] =	wrdreg $0xC0  }
0xab: {  	_ =	task [dreg:s6], $0x5FFFF  }
0xac: {  	[dreg:$0x1] =	wrdreg $0xFFFFFFFF  }
0xad: {  	[dreg:$0x0] =	wrdreg $0x60  }
0xae: {  	[dreg:$0x2] =	wrdreg s24  }
0xaf: {  	[dreg:$0x3] =	wrdreg $0x9  }
0xb0: {  	_ =	task.clear_ibuf [dreg:s6], $0x4FFFF;
	_ =	strace $0x90000046  }
0xb1: {  	s29 =	simm.s32 $0x9;
	_ =	strace $0x80000048  }
0xb2: {  	_ =	swait.ge [sflag:s29], $0x1  }
0xb3: {  	[sflag:s29] =	ssyncadd.s32 $0xFFFFFFFF  }
0xb4: {  	_ =	strace $0x90000048  }
0xb5: {  	_ =	sfence  }
0xb6: {  	s30 =	sld [smem:$0x0];
	_ =	sdelay $0x2  }
0xb7: {  	s31 =	sshll.u32 s1, $0xD;
	s1 =	sshrl.u32 s1, $0x2  }
0xb8: {  	s3 =	sand.u32 $0x4000, s31;
	s1 =	sadd.s32 s1, s30  }
0xb9: {  	s0 =	sor.u32 s3, s0;
	s1 =	sshll.u32 s1, $0x11  }
0xba: {  	s0 =	sor.u32 s1, s0  }
0xbb: {  	s0 =	sadd.s32 $0x8F2B, s0  }
0xbc: {  	[sflag:s0] =	ssyncadd.remote.s32 $0x1  }
0xbd: {  	_ =	sfence.sel $0xFFFF  }
0xbe: {  	[dreg:$0x0] =	wrdreg $0xFFFFFFFF;
	(pc) =	sbr.abs _section_cstart, $3  }
0xbf: {  	[dreg:$0x1] =	wrdreg $0xFFFFFFFF  }
0xc0: {  	_ =	task.clear_ibuf [dreg:s6], $0x2FFFF;
	_ =	strace $0x9FFFFFFF  }
0xc1: {  	(tm) =	ssettm $0x7FFFFFFF  }
tec
execute0_lowered:
.L_overlay_start_1:
0x0: {  	(tag) =	ssettag $0x1  }
0x1: {  	s0 =	rddreg [dreg:$0x0];
	s2 =	simm.s32 $0x0;
	s1 =	srdreg.scid  }
0x2: {  	s3 =	stileid.u32;
	s29 =	simm.s32 $0x6800;
	s30 =	simm.s32 $0x4800  }
0x3: {  	s31 =	simm.s32 $0x3;
	s1 =	sand.u32 $0x1, s1;
	s4 =	sshll.u32 s3, $0x1  }
0x4: {  	[smem:$0x7FF] =	sst s2;
	s3 =	sadd.s32 $0x31400, s0;
	s6 =	sor.u32 s1, s4  }
0x5: {  	s5 =	sadd.s32 $0x62200, s0;
	s7 =	sadd.s32 $0x93000, s0;
	s6 =	smul.u32 $0xC350, s6  }
0x6: {  	s8 =	sadd.s32 $0xC3E00, s0;
	_ =	strace $0x80000047;
	s19 =	ssub.s32 $0x2, s1  }
0x7: {  	s4 =	sadd.s32 $0x600, s0;
	s1 =	sshrl.u32 s19, $0x1;
	s10 =	sadd.s32 $0x800, s6  }
0x8: {  	s0 =	ssub.s32 s19, s1;
	s26 =	sadd.s32 $0x1800, s6;
	[dreg:$0x2] =	wrdreg s10  }
0x9: {  	s9 =	sshrl.u32 s6, $0x3;
	s0 =	smax.u32 s0, $0x1;
	[dreg:$0x9] =	wrdreg s26  }
0xa: {  	s11 =	simm.s32 $0x2;
	s20 =	sadd.s32 s5, s9;
	[dreg:$0xb] =	wrdreg s0  }
0xb: {  	v0 =	vlaneseq.u32;
	s21 =	sshrl.u32 s10, $0x3;
	s22 =	sadd.s32 s7, s9;
	[dreg:$0x3] =	wrdreg s20  }
0xc: {  	s13 =	simm.s32 $0x8;
	v0 =	vmul.u32 $0x10, v0;
	[dreg:$0x4] =	wrdreg s22;
	s23 =	sadd.s32 s5, s21  }
0xd: {  	s9 =	sadd.s32 $0x1800, s9;
	s1 =	sadd.s32 s7, s21;
	[dreg:$0x5] =	wrdreg s23  }
0xe: {  	s17 =	simm.s32 $0x6;
	v1 =	vor.u32 $0x1, v0;
	v2 =	vor.u32 $0x2, v0;
	v3 =	vor.u32 $0x3, v0;
	s24 =	sadd.s32 s5, s9;
	[dreg:$0x6] =	wrdreg s1  }
0xf: {  	s12 =	simm.s32 $0x0;
	v4 =	vor.u32 $0x4, v0;
	v5 =	vor.u32 $0x5, v0;
	v6 =	vor.u32 $0x6, v0;
	s25 =	sadd.s32 s7, s9;
	[dreg:$0x7] =	wrdreg s24  }
0x10: {  	v7 =	vor.u32 $0x7, v0;
	v8 =	vor.u32 $0x8, v0;
	v9 =	vor.u32 $0x9, v0;
	s0 =	simm.s32 $0x1;
	s28 =	sadd.s32 s8, s9;
	[dreg:$0x8] =	wrdreg s25  }
0x11: {  	v10 =	vor.u32 $0xA, v0;
	v11 =	vor.u32 $0xB, v0;
	v12 =	vor.u32 $0xC, v0;
	s10 =	simm.s32 $0x4;
	s22 =	simm.s32 $0x7;
	[dreg:$0xa] =	wrdreg s28  }
0x12: {  	v13 =	vor.u32 $0xD, v0;
	v14 =	vor.u32 $0xE, v0;
	v15 =	vor.u32 $0xF, v0;
	s23 =	simm.s32 $0x5;
	s24 =	simm.s32 $0x80;
	s1 =	simm.s32 $0x2000  }
.LBB2_1:
0x13: {  	[dreg:$0xc] =	wrdreg s12  }
0x14: {  	s9 =	rddreg [dreg:$0x3];
	s19 =	simm.s32 $0x2800  }
0x15: {  	[tilespmem:s19], [sflag:$0x7] =	stream.linear.gather [hbm4b:s9+s2], $0x800, $0x38;
	[tilespmem:$0x7800] =	vst v63  }
0x16: {  	s20 =	rddreg [dreg:$0x4]  }
0x17: {  	[tilespmem:s2], [sflag:$0x5] =	stream.linear.gather [hbm4b:s20+s2], $0x800, $0x38;
	[tilespmem:$0x7800] =	vst v63  }
0x18: {  	s21 =	rddreg [dreg:$0x5];
	s25 =	simm.s32 $0x3000  }
0x19: {  	[tilespmem:s25], [sflag:$0x8] =	stream.linear.gather [hbm4b:s21+s2], $0x800, $0x38;
	[tilespmem:$0x7800] =	vst v63  }
0x1a: {  	s26 =	rddreg [dreg:$0x6];
	s28 =	simm.s32 $0x800;
	s18 =	simm.s32 $0x0  }
0x1b: {  	[tilespmem:s28], [sflag:$0x6] =	stream.linear.gather [hbm4b:s26+s2], $0x800, $0x38;
	[tilespmem:$0x7800] =	vst v63  }
.LBB2_2:
0x1c: {  	_ =	swait.ge [sflag:s22], $0x800  }
0x1d: {  	[sflag:s22] =	ssyncset.done $0x0  }
0x1e: {  	[sflag:s22] =	ssyncadd.s32 $0xFFFFF800  }
0x1f: {  	_ =	swait.ge [sflag:s23], $0x800  }
0x20: {  	p0 =	seq.s32 s18, $0x0;
	[sflag:s23] =	ssyncset.done $0x0  }
0x21: {  	s9 =	simm.s32 @!p0 $0x9;
	[sflag:s23] =	ssyncadd.s32 $0xFFFFF800  }
0x22: {  	_ =	swait.ge @!p0 [sflag:s9], $0x800  }
0x23: {  	[sflag:s9] =	ssyncset.done @!p0 $0x0  }
0x24: {  	s21 =	simm.s32 $0x2800;
	s12 =	simm.s32 $0x5800;
	[sflag:s9] =	ssyncadd.s32 @!p0 $0xFFFFF800  }
0x25: {  	[tilespmem:s12], [sflag:$0x3] =	stream.indirect.gather [hbm4b:s3+s24], $0x20, s21, s24, $0xb8;
	[tilespmem:$0x7800] =	vst v63  }
0x26: {  	s19 =	simm.s32 $0x0;
	s25 =	simm.s32 $0x3800;
	s28 =	sshll.u32 s18, $0xC  }
0x27: {  	[tilespmem:s25], [sflag:$0x1] =	stream.indirect.gather [hbm4b:s4+s24], $0x20, s19, s24, $0xb8;
	[tilespmem:$0x7800] =	vst v63  }
0x28: {  	s26 =	simm.s32 $0x2880;
	s16 =	sadd.s32 s6, s28  }
0x29: {  	[tilespmem:s29], [sflag:$0x4] =	stream.indirect.gather [hbm4b:s3+s24], $0x20, s26, s24, $0xb8;
	[tilespmem:$0x7800] =	vst v63  }
0x2a: {  	s9 =	simm.s32 $0x1000;
	s12 =	sshll.u32 s18, $0x1;
	s21 =	simm.s32 $0x1080  }
0x2b: {  	[tilespmem:s30], [sflag:$0x2] =	stream.indirect.gather [hbm4b:s4+s24], $0x20, s24, s24, $0xb8;
	[tilespmem:$0x7800] =	vst v63  }
.LBB2_3:
0x2c: {  	_ =	swait.ge [sflag:s31], $0x1000  }
0x2d: {  	[sflag:s31] =	ssyncset.done $0x0  }
0x2e: {  	[sflag:s31] =	ssyncadd.s32 $0xFFFFF000  }
0x2f: {  	_ =	swait.ge [sflag:s0], $0x1000  }
0x30: {  	[sflag:s0] =	ssyncset.done $0x0  }
0x31: {  	s14 =	simm.s32 $0x0;
	[sflag:s0] =	ssyncadd.s32 $0xFFFFF000  }
0x32: {  	v16 =	vld [tilespmem:s14+$0x5800]  }
0x33: {  	v17 =	vld [tilespmem:s14+$0x3800]  }
0x34: {  	v19 =	vld [tilespmem:s14+$0x3810]  }
0x35: {  	v18 =	vld [tilespmem:s14+$0x5810];
	_ =	sdelay $0x1  }
0x36: {  	v20 =	vunpack.i.u.bf16.f32 v16  }
0x37: {  	v16 =	vunpack.i.l.bf16.f32 v16;
	v21 =	vunpack.i.u.bf16.f32 v17;
	v17 =	vunpack.i.l.bf16.f32 v17  }
0x38: {  	v63 =	vunpack.i.u.bf16.f32 v19;
	v19 =	vunpack.i.l.bf16.f32 v19;
	v16 =	vmul.f32 v17, v16  }
0x39: {  	v17 =	vmul.f32 v21, v20;
	v20 =	vunpack.i.u.bf16.f32 v18;
	v18 =	vunpack.i.l.bf16.f32 v18  }
0x3a: {  	v18 =	vmul.f32 v19, v18;
	v19 =	vmul.f32 v63, v20;
	_ =	sdelay $0x1  }
0x3b: {  	v16 =	vadd.f32 v16, v17;
	v17 =	vadd.f32 v18, v19;
	_ =	sdelay $0x1  }
0x3c: {  	v16 =	vadd.f32 v17, v16  }
0x3d: {  	s14 =	simm.s32 $0x2000  }
0x3e: {  	s20 =	simm.s32 $0x20;
	[tilespmem:s14+$0x0] =	vst v16  }
0x3f: {  	v18 =	vld [tilespmem:s20+$0x5800]  }
0x40: {  	v17 =	vld [tilespmem:s20+$0x3800]  }
0x41: {  	s15 =	simm.s32 $0x100;
	v16 =	vld [tilespmem:s20+$0x5810]  }
.LBB2_4:
0x42: {  	p1 =	sne.s32 s15, $0x3F80;
	v19 =	vld [tilespmem:s20+$0x3810];
	_ =	sdelay $0x1  }
0x43: {  	v20 =	vunpack.i.u.bf16.f32 v18  }
0x44: {  	v18 =	vunpack.i.l.bf16.f32 v18;
	v21 =	vunpack.i.u.bf16.f32 v17;
	v17 =	vunpack.i.l.bf16.f32 v17  }
0x45: {  	v17 =	vmul.f32 v17, v18;
	v18 =	vmul.f32 v21, v20;
	v20 =	vunpack.i.u.bf16.f32 v16  }
0x46: {  	v16 =	vunpack.i.l.bf16.f32 v16;
	v21 =	vunpack.i.u.bf16.f32 v19;
	v19 =	vunpack.i.l.bf16.f32 v19  }
0x47: {  	v16 =	vmul.f32 v19, v16;
	v19 =	vmul.f32 v21, v20;
	_ =	sdelay $0x1  }
0x48: {  	v17 =	vadd.f32 v17, v18;
	v16 =	vadd.f32 v16, v19;
	_ =	sdelay $0x1  }
0x49: {  	v16 =	vadd.f32 v16, v17  }
.Ltmp0:
0x4a: {  	s14 =	sadd.s32 $0x10, s14;
	(pc) =	sbr.rel @p1 .LBB2_4-.Ltmp0, $4  }
0x4b: {  	s20 =	sshra.s32 s15, $0x2;
	[tilespmem:s14+$0x0] =	vst v16  }
0x4c: {  	v18 =	vld [tilespmem:s20+$0x5800]  }
0x4d: {  	v17 =	vld [tilespmem:s20+$0x3800]  }
0x4e: {  	s15 =	sadd.s32 $0x80, s15;
	v16 =	vld [tilespmem:s20+$0x5810]  }
0x4f: {  	v19 =	vld [tilespmem:s20+$0x3810];
	_ =	sdelay $0x1  }
0x50: {  	v20 =	vunpack.i.u.bf16.f32 v18  }
0x51: {  	v18 =	vunpack.i.l.bf16.f32 v18;
	v21 =	vunpack.i.u.bf16.f32 v17;
	v17 =	vunpack.i.l.bf16.f32 v17  }
0x52: {  	v17 =	vmul.f32 v17, v18;
	v18 =	vmul.f32 v21, v20;
	v20 =	vunpack.i.u.bf16.f32 v16  }
0x53: {  	v16 =	vunpack.i.l.bf16.f32 v16;
	v49 =	vunpack.i.u.bf16.f32 v19;
	v19 =	vunpack.i.l.bf16.f32 v19  }
0x54: {  	v16 =	vmul.f32 v19, v16;
	v19 =	vmul.f32 v49, v20  }
0x55: {  	s15 =	simm.s32 $0x0  }
0x56: {  	v17 =	vadd.f32 v17, v18;
	v18 =	vor.u32 s15, v1;
	v16 =	vadd.f32 v16, v19  }
0x57: {  	v19 =	vor.u32 s15, v0  }
0x58: {  	v16 =	vadd.f32 v16, v17  }
0x59: {  	s14 =	sadd.s32 $0x10, s14;
	v17 =	vor.u32 s15, v2  }
0x5a: {  	[tilespmem:s14+$0x0] =	vst v16  }
0x5b: {  	v16 =	vld.idx.msk [tilespmem:v18+s1+$0x0], $0xffff;
	v18 =	vor.u32 s15, v3  }
0x5c: {  	v19 =	vld.idx.msk [tilespmem:v19+s1+$0x0], $0xffff  }
0x5d: {  	v20 =	vor.u32 s15, v4  }
0x5e: {  	v17 =	vld.idx.msk [tilespmem:v17+s1+$0x0], $0xffff  }
0x5f: {  	v50 =	vor.u32 s15, v5  }
0x60: {  	v18 =	vld.idx.msk [tilespmem:v18+s1+$0x0], $0xffff  }
0x61: {  	v22 =	vor.u32 s15, v6;
	v16 =	vadd.f32 v16, v19  }
0x62: {  	v19 =	vld.idx.msk [tilespmem:v20+s1+$0x0], $0xffff  }
0x63: {  	v20 =	vor.u32 s15, v7;
	v16 =	vadd.f32 v17, v16  }
0x64: {  	v17 =	vld.idx.msk [tilespmem:v50+s1+$0x0], $0xffff  }
0x65: {  	v51 =	vor.u32 s15, v8;
	v16 =	vadd.f32 v18, v16  }
0x66: {  	v18 =	vld.idx.msk [tilespmem:v22+s1+$0x0], $0xffff  }
0x67: {  	v52 =	vor.u32 s15, v9;
	v16 =	vadd.f32 v19, v16  }
0x68: {  	v19 =	vld.idx.msk [tilespmem:v20+s1+$0x0], $0xffff  }
0x69: {  	v20 =	vor.u32 s15, v10;
	v16 =	vadd.f32 v17, v16  }
0x6a: {  	v17 =	vld.idx.msk [tilespmem:v51+s1+$0x0], $0xffff  }
0x6b: {  	v53 =	vor.u32 s15, v11;
	v16 =	vadd.f32 v18, v16  }
0x6c: {  	v18 =	vld.idx.msk [tilespmem:v52+s1+$0x0], $0xffff  }
0x6d: {  	v54 =	vor.u32 s15, v12;
	v16 =	vadd.f32 v19, v16  }
0x6e: {  	v19 =	vld.idx.msk [tilespmem:v20+s1+$0x0], $0xffff  }
0x6f: {  	v20 =	vor.u32 s15, v13;
	v16 =	vadd.f32 v17, v16  }
0x70: {  	v17 =	vld.idx.msk [tilespmem:v53+s1+$0x0], $0xffff  }
0x71: {  	v55 =	vor.u32 s15, v14;
	v16 =	vadd.f32 v18, v16  }
0x72: {  	v18 =	vld.idx.msk [tilespmem:v54+s1+$0x0], $0xffff  }
0x73: {  	v56 =	vor.u32 s15, v15;
	v16 =	vadd.f32 v19, v16  }
0x74: {  	v19 =	vld.idx.msk [tilespmem:v20+s1+$0x0], $0xffff  }
0x75: {  	v16 =	vadd.f32 v17, v16  }
0x76: {  	v17 =	vld.idx.msk [tilespmem:v55+s1+$0x0], $0xffff  }
0x77: {  	v16 =	vadd.f32 v18, v16  }
0x78: {  	v18 =	vld.idx.msk [tilespmem:v56+s1+$0x0], $0xffff  }
0x79: {  	v16 =	vadd.f32 v19, v16  }
0x7a: {  	s26 =	simm.s32 $0x100  }
0x7b: {  	v19 =	vor.u32 s26, v1;
	v16 =	vadd.f32 v17, v16  }
0x7c: {  	v17 =	vor.u32 s26, v0  }
0x7d: {  	v16 =	vadd.f32 v18, v16  }
0x7e: {  	v18 =	vor.u32 s26, v2  }
0x7f: {  	[tilespmem:s9+$0x0] =	vst v16  }
0x80: {  	v16 =	vld.idx.msk [tilespmem:v19+s1+$0x0], $0xffff;
	v19 =	vor.u32 s26, v3  }
0x81: {  	v17 =	vld.idx.msk [tilespmem:v17+s1+$0x0], $0xffff  }
0x82: {  	v20 =	vor.u32 s26, v4  }
0x83: {  	v18 =	vld.idx.msk [tilespmem:v18+s1+$0x0], $0xffff  }
0x84: {  	v57 =	vor.u32 s26, v5  }
0x85: {  	v19 =	vld.idx.msk [tilespmem:v19+s1+$0x0], $0xffff  }
0x86: {  	v58 =	vor.u32 s26, v6;
	v16 =	vadd.f32 v16, v17  }
0x87: {  	v17 =	vld.idx.msk [tilespmem:v20+s1+$0x0], $0xffff  }
0x88: {  	v20 =	vor.u32 s26, v7;
	v16 =	vadd.f32 v18, v16  }
0x89: {  	v18 =	vld.idx.msk [tilespmem:v57+s1+$0x0], $0xffff  }
0x8a: {  	v59 =	vor.u32 s26, v8;
	v16 =	vadd.f32 v19, v16  }
0x8b: {  	v19 =	vld.idx.msk [tilespmem:v58+s1+$0x0], $0xffff  }
0x8c: {  	v60 =	vor.u32 s26, v9;
	v16 =	vadd.f32 v17, v16  }
0x8d: {  	v17 =	vld.idx.msk [tilespmem:v20+s1+$0x0], $0xffff  }
0x8e: {  	v20 =	vor.u32 s26, v10;
	v16 =	vadd.f32 v18, v16  }
0x8f: {  	v18 =	vld.idx.msk [tilespmem:v59+s1+$0x0], $0xffff  }
0x90: {  	v61 =	vor.u32 s26, v11;
	v16 =	vadd.f32 v19, v16  }
0x91: {  	v19 =	vld.idx.msk [tilespmem:v60+s1+$0x0], $0xffff  }
0x92: {  	v16 =	vadd.f32 v17, v16  }
0x93: {  	v17 =	vld.idx.msk [tilespmem:v20+s1+$0x0], $0xffff  }
0x94: {  	v62 =	vor.u32 s26, v12;
	v16 =	vadd.f32 v18, v16  }
0x95: {  	v18 =	vld.idx.msk [tilespmem:v61+s1+$0x0], $0xffff  }
0x96: {  	v20 =	vor.u32 s26, v13;
	v16 =	vadd.f32 v19, v16;
	_ =	sdelay $0x1  }
0x97: {  	v63 =	vor.u32 s26, v14;
	v16 =	vadd.f32 v17, v16  }
0x98: {  	v19 =	vld.idx.msk [tilespmem:v62+s1+$0x0], $0xffff  }
0x99: {  	v16 =	vadd.f32 v18, v16;
	v18 =	vor.u32 s26, v15  }
0x9a: {  	v17 =	vld.idx.msk [tilespmem:v20+s1+$0x0], $0xffff;
	_ =	sdelay $0x1  }
0x9b: {  	v20 =	vld.idx.msk [tilespmem:v63+s1+$0x0], $0xffff  }
0x9c: {  	v16 =	vadd.f32 v19, v16  }
0x9d: {  	v18 =	vld.idx.msk [tilespmem:v18+s1+$0x0], $0xffff  }
0x9e: {  	v17 =	vadd.f32 v17, v16  }
0x9f: {  	s15 =	simm.s32 $0x200  }
0xa0: {  	v16 =	vor.u32 s15, v1;
	v19 =	vadd.f32 v20, v17  }
0xa1: {  	s20 =	smov.u32 s9;
	s14 =	simm.s32 $0x300;
	v17 =	vor.u32 s15, v0  }
.LBB2_6:
0xa2: {  	p1 =	sne.s32 s14, $0x700;
	v18 =	vadd.f32 v18, v19  }
0xa3: {  	v19 =	vor.u32 s15, v2;
	s20 =	sadd.s32 $0x10, s20  }
0xa4: {  	[tilespmem:s20+$0x0] =	vst v18  }
0xa5: {  	v18 =	vor.u32 s15, v3;
	v16 =	vld.idx.msk [tilespmem:v16+s1+$0x0], $0xffff  }
0xa6: {  	v17 =	vld.idx.msk [tilespmem:v17+s1+$0x0], $0xffff  }
0xa7: {  	v20 =	vor.u32 s15, v4  }
0xa8: {  	v19 =	vld.idx.msk [tilespmem:v19+s1+$0x0], $0xffff  }
0xa9: {  	v21 =	vor.u32 s15, v5  }
0xaa: {  	v18 =	vld.idx.msk [tilespmem:v18+s1+$0x0], $0xffff  }
0xab: {  	v22 =	vor.u32 s15, v6  }
0xac: {  	v16 =	vadd.f32 v16, v17;
	v17 =	vld.idx.msk [tilespmem:v20+s1+$0x0], $0xffff  }
0xad: {  	v20 =	vor.u32 s15, v7  }
0xae: {  	v16 =	vadd.f32 v19, v16;
	v19 =	vld.idx.msk [tilespmem:v21+s1+$0x0], $0xffff  }
0xaf: {  	v21 =	vor.u32 s15, v8  }
0xb0: {  	v16 =	vadd.f32 v18, v16;
	v18 =	vld.idx.msk [tilespmem:v22+s1+$0x0], $0xffff  }
0xb1: {  	v22 =	vor.u32 s15, v9  }
0xb2: {  	v16 =	vadd.f32 v17, v16;
	v17 =	vld.idx.msk [tilespmem:v20+s1+$0x0], $0xffff  }
0xb3: {  	v20 =	vor.u32 s15, v10  }
0xb4: {  	v16 =	vadd.f32 v19, v16;
	v19 =	vld.idx.msk [tilespmem:v21+s1+$0x0], $0xffff  }
0xb5: {  	v21 =	vor.u32 s15, v11  }
0xb6: {  	v16 =	vadd.f32 v18, v16;
	v18 =	vld.idx.msk [tilespmem:v22+s1+$0x0], $0xffff  }
0xb7: {  	v22 =	vor.u32 s15, v12  }
0xb8: {  	v16 =	vadd.f32 v17, v16;
	v17 =	vld.idx.msk [tilespmem:v20+s1+$0x0], $0xffff  }
0xb9: {  	v20 =	vor.u32 s15, v13  }
0xba: {  	v16 =	vadd.f32 v19, v16;
	v19 =	vld.idx.msk [tilespmem:v21+s1+$0x0], $0xffff  }
0xbb: {  	v21 =	vor.u32 s15, v14  }
0xbc: {  	v16 =	vadd.f32 v18, v16;
	v18 =	vld.idx.msk [tilespmem:v22+s1+$0x0], $0xffff  }
0xbd: {  	v22 =	vor.u32 s15, v15;
	s15 =	smov.u32 s14  }
0xbe: {  	v16 =	vadd.f32 v17, v16;
	v17 =	vld.idx.msk [tilespmem:v20+s1+$0x0], $0xffff;
	_ =	sdelay $0x1  }
0xbf: {  	v16 =	vadd.f32 v19, v16;
	v19 =	vld.idx.msk [tilespmem:v21+s1+$0x0], $0xffff;
	_ =	sdelay $0x1  }
0xc0: {  	v16 =	vadd.f32 v18, v16;
	v18 =	vld.idx.msk [tilespmem:v22+s1+$0x0], $0xffff  }
.Ltmp1:
0xc1: {  	(pc) =	sbr.rel @p1 .LBB2_6-.Ltmp1, $3  }
0xc2: {  	v17 =	vadd.f32 v17, v16;
	_ =	sdelay $0x1  }
0xc3: {  	v16 =	vor.u32 s14, v1;
	v19 =	vadd.f32 v19, v17  }
0xc4: {  	s14 =	sadd.s32 $0x100, s14;
	v17 =	vor.u32 s15, v0  }
0xc5: {  	_ = 	snop  }
0xc6: {  	v18 =	vadd.f32 v18, v19  }
0xc7: {  	v19 =	vor.u32 s15, v2;
	s14 =	sadd.s32 $0x10, s20  }
0xc8: {  	[tilespmem:s14+$0x0] =	vst v18  }
0xc9: {  	v18 =	vor.u32 s15, v3;
	v16 =	vld.idx.msk [tilespmem:v16+s1+$0x0], $0xffff  }
0xca: {  	v17 =	vld.idx.msk [tilespmem:v17+s1+$0x0], $0xffff  }
0xcb: {  	v20 =	vor.u32 s15, v4  }
0xcc: {  	v19 =	vld.idx.msk [tilespmem:v19+s1+$0x0], $0xffff  }
0xcd: {  	v21 =	vor.u32 s15, v5  }
0xce: {  	v18 =	vld.idx.msk [tilespmem:v18+s1+$0x0], $0xffff  }
0xcf: {  	v22 =	vor.u32 s15, v6;
	v16 =	vadd.f32 v16, v17  }
0xd0: {  	v17 =	vld.idx.msk [tilespmem:v20+s1+$0x0], $0xffff  }
0xd1: {  	v20 =	vor.u32 s15, v7;
	v16 =	vadd.f32 v19, v16  }
0xd2: {  	v19 =	vld.idx.msk [tilespmem:v21+s1+$0x0], $0xffff  }
0xd3: {  	v56 =	vor.u32 s15, v8;
	v16 =	vadd.f32 v18, v16  }
0xd4: {  	v18 =	vld.idx.msk [tilespmem:v22+s1+$0x0], $0xffff  }
0xd5: {  	v57 =	vor.u32 s15, v9;
	v16 =	vadd.f32 v17, v16  }
0xd6: {  	v17 =	vld.idx.msk [tilespmem:v20+s1+$0x0], $0xffff  }
0xd7: {  	v20 =	vor.u32 s15, v10;
	v16 =	vadd.f32 v19, v16  }
0xd8: {  	v19 =	vld.idx.msk [tilespmem:v56+s1+$0x0], $0xffff  }
0xd9: {  	v58 =	vor.u32 s15, v11;
	v16 =	vadd.f32 v18, v16  }
0xda: {  	v18 =	vld.idx.msk [tilespmem:v57+s1+$0x0], $0xffff  }
0xdb: {  	v59 =	vor.u32 s15, v12;
	v16 =	vadd.f32 v17, v16  }
0xdc: {  	v17 =	vld.idx.msk [tilespmem:v20+s1+$0x0], $0xffff  }
0xdd: {  	v20 =	vor.u32 s15, v13;
	v16 =	vadd.f32 v19, v16  }
0xde: {  	v19 =	vld.idx.msk [tilespmem:v58+s1+$0x0], $0xffff  }
0xdf: {  	v60 =	vor.u32 s15, v14;
	v16 =	vadd.f32 v18, v16  }
0xe0: {  	v18 =	vld.idx.msk [tilespmem:v59+s1+$0x0], $0xffff  }
0xe1: {  	v61 =	vor.u32 s15, v15;
	v16 =	vadd.f32 v17, v16  }
0xe2: {  	v17 =	vld.idx.msk [tilespmem:v20+s1+$0x0], $0xffff  }
0xe3: {  	v16 =	vadd.f32 v19, v16  }
0xe4: {  	v19 =	vld.idx.msk [tilespmem:v60+s1+$0x0], $0xffff  }
0xe5: {  	v16 =	vadd.f32 v18, v16  }
0xe6: {  	v18 =	vld.idx.msk [tilespmem:v61+s1+$0x0], $0xffff  }
0xe7: {  	v16 =	vadd.f32 v17, v16;
	_ =	sdelay $0x1  }
0xe8: {  	v16 =	vadd.f32 v19, v16;
	_ =	sdelay $0x1  }
0xe9: {  	v16 =	vadd.f32 v18, v16  }
0xea: {  	p1 =	seq.s32 s19, $0x7;
	s14 =	sadd.s32 $0x10, s14;
	s15 =	sshll.u32 s19, $0x8  }
0xeb: {  	s20 =	simm.s32 @!p1 $0x80;
	s25 =	simm.s32 @!p1 $0x5800;
	[tilespmem:s14+$0x0] =	vst v16;
	s14 =	sadd.s32 @!p1 $0x2900, s15  }
0xec: {  	[tilespmem:s25], [sflag:$0x3] =	stream.indirect.gather @!p1 [hbm4b:s3+s20], $0x20, s14, s20, $0xb8;
	[tilespmem:$0x7800] =	vst v63  }
0xed: {  	s14 =	sadd.s32 @!p1 $0x100, s15;
	s25 =	simm.s32 @!p1 $0x3800  }
0xee: {  	[tilespmem:s25], [sflag:$0x1] =	stream.indirect.gather @!p1 [hbm4b:s4+s20], $0x20, s14, s20, $0xb8;
	[tilespmem:$0x7800] =	vst v63  }
0xef: {  	_ =	swait.ge [sflag:s10], $0x1000  }
0xf0: {  	[sflag:s10] =	ssyncset.done $0x0  }
0xf1: {  	[sflag:s10] =	ssyncadd.s32 $0xFFFFF000  }
0xf2: {  	_ =	swait.ge [sflag:s11], $0x1000  }
0xf3: {  	[sflag:s11] =	ssyncset.done $0x0  }
0xf4: {  	s26 =	simm.s32 $0x0;
	[sflag:s11] =	ssyncadd.s32 $0xFFFFF000  }
0xf5: {  	v16 =	vld [tilespmem:s26+$0x6800]  }
0xf6: {  	v17 =	vld [tilespmem:s26+$0x4800]  }
0xf7: {  	v19 =	vld [tilespmem:s26+$0x4810]  }
0xf8: {  	v18 =	vld [tilespmem:s26+$0x6810];
	_ =	sdelay $0x1  }
0xf9: {  	v20 =	vunpack.i.u.bf16.f32 v16  }
0xfa: {  	v16 =	vunpack.i.l.bf16.f32 v16;
	v62 =	vunpack.i.u.bf16.f32 v17;
	v17 =	vunpack.i.l.bf16.f32 v17  }
0xfb: {  	v63 =	vunpack.i.u.bf16.f32 v19;
	v19 =	vunpack.i.l.bf16.f32 v19;
	v16 =	vmul.f32 v17, v16  }
0xfc: {  	v17 =	vmul.f32 v62, v20;
	v20 =	vunpack.i.u.bf16.f32 v18;
	v18 =	vunpack.i.l.bf16.f32 v18  }
0xfd: {  	v18 =	vmul.f32 v19, v18;
	v19 =	vmul.f32 v63, v20;
	_ =	sdelay $0x1  }
0xfe: {  	v16 =	vadd.f32 v16, v17;
	v17 =	vadd.f32 v18, v19;
	_ =	sdelay $0x1  }
0xff: {  	v16 =	vadd.f32 v17, v16  }
0x100: {  	s14 =	simm.s32 $0x2000  }
0x101: {  	s26 =	simm.s32 $0x20;
	[tilespmem:s14+$0x0] =	vst v16  }
0x102: {  	v18 =	vld [tilespmem:s26+$0x6800]  }
0x103: {  	v17 =	vld [tilespmem:s26+$0x4800]  }
0x104: {  	s20 =	simm.s32 $0x0;
	s25 =	simm.s32 $0x100;
	v16 =	vld [tilespmem:s26+$0x6810]  }
.LBB2_8:
0x105: {  	p2 =	sne.s32 s25, $0x3F80;
	v19 =	vld [tilespmem:s26+$0x4810];
	_ =	sdelay $0x1  }
0x106: {  	v20 =	vunpack.i.u.bf16.f32 v18  }
0x107: {  	v18 =	vunpack.i.l.bf16.f32 v18;
	v21 =	vunpack.i.u.bf16.f32 v17;
	v17 =	vunpack.i.l.bf16.f32 v17  }
0x108: {  	v17 =	vmul.f32 v17, v18;
	v18 =	vmul.f32 v21, v20;
	v20 =	vunpack.i.u.bf16.f32 v16  }
0x109: {  	v16 =	vunpack.i.l.bf16.f32 v16;
	v21 =	vunpack.i.u.bf16.f32 v19;
	v19 =	vunpack.i.l.bf16.f32 v19  }
0x10a: {  	v16 =	vmul.f32 v19, v16;
	v19 =	vmul.f32 v21, v20;
	_ =	sdelay $0x1  }
0x10b: {  	v17 =	vadd.f32 v17, v18;
	v16 =	vadd.f32 v16, v19;
	_ =	sdelay $0x1  }
0x10c: {  	v16 =	vadd.f32 v16, v17  }
.Ltmp2:
0x10d: {  	s14 =	sadd.s32 $0x10, s14;
	(pc) =	sbr.rel @p2 .LBB2_8-.Ltmp2, $4  }
0x10e: {  	s26 =	sshra.s32 s25, $0x2;
	[tilespmem:s14+$0x0] =	vst v16  }
0x10f: {  	v18 =	vld [tilespmem:s26+$0x6800]  }
0x110: {  	v17 =	vld [tilespmem:s26+$0x4800]  }
0x111: {  	s25 =	sadd.s32 $0x80, s25;
	v16 =	vld [tilespmem:s26+$0x6810]  }
0x112: {  	v19 =	vld [tilespmem:s26+$0x4810];
	_ =	sdelay $0x1  }
0x113: {  	v20 =	vunpack.i.u.bf16.f32 v18  }
0x114: {  	v18 =	vunpack.i.l.bf16.f32 v18;
	v21 =	vunpack.i.u.bf16.f32 v17;
	v17 =	vunpack.i.l.bf16.f32 v17  }
0x115: {  	v17 =	vmul.f32 v17, v18;
	v18 =	vmul.f32 v21, v20;
	v20 =	vunpack.i.u.bf16.f32 v16  }
0x116: {  	v16 =	vunpack.i.l.bf16.f32 v16;
	v49 =	vunpack.i.u.bf16.f32 v19;
	v19 =	vunpack.i.l.bf16.f32 v19  }
0x117: {  	v16 =	vmul.f32 v19, v16;
	v19 =	vmul.f32 v49, v20;
	_ =	sdelay $0x1  }
0x118: {  	v17 =	vadd.f32 v17, v18;
	v18 =	vor.u32 s20, v1;
	v16 =	vadd.f32 v16, v19  }
0x119: {  	v19 =	vor.u32 s20, v0  }
0x11a: {  	v16 =	vadd.f32 v16, v17  }
0x11b: {  	s14 =	sadd.s32 $0x10, s14;
	v17 =	vor.u32 s20, v2  }
0x11c: {  	[tilespmem:s14+$0x0] =	vst v16  }
0x11d: {  	v16 =	vld.idx.msk [tilespmem:v18+s1+$0x0], $0xffff;
	v18 =	vor.u32 s20, v3  }
0x11e: {  	v19 =	vld.idx.msk [tilespmem:v19+s1+$0x0], $0xffff  }
0x11f: {  	v20 =	vor.u32 s20, v4  }
0x120: {  	v17 =	vld.idx.msk [tilespmem:v17+s1+$0x0], $0xffff  }
0x121: {  	v50 =	vor.u32 s20, v5  }
0x122: {  	v18 =	vld.idx.msk [tilespmem:v18+s1+$0x0], $0xffff  }
0x123: {  	v22 =	vor.u32 s20, v6;
	v16 =	vadd.f32 v16, v19  }
0x124: {  	v19 =	vld.idx.msk [tilespmem:v20+s1+$0x0], $0xffff  }
0x125: {  	v20 =	vor.u32 s20, v7;
	v16 =	vadd.f32 v17, v16  }
0x126: {  	v17 =	vld.idx.msk [tilespmem:v50+s1+$0x0], $0xffff  }
0x127: {  	v51 =	vor.u32 s20, v8;
	v16 =	vadd.f32 v18, v16  }
0x128: {  	v18 =	vld.idx.msk [tilespmem:v22+s1+$0x0], $0xffff  }
0x129: {  	v52 =	vor.u32 s20, v9;
	v16 =	vadd.f32 v19, v16  }
0x12a: {  	v19 =	vld.idx.msk [tilespmem:v20+s1+$0x0], $0xffff  }
0x12b: {  	v20 =	vor.u32 s20, v10;
	v16 =	vadd.f32 v17, v16  }
0x12c: {  	v17 =	vld.idx.msk [tilespmem:v51+s1+$0x0], $0xffff  }
0x12d: {  	v53 =	vor.u32 s20, v11;
	v16 =	vadd.f32 v18, v16  }
0x12e: {  	v18 =	vld.idx.msk [tilespmem:v52+s1+$0x0], $0xffff  }
0x12f: {  	v54 =	vor.u32 s20, v12;
	v16 =	vadd.f32 v19, v16  }
0x130: {  	v19 =	vld.idx.msk [tilespmem:v20+s1+$0x0], $0xffff  }
0x131: {  	v20 =	vor.u32 s20, v13;
	v16 =	vadd.f32 v17, v16  }
0x132: {  	v17 =	vld.idx.msk [tilespmem:v53+s1+$0x0], $0xffff  }
0x133: {  	v55 =	vor.u32 s20, v14;
	v16 =	vadd.f32 v18, v16  }
0x134: {  	v18 =	vld.idx.msk [tilespmem:v54+s1+$0x0], $0xffff  }
0x135: {  	v56 =	vor.u32 s20, v15;
	v16 =	vadd.f32 v19, v16  }
0x136: {  	v19 =	vld.idx.msk [tilespmem:v20+s1+$0x0], $0xffff  }
0x137: {  	v16 =	vadd.f32 v17, v16  }
0x138: {  	v17 =	vld.idx.msk [tilespmem:v55+s1+$0x0], $0xffff  }
0x139: {  	v16 =	vadd.f32 v18, v16  }
0x13a: {  	v18 =	vld.idx.msk [tilespmem:v56+s1+$0x0], $0xffff  }
0x13b: {  	v16 =	vadd.f32 v19, v16  }
0x13c: {  	s26 =	simm.s32 $0x100  }
0x13d: {  	v19 =	vor.u32 s26, v1;
	v16 =	vadd.f32 v17, v16  }
0x13e: {  	v17 =	vor.u32 s26, v0  }
0x13f: {  	v16 =	vadd.f32 v18, v16  }
0x140: {  	v18 =	vor.u32 s26, v2  }
0x141: {  	[tilespmem:s21+$0x0] =	vst v16  }
0x142: {  	v16 =	vld.idx.msk [tilespmem:v19+s1+$0x0], $0xffff;
	v19 =	vor.u32 s26, v3  }
0x143: {  	v17 =	vld.idx.msk [tilespmem:v17+s1+$0x0], $0xffff  }
0x144: {  	v20 =	vor.u32 s26, v4  }
0x145: {  	v18 =	vld.idx.msk [tilespmem:v18+s1+$0x0], $0xffff  }
0x146: {  	v57 =	vor.u32 s26, v5  }
0x147: {  	v19 =	vld.idx.msk [tilespmem:v19+s1+$0x0], $0xffff  }
0x148: {  	v58 =	vor.u32 s26, v6;
	v16 =	vadd.f32 v16, v17  }
0x149: {  	v17 =	vld.idx.msk [tilespmem:v20+s1+$0x0], $0xffff  }
0x14a: {  	v20 =	vor.u32 s26, v7;
	v16 =	vadd.f32 v18, v16  }
0x14b: {  	v18 =	vld.idx.msk [tilespmem:v57+s1+$0x0], $0xffff  }
0x14c: {  	v59 =	vor.u32 s26, v8;
	v16 =	vadd.f32 v19, v16  }
0x14d: {  	v19 =	vld.idx.msk [tilespmem:v58+s1+$0x0], $0xffff  }
0x14e: {  	v60 =	vor.u32 s26, v9;
	v16 =	vadd.f32 v17, v16  }
0x14f: {  	v17 =	vld.idx.msk [tilespmem:v20+s1+$0x0], $0xffff  }
0x150: {  	v20 =	vor.u32 s26, v10;
	v16 =	vadd.f32 v18, v16  }
0x151: {  	v18 =	vld.idx.msk [tilespmem:v59+s1+$0x0], $0xffff  }
0x152: {  	v61 =	vor.u32 s26, v11;
	v16 =	vadd.f32 v19, v16  }
0x153: {  	v19 =	vld.idx.msk [tilespmem:v60+s1+$0x0], $0xffff  }
0x154: {  	v16 =	vadd.f32 v17, v16  }
0x155: {  	v17 =	vld.idx.msk [tilespmem:v20+s1+$0x0], $0xffff  }
0x156: {  	v62 =	vor.u32 s26, v12;
	v16 =	vadd.f32 v18, v16  }
0x157: {  	v18 =	vld.idx.msk [tilespmem:v61+s1+$0x0], $0xffff  }
0x158: {  	v20 =	vor.u32 s26, v13;
	v16 =	vadd.f32 v19, v16;
	_ =	sdelay $0x1  }
0x159: {  	v63 =	vor.u32 s26, v14;
	v16 =	vadd.f32 v17, v16  }
0x15a: {  	v19 =	vld.idx.msk [tilespmem:v62+s1+$0x0], $0xffff  }
0x15b: {  	v16 =	vadd.f32 v18, v16;
	v18 =	vor.u32 s26, v15  }
0x15c: {  	v17 =	vld.idx.msk [tilespmem:v20+s1+$0x0], $0xffff;
	_ =	sdelay $0x1  }
0x15d: {  	v20 =	vld.idx.msk [tilespmem:v63+s1+$0x0], $0xffff  }
0x15e: {  	v16 =	vadd.f32 v19, v16  }
0x15f: {  	v18 =	vld.idx.msk [tilespmem:v18+s1+$0x0], $0xffff  }
0x160: {  	v17 =	vadd.f32 v17, v16  }
0x161: {  	s20 =	simm.s32 $0x200  }
0x162: {  	v16 =	vor.u32 s20, v1;
	v19 =	vadd.f32 v20, v17  }
0x163: {  	s25 =	simm.s32 $0x300;
	s14 =	smov.u32 s21;
	v17 =	vor.u32 s20, v0  }
.LBB2_10:
0x164: {  	p2 =	sne.s32 s25, $0x700;
	v18 =	vadd.f32 v18, v19  }
0x165: {  	v19 =	vor.u32 s20, v2;
	s14 =	sadd.s32 $0x10, s14  }
0x166: {  	[tilespmem:s14+$0x0] =	vst v18  }
0x167: {  	v18 =	vor.u32 s20, v3;
	v16 =	vld.idx.msk [tilespmem:v16+s1+$0x0], $0xffff  }
0x168: {  	v17 =	vld.idx.msk [tilespmem:v17+s1+$0x0], $0xffff  }
0x169: {  	v20 =	vor.u32 s20, v4  }
0x16a: {  	v19 =	vld.idx.msk [tilespmem:v19+s1+$0x0], $0xffff  }
0x16b: {  	v21 =	vor.u32 s20, v5  }
0x16c: {  	v18 =	vld.idx.msk [tilespmem:v18+s1+$0x0], $0xffff  }
0x16d: {  	v22 =	vor.u32 s20, v6  }
0x16e: {  	v16 =	vadd.f32 v16, v17;
	v17 =	vld.idx.msk [tilespmem:v20+s1+$0x0], $0xffff  }
0x16f: {  	v20 =	vor.u32 s20, v7  }
0x170: {  	v16 =	vadd.f32 v19, v16;
	v19 =	vld.idx.msk [tilespmem:v21+s1+$0x0], $0xffff  }
0x171: {  	v21 =	vor.u32 s20, v8  }
0x172: {  	v16 =	vadd.f32 v18, v16;
	v18 =	vld.idx.msk [tilespmem:v22+s1+$0x0], $0xffff  }
0x173: {  	v22 =	vor.u32 s20, v9  }
0x174: {  	v16 =	vadd.f32 v17, v16;
	v17 =	vld.idx.msk [tilespmem:v20+s1+$0x0], $0xffff  }
0x175: {  	v20 =	vor.u32 s20, v10  }
0x176: {  	v16 =	vadd.f32 v19, v16;
	v19 =	vld.idx.msk [tilespmem:v21+s1+$0x0], $0xffff  }
0x177: {  	v21 =	vor.u32 s20, v11  }
0x178: {  	v16 =	vadd.f32 v18, v16;
	v18 =	vld.idx.msk [tilespmem:v22+s1+$0x0], $0xffff  }
0x179: {  	v22 =	vor.u32 s20, v12  }
0x17a: {  	v16 =	vadd.f32 v17, v16;
	v17 =	vld.idx.msk [tilespmem:v20+s1+$0x0], $0xffff  }
0x17b: {  	v20 =	vor.u32 s20, v13  }
0x17c: {  	v16 =	vadd.f32 v19, v16;
	v19 =	vld.idx.msk [tilespmem:v21+s1+$0x0], $0xffff  }
0x17d: {  	v21 =	vor.u32 s20, v14  }
0x17e: {  	v16 =	vadd.f32 v18, v16;
	v18 =	vld.idx.msk [tilespmem:v22+s1+$0x0], $0xffff  }
0x17f: {  	v22 =	vor.u32 s20, v15;
	s20 =	smov.u32 s25  }
0x180: {  	v16 =	vadd.f32 v17, v16;
	v17 =	vld.idx.msk [tilespmem:v20+s1+$0x0], $0xffff;
	_ =	sdelay $0x1  }
0x181: {  	v16 =	vadd.f32 v19, v16;
	v19 =	vld.idx.msk [tilespmem:v21+s1+$0x0], $0xffff;
	_ =	sdelay $0x1  }
0x182: {  	v16 =	vadd.f32 v18, v16;
	v18 =	vld.idx.msk [tilespmem:v22+s1+$0x0], $0xffff  }
.Ltmp3:
0x183: {  	(pc) =	sbr.rel @p2 .LBB2_10-.Ltmp3, $3  }
0x184: {  	v17 =	vadd.f32 v17, v16;
	_ =	sdelay $0x1  }
0x185: {  	v16 =	vor.u32 s25, v1;
	v19 =	vadd.f32 v19, v17  }
0x186: {  	s25 =	sadd.s32 $0x100, s25;
	v17 =	vor.u32 s20, v0  }
0x187: {  	_ = 	snop  }
0x188: {  	v18 =	vadd.f32 v18, v19  }
0x189: {  	v45 =	vor.u32 s20, v2;
	s14 =	sadd.s32 $0x10, s14  }
0x18a: {  	[tilespmem:s14+$0x0] =	vst v18  }
0x18b: {  	v46 =	vor.u32 s20, v3;
	v16 =	vld.idx.msk [tilespmem:v16+s1+$0x0], $0xffff  }
0x18c: {  	v17 =	vld.idx.msk [tilespmem:v17+s1+$0x0], $0xffff  }
0x18d: {  	v20 =	vor.u32 s20, v4  }
0x18e: {  	v19 =	vld.idx.msk [tilespmem:v45+s1+$0x0], $0xffff  }
0x18f: {  	v21 =	vor.u32 s20, v5  }
0x190: {  	v18 =	vld.idx.msk [tilespmem:v46+s1+$0x0], $0xffff  }
0x191: {  	v22 =	vor.u32 s20, v6;
	v16 =	vadd.f32 v16, v17  }
0x192: {  	v17 =	vld.idx.msk [tilespmem:v20+s1+$0x0], $0xffff  }
0x193: {  	v47 =	vor.u32 s20, v7;
	v16 =	vadd.f32 v19, v16  }
0x194: {  	v48 =	vld.idx.msk [tilespmem:v21+s1+$0x0], $0xffff  }
0x195: {  	v49 =	vor.u32 s20, v8;
	v16 =	vadd.f32 v18, v16  }
0x196: {  	v50 =	vld.idx.msk [tilespmem:v22+s1+$0x0], $0xffff  }
0x197: {  	v51 =	vor.u32 s20, v9;
	v16 =	vadd.f32 v17, v16  }
0x198: {  	v17 =	vld.idx.msk [tilespmem:v47+s1+$0x0], $0xffff  }
0x199: {  	v52 =	vor.u32 s20, v10;
	v16 =	vadd.f32 v48, v16  }
0x19a: {  	v53 =	vld.idx.msk [tilespmem:v49+s1+$0x0], $0xffff  }
0x19b: {  	v54 =	vor.u32 s20, v11;
	v16 =	vadd.f32 v50, v16  }
0x19c: {  	v55 =	vld.idx.msk [tilespmem:v51+s1+$0x0], $0xffff  }
0x19d: {  	v56 =	vor.u32 s20, v12;
	v16 =	vadd.f32 v17, v16  }
0x19e: {  	v17 =	vld.idx.msk [tilespmem:v52+s1+$0x0], $0xffff  }
0x19f: {  	v57 =	vor.u32 s20, v13;
	v16 =	vadd.f32 v53, v16  }
0x1a0: {  	v58 =	vld.idx.msk [tilespmem:v54+s1+$0x0], $0xffff  }
0x1a1: {  	v59 =	vor.u32 s20, v14;
	v16 =	vadd.f32 v55, v16  }
0x1a2: {  	v60 =	vld.idx.msk [tilespmem:v56+s1+$0x0], $0xffff  }
0x1a3: {  	v61 =	vor.u32 s20, v15;
	v16 =	vadd.f32 v17, v16  }
0x1a4: {  	v17 =	vld.idx.msk [tilespmem:v57+s1+$0x0], $0xffff  }
0x1a5: {  	v16 =	vadd.f32 v58, v16  }
0x1a6: {  	v62 =	vld.idx.msk [tilespmem:v59+s1+$0x0], $0xffff  }
0x1a7: {  	v16 =	vadd.f32 v60, v16  }
0x1a8: {  	v63 =	vld.idx.msk [tilespmem:v61+s1+$0x0], $0xffff  }
0x1a9: {  	v16 =	vadd.f32 v17, v16;
	_ =	sdelay $0x1  }
.Ltmp4:
0x1aa: {  	v16 =	vadd.f32 v62, v16;
	(pc) =	sbr.rel @p1 .LBB2_13-.Ltmp4, $4  }
0x1ab: {  	_ = 	snop  }
0x1ac: {  	v16 =	vadd.f32 v63, v16  }
0x1ad: {  	s14 =	sadd.s32 $0x10, s14  }
0x1ae: {  	[tilespmem:s14+$0x0] =	vst v16  }
.Ltmp5:
0x1af: {  	(pc) =	sbr.rel .LBB2_3-.Ltmp5, $4  }
0x1b0: {  	s14 =	sadd.s32 $0x2980, s15;
	s26 =	sadd.s32 $0x180, s15  }
0x1b1: {  	[tilespmem:s29], [sflag:$0x4] =	stream.indirect.gather [hbm4b:s3+s24], $0x20, s14, s24, $0xb8;
	[tilespmem:$0x7800] =	vst v63  }
0x1b2: {  	s19 =	sadd.s32 $0x1, s19;
	s9 =	sadd.s32 $0x100, s9;
	s21 =	sadd.s32 $0x100, s21  }
0x1b3: {  	[tilespmem:s30], [sflag:$0x2] =	stream.indirect.gather [hbm4b:s4+s24], $0x20, s26, s24, $0xb8;
	[tilespmem:$0x7800] =	vst v63  }
.LBB2_13:
0x1b4: {  	s9 =	sshrl.u32 s16, $0x3  }
0x1b5: {  	s14 =	simm.s32 $0x1000;
	s9 =	sadd.s32 s8, s9  }
0x1b6: {  	[hbm4b:s9+s2] =	stream.linear.scatter [tilespmem:s14], [sflag:$0x9], $0x800, $0x38;
	[tilespmem:$0x7800] =	vst v63  }
0x1b7: {  	p1 =	seq.s32 s18, $0xB;
	s9 =	sadd.s32 $0x2, s12  }
0x1b8: {  	s12 =	sshll.u32 @!p1 s9, $0xB  }
0x1b9: {  	s12 =	sadd.s32 @!p1 s6, s12  }
0x1ba: {  	s12 =	sshrl.u32 @!p1 s12, $0x3  }
0x1bb: {  	s15 =	simm.s32 @!p1 $0x0;
	s16 =	simm.s32 @!p1 $0x2800;
	s14 =	sadd.s32 @!p1 s5, s12  }
0x1bc: {  	[tilespmem:s16], [sflag:$0x7] =	stream.linear.gather @!p1 [hbm4b:s14+s15], $0x800, $0x38;
	[tilespmem:$0x7800] =	vst v63  }
0x1bd: {  	p2 =	sne.s32 s9, $0x18;
	s12 =	sadd.s32 @!p1 s7, s12  }
0x1be: {  	[tilespmem:s15], [sflag:$0x5] =	stream.linear.gather @!p1 [hbm4b:s12+s15], $0x800, $0x38;
	[tilespmem:$0x7800] =	vst v63  }
0x1bf: {  	s9 =	simm.s32 @!p2 $0x0;
	s14 =	rddreg [dreg:$0x7];
	s12 =	simm.s32 @!p2 $0x2800  }
0x1c0: {  	[tilespmem:s12], [sflag:$0x7] =	stream.linear.gather @!p2 [hbm4b:s14+s9], $0x350, $0x38;
	[tilespmem:$0x7800] =	vst v63  }
0x1c1: {  	s12 =	rddreg [dreg:$0x8]  }
0x1c2: {  	[tilespmem:s9], [sflag:$0x5] =	stream.linear.gather @!p2 [hbm4b:s12+s9], $0x350, $0x38;
	[tilespmem:$0x7800] =	vst v63  }
0x1c3: {  	_ =	swait.ge [sflag:s13], $0x800  }
0x1c4: {  	[sflag:s13] =	ssyncset.done $0x0  }
0x1c5: {  	[sflag:s13] =	ssyncadd.s32 $0xFFFFF800  }
0x1c6: {  	_ =	swait.ge [sflag:s17], $0x800  }
0x1c7: {  	[sflag:s17] =	ssyncset.done $0x0  }
0x1c8: {  	s9 =	simm.s32 @!p0 $0xA;
	[sflag:s17] =	ssyncadd.s32 $0xFFFFF800  }
0x1c9: {  	_ =	swait.ge @!p0 [sflag:s9], $0x800  }
0x1ca: {  	[sflag:s9] =	ssyncset.done @!p0 $0x0  }
0x1cb: {  	s16 =	simm.s32 $0x5800;
	s15 =	simm.s32 $0x3000;
	[sflag:s9] =	ssyncadd.s32 @!p0 $0xFFFFF800  }
0x1cc: {  	[tilespmem:s16], [sflag:$0x3] =	stream.indirect.gather [hbm4b:s3+s24], $0x20, s15, s24, $0xb8;
	[tilespmem:$0x7800] =	vst v63  }
0x1cd: {  	s19 =	simm.s32 $0x800;
	s20 =	simm.s32 $0x3800;
	s21 =	simm.s32 $0x3080  }
0x1ce: {  	[tilespmem:s20], [sflag:$0x1] =	stream.indirect.gather [hbm4b:s4+s24], $0x20, s19, s24, $0xb8;
	[tilespmem:$0x7800] =	vst v63  }
0x1cf: {  	s25 =	simm.s32 $0x880;
	s14 =	simm.s32 $0x1880;
	s26 =	rddreg [dreg:$0x2]  }
0x1d0: {  	[tilespmem:s29], [sflag:$0x4] =	stream.indirect.gather [hbm4b:s3+s24], $0x20, s21, s24, $0xb8;
	[tilespmem:$0x7800] =	vst v63  }
0x1d1: {  	s12 =	sadd.s32 s28, s26;
	s9 =	simm.s32 $0x1800;
	s16 =	simm.s32 $0x0  }
0x1d2: {  	[tilespmem:s30], [sflag:$0x2] =	stream.indirect.gather [hbm4b:s4+s24], $0x20, s25, s24, $0xb8;
	[tilespmem:$0x7800] =	vst v63  }
.LBB2_14:
0x1d3: {  	_ =	swait.ge [sflag:s31], $0x1000  }
0x1d4: {  	[sflag:s31] =	ssyncset.done $0x0  }
0x1d5: {  	[sflag:s31] =	ssyncadd.s32 $0xFFFFF000  }
0x1d6: {  	_ =	swait.ge [sflag:s0], $0x1000  }
0x1d7: {  	[sflag:s0] =	ssyncset.done $0x0  }
0x1d8: {  	s15 =	simm.s32 $0x0;
	[sflag:s0] =	ssyncadd.s32 $0xFFFFF000  }
0x1d9: {  	v16 =	vld [tilespmem:s15+$0x5800]  }
0x1da: {  	v17 =	vld [tilespmem:s15+$0x3800]  }
0x1db: {  	v19 =	vld [tilespmem:s15+$0x3810]  }
0x1dc: {  	v18 =	vld [tilespmem:s15+$0x5810];
	_ =	sdelay $0x1  }
0x1dd: {  	v20 =	vunpack.i.u.bf16.f32 v16  }
0x1de: {  	v16 =	vunpack.i.l.bf16.f32 v16;
	v21 =	vunpack.i.u.bf16.f32 v17;
	v17 =	vunpack.i.l.bf16.f32 v17  }
0x1df: {  	v63 =	vunpack.i.u.bf16.f32 v19;
	v19 =	vunpack.i.l.bf16.f32 v19;
	v16 =	vmul.f32 v17, v16  }
0x1e0: {  	v17 =	vmul.f32 v21, v20;
	v20 =	vunpack.i.u.bf16.f32 v18;
	v18 =	vunpack.i.l.bf16.f32 v18  }
0x1e1: {  	v18 =	vmul.f32 v19, v18;
	v19 =	vmul.f32 v63, v20;
	_ =	sdelay $0x1  }
0x1e2: {  	v16 =	vadd.f32 v16, v17;
	v17 =	vadd.f32 v18, v19;
	_ =	sdelay $0x1  }
0x1e3: {  	v16 =	vadd.f32 v17, v16  }
0x1e4: {  	s15 =	simm.s32 $0x2000  }
0x1e5: {  	s20 =	simm.s32 $0x20;
	[tilespmem:s15+$0x0] =	vst v16  }
0x1e6: {  	v18 =	vld [tilespmem:s20+$0x5800]  }
0x1e7: {  	v17 =	vld [tilespmem:s20+$0x3800]  }
0x1e8: {  	s19 =	simm.s32 $0x100;
	v16 =	vld [tilespmem:s20+$0x5810]  }
.LBB2_15:
0x1e9: {  	p0 =	sne.s32 s19, $0x3F80;
	v19 =	vld [tilespmem:s20+$0x3810];
	_ =	sdelay $0x1  }
0x1ea: {  	v20 =	vunpack.i.u.bf16.f32 v18  }
0x1eb: {  	v18 =	vunpack.i.l.bf16.f32 v18;
	v21 =	vunpack.i.u.bf16.f32 v17;
	v17 =	vunpack.i.l.bf16.f32 v17  }
0x1ec: {  	v17 =	vmul.f32 v17, v18;
	v18 =	vmul.f32 v21, v20;
	v20 =	vunpack.i.u.bf16.f32 v16  }
0x1ed: {  	v16 =	vunpack.i.l.bf16.f32 v16;
	v21 =	vunpack.i.u.bf16.f32 v19;
	v19 =	vunpack.i.l.bf16.f32 v19  }
0x1ee: {  	v16 =	vmul.f32 v19, v16;
	v19 =	vmul.f32 v21, v20;
	_ =	sdelay $0x1  }
0x1ef: {  	v17 =	vadd.f32 v17, v18;
	v16 =	vadd.f32 v16, v19;
	_ =	sdelay $0x1  }
0x1f0: {  	v16 =	vadd.f32 v16, v17  }
.Ltmp6:
0x1f1: {  	s15 =	sadd.s32 $0x10, s15;
	(pc) =	sbr.rel @p0 .LBB2_15-.Ltmp6, $4  }
0x1f2: {  	s20 =	sshra.s32 s19, $0x2;
	[tilespmem:s15+$0x0] =	vst v16  }
0x1f3: {  	v18 =	vld [tilespmem:s20+$0x5800]  }
0x1f4: {  	v17 =	vld [tilespmem:s20+$0x3800]  }
0x1f5: {  	s19 =	sadd.s32 $0x80, s19;
	v16 =	vld [tilespmem:s20+$0x5810]  }
0x1f6: {  	v19 =	vld [tilespmem:s20+$0x3810];
	_ =	sdelay $0x1  }
0x1f7: {  	v20 =	vunpack.i.u.bf16.f32 v18  }
0x1f8: {  	v18 =	vunpack.i.l.bf16.f32 v18;
	v21 =	vunpack.i.u.bf16.f32 v17;
	v17 =	vunpack.i.l.bf16.f32 v17  }
0x1f9: {  	v17 =	vmul.f32 v17, v18;
	v18 =	vmul.f32 v21, v20;
	v20 =	vunpack.i.u.bf16.f32 v16  }
0x1fa: {  	v16 =	vunpack.i.l.bf16.f32 v16;
	v49 =	vunpack.i.u.bf16.f32 v19;
	v19 =	vunpack.i.l.bf16.f32 v19  }
0x1fb: {  	v16 =	vmul.f32 v19, v16;
	v19 =	vmul.f32 v49, v20  }
0x1fc: {  	s19 =	simm.s32 $0x0  }
0x1fd: {  	v17 =	vadd.f32 v17, v18;
	v18 =	vor.u32 s19, v1;
	v16 =	vadd.f32 v16, v19  }
0x1fe: {  	v19 =	vor.u32 s19, v0  }
0x1ff: {  	v16 =	vadd.f32 v16, v17  }
0x200: {  	s15 =	sadd.s32 $0x10, s15;
	v17 =	vor.u32 s19, v2  }
0x201: {  	[tilespmem:s15+$0x0] =	vst v16  }
0x202: {  	v16 =	vld.idx.msk [tilespmem:v18+s1+$0x0], $0xffff;
	v18 =	vor.u32 s19, v3  }
0x203: {  	v19 =	vld.idx.msk [tilespmem:v19+s1+$0x0], $0xffff  }
0x204: {  	v20 =	vor.u32 s19, v4  }
0x205: {  	v17 =	vld.idx.msk [tilespmem:v17+s1+$0x0], $0xffff  }
0x206: {  	v50 =	vor.u32 s19, v5  }
0x207: {  	v18 =	vld.idx.msk [tilespmem:v18+s1+$0x0], $0xffff  }
0x208: {  	v22 =	vor.u32 s19, v6;
	v16 =	vadd.f32 v16, v19  }
0x209: {  	v19 =	vld.idx.msk [tilespmem:v20+s1+$0x0], $0xffff  }
0x20a: {  	v20 =	vor.u32 s19, v7;
	v16 =	vadd.f32 v17, v16  }
0x20b: {  	v17 =	vld.idx.msk [tilespmem:v50+s1+$0x0], $0xffff  }
0x20c: {  	v51 =	vor.u32 s19, v8;
	v16 =	vadd.f32 v18, v16  }
0x20d: {  	v18 =	vld.idx.msk [tilespmem:v22+s1+$0x0], $0xffff  }
0x20e: {  	v52 =	vor.u32 s19, v9;
	v16 =	vadd.f32 v19, v16  }
0x20f: {  	v19 =	vld.idx.msk [tilespmem:v20+s1+$0x0], $0xffff  }
0x210: {  	v20 =	vor.u32 s19, v10;
	v16 =	vadd.f32 v17, v16  }
0x211: {  	v17 =	vld.idx.msk [tilespmem:v51+s1+$0x0], $0xffff  }
0x212: {  	v53 =	vor.u32 s19, v11;
	v16 =	vadd.f32 v18, v16  }
0x213: {  	v18 =	vld.idx.msk [tilespmem:v52+s1+$0x0], $0xffff  }
0x214: {  	v54 =	vor.u32 s19, v12;
	v16 =	vadd.f32 v19, v16  }
0x215: {  	v19 =	vld.idx.msk [tilespmem:v20+s1+$0x0], $0xffff  }
0x216: {  	v20 =	vor.u32 s19, v13;
	v16 =	vadd.f32 v17, v16  }
0x217: {  	v17 =	vld.idx.msk [tilespmem:v53+s1+$0x0], $0xffff  }
0x218: {  	v55 =	vor.u32 s19, v14;
	v16 =	vadd.f32 v18, v16  }
0x219: {  	v18 =	vld.idx.msk [tilespmem:v54+s1+$0x0], $0xffff  }
0x21a: {  	v56 =	vor.u32 s19, v15;
	v16 =	vadd.f32 v19, v16  }
0x21b: {  	v19 =	vld.idx.msk [tilespmem:v20+s1+$0x0], $0xffff  }
0x21c: {  	v16 =	vadd.f32 v17, v16  }
0x21d: {  	v17 =	vld.idx.msk [tilespmem:v55+s1+$0x0], $0xffff  }
0x21e: {  	v16 =	vadd.f32 v18, v16  }
0x21f: {  	v18 =	vld.idx.msk [tilespmem:v56+s1+$0x0], $0xffff  }
0x220: {  	v16 =	vadd.f32 v19, v16  }
0x221: {  	s26 =	simm.s32 $0x100  }
0x222: {  	v19 =	vor.u32 s26, v1;
	v16 =	vadd.f32 v17, v16  }
0x223: {  	v17 =	vor.u32 s26, v0  }
0x224: {  	v16 =	vadd.f32 v18, v16  }
0x225: {  	v18 =	vor.u32 s26, v2  }
0x226: {  	[tilespmem:s9+$0x0] =	vst v16  }
0x227: {  	v16 =	vld.idx.msk [tilespmem:v19+s1+$0x0], $0xffff;
	v19 =	vor.u32 s26, v3  }
0x228: {  	v17 =	vld.idx.msk [tilespmem:v17+s1+$0x0], $0xffff  }
0x229: {  	v20 =	vor.u32 s26, v4  }
0x22a: {  	v18 =	vld.idx.msk [tilespmem:v18+s1+$0x0], $0xffff  }
0x22b: {  	v57 =	vor.u32 s26, v5  }
0x22c: {  	v19 =	vld.idx.msk [tilespmem:v19+s1+$0x0], $0xffff  }
0x22d: {  	v58 =	vor.u32 s26, v6;
	v16 =	vadd.f32 v16, v17  }
0x22e: {  	v17 =	vld.idx.msk [tilespmem:v20+s1+$0x0], $0xffff  }
0x22f: {  	v20 =	vor.u32 s26, v7;
	v16 =	vadd.f32 v18, v16  }
0x230: {  	v18 =	vld.idx.msk [tilespmem:v57+s1+$0x0], $0xffff  }
0x231: {  	v59 =	vor.u32 s26, v8;
	v16 =	vadd.f32 v19, v16  }
0x232: {  	v19 =	vld.idx.msk [tilespmem:v58+s1+$0x0], $0xffff  }
0x233: {  	v60 =	vor.u32 s26, v9;
	v16 =	vadd.f32 v17, v16  }
0x234: {  	v17 =	vld.idx.msk [tilespmem:v20+s1+$0x0], $0xffff  }
0x235: {  	v20 =	vor.u32 s26, v10;
	v16 =	vadd.f32 v18, v16  }
0x236: {  	v18 =	vld.idx.msk [tilespmem:v59+s1+$0x0], $0xffff  }
0x237: {  	v61 =	vor.u32 s26, v11;
	v16 =	vadd.f32 v19, v16  }
0x238: {  	v19 =	vld.idx.msk [tilespmem:v60+s1+$0x0], $0xffff  }
0x239: {  	v16 =	vadd.f32 v17, v16  }
0x23a: {  	v17 =	vld.idx.msk [tilespmem:v20+s1+$0x0], $0xffff  }
0x23b: {  	v62 =	vor.u32 s26, v12;
	v16 =	vadd.f32 v18, v16  }
0x23c: {  	v18 =	vld.idx.msk [tilespmem:v61+s1+$0x0], $0xffff  }
0x23d: {  	v20 =	vor.u32 s26, v13;
	v16 =	vadd.f32 v19, v16;
	_ =	sdelay $0x1  }
0x23e: {  	v63 =	vor.u32 s26, v14;
	v16 =	vadd.f32 v17, v16  }
0x23f: {  	v19 =	vld.idx.msk [tilespmem:v62+s1+$0x0], $0xffff  }
0x240: {  	v16 =	vadd.f32 v18, v16;
	v18 =	vor.u32 s26, v15  }
0x241: {  	v17 =	vld.idx.msk [tilespmem:v20+s1+$0x0], $0xffff;
	_ =	sdelay $0x1  }
0x242: {  	v20 =	vld.idx.msk [tilespmem:v63+s1+$0x0], $0xffff  }
0x243: {  	v16 =	vadd.f32 v19, v16  }
0x244: {  	v18 =	vld.idx.msk [tilespmem:v18+s1+$0x0], $0xffff  }
0x245: {  	v17 =	vadd.f32 v17, v16  }
0x246: {  	s15 =	simm.s32 $0x200  }
0x247: {  	v16 =	vor.u32 s15, v1;
	v19 =	vadd.f32 v20, v17  }
0x248: {  	s20 =	simm.s32 $0x300;
	s19 =	smov.u32 s9;
	v17 =	vor.u32 s15, v0  }
.LBB2_17:
0x249: {  	p0 =	sne.s32 s20, $0x700;
	v18 =	vadd.f32 v18, v19  }
0x24a: {  	v19 =	vor.u32 s15, v2;
	s19 =	sadd.s32 $0x10, s19  }
0x24b: {  	[tilespmem:s19+$0x0] =	vst v18  }
0x24c: {  	v18 =	vor.u32 s15, v3;
	v16 =	vld.idx.msk [tilespmem:v16+s1+$0x0], $0xffff  }
0x24d: {  	v17 =	vld.idx.msk [tilespmem:v17+s1+$0x0], $0xffff  }
0x24e: {  	v20 =	vor.u32 s15, v4  }
0x24f: {  	v19 =	vld.idx.msk [tilespmem:v19+s1+$0x0], $0xffff  }
0x250: {  	v21 =	vor.u32 s15, v5  }
0x251: {  	v18 =	vld.idx.msk [tilespmem:v18+s1+$0x0], $0xffff  }
0x252: {  	v22 =	vor.u32 s15, v6  }
0x253: {  	v16 =	vadd.f32 v16, v17;
	v17 =	vld.idx.msk [tilespmem:v20+s1+$0x0], $0xffff  }
0x254: {  	v20 =	vor.u32 s15, v7  }
0x255: {  	v16 =	vadd.f32 v19, v16;
	v19 =	vld.idx.msk [tilespmem:v21+s1+$0x0], $0xffff  }
0x256: {  	v21 =	vor.u32 s15, v8  }
0x257: {  	v16 =	vadd.f32 v18, v16;
	v18 =	vld.idx.msk [tilespmem:v22+s1+$0x0], $0xffff  }
0x258: {  	v22 =	vor.u32 s15, v9  }
0x259: {  	v16 =	vadd.f32 v17, v16;
	v17 =	vld.idx.msk [tilespmem:v20+s1+$0x0], $0xffff  }
0x25a: {  	v20 =	vor.u32 s15, v10  }
0x25b: {  	v16 =	vadd.f32 v19, v16;
	v19 =	vld.idx.msk [tilespmem:v21+s1+$0x0], $0xffff  }
0x25c: {  	v21 =	vor.u32 s15, v11  }
0x25d: {  	v16 =	vadd.f32 v18, v16;
	v18 =	vld.idx.msk [tilespmem:v22+s1+$0x0], $0xffff  }
0x25e: {  	v22 =	vor.u32 s15, v12  }
0x25f: {  	v16 =	vadd.f32 v17, v16;
	v17 =	vld.idx.msk [tilespmem:v20+s1+$0x0], $0xffff  }
0x260: {  	v20 =	vor.u32 s15, v13  }
0x261: {  	v16 =	vadd.f32 v19, v16;
	v19 =	vld.idx.msk [tilespmem:v21+s1+$0x0], $0xffff  }
0x262: {  	v21 =	vor.u32 s15, v14  }
0x263: {  	v16 =	vadd.f32 v18, v16;
	v18 =	vld.idx.msk [tilespmem:v22+s1+$0x0], $0xffff  }
0x264: {  	v22 =	vor.u32 s15, v15;
	s15 =	smov.u32 s20  }
0x265: {  	v16 =	vadd.f32 v17, v16;
	v17 =	vld.idx.msk [tilespmem:v20+s1+$0x0], $0xffff;
	_ =	sdelay $0x1  }
0x266: {  	v16 =	vadd.f32 v19, v16;
	v19 =	vld.idx.msk [tilespmem:v21+s1+$0x0], $0xffff;
	_ =	sdelay $0x1  }
0x267: {  	v16 =	vadd.f32 v18, v16;
	v18 =	vld.idx.msk [tilespmem:v22+s1+$0x0], $0xffff  }
.Ltmp7:
0x268: {  	(pc) =	sbr.rel @p0 .LBB2_17-.Ltmp7, $3  }
0x269: {  	v17 =	vadd.f32 v17, v16;
	_ =	sdelay $0x1  }
0x26a: {  	v16 =	vor.u32 s20, v1;
	v19 =	vadd.f32 v19, v17  }
0x26b: {  	s20 =	sadd.s32 $0x100, s20;
	v17 =	vor.u32 s15, v0  }
0x26c: {  	_ = 	snop  }
0x26d: {  	v18 =	vadd.f32 v18, v19  }
0x26e: {  	v19 =	vor.u32 s15, v2;
	s19 =	sadd.s32 $0x10, s19  }
0x26f: {  	[tilespmem:s19+$0x0] =	vst v18  }
0x270: {  	v18 =	vor.u32 s15, v3;
	v16 =	vld.idx.msk [tilespmem:v16+s1+$0x0], $0xffff  }
0x271: {  	v17 =	vld.idx.msk [tilespmem:v17+s1+$0x0], $0xffff  }
0x272: {  	v20 =	vor.u32 s15, v4  }
0x273: {  	v19 =	vld.idx.msk [tilespmem:v19+s1+$0x0], $0xffff  }
0x274: {  	v21 =	vor.u32 s15, v5  }
0x275: {  	v18 =	vld.idx.msk [tilespmem:v18+s1+$0x0], $0xffff  }
0x276: {  	v22 =	vor.u32 s15, v6;
	v16 =	vadd.f32 v16, v17  }
0x277: {  	v17 =	vld.idx.msk [tilespmem:v20+s1+$0x0], $0xffff  }
0x278: {  	v20 =	vor.u32 s15, v7;
	v16 =	vadd.f32 v19, v16  }
0x279: {  	v19 =	vld.idx.msk [tilespmem:v21+s1+$0x0], $0xffff  }
0x27a: {  	v56 =	vor.u32 s15, v8;
	v16 =	vadd.f32 v18, v16  }
0x27b: {  	v18 =	vld.idx.msk [tilespmem:v22+s1+$0x0], $0xffff  }
0x27c: {  	v57 =	vor.u32 s15, v9;
	v16 =	vadd.f32 v17, v16  }
0x27d: {  	v17 =	vld.idx.msk [tilespmem:v20+s1+$0x0], $0xffff  }
0x27e: {  	v20 =	vor.u32 s15, v10;
	v16 =	vadd.f32 v19, v16  }
0x27f: {  	v19 =	vld.idx.msk [tilespmem:v56+s1+$0x0], $0xffff  }
0x280: {  	v58 =	vor.u32 s15, v11;
	v16 =	vadd.f32 v18, v16  }
0x281: {  	v18 =	vld.idx.msk [tilespmem:v57+s1+$0x0], $0xffff  }
0x282: {  	v59 =	vor.u32 s15, v12;
	v16 =	vadd.f32 v17, v16  }
0x283: {  	v17 =	vld.idx.msk [tilespmem:v20+s1+$0x0], $0xffff  }
0x284: {  	v20 =	vor.u32 s15, v13;
	v16 =	vadd.f32 v19, v16  }
0x285: {  	v19 =	vld.idx.msk [tilespmem:v58+s1+$0x0], $0xffff  }
0x286: {  	v60 =	vor.u32 s15, v14;
	v16 =	vadd.f32 v18, v16  }
0x287: {  	v18 =	vld.idx.msk [tilespmem:v59+s1+$0x0], $0xffff  }
0x288: {  	v61 =	vor.u32 s15, v15;
	v16 =	vadd.f32 v17, v16  }
0x289: {  	v17 =	vld.idx.msk [tilespmem:v20+s1+$0x0], $0xffff  }
0x28a: {  	v16 =	vadd.f32 v19, v16  }
0x28b: {  	v19 =	vld.idx.msk [tilespmem:v60+s1+$0x0], $0xffff  }
0x28c: {  	v16 =	vadd.f32 v18, v16  }
0x28d: {  	v18 =	vld.idx.msk [tilespmem:v61+s1+$0x0], $0xffff  }
0x28e: {  	v16 =	vadd.f32 v17, v16;
	_ =	sdelay $0x1  }
0x28f: {  	v16 =	vadd.f32 v19, v16;
	_ =	sdelay $0x1  }
0x290: {  	v16 =	vadd.f32 v18, v16  }
0x291: {  	p0 =	seq.s32 s16, $0x7;
	s19 =	sadd.s32 $0x10, s19;
	s15 =	sshll.u32 s16, $0x8  }
0x292: {  	s20 =	simm.s32 @!p0 $0x80;
	s21 =	simm.s32 @!p0 $0x5800;
	[tilespmem:s19+$0x0] =	vst v16;
	s19 =	sadd.s32 @!p0 $0x3100, s15  }
0x293: {  	[tilespmem:s21], [sflag:$0x3] =	stream.indirect.gather @!p0 [hbm4b:s3+s20], $0x20, s19, s20, $0xb8;
	[tilespmem:$0x7800] =	vst v63  }
0x294: {  	s19 =	sadd.s32 @!p0 $0x900, s15;
	s21 =	simm.s32 @!p0 $0x3800  }
0x295: {  	[tilespmem:s21], [sflag:$0x1] =	stream.indirect.gather @!p0 [hbm4b:s4+s20], $0x20, s19, s20, $0xb8;
	[tilespmem:$0x7800] =	vst v63  }
0x296: {  	_ =	swait.ge [sflag:s10], $0x1000  }
0x297: {  	[sflag:s10] =	ssyncset.done $0x0  }
0x298: {  	[sflag:s10] =	ssyncadd.s32 $0xFFFFF000  }
0x299: {  	_ =	swait.ge [sflag:s11], $0x1000  }
0x29a: {  	[sflag:s11] =	ssyncset.done $0x0  }
0x29b: {  	s26 =	simm.s32 $0x0;
	[sflag:s11] =	ssyncadd.s32 $0xFFFFF000  }
0x29c: {  	v16 =	vld [tilespmem:s26+$0x6800]  }
0x29d: {  	v17 =	vld [tilespmem:s26+$0x4800]  }
0x29e: {  	v19 =	vld [tilespmem:s26+$0x4810]  }
0x29f: {  	v18 =	vld [tilespmem:s26+$0x6810];
	_ =	sdelay $0x1  }
0x2a0: {  	v20 =	vunpack.i.u.bf16.f32 v16  }
0x2a1: {  	v16 =	vunpack.i.l.bf16.f32 v16;
	v62 =	vunpack.i.u.bf16.f32 v17;
	v17 =	vunpack.i.l.bf16.f32 v17  }
0x2a2: {  	v63 =	vunpack.i.u.bf16.f32 v19;
	v19 =	vunpack.i.l.bf16.f32 v19;
	v16 =	vmul.f32 v17, v16  }
0x2a3: {  	v17 =	vmul.f32 v62, v20;
	v20 =	vunpack.i.u.bf16.f32 v18;
	v18 =	vunpack.i.l.bf16.f32 v18  }
0x2a4: {  	v18 =	vmul.f32 v19, v18;
	v19 =	vmul.f32 v63, v20;
	_ =	sdelay $0x1  }
0x2a5: {  	v16 =	vadd.f32 v16, v17;
	v17 =	vadd.f32 v18, v19;
	_ =	sdelay $0x1  }
0x2a6: {  	v16 =	vadd.f32 v17, v16  }
0x2a7: {  	s20 =	simm.s32 $0x2000  }
0x2a8: {  	s25 =	simm.s32 $0x20;
	[tilespmem:s20+$0x0] =	vst v16  }
0x2a9: {  	v18 =	vld [tilespmem:s25+$0x6800]  }
0x2aa: {  	v17 =	vld [tilespmem:s25+$0x4800]  }
0x2ab: {  	s19 =	simm.s32 $0x0;
	s21 =	simm.s32 $0x100;
	v16 =	vld [tilespmem:s25+$0x6810]  }
.LBB2_19:
0x2ac: {  	p2 =	sne.s32 s21, $0x3F80;
	v19 =	vld [tilespmem:s25+$0x4810];
	_ =	sdelay $0x1  }
0x2ad: {  	v20 =	vunpack.i.u.bf16.f32 v18  }
0x2ae: {  	v18 =	vunpack.i.l.bf16.f32 v18;
	v21 =	vunpack.i.u.bf16.f32 v17;
	v17 =	vunpack.i.l.bf16.f32 v17  }
0x2af: {  	v17 =	vmul.f32 v17, v18;
	v18 =	vmul.f32 v21, v20;
	v20 =	vunpack.i.u.bf16.f32 v16  }
0x2b0: {  	v16 =	vunpack.i.l.bf16.f32 v16;
	v21 =	vunpack.i.u.bf16.f32 v19;
	v19 =	vunpack.i.l.bf16.f32 v19  }
0x2b1: {  	v16 =	vmul.f32 v19, v16;
	v19 =	vmul.f32 v21, v20;
	_ =	sdelay $0x1  }
0x2b2: {  	v17 =	vadd.f32 v17, v18;
	v16 =	vadd.f32 v16, v19;
	_ =	sdelay $0x1  }
0x2b3: {  	v16 =	vadd.f32 v16, v17  }
.Ltmp8:
0x2b4: {  	s20 =	sadd.s32 $0x10, s20;
	(pc) =	sbr.rel @p2 .LBB2_19-.Ltmp8, $4  }
0x2b5: {  	s25 =	sshra.s32 s21, $0x2;
	[tilespmem:s20+$0x0] =	vst v16  }
0x2b6: {  	v18 =	vld [tilespmem:s25+$0x6800]  }
0x2b7: {  	v17 =	vld [tilespmem:s25+$0x4800]  }
0x2b8: {  	s21 =	sadd.s32 $0x80, s21;
	v16 =	vld [tilespmem:s25+$0x6810]  }
0x2b9: {  	v19 =	vld [tilespmem:s25+$0x4810];
	_ =	sdelay $0x1  }
0x2ba: {  	v20 =	vunpack.i.u.bf16.f32 v18  }
0x2bb: {  	v18 =	vunpack.i.l.bf16.f32 v18;
	v21 =	vunpack.i.u.bf16.f32 v17;
	v17 =	vunpack.i.l.bf16.f32 v17  }
0x2bc: {  	v17 =	vmul.f32 v17, v18;
	v18 =	vmul.f32 v21, v20;
	v20 =	vunpack.i.u.bf16.f32 v16  }
0x2bd: {  	v16 =	vunpack.i.l.bf16.f32 v16;
	v49 =	vunpack.i.u.bf16.f32 v19;
	v19 =	vunpack.i.l.bf16.f32 v19  }
0x2be: {  	v16 =	vmul.f32 v19, v16;
	v19 =	vmul.f32 v49, v20;
	_ =	sdelay $0x1  }
0x2bf: {  	v17 =	vadd.f32 v17, v18;
	v18 =	vor.u32 s19, v1;
	v16 =	vadd.f32 v16, v19  }
0x2c0: {  	v19 =	vor.u32 s19, v0  }
0x2c1: {  	v16 =	vadd.f32 v16, v17  }
0x2c2: {  	s20 =	sadd.s32 $0x10, s20;
	v17 =	vor.u32 s19, v2  }
0x2c3: {  	[tilespmem:s20+$0x0] =	vst v16  }
0x2c4: {  	v16 =	vld.idx.msk [tilespmem:v18+s1+$0x0], $0xffff;
	v18 =	vor.u32 s19, v3  }
0x2c5: {  	v19 =	vld.idx.msk [tilespmem:v19+s1+$0x0], $0xffff  }
0x2c6: {  	v20 =	vor.u32 s19, v4  }
0x2c7: {  	v17 =	vld.idx.msk [tilespmem:v17+s1+$0x0], $0xffff  }
0x2c8: {  	v50 =	vor.u32 s19, v5  }
0x2c9: {  	v18 =	vld.idx.msk [tilespmem:v18+s1+$0x0], $0xffff  }
0x2ca: {  	v22 =	vor.u32 s19, v6;
	v16 =	vadd.f32 v16, v19  }
0x2cb: {  	v19 =	vld.idx.msk [tilespmem:v20+s1+$0x0], $0xffff  }
0x2cc: {  	v20 =	vor.u32 s19, v7;
	v16 =	vadd.f32 v17, v16  }
0x2cd: {  	v17 =	vld.idx.msk [tilespmem:v50+s1+$0x0], $0xffff  }
0x2ce: {  	v51 =	vor.u32 s19, v8;
	v16 =	vadd.f32 v18, v16  }
0x2cf: {  	v18 =	vld.idx.msk [tilespmem:v22+s1+$0x0], $0xffff  }
0x2d0: {  	v52 =	vor.u32 s19, v9;
	v16 =	vadd.f32 v19, v16  }
0x2d1: {  	v19 =	vld.idx.msk [tilespmem:v20+s1+$0x0], $0xffff  }
0x2d2: {  	v20 =	vor.u32 s19, v10;
	v16 =	vadd.f32 v17, v16  }
0x2d3: {  	v17 =	vld.idx.msk [tilespmem:v51+s1+$0x0], $0xffff  }
0x2d4: {  	v53 =	vor.u32 s19, v11;
	v16 =	vadd.f32 v18, v16  }
0x2d5: {  	v18 =	vld.idx.msk [tilespmem:v52+s1+$0x0], $0xffff  }
0x2d6: {  	v54 =	vor.u32 s19, v12;
	v16 =	vadd.f32 v19, v16  }
0x2d7: {  	v19 =	vld.idx.msk [tilespmem:v20+s1+$0x0], $0xffff  }
0x2d8: {  	v20 =	vor.u32 s19, v13;
	v16 =	vadd.f32 v17, v16  }
0x2d9: {  	v17 =	vld.idx.msk [tilespmem:v53+s1+$0x0], $0xffff  }
0x2da: {  	v55 =	vor.u32 s19, v14;
	v16 =	vadd.f32 v18, v16  }
0x2db: {  	v18 =	vld.idx.msk [tilespmem:v54+s1+$0x0], $0xffff  }
0x2dc: {  	v56 =	vor.u32 s19, v15;
	v16 =	vadd.f32 v19, v16  }
0x2dd: {  	v19 =	vld.idx.msk [tilespmem:v20+s1+$0x0], $0xffff  }
0x2de: {  	v16 =	vadd.f32 v17, v16  }
0x2df: {  	v17 =	vld.idx.msk [tilespmem:v55+s1+$0x0], $0xffff  }
0x2e0: {  	v16 =	vadd.f32 v18, v16  }
0x2e1: {  	v18 =	vld.idx.msk [tilespmem:v56+s1+$0x0], $0xffff  }
0x2e2: {  	v16 =	vadd.f32 v19, v16  }
0x2e3: {  	s26 =	simm.s32 $0x100  }
0x2e4: {  	v19 =	vor.u32 s26, v1;
	v16 =	vadd.f32 v17, v16  }
0x2e5: {  	v17 =	vor.u32 s26, v0  }
0x2e6: {  	v16 =	vadd.f32 v18, v16  }
0x2e7: {  	v18 =	vor.u32 s26, v2  }
0x2e8: {  	[tilespmem:s14+$0x0] =	vst v16  }
0x2e9: {  	v16 =	vld.idx.msk [tilespmem:v19+s1+$0x0], $0xffff;
	v19 =	vor.u32 s26, v3  }
0x2ea: {  	v17 =	vld.idx.msk [tilespmem:v17+s1+$0x0], $0xffff  }
0x2eb: {  	v20 =	vor.u32 s26, v4  }
0x2ec: {  	v18 =	vld.idx.msk [tilespmem:v18+s1+$0x0], $0xffff  }
0x2ed: {  	v57 =	vor.u32 s26, v5  }
0x2ee: {  	v19 =	vld.idx.msk [tilespmem:v19+s1+$0x0], $0xffff  }
0x2ef: {  	v58 =	vor.u32 s26, v6;
	v16 =	vadd.f32 v16, v17  }
0x2f0: {  	v17 =	vld.idx.msk [tilespmem:v20+s1+$0x0], $0xffff  }
0x2f1: {  	v20 =	vor.u32 s26, v7;
	v16 =	vadd.f32 v18, v16  }
0x2f2: {  	v18 =	vld.idx.msk [tilespmem:v57+s1+$0x0], $0xffff  }
0x2f3: {  	v59 =	vor.u32 s26, v8;
	v16 =	vadd.f32 v19, v16  }
0x2f4: {  	v19 =	vld.idx.msk [tilespmem:v58+s1+$0x0], $0xffff  }
0x2f5: {  	v60 =	vor.u32 s26, v9;
	v16 =	vadd.f32 v17, v16  }
0x2f6: {  	v17 =	vld.idx.msk [tilespmem:v20+s1+$0x0], $0xffff  }
0x2f7: {  	v20 =	vor.u32 s26, v10;
	v16 =	vadd.f32 v18, v16  }
0x2f8: {  	v18 =	vld.idx.msk [tilespmem:v59+s1+$0x0], $0xffff  }
0x2f9: {  	v61 =	vor.u32 s26, v11;
	v16 =	vadd.f32 v19, v16  }
0x2fa: {  	v19 =	vld.idx.msk [tilespmem:v60+s1+$0x0], $0xffff  }
0x2fb: {  	v16 =	vadd.f32 v17, v16  }
0x2fc: {  	v17 =	vld.idx.msk [tilespmem:v20+s1+$0x0], $0xffff  }
0x2fd: {  	v62 =	vor.u32 s26, v12;
	v16 =	vadd.f32 v18, v16  }
0x2fe: {  	v18 =	vld.idx.msk [tilespmem:v61+s1+$0x0], $0xffff  }
0x2ff: {  	v20 =	vor.u32 s26, v13;
	v16 =	vadd.f32 v19, v16;
	_ =	sdelay $0x1  }
0x300: {  	v63 =	vor.u32 s26, v14;
	v16 =	vadd.f32 v17, v16  }
0x301: {  	v19 =	vld.idx.msk [tilespmem:v62+s1+$0x0], $0xffff  }
0x302: {  	v16 =	vadd.f32 v18, v16;
	v18 =	vor.u32 s26, v15  }
0x303: {  	v17 =	vld.idx.msk [tilespmem:v20+s1+$0x0], $0xffff;
	_ =	sdelay $0x1  }
0x304: {  	v20 =	vld.idx.msk [tilespmem:v63+s1+$0x0], $0xffff  }
0x305: {  	v16 =	vadd.f32 v19, v16  }
0x306: {  	v18 =	vld.idx.msk [tilespmem:v18+s1+$0x0], $0xffff  }
0x307: {  	v17 =	vadd.f32 v17, v16  }
0x308: {  	s19 =	simm.s32 $0x200  }
0x309: {  	v16 =	vor.u32 s19, v1;
	v19 =	vadd.f32 v20, v17  }
0x30a: {  	s21 =	simm.s32 $0x300;
	s20 =	smov.u32 s14;
	v17 =	vor.u32 s19, v0  }
.LBB2_21:
0x30b: {  	p2 =	sne.s32 s21, $0x700;
	v18 =	vadd.f32 v18, v19  }
0x30c: {  	v19 =	vor.u32 s19, v2;
	s20 =	sadd.s32 $0x10, s20  }
0x30d: {  	[tilespmem:s20+$0x0] =	vst v18  }
0x30e: {  	v18 =	vor.u32 s19, v3;
	v16 =	vld.idx.msk [tilespmem:v16+s1+$0x0], $0xffff  }
0x30f: {  	v17 =	vld.idx.msk [tilespmem:v17+s1+$0x0], $0xffff  }
0x310: {  	v20 =	vor.u32 s19, v4  }
0x311: {  	v19 =	vld.idx.msk [tilespmem:v19+s1+$0x0], $0xffff  }
0x312: {  	v21 =	vor.u32 s19, v5  }
0x313: {  	v18 =	vld.idx.msk [tilespmem:v18+s1+$0x0], $0xffff  }
0x314: {  	v22 =	vor.u32 s19, v6  }
0x315: {  	v16 =	vadd.f32 v16, v17;
	v17 =	vld.idx.msk [tilespmem:v20+s1+$0x0], $0xffff  }
0x316: {  	v20 =	vor.u32 s19, v7  }
0x317: {  	v16 =	vadd.f32 v19, v16;
	v19 =	vld.idx.msk [tilespmem:v21+s1+$0x0], $0xffff  }
0x318: {  	v21 =	vor.u32 s19, v8  }
0x319: {  	v16 =	vadd.f32 v18, v16;
	v18 =	vld.idx.msk [tilespmem:v22+s1+$0x0], $0xffff  }
0x31a: {  	v22 =	vor.u32 s19, v9  }
0x31b: {  	v16 =	vadd.f32 v17, v16;
	v17 =	vld.idx.msk [tilespmem:v20+s1+$0x0], $0xffff  }
0x31c: {  	v20 =	vor.u32 s19, v10  }
0x31d: {  	v16 =	vadd.f32 v19, v16;
	v19 =	vld.idx.msk [tilespmem:v21+s1+$0x0], $0xffff  }
0x31e: {  	v21 =	vor.u32 s19, v11  }
0x31f: {  	v16 =	vadd.f32 v18, v16;
	v18 =	vld.idx.msk [tilespmem:v22+s1+$0x0], $0xffff  }
0x320: {  	v22 =	vor.u32 s19, v12  }
0x321: {  	v16 =	vadd.f32 v17, v16;
	v17 =	vld.idx.msk [tilespmem:v20+s1+$0x0], $0xffff  }
0x322: {  	v20 =	vor.u32 s19, v13  }
0x323: {  	v16 =	vadd.f32 v19, v16;
	v19 =	vld.idx.msk [tilespmem:v21+s1+$0x0], $0xffff  }
0x324: {  	v21 =	vor.u32 s19, v14  }
0x325: {  	v16 =	vadd.f32 v18, v16;
	v18 =	vld.idx.msk [tilespmem:v22+s1+$0x0], $0xffff  }
0x326: {  	v22 =	vor.u32 s19, v15;
	s19 =	smov.u32 s21  }
0x327: {  	v16 =	vadd.f32 v17, v16;
	v17 =	vld.idx.msk [tilespmem:v20+s1+$0x0], $0xffff;
	_ =	sdelay $0x1  }
0x328: {  	v16 =	vadd.f32 v19, v16;
	v19 =	vld.idx.msk [tilespmem:v21+s1+$0x0], $0xffff;
	_ =	sdelay $0x1  }
0x329: {  	v16 =	vadd.f32 v18, v16;
	v18 =	vld.idx.msk [tilespmem:v22+s1+$0x0], $0xffff  }
.Ltmp9:
0x32a: {  	(pc) =	sbr.rel @p2 .LBB2_21-.Ltmp9, $3  }
0x32b: {  	v17 =	vadd.f32 v17, v16;
	_ =	sdelay $0x1  }
0x32c: {  	v16 =	vor.u32 s21, v1;
	v19 =	vadd.f32 v19, v17  }
0x32d: {  	s21 =	sadd.s32 $0x100, s21;
	v17 =	vor.u32 s19, v0  }
0x32e: {  	_ = 	snop  }
0x32f: {  	v18 =	vadd.f32 v18, v19  }
0x330: {  	v45 =	vor.u32 s19, v2;
	s20 =	sadd.s32 $0x10, s20  }
0x331: {  	[tilespmem:s20+$0x0] =	vst v18  }
0x332: {  	v46 =	vor.u32 s19, v3;
	v16 =	vld.idx.msk [tilespmem:v16+s1+$0x0], $0xffff  }
0x333: {  	v17 =	vld.idx.msk [tilespmem:v17+s1+$0x0], $0xffff  }
0x334: {  	v20 =	vor.u32 s19, v4  }
0x335: {  	v19 =	vld.idx.msk [tilespmem:v45+s1+$0x0], $0xffff  }
0x336: {  	v21 =	vor.u32 s19, v5  }
0x337: {  	v18 =	vld.idx.msk [tilespmem:v46+s1+$0x0], $0xffff  }
0x338: {  	v22 =	vor.u32 s19, v6;
	v16 =	vadd.f32 v16, v17  }
0x339: {  	v17 =	vld.idx.msk [tilespmem:v20+s1+$0x0], $0xffff  }
0x33a: {  	v47 =	vor.u32 s19, v7;
	v16 =	vadd.f32 v19, v16  }
0x33b: {  	v48 =	vld.idx.msk [tilespmem:v21+s1+$0x0], $0xffff  }
0x33c: {  	v49 =	vor.u32 s19, v8;
	v16 =	vadd.f32 v18, v16  }
0x33d: {  	v50 =	vld.idx.msk [tilespmem:v22+s1+$0x0], $0xffff  }
0x33e: {  	v51 =	vor.u32 s19, v9;
	v16 =	vadd.f32 v17, v16  }
0x33f: {  	v17 =	vld.idx.msk [tilespmem:v47+s1+$0x0], $0xffff  }
0x340: {  	v52 =	vor.u32 s19, v10;
	v16 =	vadd.f32 v48, v16  }
0x341: {  	v53 =	vld.idx.msk [tilespmem:v49+s1+$0x0], $0xffff  }
0x342: {  	v54 =	vor.u32 s19, v11;
	v16 =	vadd.f32 v50, v16  }
0x343: {  	v55 =	vld.idx.msk [tilespmem:v51+s1+$0x0], $0xffff  }
0x344: {  	v56 =	vor.u32 s19, v12;
	v16 =	vadd.f32 v17, v16  }
0x345: {  	v17 =	vld.idx.msk [tilespmem:v52+s1+$0x0], $0xffff  }
0x346: {  	v57 =	vor.u32 s19, v13;
	v16 =	vadd.f32 v53, v16  }
0x347: {  	v58 =	vld.idx.msk [tilespmem:v54+s1+$0x0], $0xffff  }
0x348: {  	v59 =	vor.u32 s19, v14;
	v16 =	vadd.f32 v55, v16  }
0x349: {  	v60 =	vld.idx.msk [tilespmem:v56+s1+$0x0], $0xffff  }
0x34a: {  	v61 =	vor.u32 s19, v15;
	v16 =	vadd.f32 v17, v16  }
0x34b: {  	v17 =	vld.idx.msk [tilespmem:v57+s1+$0x0], $0xffff  }
0x34c: {  	v16 =	vadd.f32 v58, v16  }
0x34d: {  	v62 =	vld.idx.msk [tilespmem:v59+s1+$0x0], $0xffff  }
0x34e: {  	v16 =	vadd.f32 v60, v16  }
0x34f: {  	v63 =	vld.idx.msk [tilespmem:v61+s1+$0x0], $0xffff  }
0x350: {  	v16 =	vadd.f32 v17, v16;
	_ =	sdelay $0x1  }
.Ltmp10:
0x351: {  	v16 =	vadd.f32 v62, v16;
	(pc) =	sbr.rel @p0 .LBB2_24-.Ltmp10, $4  }
0x352: {  	_ = 	snop  }
0x353: {  	v16 =	vadd.f32 v63, v16  }
0x354: {  	s26 =	sadd.s32 $0x10, s20  }
0x355: {  	[tilespmem:s26+$0x0] =	vst v16  }
.Ltmp11:
0x356: {  	(pc) =	sbr.rel .LBB2_14-.Ltmp11, $4  }
0x357: {  	s19 =	sadd.s32 $0x3180, s15;
	s26 =	sadd.s32 $0x980, s15  }
0x358: {  	[tilespmem:s29], [sflag:$0x4] =	stream.indirect.gather [hbm4b:s3+s24], $0x20, s19, s24, $0xb8;
	[tilespmem:$0x7800] =	vst v63  }
0x359: {  	s16 =	sadd.s32 $0x1, s16;
	s9 =	sadd.s32 $0x100, s9;
	s14 =	sadd.s32 $0x100, s14  }
0x35a: {  	[tilespmem:s30], [sflag:$0x2] =	stream.indirect.gather [hbm4b:s4+s24], $0x20, s26, s24, $0xb8;
	[tilespmem:$0x7800] =	vst v63  }
.LBB2_24:
.Ltmp12:
0x35b: {  	(pc) =	sbr.rel @p1 .LBB2_26-.Ltmp12, $4  }
0x35c: {  	_ = 	snop  }
0x35d: {  	s9 =	sshrl.u32 s12, $0x3  }
0x35e: {  	s26 =	simm.s32 $0x1800;
	s9 =	sadd.s32 s8, s9  }
0x35f: {  	[hbm4b:s9+s2] =	stream.linear.scatter [tilespmem:s26], [sflag:$0xA], $0x800, $0x38;
	[tilespmem:$0x7800] =	vst v63  }
0x360: {  	s9 =	rddreg [dreg:$0x9]  }
0x361: {  	s9 =	sadd.s32 s28, s9  }
.Ltmp13:
0x362: {  	s9 =	sshrl.u32 s9, $0x3;
	(pc) =	sbr.rel .LBB2_2-.Ltmp13, $4  }
0x363: {  	s14 =	simm.s32 $0x3000;
	s12 =	sadd.s32 s5, s9  }
0x364: {  	[tilespmem:s14], [sflag:$0x8] =	stream.linear.gather [hbm4b:s12+s2], $0x800, $0x38;
	[tilespmem:$0x7800] =	vst v63  }
0x365: {  	s18 =	sadd.s32 $0x1, s18;
	s28 =	simm.s32 $0x800;
	s9 =	sadd.s32 s7, s9  }
0x366: {  	[tilespmem:s28], [sflag:$0x6] =	stream.linear.gather [hbm4b:s9+s2], $0x800, $0x38;
	[tilespmem:$0x7800] =	vst v63  }
.LBB2_26:
0x367: {  	_ =	swait.ge [sflag:s22], $0x350  }
0x368: {  	[sflag:s22] =	ssyncset.done $0x0  }
0x369: {  	[sflag:s22] =	ssyncadd.s32 $0xFFFFFCB0  }
0x36a: {  	_ =	swait.ge [sflag:s23], $0x350  }
0x36b: {  	[sflag:s23] =	ssyncset.done $0x0  }
0x36c: {  	s16 =	simm.s32 $0x9;
	[sflag:s23] =	ssyncadd.s32 $0xFFFFFCB0  }
0x36d: {  	_ =	swait.ge [sflag:s16], $0x800  }
0x36e: {  	[sflag:s16] =	ssyncset.done $0x0  }
0x36f: {  	s9 =	simm.s32 $0x2800;
	s12 =	simm.s32 $0x5800;
	[sflag:s16] =	ssyncadd.s32 $0xFFFFF800  }
0x370: {  	[tilespmem:s12], [sflag:$0x3] =	stream.indirect.gather [hbm4b:s3+s24], $0x20, s9, s24, $0xb8;
	[tilespmem:$0x7800] =	vst v63  }
0x371: {  	s25 =	simm.s32 $0x3800;
	s9 =	simm.s32 $0x0  }
0x372: {  	[tilespmem:s25], [sflag:$0x1] =	stream.indirect.gather [hbm4b:s4+s24], $0x20, s9, s24, $0xb8;
	[tilespmem:$0x7800] =	vst v63  }
0x373: {  	s26 =	simm.s32 $0x2880  }
0x374: {  	[tilespmem:s29], [sflag:$0x4] =	stream.indirect.gather [hbm4b:s3+s24], $0x20, s26, s24, $0xb8;
	[tilespmem:$0x7800] =	vst v63  }
0x375: {  	_ = 	snop  }
0x376: {  	[tilespmem:s30], [sflag:$0x2] =	stream.indirect.gather [hbm4b:s4+s24], $0x20, s24, s24, $0xb8;
	[tilespmem:$0x7800] =	vst v63  }
0x377: {  	_ =	swait.ge [sflag:s31], $0x1000  }
0x378: {  	[sflag:s31] =	ssyncset.done $0x0  }
0x379: {  	[sflag:s31] =	ssyncadd.s32 $0xFFFFF000  }
0x37a: {  	_ =	swait.ge [sflag:s0], $0x1000  }
0x37b: {  	[sflag:s0] =	ssyncset.done $0x0  }
0x37c: {  	s28 =	simm.s32 $0x0;
	[sflag:s0] =	ssyncadd.s32 $0xFFFFF000  }
0x37d: {  	v16 =	vld [tilespmem:s28+$0x5800]  }
0x37e: {  	v17 =	vld [tilespmem:s28+$0x3800]  }
0x37f: {  	v19 =	vld [tilespmem:s28+$0x3810]  }
0x380: {  	v18 =	vld [tilespmem:s28+$0x5810];
	_ =	sdelay $0x1  }
0x381: {  	v20 =	vunpack.i.u.bf16.f32 v16  }
0x382: {  	v16 =	vunpack.i.l.bf16.f32 v16;
	v21 =	vunpack.i.u.bf16.f32 v17;
	v17 =	vunpack.i.l.bf16.f32 v17  }
0x383: {  	v63 =	vunpack.i.u.bf16.f32 v19;
	v19 =	vunpack.i.l.bf16.f32 v19;
	v16 =	vmul.f32 v17, v16  }
0x384: {  	v17 =	vmul.f32 v21, v20;
	v20 =	vunpack.i.u.bf16.f32 v18;
	v18 =	vunpack.i.l.bf16.f32 v18  }
0x385: {  	v18 =	vmul.f32 v19, v18;
	v19 =	vmul.f32 v63, v20;
	_ =	sdelay $0x1  }
0x386: {  	v16 =	vadd.f32 v16, v17;
	v17 =	vadd.f32 v18, v19;
	_ =	sdelay $0x1  }
0x387: {  	v16 =	vadd.f32 v17, v16  }
0x388: {  	s12 =	simm.s32 $0x2000  }
0x389: {  	s15 =	simm.s32 $0x20;
	[tilespmem:s12+$0x0] =	vst v16  }
0x38a: {  	v18 =	vld [tilespmem:s15+$0x5800]  }
0x38b: {  	v17 =	vld [tilespmem:s15+$0x3800]  }
0x38c: {  	s14 =	simm.s32 $0x100;
	v16 =	vld [tilespmem:s15+$0x5810]  }
.LBB2_27:
0x38d: {  	p0 =	sne.s32 s14, $0x3F80;
	v19 =	vld [tilespmem:s15+$0x3810];
	_ =	sdelay $0x1  }
0x38e: {  	v20 =	vunpack.i.u.bf16.f32 v18  }
0x38f: {  	v18 =	vunpack.i.l.bf16.f32 v18;
	v21 =	vunpack.i.u.bf16.f32 v17;
	v17 =	vunpack.i.l.bf16.f32 v17  }
0x390: {  	v17 =	vmul.f32 v17, v18;
	v18 =	vmul.f32 v21, v20;
	v20 =	vunpack.i.u.bf16.f32 v16  }
0x391: {  	v16 =	vunpack.i.l.bf16.f32 v16;
	v21 =	vunpack.i.u.bf16.f32 v19;
	v19 =	vunpack.i.l.bf16.f32 v19  }
0x392: {  	v16 =	vmul.f32 v19, v16;
	v19 =	vmul.f32 v21, v20;
	_ =	sdelay $0x1  }
0x393: {  	v17 =	vadd.f32 v17, v18;
	v16 =	vadd.f32 v16, v19;
	_ =	sdelay $0x1  }
0x394: {  	v16 =	vadd.f32 v16, v17  }
.Ltmp14:
0x395: {  	s12 =	sadd.s32 $0x10, s12;
	(pc) =	sbr.rel @p0 .LBB2_27-.Ltmp14, $4  }
0x396: {  	s15 =	sshra.s32 s14, $0x2;
	[tilespmem:s12+$0x0] =	vst v16  }
0x397: {  	v18 =	vld [tilespmem:s15+$0x5800]  }
0x398: {  	v17 =	vld [tilespmem:s15+$0x3800]  }
0x399: {  	s14 =	sadd.s32 $0x80, s14;
	v16 =	vld [tilespmem:s15+$0x5810]  }
0x39a: {  	v19 =	vld [tilespmem:s15+$0x3810];
	_ =	sdelay $0x1  }
0x39b: {  	v20 =	vunpack.i.u.bf16.f32 v18  }
0x39c: {  	v18 =	vunpack.i.l.bf16.f32 v18;
	v21 =	vunpack.i.u.bf16.f32 v17;
	v17 =	vunpack.i.l.bf16.f32 v17  }
0x39d: {  	v17 =	vmul.f32 v17, v18;
	v18 =	vmul.f32 v21, v20;
	v20 =	vunpack.i.u.bf16.f32 v16  }
0x39e: {  	v16 =	vunpack.i.l.bf16.f32 v16;
	v49 =	vunpack.i.u.bf16.f32 v19;
	v19 =	vunpack.i.l.bf16.f32 v19  }
0x39f: {  	v16 =	vmul.f32 v19, v16;
	v19 =	vmul.f32 v49, v20;
	_ =	sdelay $0x1  }
0x3a0: {  	v17 =	vadd.f32 v17, v18;
	v18 =	vor.u32 s9, v1;
	v16 =	vadd.f32 v16, v19  }
0x3a1: {  	v19 =	vor.u32 s9, v0  }
0x3a2: {  	v16 =	vadd.f32 v16, v17  }
0x3a3: {  	s12 =	sadd.s32 $0x10, s12;
	v17 =	vor.u32 s9, v2  }
0x3a4: {  	[tilespmem:s12+$0x0] =	vst v16  }
0x3a5: {  	v16 =	vld.idx.msk [tilespmem:v18+s1+$0x0], $0xffff;
	v18 =	vor.u32 s9, v3  }
0x3a6: {  	v19 =	vld.idx.msk [tilespmem:v19+s1+$0x0], $0xffff  }
0x3a7: {  	v20 =	vor.u32 s9, v4  }
0x3a8: {  	v17 =	vld.idx.msk [tilespmem:v17+s1+$0x0], $0xffff  }
0x3a9: {  	v50 =	vor.u32 s9, v5  }
0x3aa: {  	v18 =	vld.idx.msk [tilespmem:v18+s1+$0x0], $0xffff  }
0x3ab: {  	v22 =	vor.u32 s9, v6;
	v16 =	vadd.f32 v16, v19  }
0x3ac: {  	v19 =	vld.idx.msk [tilespmem:v20+s1+$0x0], $0xffff  }
0x3ad: {  	v20 =	vor.u32 s9, v7;
	v16 =	vadd.f32 v17, v16  }
0x3ae: {  	v17 =	vld.idx.msk [tilespmem:v50+s1+$0x0], $0xffff  }
0x3af: {  	v51 =	vor.u32 s9, v8;
	v16 =	vadd.f32 v18, v16  }
0x3b0: {  	v18 =	vld.idx.msk [tilespmem:v22+s1+$0x0], $0xffff  }
0x3b1: {  	v52 =	vor.u32 s9, v9;
	v16 =	vadd.f32 v19, v16  }
0x3b2: {  	v19 =	vld.idx.msk [tilespmem:v20+s1+$0x0], $0xffff  }
0x3b3: {  	v20 =	vor.u32 s9, v10;
	v16 =	vadd.f32 v17, v16  }
0x3b4: {  	v17 =	vld.idx.msk [tilespmem:v51+s1+$0x0], $0xffff  }
0x3b5: {  	v53 =	vor.u32 s9, v11;
	v16 =	vadd.f32 v18, v16  }
0x3b6: {  	v18 =	vld.idx.msk [tilespmem:v52+s1+$0x0], $0xffff  }
0x3b7: {  	v54 =	vor.u32 s9, v12;
	v16 =	vadd.f32 v19, v16  }
0x3b8: {  	v19 =	vld.idx.msk [tilespmem:v20+s1+$0x0], $0xffff  }
0x3b9: {  	v20 =	vor.u32 s9, v13;
	v16 =	vadd.f32 v17, v16  }
0x3ba: {  	v17 =	vld.idx.msk [tilespmem:v53+s1+$0x0], $0xffff  }
0x3bb: {  	v55 =	vor.u32 s9, v14;
	v16 =	vadd.f32 v18, v16  }
0x3bc: {  	v18 =	vld.idx.msk [tilespmem:v54+s1+$0x0], $0xffff  }
0x3bd: {  	v56 =	vor.u32 s9, v15;
	v16 =	vadd.f32 v19, v16  }
0x3be: {  	v19 =	vld.idx.msk [tilespmem:v20+s1+$0x0], $0xffff  }
0x3bf: {  	v16 =	vadd.f32 v17, v16  }
0x3c0: {  	v17 =	vld.idx.msk [tilespmem:v55+s1+$0x0], $0xffff  }
0x3c1: {  	v16 =	vadd.f32 v18, v16  }
0x3c2: {  	v18 =	vld.idx.msk [tilespmem:v56+s1+$0x0], $0xffff  }
0x3c3: {  	v16 =	vadd.f32 v19, v16  }
0x3c4: {  	s28 =	simm.s32 $0x100  }
0x3c5: {  	v19 =	vor.u32 s28, v1;
	v16 =	vadd.f32 v17, v16  }
0x3c6: {  	v17 =	vor.u32 s28, v0  }
0x3c7: {  	v16 =	vadd.f32 v18, v16  }
0x3c8: {  	s9 =	simm.s32 $0x1000;
	v18 =	vor.u32 s28, v2  }
0x3c9: {  	[tilespmem:s9+$0x0] =	vst v16  }
0x3ca: {  	v16 =	vld.idx.msk [tilespmem:v19+s1+$0x0], $0xffff;
	v19 =	vor.u32 s28, v3  }
0x3cb: {  	v17 =	vld.idx.msk [tilespmem:v17+s1+$0x0], $0xffff  }
0x3cc: {  	v20 =	vor.u32 s28, v4  }
0x3cd: {  	v18 =	vld.idx.msk [tilespmem:v18+s1+$0x0], $0xffff  }
0x3ce: {  	v57 =	vor.u32 s28, v5  }
0x3cf: {  	v19 =	vld.idx.msk [tilespmem:v19+s1+$0x0], $0xffff  }
0x3d0: {  	v58 =	vor.u32 s28, v6;
	v16 =	vadd.f32 v16, v17  }
0x3d1: {  	v17 =	vld.idx.msk [tilespmem:v20+s1+$0x0], $0xffff  }
0x3d2: {  	v20 =	vor.u32 s28, v7;
	v16 =	vadd.f32 v18, v16  }
0x3d3: {  	v18 =	vld.idx.msk [tilespmem:v57+s1+$0x0], $0xffff  }
0x3d4: {  	v59 =	vor.u32 s28, v8;
	v16 =	vadd.f32 v19, v16  }
0x3d5: {  	v19 =	vld.idx.msk [tilespmem:v58+s1+$0x0], $0xffff  }
0x3d6: {  	v60 =	vor.u32 s28, v9;
	v16 =	vadd.f32 v17, v16  }
0x3d7: {  	v17 =	vld.idx.msk [tilespmem:v20+s1+$0x0], $0xffff  }
0x3d8: {  	v20 =	vor.u32 s28, v10;
	v16 =	vadd.f32 v18, v16  }
0x3d9: {  	v18 =	vld.idx.msk [tilespmem:v59+s1+$0x0], $0xffff  }
0x3da: {  	v61 =	vor.u32 s28, v11;
	v16 =	vadd.f32 v19, v16  }
0x3db: {  	v19 =	vld.idx.msk [tilespmem:v60+s1+$0x0], $0xffff  }
0x3dc: {  	v16 =	vadd.f32 v17, v16  }
0x3dd: {  	v17 =	vld.idx.msk [tilespmem:v20+s1+$0x0], $0xffff  }
0x3de: {  	v62 =	vor.u32 s28, v12;
	v16 =	vadd.f32 v18, v16  }
0x3df: {  	v18 =	vld.idx.msk [tilespmem:v61+s1+$0x0], $0xffff  }
0x3e0: {  	v20 =	vor.u32 s28, v13;
	v16 =	vadd.f32 v19, v16;
	_ =	sdelay $0x1  }
0x3e1: {  	v63 =	vor.u32 s28, v14;
	v16 =	vadd.f32 v17, v16  }
0x3e2: {  	v19 =	vld.idx.msk [tilespmem:v62+s1+$0x0], $0xffff  }
0x3e3: {  	v16 =	vadd.f32 v18, v16;
	v18 =	vor.u32 s28, v15  }
0x3e4: {  	v17 =	vld.idx.msk [tilespmem:v20+s1+$0x0], $0xffff;
	_ =	sdelay $0x1  }
0x3e5: {  	v20 =	vld.idx.msk [tilespmem:v63+s1+$0x0], $0xffff  }
0x3e6: {  	v16 =	vadd.f32 v19, v16  }
0x3e7: {  	v18 =	vld.idx.msk [tilespmem:v18+s1+$0x0], $0xffff  }
0x3e8: {  	v17 =	vadd.f32 v17, v16  }
0x3e9: {  	s12 =	simm.s32 $0x200  }
0x3ea: {  	v16 =	vor.u32 s12, v1;
	v19 =	vadd.f32 v20, v17  }
0x3eb: {  	s14 =	simm.s32 $0x300;
	v17 =	vor.u32 s12, v0  }
.LBB2_29:
0x3ec: {  	p0 =	sne.s32 s14, $0x700;
	v18 =	vadd.f32 v18, v19  }
0x3ed: {  	v19 =	vor.u32 s12, v2;
	s9 =	sadd.s32 $0x10, s9  }
0x3ee: {  	[tilespmem:s9+$0x0] =	vst v18  }
0x3ef: {  	v18 =	vor.u32 s12, v3;
	v16 =	vld.idx.msk [tilespmem:v16+s1+$0x0], $0xffff  }
0x3f0: {  	v17 =	vld.idx.msk [tilespmem:v17+s1+$0x0], $0xffff  }
0x3f1: {  	v20 =	vor.u32 s12, v4  }
0x3f2: {  	v19 =	vld.idx.msk [tilespmem:v19+s1+$0x0], $0xffff  }
0x3f3: {  	v21 =	vor.u32 s12, v5  }
0x3f4: {  	v18 =	vld.idx.msk [tilespmem:v18+s1+$0x0], $0xffff  }
0x3f5: {  	v22 =	vor.u32 s12, v6  }
0x3f6: {  	v16 =	vadd.f32 v16, v17;
	v17 =	vld.idx.msk [tilespmem:v20+s1+$0x0], $0xffff  }
0x3f7: {  	v20 =	vor.u32 s12, v7  }
0x3f8: {  	v16 =	vadd.f32 v19, v16;
	v19 =	vld.idx.msk [tilespmem:v21+s1+$0x0], $0xffff  }
0x3f9: {  	v21 =	vor.u32 s12, v8  }
0x3fa: {  	v16 =	vadd.f32 v18, v16;
	v18 =	vld.idx.msk [tilespmem:v22+s1+$0x0], $0xffff  }
0x3fb: {  	v22 =	vor.u32 s12, v9  }
0x3fc: {  	v16 =	vadd.f32 v17, v16;
	v17 =	vld.idx.msk [tilespmem:v20+s1+$0x0], $0xffff  }
0x3fd: {  	v20 =	vor.u32 s12, v10  }
0x3fe: {  	v16 =	vadd.f32 v19, v16;
	v19 =	vld.idx.msk [tilespmem:v21+s1+$0x0], $0xffff  }
0x3ff: {  	v21 =	vor.u32 s12, v11  }
0x400: {  	v16 =	vadd.f32 v18, v16;
	v18 =	vld.idx.msk [tilespmem:v22+s1+$0x0], $0xffff  }
0x401: {  	v22 =	vor.u32 s12, v12  }
0x402: {  	v16 =	vadd.f32 v17, v16;
	v17 =	vld.idx.msk [tilespmem:v20+s1+$0x0], $0xffff  }
0x403: {  	v20 =	vor.u32 s12, v13  }
0x404: {  	v16 =	vadd.f32 v19, v16;
	v19 =	vld.idx.msk [tilespmem:v21+s1+$0x0], $0xffff  }
0x405: {  	v21 =	vor.u32 s12, v14  }
0x406: {  	v16 =	vadd.f32 v18, v16;
	v18 =	vld.idx.msk [tilespmem:v22+s1+$0x0], $0xffff  }
0x407: {  	v22 =	vor.u32 s12, v15;
	s12 =	smov.u32 s14  }
0x408: {  	v16 =	vadd.f32 v17, v16;
	v17 =	vld.idx.msk [tilespmem:v20+s1+$0x0], $0xffff;
	_ =	sdelay $0x1  }
0x409: {  	v16 =	vadd.f32 v19, v16;
	v19 =	vld.idx.msk [tilespmem:v21+s1+$0x0], $0xffff;
	_ =	sdelay $0x1  }
0x40a: {  	v16 =	vadd.f32 v18, v16;
	v18 =	vld.idx.msk [tilespmem:v22+s1+$0x0], $0xffff  }
.Ltmp15:
0x40b: {  	(pc) =	sbr.rel @p0 .LBB2_29-.Ltmp15, $3  }
0x40c: {  	v17 =	vadd.f32 v17, v16;
	_ =	sdelay $0x1  }
0x40d: {  	v16 =	vor.u32 s14, v1;
	v19 =	vadd.f32 v19, v17  }
0x40e: {  	s14 =	sadd.s32 $0x100, s14;
	v17 =	vor.u32 s12, v0  }
0x40f: {  	_ = 	snop  }
0x410: {  	v18 =	vadd.f32 v18, v19  }
0x411: {  	v19 =	vor.u32 s12, v2;
	s9 =	sadd.s32 $0x10, s9  }
0x412: {  	[tilespmem:s9+$0x0] =	vst v18  }
0x413: {  	v18 =	vor.u32 s12, v3;
	v16 =	vld.idx.msk [tilespmem:v16+s1+$0x0], $0xffff  }
0x414: {  	v17 =	vld.idx.msk [tilespmem:v17+s1+$0x0], $0xffff  }
0x415: {  	v20 =	vor.u32 s12, v4  }
0x416: {  	v19 =	vld.idx.msk [tilespmem:v19+s1+$0x0], $0xffff  }
0x417: {  	v21 =	vor.u32 s12, v5  }
0x418: {  	v18 =	vld.idx.msk [tilespmem:v18+s1+$0x0], $0xffff  }
0x419: {  	v22 =	vor.u32 s12, v6;
	v16 =	vadd.f32 v16, v17  }
0x41a: {  	v17 =	vld.idx.msk [tilespmem:v20+s1+$0x0], $0xffff  }
0x41b: {  	v20 =	vor.u32 s12, v7;
	v16 =	vadd.f32 v19, v16  }
0x41c: {  	v19 =	vld.idx.msk [tilespmem:v21+s1+$0x0], $0xffff  }
0x41d: {  	v56 =	vor.u32 s12, v8;
	v16 =	vadd.f32 v18, v16  }
0x41e: {  	v18 =	vld.idx.msk [tilespmem:v22+s1+$0x0], $0xffff  }
0x41f: {  	v57 =	vor.u32 s12, v9;
	v16 =	vadd.f32 v17, v16  }
0x420: {  	v17 =	vld.idx.msk [tilespmem:v20+s1+$0x0], $0xffff  }
0x421: {  	v20 =	vor.u32 s12, v10;
	v16 =	vadd.f32 v19, v16  }
0x422: {  	v19 =	vld.idx.msk [tilespmem:v56+s1+$0x0], $0xffff  }
0x423: {  	v58 =	vor.u32 s12, v11;
	v16 =	vadd.f32 v18, v16  }
0x424: {  	v18 =	vld.idx.msk [tilespmem:v57+s1+$0x0], $0xffff  }
0x425: {  	v59 =	vor.u32 s12, v12;
	v16 =	vadd.f32 v17, v16  }
0x426: {  	v17 =	vld.idx.msk [tilespmem:v20+s1+$0x0], $0xffff  }
0x427: {  	v20 =	vor.u32 s12, v13;
	v16 =	vadd.f32 v19, v16  }
0x428: {  	v19 =	vld.idx.msk [tilespmem:v58+s1+$0x0], $0xffff  }
0x429: {  	v60 =	vor.u32 s12, v14;
	v16 =	vadd.f32 v18, v16  }
0x42a: {  	v18 =	vld.idx.msk [tilespmem:v59+s1+$0x0], $0xffff  }
0x42b: {  	v61 =	vor.u32 s12, v15;
	v16 =	vadd.f32 v17, v16  }
0x42c: {  	v17 =	vld.idx.msk [tilespmem:v20+s1+$0x0], $0xffff  }
0x42d: {  	v16 =	vadd.f32 v19, v16  }
0x42e: {  	v19 =	vld.idx.msk [tilespmem:v60+s1+$0x0], $0xffff  }
0x42f: {  	v16 =	vadd.f32 v18, v16  }
0x430: {  	v18 =	vld.idx.msk [tilespmem:v61+s1+$0x0], $0xffff  }
0x431: {  	v16 =	vadd.f32 v17, v16;
	_ =	sdelay $0x1  }
0x432: {  	v16 =	vadd.f32 v19, v16;
	_ =	sdelay $0x1  }
0x433: {  	v16 =	vadd.f32 v18, v16  }
0x434: {  	s9 =	sadd.s32 $0x10, s9  }
0x435: {  	s20 =	simm.s32 $0x5800;
	s21 =	simm.s32 $0x2900;
	[tilespmem:s9+$0x0] =	vst v16  }
0x436: {  	[tilespmem:s20], [sflag:$0x3] =	stream.indirect.gather [hbm4b:s3+s24], $0x20, s21, s24, $0xb8;
	[tilespmem:$0x7800] =	vst v63  }
0x437: {  	s25 =	simm.s32 $0x3800;
	s26 =	simm.s32 $0x100  }
0x438: {  	[tilespmem:s25], [sflag:$0x1] =	stream.indirect.gather [hbm4b:s4+s24], $0x20, s26, s24, $0xb8;
	[tilespmem:$0x7800] =	vst v63  }
0x439: {  	_ =	swait.ge [sflag:s10], $0x1000  }
0x43a: {  	[sflag:s10] =	ssyncset.done $0x0  }
0x43b: {  	[sflag:s10] =	ssyncadd.s32 $0xFFFFF000  }
0x43c: {  	_ =	swait.ge [sflag:s11], $0x1000  }
0x43d: {  	[sflag:s11] =	ssyncset.done $0x0  }
0x43e: {  	s28 =	simm.s32 $0x0;
	[sflag:s11] =	ssyncadd.s32 $0xFFFFF000  }
0x43f: {  	v16 =	vld [tilespmem:s28+$0x6800]  }
0x440: {  	v17 =	vld [tilespmem:s28+$0x4800]  }
0x441: {  	v19 =	vld [tilespmem:s28+$0x4810]  }
0x442: {  	v18 =	vld [tilespmem:s28+$0x6810];
	_ =	sdelay $0x1  }
0x443: {  	v20 =	vunpack.i.u.bf16.f32 v16  }
0x444: {  	v16 =	vunpack.i.l.bf16.f32 v16;
	v62 =	vunpack.i.u.bf16.f32 v17;
	v17 =	vunpack.i.l.bf16.f32 v17  }
0x445: {  	v63 =	vunpack.i.u.bf16.f32 v19;
	v19 =	vunpack.i.l.bf16.f32 v19;
	v16 =	vmul.f32 v17, v16  }
0x446: {  	v17 =	vmul.f32 v62, v20;
	v20 =	vunpack.i.u.bf16.f32 v18;
	v18 =	vunpack.i.l.bf16.f32 v18  }
0x447: {  	v18 =	vmul.f32 v19, v18;
	v19 =	vmul.f32 v63, v20;
	_ =	sdelay $0x1  }
0x448: {  	v16 =	vadd.f32 v16, v17;
	v17 =	vadd.f32 v18, v19;
	_ =	sdelay $0x1  }
0x449: {  	v16 =	vadd.f32 v17, v16  }
0x44a: {  	s12 =	simm.s32 $0x2000  }
0x44b: {  	s15 =	simm.s32 $0x20;
	[tilespmem:s12+$0x0] =	vst v16  }
0x44c: {  	v18 =	vld [tilespmem:s15+$0x6800]  }
0x44d: {  	v17 =	vld [tilespmem:s15+$0x4800]  }
0x44e: {  	s14 =	simm.s32 $0x100;
	s9 =	simm.s32 $0x0;
	v16 =	vld [tilespmem:s15+$0x6810]  }
.LBB2_31:
0x44f: {  	p0 =	sne.s32 s14, $0x3F80;
	v19 =	vld [tilespmem:s15+$0x4810];
	_ =	sdelay $0x1  }
0x450: {  	v20 =	vunpack.i.u.bf16.f32 v18  }
0x451: {  	v18 =	vunpack.i.l.bf16.f32 v18;
	v21 =	vunpack.i.u.bf16.f32 v17;
	v17 =	vunpack.i.l.bf16.f32 v17  }
0x452: {  	v17 =	vmul.f32 v17, v18;
	v18 =	vmul.f32 v21, v20;
	v20 =	vunpack.i.u.bf16.f32 v16  }
0x453: {  	v16 =	vunpack.i.l.bf16.f32 v16;
	v21 =	vunpack.i.u.bf16.f32 v19;
	v19 =	vunpack.i.l.bf16.f32 v19  }
0x454: {  	v16 =	vmul.f32 v19, v16;
	v19 =	vmul.f32 v21, v20;
	_ =	sdelay $0x1  }
0x455: {  	v17 =	vadd.f32 v17, v18;
	v16 =	vadd.f32 v16, v19;
	_ =	sdelay $0x1  }
0x456: {  	v16 =	vadd.f32 v16, v17  }
.Ltmp16:
0x457: {  	s12 =	sadd.s32 $0x10, s12;
	(pc) =	sbr.rel @p0 .LBB2_31-.Ltmp16, $4  }
0x458: {  	s15 =	sshra.s32 s14, $0x2;
	[tilespmem:s12+$0x0] =	vst v16  }
0x459: {  	v18 =	vld [tilespmem:s15+$0x6800]  }
0x45a: {  	v17 =	vld [tilespmem:s15+$0x4800]  }
0x45b: {  	s14 =	sadd.s32 $0x80, s14;
	v16 =	vld [tilespmem:s15+$0x6810]  }
0x45c: {  	v19 =	vld [tilespmem:s15+$0x4810];
	_ =	sdelay $0x1  }
0x45d: {  	v20 =	vunpack.i.u.bf16.f32 v18  }
0x45e: {  	v18 =	vunpack.i.l.bf16.f32 v18;
	v21 =	vunpack.i.u.bf16.f32 v17;
	v17 =	vunpack.i.l.bf16.f32 v17  }
0x45f: {  	v17 =	vmul.f32 v17, v18;
	v18 =	vmul.f32 v21, v20;
	v20 =	vunpack.i.u.bf16.f32 v16  }
0x460: {  	v16 =	vunpack.i.l.bf16.f32 v16;
	v49 =	vunpack.i.u.bf16.f32 v19;
	v19 =	vunpack.i.l.bf16.f32 v19  }
0x461: {  	v16 =	vmul.f32 v19, v16;
	v19 =	vmul.f32 v49, v20;
	_ =	sdelay $0x1  }
0x462: {  	v17 =	vadd.f32 v17, v18;
	v18 =	vor.u32 s9, v1;
	v16 =	vadd.f32 v16, v19  }
0x463: {  	v19 =	vor.u32 s9, v0  }
0x464: {  	v16 =	vadd.f32 v16, v17  }
0x465: {  	s12 =	sadd.s32 $0x10, s12;
	v17 =	vor.u32 s9, v2  }
0x466: {  	[tilespmem:s12+$0x0] =	vst v16  }
0x467: {  	v16 =	vld.idx.msk [tilespmem:v18+s1+$0x0], $0xffff;
	v18 =	vor.u32 s9, v3  }
0x468: {  	v19 =	vld.idx.msk [tilespmem:v19+s1+$0x0], $0xffff  }
0x469: {  	v20 =	vor.u32 s9, v4  }
0x46a: {  	v17 =	vld.idx.msk [tilespmem:v17+s1+$0x0], $0xffff  }
0x46b: {  	v50 =	vor.u32 s9, v5  }
0x46c: {  	v18 =	vld.idx.msk [tilespmem:v18+s1+$0x0], $0xffff  }
0x46d: {  	v22 =	vor.u32 s9, v6;
	v16 =	vadd.f32 v16, v19  }
0x46e: {  	v19 =	vld.idx.msk [tilespmem:v20+s1+$0x0], $0xffff  }
0x46f: {  	v20 =	vor.u32 s9, v7;
	v16 =	vadd.f32 v17, v16  }
0x470: {  	v17 =	vld.idx.msk [tilespmem:v50+s1+$0x0], $0xffff  }
0x471: {  	v51 =	vor.u32 s9, v8;
	v16 =	vadd.f32 v18, v16  }
0x472: {  	v18 =	vld.idx.msk [tilespmem:v22+s1+$0x0], $0xffff  }
0x473: {  	v52 =	vor.u32 s9, v9;
	v16 =	vadd.f32 v19, v16  }
0x474: {  	v19 =	vld.idx.msk [tilespmem:v20+s1+$0x0], $0xffff  }
0x475: {  	v20 =	vor.u32 s9, v10;
	v16 =	vadd.f32 v17, v16  }
0x476: {  	v17 =	vld.idx.msk [tilespmem:v51+s1+$0x0], $0xffff  }
0x477: {  	v53 =	vor.u32 s9, v11;
	v16 =	vadd.f32 v18, v16  }
0x478: {  	v18 =	vld.idx.msk [tilespmem:v52+s1+$0x0], $0xffff  }
0x479: {  	v54 =	vor.u32 s9, v12;
	v16 =	vadd.f32 v19, v16  }
0x47a: {  	v19 =	vld.idx.msk [tilespmem:v20+s1+$0x0], $0xffff  }
0x47b: {  	v20 =	vor.u32 s9, v13;
	v16 =	vadd.f32 v17, v16  }
0x47c: {  	v17 =	vld.idx.msk [tilespmem:v53+s1+$0x0], $0xffff  }
0x47d: {  	v55 =	vor.u32 s9, v14;
	v16 =	vadd.f32 v18, v16  }
0x47e: {  	v18 =	vld.idx.msk [tilespmem:v54+s1+$0x0], $0xffff  }
0x47f: {  	v56 =	vor.u32 s9, v15;
	v16 =	vadd.f32 v19, v16  }
0x480: {  	v19 =	vld.idx.msk [tilespmem:v20+s1+$0x0], $0xffff  }
0x481: {  	v16 =	vadd.f32 v17, v16  }
0x482: {  	v17 =	vld.idx.msk [tilespmem:v55+s1+$0x0], $0xffff  }
0x483: {  	v16 =	vadd.f32 v18, v16  }
0x484: {  	v18 =	vld.idx.msk [tilespmem:v56+s1+$0x0], $0xffff  }
0x485: {  	v16 =	vadd.f32 v19, v16  }
0x486: {  	s28 =	simm.s32 $0x100  }
0x487: {  	v19 =	vor.u32 s28, v1;
	v16 =	vadd.f32 v17, v16  }
0x488: {  	v17 =	vor.u32 s28, v0  }
0x489: {  	v16 =	vadd.f32 v18, v16  }
0x48a: {  	s9 =	simm.s32 $0x1080;
	v18 =	vor.u32 s28, v2  }
0x48b: {  	[tilespmem:s9+$0x0] =	vst v16  }
0x48c: {  	v16 =	vld.idx.msk [tilespmem:v19+s1+$0x0], $0xffff;
	v19 =	vor.u32 s28, v3  }
0x48d: {  	v17 =	vld.idx.msk [tilespmem:v17+s1+$0x0], $0xffff  }
0x48e: {  	v20 =	vor.u32 s28, v4  }
0x48f: {  	v18 =	vld.idx.msk [tilespmem:v18+s1+$0x0], $0xffff  }
0x490: {  	v57 =	vor.u32 s28, v5  }
0x491: {  	v19 =	vld.idx.msk [tilespmem:v19+s1+$0x0], $0xffff  }
0x492: {  	v58 =	vor.u32 s28, v6;
	v16 =	vadd.f32 v16, v17  }
0x493: {  	v17 =	vld.idx.msk [tilespmem:v20+s1+$0x0], $0xffff  }
0x494: {  	v20 =	vor.u32 s28, v7;
	v16 =	vadd.f32 v18, v16  }
0x495: {  	v18 =	vld.idx.msk [tilespmem:v57+s1+$0x0], $0xffff  }
0x496: {  	v59 =	vor.u32 s28, v8;
	v16 =	vadd.f32 v19, v16  }
0x497: {  	v19 =	vld.idx.msk [tilespmem:v58+s1+$0x0], $0xffff  }
0x498: {  	v60 =	vor.u32 s28, v9;
	v16 =	vadd.f32 v17, v16  }
0x499: {  	v17 =	vld.idx.msk [tilespmem:v20+s1+$0x0], $0xffff  }
0x49a: {  	v20 =	vor.u32 s28, v10;
	v16 =	vadd.f32 v18, v16  }
0x49b: {  	v18 =	vld.idx.msk [tilespmem:v59+s1+$0x0], $0xffff  }
0x49c: {  	v61 =	vor.u32 s28, v11;
	v16 =	vadd.f32 v19, v16  }
0x49d: {  	v19 =	vld.idx.msk [tilespmem:v60+s1+$0x0], $0xffff  }
0x49e: {  	v16 =	vadd.f32 v17, v16  }
0x49f: {  	v17 =	vld.idx.msk [tilespmem:v20+s1+$0x0], $0xffff  }
0x4a0: {  	v62 =	vor.u32 s28, v12;
	v16 =	vadd.f32 v18, v16  }
0x4a1: {  	v18 =	vld.idx.msk [tilespmem:v61+s1+$0x0], $0xffff  }
0x4a2: {  	v20 =	vor.u32 s28, v13;
	v16 =	vadd.f32 v19, v16;
	_ =	sdelay $0x1  }
0x4a3: {  	v63 =	vor.u32 s28, v14;
	v16 =	vadd.f32 v17, v16  }
0x4a4: {  	v19 =	vld.idx.msk [tilespmem:v62+s1+$0x0], $0xffff  }
0x4a5: {  	v16 =	vadd.f32 v18, v16;
	v18 =	vor.u32 s28, v15  }
0x4a6: {  	v17 =	vld.idx.msk [tilespmem:v20+s1+$0x0], $0xffff;
	_ =	sdelay $0x1  }
0x4a7: {  	v20 =	vld.idx.msk [tilespmem:v63+s1+$0x0], $0xffff  }
0x4a8: {  	v16 =	vadd.f32 v19, v16  }
0x4a9: {  	v18 =	vld.idx.msk [tilespmem:v18+s1+$0x0], $0xffff  }
0x4aa: {  	v17 =	vadd.f32 v17, v16  }
0x4ab: {  	s12 =	simm.s32 $0x200  }
0x4ac: {  	v16 =	vor.u32 s12, v1;
	v19 =	vadd.f32 v20, v17  }
0x4ad: {  	s14 =	simm.s32 $0x300;
	v17 =	vor.u32 s12, v0  }
.LBB2_33:
0x4ae: {  	p0 =	sne.s32 s14, $0x700;
	v18 =	vadd.f32 v18, v19  }
0x4af: {  	v19 =	vor.u32 s12, v2;
	s9 =	sadd.s32 $0x10, s9  }
0x4b0: {  	[tilespmem:s9+$0x0] =	vst v18  }
0x4b1: {  	v18 =	vor.u32 s12, v3;
	v16 =	vld.idx.msk [tilespmem:v16+s1+$0x0], $0xffff  }
0x4b2: {  	v17 =	vld.idx.msk [tilespmem:v17+s1+$0x0], $0xffff  }
0x4b3: {  	v20 =	vor.u32 s12, v4  }
0x4b4: {  	v19 =	vld.idx.msk [tilespmem:v19+s1+$0x0], $0xffff  }
0x4b5: {  	v21 =	vor.u32 s12, v5  }
0x4b6: {  	v18 =	vld.idx.msk [tilespmem:v18+s1+$0x0], $0xffff  }
0x4b7: {  	v22 =	vor.u32 s12, v6  }
0x4b8: {  	v16 =	vadd.f32 v16, v17;
	v17 =	vld.idx.msk [tilespmem:v20+s1+$0x0], $0xffff  }
0x4b9: {  	v20 =	vor.u32 s12, v7  }
0x4ba: {  	v16 =	vadd.f32 v19, v16;
	v19 =	vld.idx.msk [tilespmem:v21+s1+$0x0], $0xffff  }
0x4bb: {  	v21 =	vor.u32 s12, v8  }
0x4bc: {  	v16 =	vadd.f32 v18, v16;
	v18 =	vld.idx.msk [tilespmem:v22+s1+$0x0], $0xffff  }
0x4bd: {  	v22 =	vor.u32 s12, v9  }
0x4be: {  	v16 =	vadd.f32 v17, v16;
	v17 =	vld.idx.msk [tilespmem:v20+s1+$0x0], $0xffff  }
0x4bf: {  	v20 =	vor.u32 s12, v10  }
0x4c0: {  	v16 =	vadd.f32 v19, v16;
	v19 =	vld.idx.msk [tilespmem:v21+s1+$0x0], $0xffff  }
0x4c1: {  	v21 =	vor.u32 s12, v11  }
0x4c2: {  	v16 =	vadd.f32 v18, v16;
	v18 =	vld.idx.msk [tilespmem:v22+s1+$0x0], $0xffff  }
0x4c3: {  	v22 =	vor.u32 s12, v12  }
0x4c4: {  	v16 =	vadd.f32 v17, v16;
	v17 =	vld.idx.msk [tilespmem:v20+s1+$0x0], $0xffff  }
0x4c5: {  	v20 =	vor.u32 s12, v13  }
0x4c6: {  	v16 =	vadd.f32 v19, v16;
	v19 =	vld.idx.msk [tilespmem:v21+s1+$0x0], $0xffff  }
0x4c7: {  	v21 =	vor.u32 s12, v14  }
0x4c8: {  	v16 =	vadd.f32 v18, v16;
	v18 =	vld.idx.msk [tilespmem:v22+s1+$0x0], $0xffff  }
0x4c9: {  	v22 =	vor.u32 s12, v15;
	s12 =	smov.u32 s14  }
0x4ca: {  	v16 =	vadd.f32 v17, v16;
	v17 =	vld.idx.msk [tilespmem:v20+s1+$0x0], $0xffff;
	_ =	sdelay $0x1  }
0x4cb: {  	v16 =	vadd.f32 v19, v16;
	v19 =	vld.idx.msk [tilespmem:v21+s1+$0x0], $0xffff;
	_ =	sdelay $0x1  }
0x4cc: {  	v16 =	vadd.f32 v18, v16;
	v18 =	vld.idx.msk [tilespmem:v22+s1+$0x0], $0xffff  }
.Ltmp17:
0x4cd: {  	(pc) =	sbr.rel @p0 .LBB2_33-.Ltmp17, $3  }
0x4ce: {  	v17 =	vadd.f32 v17, v16;
	_ =	sdelay $0x1  }
0x4cf: {  	v16 =	vor.u32 s14, v1;
	v19 =	vadd.f32 v19, v17  }
0x4d0: {  	s14 =	sadd.s32 $0x100, s14;
	v17 =	vor.u32 s12, v0  }
0x4d1: {  	_ = 	snop  }
0x4d2: {  	v18 =	vadd.f32 v18, v19  }
0x4d3: {  	v19 =	vor.u32 s12, v2;
	s9 =	sadd.s32 $0x10, s9  }
0x4d4: {  	[tilespmem:s9+$0x0] =	vst v18  }
0x4d5: {  	v18 =	vor.u32 s12, v3;
	v16 =	vld.idx.msk [tilespmem:v16+s1+$0x0], $0xffff  }
0x4d6: {  	v17 =	vld.idx.msk [tilespmem:v17+s1+$0x0], $0xffff  }
0x4d7: {  	v20 =	vor.u32 s12, v4  }
0x4d8: {  	v19 =	vld.idx.msk [tilespmem:v19+s1+$0x0], $0xffff  }
0x4d9: {  	v21 =	vor.u32 s12, v5  }
0x4da: {  	v18 =	vld.idx.msk [tilespmem:v18+s1+$0x0], $0xffff  }
0x4db: {  	v22 =	vor.u32 s12, v6;
	v16 =	vadd.f32 v16, v17  }
0x4dc: {  	v17 =	vld.idx.msk [tilespmem:v20+s1+$0x0], $0xffff  }
0x4dd: {  	v20 =	vor.u32 s12, v7;
	v16 =	vadd.f32 v19, v16  }
0x4de: {  	v19 =	vld.idx.msk [tilespmem:v21+s1+$0x0], $0xffff  }
0x4df: {  	v56 =	vor.u32 s12, v8;
	v16 =	vadd.f32 v18, v16  }
0x4e0: {  	v18 =	vld.idx.msk [tilespmem:v22+s1+$0x0], $0xffff  }
0x4e1: {  	v57 =	vor.u32 s12, v9;
	v16 =	vadd.f32 v17, v16  }
0x4e2: {  	v17 =	vld.idx.msk [tilespmem:v20+s1+$0x0], $0xffff  }
0x4e3: {  	v20 =	vor.u32 s12, v10;
	v16 =	vadd.f32 v19, v16  }
0x4e4: {  	v19 =	vld.idx.msk [tilespmem:v56+s1+$0x0], $0xffff  }
0x4e5: {  	v58 =	vor.u32 s12, v11;
	v16 =	vadd.f32 v18, v16  }
0x4e6: {  	v18 =	vld.idx.msk [tilespmem:v57+s1+$0x0], $0xffff  }
0x4e7: {  	v59 =	vor.u32 s12, v12;
	v16 =	vadd.f32 v17, v16  }
0x4e8: {  	v17 =	vld.idx.msk [tilespmem:v20+s1+$0x0], $0xffff  }
0x4e9: {  	v20 =	vor.u32 s12, v13;
	v16 =	vadd.f32 v19, v16  }
0x4ea: {  	v19 =	vld.idx.msk [tilespmem:v58+s1+$0x0], $0xffff  }
0x4eb: {  	v60 =	vor.u32 s12, v14;
	v16 =	vadd.f32 v18, v16  }
0x4ec: {  	v18 =	vld.idx.msk [tilespmem:v59+s1+$0x0], $0xffff  }
0x4ed: {  	v61 =	vor.u32 s12, v15;
	v16 =	vadd.f32 v17, v16  }
0x4ee: {  	v17 =	vld.idx.msk [tilespmem:v20+s1+$0x0], $0xffff  }
0x4ef: {  	v16 =	vadd.f32 v19, v16  }
0x4f0: {  	v19 =	vld.idx.msk [tilespmem:v60+s1+$0x0], $0xffff  }
0x4f1: {  	v16 =	vadd.f32 v18, v16  }
0x4f2: {  	v18 =	vld.idx.msk [tilespmem:v61+s1+$0x0], $0xffff  }
0x4f3: {  	v16 =	vadd.f32 v17, v16;
	_ =	sdelay $0x1  }
0x4f4: {  	v16 =	vadd.f32 v19, v16;
	_ =	sdelay $0x1  }
0x4f5: {  	v16 =	vadd.f32 v18, v16  }
0x4f6: {  	s9 =	sadd.s32 $0x10, s9  }
0x4f7: {  	s25 =	simm.s32 $0x2980;
	[tilespmem:s9+$0x0] =	vst v16  }
0x4f8: {  	[tilespmem:s29], [sflag:$0x4] =	stream.indirect.gather [hbm4b:s3+s24], $0x20, s25, s24, $0xb8;
	[tilespmem:$0x7800] =	vst v63  }
0x4f9: {  	s26 =	simm.s32 $0x180  }
0x4fa: {  	[tilespmem:s30], [sflag:$0x2] =	stream.indirect.gather [hbm4b:s4+s24], $0x20, s26, s24, $0xb8;
	[tilespmem:$0x7800] =	vst v63  }
0x4fb: {  	_ =	swait.ge [sflag:s31], $0x1000  }
0x4fc: {  	[sflag:s31] =	ssyncset.done $0x0  }
0x4fd: {  	[sflag:s31] =	ssyncadd.s32 $0xFFFFF000  }
0x4fe: {  	_ =	swait.ge [sflag:s0], $0x1000  }
0x4ff: {  	[sflag:s0] =	ssyncset.done $0x0  }
0x500: {  	s28 =	simm.s32 $0x0;
	[sflag:s0] =	ssyncadd.s32 $0xFFFFF000  }
0x501: {  	v16 =	vld [tilespmem:s28+$0x5800]  }
0x502: {  	v17 =	vld [tilespmem:s28+$0x3800]  }
0x503: {  	v19 =	vld [tilespmem:s28+$0x3810]  }
0x504: {  	v18 =	vld [tilespmem:s28+$0x5810];
	_ =	sdelay $0x1  }
0x505: {  	v20 =	vunpack.i.u.bf16.f32 v16  }
0x506: {  	v16 =	vunpack.i.l.bf16.f32 v16;
	v62 =	vunpack.i.u.bf16.f32 v17;
	v17 =	vunpack.i.l.bf16.f32 v17  }
0x507: {  	v63 =	vunpack.i.u.bf16.f32 v19;
	v19 =	vunpack.i.l.bf16.f32 v19;
	v16 =	vmul.f32 v17, v16  }
0x508: {  	v17 =	vmul.f32 v62, v20;
	v20 =	vunpack.i.u.bf16.f32 v18;
	v18 =	vunpack.i.l.bf16.f32 v18  }
0x509: {  	v18 =	vmul.f32 v19, v18;
	v19 =	vmul.f32 v63, v20;
	_ =	sdelay $0x1  }
0x50a: {  	v16 =	vadd.f32 v16, v17;
	v17 =	vadd.f32 v18, v19;
	_ =	sdelay $0x1  }
0x50b: {  	v16 =	vadd.f32 v17, v16  }
0x50c: {  	s12 =	simm.s32 $0x2000  }
0x50d: {  	s15 =	simm.s32 $0x20;
	[tilespmem:s12+$0x0] =	vst v16  }
0x50e: {  	v18 =	vld [tilespmem:s15+$0x5800]  }
0x50f: {  	v17 =	vld [tilespmem:s15+$0x3800]  }
0x510: {  	s14 =	simm.s32 $0x100;
	s9 =	simm.s32 $0x0;
	v16 =	vld [tilespmem:s15+$0x5810]  }
.LBB2_35:
0x511: {  	p0 =	sne.s32 s14, $0x3F80;
	v19 =	vld [tilespmem:s15+$0x3810];
	_ =	sdelay $0x1  }
0x512: {  	v20 =	vunpack.i.u.bf16.f32 v18  }
0x513: {  	v18 =	vunpack.i.l.bf16.f32 v18;
	v21 =	vunpack.i.u.bf16.f32 v17;
	v17 =	vunpack.i.l.bf16.f32 v17  }
0x514: {  	v17 =	vmul.f32 v17, v18;
	v18 =	vmul.f32 v21, v20;
	v20 =	vunpack.i.u.bf16.f32 v16  }
0x515: {  	v16 =	vunpack.i.l.bf16.f32 v16;
	v21 =	vunpack.i.u.bf16.f32 v19;
	v19 =	vunpack.i.l.bf16.f32 v19  }
0x516: {  	v16 =	vmul.f32 v19, v16;
	v19 =	vmul.f32 v21, v20;
	_ =	sdelay $0x1  }
0x517: {  	v17 =	vadd.f32 v17, v18;
	v16 =	vadd.f32 v16, v19;
	_ =	sdelay $0x1  }
0x518: {  	v16 =	vadd.f32 v16, v17  }
.Ltmp18:
0x519: {  	s12 =	sadd.s32 $0x10, s12;
	(pc) =	sbr.rel @p0 .LBB2_35-.Ltmp18, $4  }
0x51a: {  	s15 =	sshra.s32 s14, $0x2;
	[tilespmem:s12+$0x0] =	vst v16  }
0x51b: {  	v18 =	vld [tilespmem:s15+$0x5800]  }
0x51c: {  	v17 =	vld [tilespmem:s15+$0x3800]  }
0x51d: {  	s14 =	sadd.s32 $0x80, s14;
	v16 =	vld [tilespmem:s15+$0x5810]  }
0x51e: {  	v19 =	vld [tilespmem:s15+$0x3810];
	_ =	sdelay $0x1  }
0x51f: {  	v20 =	vunpack.i.u.bf16.f32 v18  }
0x520: {  	v18 =	vunpack.i.l.bf16.f32 v18;
	v21 =	vunpack.i.u.bf16.f32 v17;
	v17 =	vunpack.i.l.bf16.f32 v17  }
0x521: {  	v17 =	vmul.f32 v17, v18;
	v18 =	vmul.f32 v21, v20;
	v20 =	vunpack.i.u.bf16.f32 v16  }
0x522: {  	v16 =	vunpack.i.l.bf16.f32 v16;
	v49 =	vunpack.i.u.bf16.f32 v19;
	v19 =	vunpack.i.l.bf16.f32 v19  }
0x523: {  	v16 =	vmul.f32 v19, v16;
	v19 =	vmul.f32 v49, v20;
	_ =	sdelay $0x1  }
0x524: {  	v17 =	vadd.f32 v17, v18;
	v18 =	vor.u32 s9, v1;
	v16 =	vadd.f32 v16, v19  }
0x525: {  	v19 =	vor.u32 s9, v0  }
0x526: {  	v16 =	vadd.f32 v16, v17  }
0x527: {  	s12 =	sadd.s32 $0x10, s12;
	v17 =	vor.u32 s9, v2  }
0x528: {  	[tilespmem:s12+$0x0] =	vst v16  }
0x529: {  	v16 =	vld.idx.msk [tilespmem:v18+s1+$0x0], $0xffff;
	v18 =	vor.u32 s9, v3  }
0x52a: {  	v19 =	vld.idx.msk [tilespmem:v19+s1+$0x0], $0xffff  }
0x52b: {  	v20 =	vor.u32 s9, v4  }
0x52c: {  	v17 =	vld.idx.msk [tilespmem:v17+s1+$0x0], $0xffff  }
0x52d: {  	v50 =	vor.u32 s9, v5  }
0x52e: {  	v18 =	vld.idx.msk [tilespmem:v18+s1+$0x0], $0xffff  }
0x52f: {  	v22 =	vor.u32 s9, v6;
	v16 =	vadd.f32 v16, v19  }
0x530: {  	v19 =	vld.idx.msk [tilespmem:v20+s1+$0x0], $0xffff  }
0x531: {  	v20 =	vor.u32 s9, v7;
	v16 =	vadd.f32 v17, v16  }
0x532: {  	v17 =	vld.idx.msk [tilespmem:v50+s1+$0x0], $0xffff  }
0x533: {  	v51 =	vor.u32 s9, v8;
	v16 =	vadd.f32 v18, v16  }
0x534: {  	v18 =	vld.idx.msk [tilespmem:v22+s1+$0x0], $0xffff  }
0x535: {  	v52 =	vor.u32 s9, v9;
	v16 =	vadd.f32 v19, v16  }
0x536: {  	v19 =	vld.idx.msk [tilespmem:v20+s1+$0x0], $0xffff  }
0x537: {  	v20 =	vor.u32 s9, v10;
	v16 =	vadd.f32 v17, v16  }
0x538: {  	v17 =	vld.idx.msk [tilespmem:v51+s1+$0x0], $0xffff  }
0x539: {  	v53 =	vor.u32 s9, v11;
	v16 =	vadd.f32 v18, v16  }
0x53a: {  	v18 =	vld.idx.msk [tilespmem:v52+s1+$0x0], $0xffff  }
0x53b: {  	v54 =	vor.u32 s9, v12;
	v16 =	vadd.f32 v19, v16  }
0x53c: {  	v19 =	vld.idx.msk [tilespmem:v20+s1+$0x0], $0xffff  }
0x53d: {  	v20 =	vor.u32 s9, v13;
	v16 =	vadd.f32 v17, v16  }
0x53e: {  	v17 =	vld.idx.msk [tilespmem:v53+s1+$0x0], $0xffff  }
0x53f: {  	v55 =	vor.u32 s9, v14;
	v16 =	vadd.f32 v18, v16  }
0x540: {  	v18 =	vld.idx.msk [tilespmem:v54+s1+$0x0], $0xffff  }
0x541: {  	v56 =	vor.u32 s9, v15;
	v16 =	vadd.f32 v19, v16  }
0x542: {  	v19 =	vld.idx.msk [tilespmem:v20+s1+$0x0], $0xffff  }
0x543: {  	v16 =	vadd.f32 v17, v16  }
0x544: {  	v17 =	vld.idx.msk [tilespmem:v55+s1+$0x0], $0xffff  }
0x545: {  	v16 =	vadd.f32 v18, v16  }
0x546: {  	v18 =	vld.idx.msk [tilespmem:v56+s1+$0x0], $0xffff  }
0x547: {  	v16 =	vadd.f32 v19, v16  }
0x548: {  	s28 =	simm.s32 $0x100  }
0x549: {  	v19 =	vor.u32 s28, v1;
	v16 =	vadd.f32 v17, v16  }
0x54a: {  	v17 =	vor.u32 s28, v0  }
0x54b: {  	v16 =	vadd.f32 v18, v16  }
0x54c: {  	s9 =	simm.s32 $0x1100;
	v18 =	vor.u32 s28, v2  }
0x54d: {  	[tilespmem:s9+$0x0] =	vst v16  }
0x54e: {  	v16 =	vld.idx.msk [tilespmem:v19+s1+$0x0], $0xffff;
	v19 =	vor.u32 s28, v3  }
0x54f: {  	v17 =	vld.idx.msk [tilespmem:v17+s1+$0x0], $0xffff  }
0x550: {  	v20 =	vor.u32 s28, v4  }
0x551: {  	v18 =	vld.idx.msk [tilespmem:v18+s1+$0x0], $0xffff  }
0x552: {  	v57 =	vor.u32 s28, v5  }
0x553: {  	v19 =	vld.idx.msk [tilespmem:v19+s1+$0x0], $0xffff  }
0x554: {  	v58 =	vor.u32 s28, v6;
	v16 =	vadd.f32 v16, v17  }
0x555: {  	v17 =	vld.idx.msk [tilespmem:v20+s1+$0x0], $0xffff  }
0x556: {  	v20 =	vor.u32 s28, v7;
	v16 =	vadd.f32 v18, v16  }
0x557: {  	v18 =	vld.idx.msk [tilespmem:v57+s1+$0x0], $0xffff  }
0x558: {  	v59 =	vor.u32 s28, v8;
	v16 =	vadd.f32 v19, v16  }
0x559: {  	v19 =	vld.idx.msk [tilespmem:v58+s1+$0x0], $0xffff  }
0x55a: {  	v60 =	vor.u32 s28, v9;
	v16 =	vadd.f32 v17, v16  }
0x55b: {  	v17 =	vld.idx.msk [tilespmem:v20+s1+$0x0], $0xffff  }
0x55c: {  	v20 =	vor.u32 s28, v10;
	v16 =	vadd.f32 v18, v16  }
0x55d: {  	v18 =	vld.idx.msk [tilespmem:v59+s1+$0x0], $0xffff  }
0x55e: {  	v61 =	vor.u32 s28, v11;
	v16 =	vadd.f32 v19, v16  }
0x55f: {  	v19 =	vld.idx.msk [tilespmem:v60+s1+$0x0], $0xffff  }
0x560: {  	v16 =	vadd.f32 v17, v16  }
0x561: {  	v17 =	vld.idx.msk [tilespmem:v20+s1+$0x0], $0xffff  }
0x562: {  	v62 =	vor.u32 s28, v12;
	v16 =	vadd.f32 v18, v16  }
0x563: {  	v18 =	vld.idx.msk [tilespmem:v61+s1+$0x0], $0xffff  }
0x564: {  	v20 =	vor.u32 s28, v13;
	v16 =	vadd.f32 v19, v16;
	_ =	sdelay $0x1  }
0x565: {  	v63 =	vor.u32 s28, v14;
	v16 =	vadd.f32 v17, v16  }
0x566: {  	v19 =	vld.idx.msk [tilespmem:v62+s1+$0x0], $0xffff  }
0x567: {  	v16 =	vadd.f32 v18, v16;
	v18 =	vor.u32 s28, v15  }
0x568: {  	v17 =	vld.idx.msk [tilespmem:v20+s1+$0x0], $0xffff;
	_ =	sdelay $0x1  }
0x569: {  	v20 =	vld.idx.msk [tilespmem:v63+s1+$0x0], $0xffff  }
0x56a: {  	v16 =	vadd.f32 v19, v16  }
0x56b: {  	v18 =	vld.idx.msk [tilespmem:v18+s1+$0x0], $0xffff  }
0x56c: {  	v17 =	vadd.f32 v17, v16  }
0x56d: {  	s12 =	simm.s32 $0x200  }
0x56e: {  	v16 =	vor.u32 s12, v1;
	v19 =	vadd.f32 v20, v17  }
0x56f: {  	s14 =	simm.s32 $0x300;
	v17 =	vor.u32 s12, v0  }
.LBB2_37:
0x570: {  	p0 =	sne.s32 s14, $0x700;
	v18 =	vadd.f32 v18, v19  }
0x571: {  	v19 =	vor.u32 s12, v2;
	s9 =	sadd.s32 $0x10, s9  }
0x572: {  	[tilespmem:s9+$0x0] =	vst v18  }
0x573: {  	v18 =	vor.u32 s12, v3;
	v16 =	vld.idx.msk [tilespmem:v16+s1+$0x0], $0xffff  }
0x574: {  	v17 =	vld.idx.msk [tilespmem:v17+s1+$0x0], $0xffff  }
0x575: {  	v20 =	vor.u32 s12, v4  }
0x576: {  	v19 =	vld.idx.msk [tilespmem:v19+s1+$0x0], $0xffff  }
0x577: {  	v21 =	vor.u32 s12, v5  }
0x578: {  	v18 =	vld.idx.msk [tilespmem:v18+s1+$0x0], $0xffff  }
0x579: {  	v22 =	vor.u32 s12, v6  }
0x57a: {  	v16 =	vadd.f32 v16, v17;
	v17 =	vld.idx.msk [tilespmem:v20+s1+$0x0], $0xffff  }
0x57b: {  	v20 =	vor.u32 s12, v7  }
0x57c: {  	v16 =	vadd.f32 v19, v16;
	v19 =	vld.idx.msk [tilespmem:v21+s1+$0x0], $0xffff  }
0x57d: {  	v21 =	vor.u32 s12, v8  }
0x57e: {  	v16 =	vadd.f32 v18, v16;
	v18 =	vld.idx.msk [tilespmem:v22+s1+$0x0], $0xffff  }
0x57f: {  	v22 =	vor.u32 s12, v9  }
0x580: {  	v16 =	vadd.f32 v17, v16;
	v17 =	vld.idx.msk [tilespmem:v20+s1+$0x0], $0xffff  }
0x581: {  	v20 =	vor.u32 s12, v10  }
0x582: {  	v16 =	vadd.f32 v19, v16;
	v19 =	vld.idx.msk [tilespmem:v21+s1+$0x0], $0xffff  }
0x583: {  	v21 =	vor.u32 s12, v11  }
0x584: {  	v16 =	vadd.f32 v18, v16;
	v18 =	vld.idx.msk [tilespmem:v22+s1+$0x0], $0xffff  }
0x585: {  	v22 =	vor.u32 s12, v12  }
0x586: {  	v16 =	vadd.f32 v17, v16;
	v17 =	vld.idx.msk [tilespmem:v20+s1+$0x0], $0xffff  }
0x587: {  	v20 =	vor.u32 s12, v13  }
0x588: {  	v16 =	vadd.f32 v19, v16;
	v19 =	vld.idx.msk [tilespmem:v21+s1+$0x0], $0xffff  }
0x589: {  	v21 =	vor.u32 s12, v14  }
0x58a: {  	v16 =	vadd.f32 v18, v16;
	v18 =	vld.idx.msk [tilespmem:v22+s1+$0x0], $0xffff  }
0x58b: {  	v22 =	vor.u32 s12, v15;
	s12 =	smov.u32 s14  }
0x58c: {  	v16 =	vadd.f32 v17, v16;
	v17 =	vld.idx.msk [tilespmem:v20+s1+$0x0], $0xffff;
	_ =	sdelay $0x1  }
0x58d: {  	v16 =	vadd.f32 v19, v16;
	v19 =	vld.idx.msk [tilespmem:v21+s1+$0x0], $0xffff;
	_ =	sdelay $0x1  }
0x58e: {  	v16 =	vadd.f32 v18, v16;
	v18 =	vld.idx.msk [tilespmem:v22+s1+$0x0], $0xffff  }
.Ltmp19:
0x58f: {  	(pc) =	sbr.rel @p0 .LBB2_37-.Ltmp19, $3  }
0x590: {  	v17 =	vadd.f32 v17, v16;
	_ =	sdelay $0x1  }
0x591: {  	v16 =	vor.u32 s14, v1;
	v19 =	vadd.f32 v19, v17  }
0x592: {  	s14 =	sadd.s32 $0x100, s14;
	v17 =	vor.u32 s12, v0  }
0x593: {  	_ = 	snop  }
0x594: {  	v18 =	vadd.f32 v18, v19  }
0x595: {  	v19 =	vor.u32 s12, v2;
	s9 =	sadd.s32 $0x10, s9  }
0x596: {  	[tilespmem:s9+$0x0] =	vst v18  }
0x597: {  	v18 =	vor.u32 s12, v3;
	v16 =	vld.idx.msk [tilespmem:v16+s1+$0x0], $0xffff  }
0x598: {  	v17 =	vld.idx.msk [tilespmem:v17+s1+$0x0], $0xffff  }
0x599: {  	v20 =	vor.u32 s12, v4  }
0x59a: {  	v19 =	vld.idx.msk [tilespmem:v19+s1+$0x0], $0xffff  }
0x59b: {  	v21 =	vor.u32 s12, v5  }
0x59c: {  	v18 =	vld.idx.msk [tilespmem:v18+s1+$0x0], $0xffff  }
0x59d: {  	v22 =	vor.u32 s12, v6;
	v16 =	vadd.f32 v16, v17  }
0x59e: {  	v17 =	vld.idx.msk [tilespmem:v20+s1+$0x0], $0xffff  }
0x59f: {  	v20 =	vor.u32 s12, v7;
	v16 =	vadd.f32 v19, v16  }
0x5a0: {  	v19 =	vld.idx.msk [tilespmem:v21+s1+$0x0], $0xffff  }
0x5a1: {  	v56 =	vor.u32 s12, v8;
	v16 =	vadd.f32 v18, v16  }
0x5a2: {  	v18 =	vld.idx.msk [tilespmem:v22+s1+$0x0], $0xffff  }
0x5a3: {  	v57 =	vor.u32 s12, v9;
	v16 =	vadd.f32 v17, v16  }
0x5a4: {  	v17 =	vld.idx.msk [tilespmem:v20+s1+$0x0], $0xffff  }
0x5a5: {  	v20 =	vor.u32 s12, v10;
	v16 =	vadd.f32 v19, v16  }
0x5a6: {  	v19 =	vld.idx.msk [tilespmem:v56+s1+$0x0], $0xffff  }
0x5a7: {  	v58 =	vor.u32 s12, v11;
	v16 =	vadd.f32 v18, v16  }
0x5a8: {  	v18 =	vld.idx.msk [tilespmem:v57+s1+$0x0], $0xffff  }
0x5a9: {  	v59 =	vor.u32 s12, v12;
	v16 =	vadd.f32 v17, v16  }
0x5aa: {  	v17 =	vld.idx.msk [tilespmem:v20+s1+$0x0], $0xffff  }
0x5ab: {  	v20 =	vor.u32 s12, v13;
	v16 =	vadd.f32 v19, v16  }
0x5ac: {  	v19 =	vld.idx.msk [tilespmem:v58+s1+$0x0], $0xffff  }
0x5ad: {  	v60 =	vor.u32 s12, v14;
	v16 =	vadd.f32 v18, v16  }
0x5ae: {  	v18 =	vld.idx.msk [tilespmem:v59+s1+$0x0], $0xffff  }
0x5af: {  	v61 =	vor.u32 s12, v15;
	v16 =	vadd.f32 v17, v16  }
0x5b0: {  	v17 =	vld.idx.msk [tilespmem:v20+s1+$0x0], $0xffff  }
0x5b1: {  	v16 =	vadd.f32 v19, v16  }
0x5b2: {  	v19 =	vld.idx.msk [tilespmem:v60+s1+$0x0], $0xffff  }
0x5b3: {  	v16 =	vadd.f32 v18, v16  }
0x5b4: {  	v18 =	vld.idx.msk [tilespmem:v61+s1+$0x0], $0xffff  }
0x5b5: {  	v16 =	vadd.f32 v17, v16;
	_ =	sdelay $0x1  }
0x5b6: {  	v16 =	vadd.f32 v19, v16;
	_ =	sdelay $0x1  }
0x5b7: {  	v16 =	vadd.f32 v18, v16  }
0x5b8: {  	s9 =	sadd.s32 $0x10, s9  }
0x5b9: {  	s20 =	simm.s32 $0x5800;
	s21 =	simm.s32 $0x2A00;
	[tilespmem:s9+$0x0] =	vst v16  }
0x5ba: {  	[tilespmem:s20], [sflag:$0x3] =	stream.indirect.gather [hbm4b:s3+s24], $0x20, s21, s24, $0xb8;
	[tilespmem:$0x7800] =	vst v63  }
0x5bb: {  	s25 =	simm.s32 $0x3800;
	s26 =	simm.s32 $0x200  }
0x5bc: {  	[tilespmem:s25], [sflag:$0x1] =	stream.indirect.gather [hbm4b:s4+s24], $0x20, s26, s24, $0xb8;
	[tilespmem:$0x7800] =	vst v63  }
0x5bd: {  	_ =	swait.ge [sflag:s10], $0x1000  }
0x5be: {  	[sflag:s10] =	ssyncset.done $0x0  }
0x5bf: {  	[sflag:s10] =	ssyncadd.s32 $0xFFFFF000  }
0x5c0: {  	_ =	swait.ge [sflag:s11], $0x1000  }
0x5c1: {  	[sflag:s11] =	ssyncset.done $0x0  }
0x5c2: {  	s28 =	simm.s32 $0x0;
	[sflag:s11] =	ssyncadd.s32 $0xFFFFF000  }
0x5c3: {  	v16 =	vld [tilespmem:s28+$0x6800]  }
0x5c4: {  	v17 =	vld [tilespmem:s28+$0x4800]  }
0x5c5: {  	v19 =	vld [tilespmem:s28+$0x4810]  }
0x5c6: {  	v18 =	vld [tilespmem:s28+$0x6810];
	_ =	sdelay $0x1  }
0x5c7: {  	v20 =	vunpack.i.u.bf16.f32 v16  }
0x5c8: {  	v16 =	vunpack.i.l.bf16.f32 v16;
	v62 =	vunpack.i.u.bf16.f32 v17;
	v17 =	vunpack.i.l.bf16.f32 v17  }
0x5c9: {  	v63 =	vunpack.i.u.bf16.f32 v19;
	v19 =	vunpack.i.l.bf16.f32 v19;
	v16 =	vmul.f32 v17, v16  }
0x5ca: {  	v17 =	vmul.f32 v62, v20;
	v20 =	vunpack.i.u.bf16.f32 v18;
	v18 =	vunpack.i.l.bf16.f32 v18  }
0x5cb: {  	v18 =	vmul.f32 v19, v18;
	v19 =	vmul.f32 v63, v20;
	_ =	sdelay $0x1  }
0x5cc: {  	v16 =	vadd.f32 v16, v17;
	v17 =	vadd.f32 v18, v19;
	_ =	sdelay $0x1  }
0x5cd: {  	v16 =	vadd.f32 v17, v16  }
0x5ce: {  	s12 =	simm.s32 $0x2000  }
0x5cf: {  	s15 =	simm.s32 $0x20;
	[tilespmem:s12+$0x0] =	vst v16  }
0x5d0: {  	v18 =	vld [tilespmem:s15+$0x6800]  }
0x5d1: {  	v17 =	vld [tilespmem:s15+$0x4800]  }
0x5d2: {  	s14 =	simm.s32 $0x100;
	s9 =	simm.s32 $0x0;
	v16 =	vld [tilespmem:s15+$0x6810]  }
.LBB2_39:
0x5d3: {  	p0 =	sne.s32 s14, $0x3F80;
	v19 =	vld [tilespmem:s15+$0x4810];
	_ =	sdelay $0x1  }
0x5d4: {  	v20 =	vunpack.i.u.bf16.f32 v18  }
0x5d5: {  	v18 =	vunpack.i.l.bf16.f32 v18;
	v21 =	vunpack.i.u.bf16.f32 v17;
	v17 =	vunpack.i.l.bf16.f32 v17  }
0x5d6: {  	v17 =	vmul.f32 v17, v18;
	v18 =	vmul.f32 v21, v20;
	v20 =	vunpack.i.u.bf16.f32 v16  }
0x5d7: {  	v16 =	vunpack.i.l.bf16.f32 v16;
	v21 =	vunpack.i.u.bf16.f32 v19;
	v19 =	vunpack.i.l.bf16.f32 v19  }
0x5d8: {  	v16 =	vmul.f32 v19, v16;
	v19 =	vmul.f32 v21, v20;
	_ =	sdelay $0x1  }
0x5d9: {  	v17 =	vadd.f32 v17, v18;
	v16 =	vadd.f32 v16, v19;
	_ =	sdelay $0x1  }
0x5da: {  	v16 =	vadd.f32 v16, v17  }
.Ltmp20:
0x5db: {  	s12 =	sadd.s32 $0x10, s12;
	(pc) =	sbr.rel @p0 .LBB2_39-.Ltmp20, $4  }
0x5dc: {  	s15 =	sshra.s32 s14, $0x2;
	[tilespmem:s12+$0x0] =	vst v16  }
0x5dd: {  	v18 =	vld [tilespmem:s15+$0x6800]  }
0x5de: {  	v17 =	vld [tilespmem:s15+$0x4800]  }
0x5df: {  	s14 =	sadd.s32 $0x80, s14;
	v16 =	vld [tilespmem:s15+$0x6810]  }
0x5e0: {  	v19 =	vld [tilespmem:s15+$0x4810];
	_ =	sdelay $0x1  }
0x5e1: {  	v20 =	vunpack.i.u.bf16.f32 v18  }
0x5e2: {  	v18 =	vunpack.i.l.bf16.f32 v18;
	v21 =	vunpack.i.u.bf16.f32 v17;
	v17 =	vunpack.i.l.bf16.f32 v17  }
0x5e3: {  	v17 =	vmul.f32 v17, v18;
	v18 =	vmul.f32 v21, v20;
	v20 =	vunpack.i.u.bf16.f32 v16  }
0x5e4: {  	v16 =	vunpack.i.l.bf16.f32 v16;
	v49 =	vunpack.i.u.bf16.f32 v19;
	v19 =	vunpack.i.l.bf16.f32 v19  }
0x5e5: {  	v16 =	vmul.f32 v19, v16;
	v19 =	vmul.f32 v49, v20;
	_ =	sdelay $0x1  }
0x5e6: {  	v17 =	vadd.f32 v17, v18;
	v18 =	vor.u32 s9, v1;
	v16 =	vadd.f32 v16, v19  }
0x5e7: {  	v19 =	vor.u32 s9, v0  }
0x5e8: {  	v16 =	vadd.f32 v16, v17  }
0x5e9: {  	s12 =	sadd.s32 $0x10, s12;
	v17 =	vor.u32 s9, v2  }
0x5ea: {  	[tilespmem:s12+$0x0] =	vst v16  }
0x5eb: {  	v16 =	vld.idx.msk [tilespmem:v18+s1+$0x0], $0xffff;
	v18 =	vor.u32 s9, v3  }
0x5ec: {  	v19 =	vld.idx.msk [tilespmem:v19+s1+$0x0], $0xffff  }
0x5ed: {  	v20 =	vor.u32 s9, v4  }
0x5ee: {  	v17 =	vld.idx.msk [tilespmem:v17+s1+$0x0], $0xffff  }
0x5ef: {  	v50 =	vor.u32 s9, v5  }
0x5f0: {  	v18 =	vld.idx.msk [tilespmem:v18+s1+$0x0], $0xffff  }
0x5f1: {  	v22 =	vor.u32 s9, v6;
	v16 =	vadd.f32 v16, v19  }
0x5f2: {  	v19 =	vld.idx.msk [tilespmem:v20+s1+$0x0], $0xffff  }
0x5f3: {  	v20 =	vor.u32 s9, v7;
	v16 =	vadd.f32 v17, v16  }
0x5f4: {  	v17 =	vld.idx.msk [tilespmem:v50+s1+$0x0], $0xffff  }
0x5f5: {  	v51 =	vor.u32 s9, v8;
	v16 =	vadd.f32 v18, v16  }
0x5f6: {  	v18 =	vld.idx.msk [tilespmem:v22+s1+$0x0], $0xffff  }
0x5f7: {  	v52 =	vor.u32 s9, v9;
	v16 =	vadd.f32 v19, v16  }
0x5f8: {  	v19 =	vld.idx.msk [tilespmem:v20+s1+$0x0], $0xffff  }
0x5f9: {  	v20 =	vor.u32 s9, v10;
	v16 =	vadd.f32 v17, v16  }
0x5fa: {  	v17 =	vld.idx.msk [tilespmem:v51+s1+$0x0], $0xffff  }
0x5fb: {  	v53 =	vor.u32 s9, v11;
	v16 =	vadd.f32 v18, v16  }
0x5fc: {  	v18 =	vld.idx.msk [tilespmem:v52+s1+$0x0], $0xffff  }
0x5fd: {  	v54 =	vor.u32 s9, v12;
	v16 =	vadd.f32 v19, v16  }
0x5fe: {  	v19 =	vld.idx.msk [tilespmem:v20+s1+$0x0], $0xffff  }
0x5ff: {  	v20 =	vor.u32 s9, v13;
	v16 =	vadd.f32 v17, v16  }
0x600: {  	v17 =	vld.idx.msk [tilespmem:v53+s1+$0x0], $0xffff  }
0x601: {  	v55 =	vor.u32 s9, v14;
	v16 =	vadd.f32 v18, v16  }
0x602: {  	v18 =	vld.idx.msk [tilespmem:v54+s1+$0x0], $0xffff  }
0x603: {  	v56 =	vor.u32 s9, v15;
	v16 =	vadd.f32 v19, v16  }
0x604: {  	v19 =	vld.idx.msk [tilespmem:v20+s1+$0x0], $0xffff  }
0x605: {  	v16 =	vadd.f32 v17, v16  }
0x606: {  	v17 =	vld.idx.msk [tilespmem:v55+s1+$0x0], $0xffff  }
0x607: {  	v16 =	vadd.f32 v18, v16  }
0x608: {  	v18 =	vld.idx.msk [tilespmem:v56+s1+$0x0], $0xffff  }
0x609: {  	v16 =	vadd.f32 v19, v16  }
0x60a: {  	s28 =	simm.s32 $0x100  }
0x60b: {  	v19 =	vor.u32 s28, v1;
	v16 =	vadd.f32 v17, v16  }
0x60c: {  	v17 =	vor.u32 s28, v0  }
0x60d: {  	v16 =	vadd.f32 v18, v16  }
0x60e: {  	s9 =	simm.s32 $0x1180;
	v18 =	vor.u32 s28, v2  }
0x60f: {  	[tilespmem:s9+$0x0] =	vst v16  }
0x610: {  	v16 =	vld.idx.msk [tilespmem:v19+s1+$0x0], $0xffff;
	v19 =	vor.u32 s28, v3  }
0x611: {  	v17 =	vld.idx.msk [tilespmem:v17+s1+$0x0], $0xffff  }
0x612: {  	v20 =	vor.u32 s28, v4  }
0x613: {  	v18 =	vld.idx.msk [tilespmem:v18+s1+$0x0], $0xffff  }
0x614: {  	v57 =	vor.u32 s28, v5  }
0x615: {  	v19 =	vld.idx.msk [tilespmem:v19+s1+$0x0], $0xffff  }
0x616: {  	v58 =	vor.u32 s28, v6;
	v16 =	vadd.f32 v16, v17  }
0x617: {  	v17 =	vld.idx.msk [tilespmem:v20+s1+$0x0], $0xffff  }
0x618: {  	v20 =	vor.u32 s28, v7;
	v16 =	vadd.f32 v18, v16  }
0x619: {  	v18 =	vld.idx.msk [tilespmem:v57+s1+$0x0], $0xffff  }
0x61a: {  	v59 =	vor.u32 s28, v8;
	v16 =	vadd.f32 v19, v16  }
0x61b: {  	v19 =	vld.idx.msk [tilespmem:v58+s1+$0x0], $0xffff  }
0x61c: {  	v60 =	vor.u32 s28, v9;
	v16 =	vadd.f32 v17, v16  }
0x61d: {  	v17 =	vld.idx.msk [tilespmem:v20+s1+$0x0], $0xffff  }
0x61e: {  	v20 =	vor.u32 s28, v10;
	v16 =	vadd.f32 v18, v16  }
0x61f: {  	v18 =	vld.idx.msk [tilespmem:v59+s1+$0x0], $0xffff  }
0x620: {  	v61 =	vor.u32 s28, v11;
	v16 =	vadd.f32 v19, v16  }
0x621: {  	v19 =	vld.idx.msk [tilespmem:v60+s1+$0x0], $0xffff  }
0x622: {  	v16 =	vadd.f32 v17, v16  }
0x623: {  	v17 =	vld.idx.msk [tilespmem:v20+s1+$0x0], $0xffff  }
0x624: {  	v62 =	vor.u32 s28, v12;
	v16 =	vadd.f32 v18, v16  }
0x625: {  	v18 =	vld.idx.msk [tilespmem:v61+s1+$0x0], $0xffff  }
0x626: {  	v20 =	vor.u32 s28, v13;
	v16 =	vadd.f32 v19, v16;
	_ =	sdelay $0x1  }
0x627: {  	v63 =	vor.u32 s28, v14;
	v16 =	vadd.f32 v17, v16  }
0x628: {  	v19 =	vld.idx.msk [tilespmem:v62+s1+$0x0], $0xffff  }
0x629: {  	v16 =	vadd.f32 v18, v16;
	v18 =	vor.u32 s28, v15  }
0x62a: {  	v17 =	vld.idx.msk [tilespmem:v20+s1+$0x0], $0xffff;
	_ =	sdelay $0x1  }
0x62b: {  	v20 =	vld.idx.msk [tilespmem:v63+s1+$0x0], $0xffff  }
0x62c: {  	v16 =	vadd.f32 v19, v16  }
0x62d: {  	v18 =	vld.idx.msk [tilespmem:v18+s1+$0x0], $0xffff  }
0x62e: {  	v17 =	vadd.f32 v17, v16  }
0x62f: {  	s12 =	simm.s32 $0x200  }
0x630: {  	v16 =	vor.u32 s12, v1;
	v19 =	vadd.f32 v20, v17  }
0x631: {  	s14 =	simm.s32 $0x300;
	v17 =	vor.u32 s12, v0  }
.LBB2_41:
0x632: {  	p0 =	sne.s32 s14, $0x700;
	v18 =	vadd.f32 v18, v19  }
0x633: {  	v19 =	vor.u32 s12, v2;
	s9 =	sadd.s32 $0x10, s9  }
0x634: {  	[tilespmem:s9+$0x0] =	vst v18  }
0x635: {  	v18 =	vor.u32 s12, v3;
	v16 =	vld.idx.msk [tilespmem:v16+s1+$0x0], $0xffff  }
0x636: {  	v17 =	vld.idx.msk [tilespmem:v17+s1+$0x0], $0xffff  }
0x637: {  	v20 =	vor.u32 s12, v4  }
0x638: {  	v19 =	vld.idx.msk [tilespmem:v19+s1+$0x0], $0xffff  }
0x639: {  	v21 =	vor.u32 s12, v5  }
0x63a: {  	v18 =	vld.idx.msk [tilespmem:v18+s1+$0x0], $0xffff  }
0x63b: {  	v22 =	vor.u32 s12, v6  }
0x63c: {  	v16 =	vadd.f32 v16, v17;
	v17 =	vld.idx.msk [tilespmem:v20+s1+$0x0], $0xffff  }
0x63d: {  	v20 =	vor.u32 s12, v7  }
0x63e: {  	v16 =	vadd.f32 v19, v16;
	v19 =	vld.idx.msk [tilespmem:v21+s1+$0x0], $0xffff  }
0x63f: {  	v21 =	vor.u32 s12, v8  }
0x640: {  	v16 =	vadd.f32 v18, v16;
	v18 =	vld.idx.msk [tilespmem:v22+s1+$0x0], $0xffff  }
0x641: {  	v22 =	vor.u32 s12, v9  }
0x642: {  	v16 =	vadd.f32 v17, v16;
	v17 =	vld.idx.msk [tilespmem:v20+s1+$0x0], $0xffff  }
0x643: {  	v20 =	vor.u32 s12, v10  }
0x644: {  	v16 =	vadd.f32 v19, v16;
	v19 =	vld.idx.msk [tilespmem:v21+s1+$0x0], $0xffff  }
0x645: {  	v21 =	vor.u32 s12, v11  }
0x646: {  	v16 =	vadd.f32 v18, v16;
	v18 =	vld.idx.msk [tilespmem:v22+s1+$0x0], $0xffff  }
0x647: {  	v22 =	vor.u32 s12, v12  }
0x648: {  	v16 =	vadd.f32 v17, v16;
	v17 =	vld.idx.msk [tilespmem:v20+s1+$0x0], $0xffff  }
0x649: {  	v20 =	vor.u32 s12, v13  }
0x64a: {  	v16 =	vadd.f32 v19, v16;
	v19 =	vld.idx.msk [tilespmem:v21+s1+$0x0], $0xffff  }
0x64b: {  	v21 =	vor.u32 s12, v14  }
0x64c: {  	v16 =	vadd.f32 v18, v16;
	v18 =	vld.idx.msk [tilespmem:v22+s1+$0x0], $0xffff  }
0x64d: {  	v22 =	vor.u32 s12, v15;
	s12 =	smov.u32 s14  }
0x64e: {  	v16 =	vadd.f32 v17, v16;
	v17 =	vld.idx.msk [tilespmem:v20+s1+$0x0], $0xffff;
	_ =	sdelay $0x1  }
0x64f: {  	v16 =	vadd.f32 v19, v16;
	v19 =	vld.idx.msk [tilespmem:v21+s1+$0x0], $0xffff;
	_ =	sdelay $0x1  }
0x650: {  	v16 =	vadd.f32 v18, v16;
	v18 =	vld.idx.msk [tilespmem:v22+s1+$0x0], $0xffff  }
.Ltmp21:
0x651: {  	(pc) =	sbr.rel @p0 .LBB2_41-.Ltmp21, $3  }
0x652: {  	v17 =	vadd.f32 v17, v16;
	_ =	sdelay $0x1  }
0x653: {  	v16 =	vor.u32 s14, v1;
	v19 =	vadd.f32 v19, v17  }
0x654: {  	s14 =	sadd.s32 $0x100, s14;
	v17 =	vor.u32 s12, v0  }
0x655: {  	_ = 	snop  }
0x656: {  	v18 =	vadd.f32 v18, v19  }
0x657: {  	v19 =	vor.u32 s12, v2;
	s9 =	sadd.s32 $0x10, s9  }
0x658: {  	[tilespmem:s9+$0x0] =	vst v18  }
0x659: {  	v18 =	vor.u32 s12, v3;
	v16 =	vld.idx.msk [tilespmem:v16+s1+$0x0], $0xffff  }
0x65a: {  	v17 =	vld.idx.msk [tilespmem:v17+s1+$0x0], $0xffff  }
0x65b: {  	v20 =	vor.u32 s12, v4  }
0x65c: {  	v19 =	vld.idx.msk [tilespmem:v19+s1+$0x0], $0xffff  }
0x65d: {  	v21 =	vor.u32 s12, v5  }
0x65e: {  	v18 =	vld.idx.msk [tilespmem:v18+s1+$0x0], $0xffff  }
0x65f: {  	v22 =	vor.u32 s12, v6;
	v16 =	vadd.f32 v16, v17  }
0x660: {  	v17 =	vld.idx.msk [tilespmem:v20+s1+$0x0], $0xffff  }
0x661: {  	v20 =	vor.u32 s12, v7;
	v16 =	vadd.f32 v19, v16  }
0x662: {  	v19 =	vld.idx.msk [tilespmem:v21+s1+$0x0], $0xffff  }
0x663: {  	v56 =	vor.u32 s12, v8;
	v16 =	vadd.f32 v18, v16  }
0x664: {  	v18 =	vld.idx.msk [tilespmem:v22+s1+$0x0], $0xffff  }
0x665: {  	v57 =	vor.u32 s12, v9;
	v16 =	vadd.f32 v17, v16  }
0x666: {  	v17 =	vld.idx.msk [tilespmem:v20+s1+$0x0], $0xffff  }
0x667: {  	v20 =	vor.u32 s12, v10;
	v16 =	vadd.f32 v19, v16  }
0x668: {  	v19 =	vld.idx.msk [tilespmem:v56+s1+$0x0], $0xffff  }
0x669: {  	v58 =	vor.u32 s12, v11;
	v16 =	vadd.f32 v18, v16  }
0x66a: {  	v18 =	vld.idx.msk [tilespmem:v57+s1+$0x0], $0xffff  }
0x66b: {  	v59 =	vor.u32 s12, v12;
	v16 =	vadd.f32 v17, v16  }
0x66c: {  	v17 =	vld.idx.msk [tilespmem:v20+s1+$0x0], $0xffff  }
0x66d: {  	v20 =	vor.u32 s12, v13;
	v16 =	vadd.f32 v19, v16  }
0x66e: {  	v19 =	vld.idx.msk [tilespmem:v58+s1+$0x0], $0xffff  }
0x66f: {  	v60 =	vor.u32 s12, v14;
	v16 =	vadd.f32 v18, v16  }
0x670: {  	v18 =	vld.idx.msk [tilespmem:v59+s1+$0x0], $0xffff  }
0x671: {  	v61 =	vor.u32 s12, v15;
	v16 =	vadd.f32 v17, v16  }
0x672: {  	v17 =	vld.idx.msk [tilespmem:v20+s1+$0x0], $0xffff  }
0x673: {  	v16 =	vadd.f32 v19, v16  }
0x674: {  	v19 =	vld.idx.msk [tilespmem:v60+s1+$0x0], $0xffff  }
0x675: {  	v16 =	vadd.f32 v18, v16  }
0x676: {  	v18 =	vld.idx.msk [tilespmem:v61+s1+$0x0], $0xffff  }
0x677: {  	v16 =	vadd.f32 v17, v16;
	_ =	sdelay $0x1  }
0x678: {  	v16 =	vadd.f32 v19, v16;
	_ =	sdelay $0x1  }
0x679: {  	v16 =	vadd.f32 v18, v16  }
0x67a: {  	s9 =	sadd.s32 $0x10, s9  }
0x67b: {  	s25 =	simm.s32 $0x2A80;
	[tilespmem:s9+$0x0] =	vst v16  }
0x67c: {  	[tilespmem:s29], [sflag:$0x4] =	stream.indirect.gather [hbm4b:s3+s24], $0x20, s25, s24, $0xb8;
	[tilespmem:$0x7800] =	vst v63  }
0x67d: {  	s26 =	simm.s32 $0x280  }
0x67e: {  	[tilespmem:s30], [sflag:$0x2] =	stream.indirect.gather [hbm4b:s4+s24], $0x20, s26, s24, $0xb8;
	[tilespmem:$0x7800] =	vst v63  }
0x67f: {  	_ =	swait.ge [sflag:s31], $0x1000  }
0x680: {  	[sflag:s31] =	ssyncset.done $0x0  }
0x681: {  	[sflag:s31] =	ssyncadd.s32 $0xFFFFF000  }
0x682: {  	_ =	swait.ge [sflag:s0], $0x1000  }
0x683: {  	[sflag:s0] =	ssyncset.done $0x0  }
0x684: {  	s28 =	simm.s32 $0x0;
	[sflag:s0] =	ssyncadd.s32 $0xFFFFF000  }
0x685: {  	v16 =	vld [tilespmem:s28+$0x5800]  }
0x686: {  	v17 =	vld [tilespmem:s28+$0x3800]  }
0x687: {  	v19 =	vld [tilespmem:s28+$0x3810]  }
0x688: {  	v18 =	vld [tilespmem:s28+$0x5810];
	_ =	sdelay $0x1  }
0x689: {  	v20 =	vunpack.i.u.bf16.f32 v16  }
0x68a: {  	v16 =	vunpack.i.l.bf16.f32 v16;
	v62 =	vunpack.i.u.bf16.f32 v17;
	v17 =	vunpack.i.l.bf16.f32 v17  }
0x68b: {  	v63 =	vunpack.i.u.bf16.f32 v19;
	v19 =	vunpack.i.l.bf16.f32 v19;
	v16 =	vmul.f32 v17, v16  }
0x68c: {  	v17 =	vmul.f32 v62, v20;
	v20 =	vunpack.i.u.bf16.f32 v18;
	v18 =	vunpack.i.l.bf16.f32 v18  }
0x68d: {  	v18 =	vmul.f32 v19, v18;
	v19 =	vmul.f32 v63, v20;
	_ =	sdelay $0x1  }
0x68e: {  	v16 =	vadd.f32 v16, v17;
	v17 =	vadd.f32 v18, v19;
	_ =	sdelay $0x1  }
0x68f: {  	v16 =	vadd.f32 v17, v16  }
0x690: {  	s12 =	simm.s32 $0x2000  }
0x691: {  	s15 =	simm.s32 $0x20;
	[tilespmem:s12+$0x0] =	vst v16  }
0x692: {  	v18 =	vld [tilespmem:s15+$0x5800]  }
0x693: {  	v17 =	vld [tilespmem:s15+$0x3800]  }
0x694: {  	s14 =	simm.s32 $0x100;
	s9 =	simm.s32 $0x0;
	v16 =	vld [tilespmem:s15+$0x5810]  }
.LBB2_43:
0x695: {  	p0 =	sne.s32 s14, $0x3F80;
	v19 =	vld [tilespmem:s15+$0x3810];
	_ =	sdelay $0x1  }
0x696: {  	v20 =	vunpack.i.u.bf16.f32 v18  }
0x697: {  	v18 =	vunpack.i.l.bf16.f32 v18;
	v21 =	vunpack.i.u.bf16.f32 v17;
	v17 =	vunpack.i.l.bf16.f32 v17  }
0x698: {  	v17 =	vmul.f32 v17, v18;
	v18 =	vmul.f32 v21, v20;
	v20 =	vunpack.i.u.bf16.f32 v16  }
0x699: {  	v16 =	vunpack.i.l.bf16.f32 v16;
	v21 =	vunpack.i.u.bf16.f32 v19;
	v19 =	vunpack.i.l.bf16.f32 v19  }
0x69a: {  	v16 =	vmul.f32 v19, v16;
	v19 =	vmul.f32 v21, v20;
	_ =	sdelay $0x1  }
0x69b: {  	v17 =	vadd.f32 v17, v18;
	v16 =	vadd.f32 v16, v19;
	_ =	sdelay $0x1  }
0x69c: {  	v16 =	vadd.f32 v16, v17  }
.Ltmp22:
0x69d: {  	s12 =	sadd.s32 $0x10, s12;
	(pc) =	sbr.rel @p0 .LBB2_43-.Ltmp22, $4  }
0x69e: {  	s15 =	sshra.s32 s14, $0x2;
	[tilespmem:s12+$0x0] =	vst v16  }
0x69f: {  	v18 =	vld [tilespmem:s15+$0x5800]  }
0x6a0: {  	v17 =	vld [tilespmem:s15+$0x3800]  }
0x6a1: {  	s14 =	sadd.s32 $0x80, s14;
	v16 =	vld [tilespmem:s15+$0x5810]  }
0x6a2: {  	v19 =	vld [tilespmem:s15+$0x3810];
	_ =	sdelay $0x1  }
0x6a3: {  	v20 =	vunpack.i.u.bf16.f32 v18  }
0x6a4: {  	v18 =	vunpack.i.l.bf16.f32 v18;
	v21 =	vunpack.i.u.bf16.f32 v17;
	v17 =	vunpack.i.l.bf16.f32 v17  }
0x6a5: {  	v17 =	vmul.f32 v17, v18;
	v18 =	vmul.f32 v21, v20;
	v20 =	vunpack.i.u.bf16.f32 v16  }
0x6a6: {  	v16 =	vunpack.i.l.bf16.f32 v16;
	v49 =	vunpack.i.u.bf16.f32 v19;
	v19 =	vunpack.i.l.bf16.f32 v19  }
0x6a7: {  	v16 =	vmul.f32 v19, v16;
	v19 =	vmul.f32 v49, v20;
	_ =	sdelay $0x1  }
0x6a8: {  	v17 =	vadd.f32 v17, v18;
	v18 =	vor.u32 s9, v1;
	v16 =	vadd.f32 v16, v19  }
0x6a9: {  	v19 =	vor.u32 s9, v0  }
0x6aa: {  	v16 =	vadd.f32 v16, v17  }
0x6ab: {  	s12 =	sadd.s32 $0x10, s12;
	v17 =	vor.u32 s9, v2  }
0x6ac: {  	[tilespmem:s12+$0x0] =	vst v16  }
0x6ad: {  	v16 =	vld.idx.msk [tilespmem:v18+s1+$0x0], $0xffff;
	v18 =	vor.u32 s9, v3  }
0x6ae: {  	v19 =	vld.idx.msk [tilespmem:v19+s1+$0x0], $0xffff  }
0x6af: {  	v20 =	vor.u32 s9, v4  }
0x6b0: {  	v17 =	vld.idx.msk [tilespmem:v17+s1+$0x0], $0xffff  }
0x6b1: {  	v50 =	vor.u32 s9, v5  }
0x6b2: {  	v18 =	vld.idx.msk [tilespmem:v18+s1+$0x0], $0xffff  }
0x6b3: {  	v22 =	vor.u32 s9, v6;
	v16 =	vadd.f32 v16, v19  }
0x6b4: {  	v19 =	vld.idx.msk [tilespmem:v20+s1+$0x0], $0xffff  }
0x6b5: {  	v20 =	vor.u32 s9, v7;
	v16 =	vadd.f32 v17, v16  }
0x6b6: {  	v17 =	vld.idx.msk [tilespmem:v50+s1+$0x0], $0xffff  }
0x6b7: {  	v51 =	vor.u32 s9, v8;
	v16 =	vadd.f32 v18, v16  }
0x6b8: {  	v18 =	vld.idx.msk [tilespmem:v22+s1+$0x0], $0xffff  }
0x6b9: {  	v52 =	vor.u32 s9, v9;
	v16 =	vadd.f32 v19, v16  }
0x6ba: {  	v19 =	vld.idx.msk [tilespmem:v20+s1+$0x0], $0xffff  }
0x6bb: {  	v20 =	vor.u32 s9, v10;
	v16 =	vadd.f32 v17, v16  }
0x6bc: {  	v17 =	vld.idx.msk [tilespmem:v51+s1+$0x0], $0xffff  }
0x6bd: {  	v53 =	vor.u32 s9, v11;
	v16 =	vadd.f32 v18, v16  }
0x6be: {  	v18 =	vld.idx.msk [tilespmem:v52+s1+$0x0], $0xffff  }
0x6bf: {  	v54 =	vor.u32 s9, v12;
	v16 =	vadd.f32 v19, v16  }
0x6c0: {  	v19 =	vld.idx.msk [tilespmem:v20+s1+$0x0], $0xffff  }
0x6c1: {  	v20 =	vor.u32 s9, v13;
	v16 =	vadd.f32 v17, v16  }
0x6c2: {  	v17 =	vld.idx.msk [tilespmem:v53+s1+$0x0], $0xffff  }
0x6c3: {  	v55 =	vor.u32 s9, v14;
	v16 =	vadd.f32 v18, v16  }
0x6c4: {  	v18 =	vld.idx.msk [tilespmem:v54+s1+$0x0], $0xffff  }
0x6c5: {  	v56 =	vor.u32 s9, v15;
	v16 =	vadd.f32 v19, v16  }
0x6c6: {  	v19 =	vld.idx.msk [tilespmem:v20+s1+$0x0], $0xffff  }
0x6c7: {  	v16 =	vadd.f32 v17, v16  }
0x6c8: {  	v17 =	vld.idx.msk [tilespmem:v55+s1+$0x0], $0xffff  }
0x6c9: {  	v16 =	vadd.f32 v18, v16  }
0x6ca: {  	v18 =	vld.idx.msk [tilespmem:v56+s1+$0x0], $0xffff  }
0x6cb: {  	v16 =	vadd.f32 v19, v16  }
0x6cc: {  	s28 =	simm.s32 $0x100  }
0x6cd: {  	v19 =	vor.u32 s28, v1;
	v16 =	vadd.f32 v17, v16  }
0x6ce: {  	v17 =	vor.u32 s28, v0  }
0x6cf: {  	v16 =	vadd.f32 v18, v16  }
0x6d0: {  	s9 =	simm.s32 $0x1200;
	v18 =	vor.u32 s28, v2  }
0x6d1: {  	[tilespmem:s9+$0x0] =	vst v16  }
0x6d2: {  	v16 =	vld.idx.msk [tilespmem:v19+s1+$0x0], $0xffff;
	v19 =	vor.u32 s28, v3  }
0x6d3: {  	v17 =	vld.idx.msk [tilespmem:v17+s1+$0x0], $0xffff  }
0x6d4: {  	v20 =	vor.u32 s28, v4  }
0x6d5: {  	v18 =	vld.idx.msk [tilespmem:v18+s1+$0x0], $0xffff  }
0x6d6: {  	v57 =	vor.u32 s28, v5  }
0x6d7: {  	v19 =	vld.idx.msk [tilespmem:v19+s1+$0x0], $0xffff  }
0x6d8: {  	v58 =	vor.u32 s28, v6;
	v16 =	vadd.f32 v16, v17  }
0x6d9: {  	v17 =	vld.idx.msk [tilespmem:v20+s1+$0x0], $0xffff  }
0x6da: {  	v20 =	vor.u32 s28, v7;
	v16 =	vadd.f32 v18, v16  }
0x6db: {  	v18 =	vld.idx.msk [tilespmem:v57+s1+$0x0], $0xffff  }
0x6dc: {  	v59 =	vor.u32 s28, v8;
	v16 =	vadd.f32 v19, v16  }
0x6dd: {  	v19 =	vld.idx.msk [tilespmem:v58+s1+$0x0], $0xffff  }
0x6de: {  	v60 =	vor.u32 s28, v9;
	v16 =	vadd.f32 v17, v16  }
0x6df: {  	v17 =	vld.idx.msk [tilespmem:v20+s1+$0x0], $0xffff  }
0x6e0: {  	v20 =	vor.u32 s28, v10;
	v16 =	vadd.f32 v18, v16  }
0x6e1: {  	v18 =	vld.idx.msk [tilespmem:v59+s1+$0x0], $0xffff  }
0x6e2: {  	v61 =	vor.u32 s28, v11;
	v16 =	vadd.f32 v19, v16  }
0x6e3: {  	v19 =	vld.idx.msk [tilespmem:v60+s1+$0x0], $0xffff  }
0x6e4: {  	v16 =	vadd.f32 v17, v16  }
0x6e5: {  	v17 =	vld.idx.msk [tilespmem:v20+s1+$0x0], $0xffff  }
0x6e6: {  	v62 =	vor.u32 s28, v12;
	v16 =	vadd.f32 v18, v16  }
0x6e7: {  	v18 =	vld.idx.msk [tilespmem:v61+s1+$0x0], $0xffff  }
0x6e8: {  	v20 =	vor.u32 s28, v13;
	v16 =	vadd.f32 v19, v16;
	_ =	sdelay $0x1  }
0x6e9: {  	v63 =	vor.u32 s28, v14;
	v16 =	vadd.f32 v17, v16  }
0x6ea: {  	v19 =	vld.idx.msk [tilespmem:v62+s1+$0x0], $0xffff  }
0x6eb: {  	v16 =	vadd.f32 v18, v16;
	v18 =	vor.u32 s28, v15  }
0x6ec: {  	v17 =	vld.idx.msk [tilespmem:v20+s1+$0x0], $0xffff;
	_ =	sdelay $0x1  }
0x6ed: {  	v20 =	vld.idx.msk [tilespmem:v63+s1+$0x0], $0xffff  }
0x6ee: {  	v16 =	vadd.f32 v19, v16  }
0x6ef: {  	v18 =	vld.idx.msk [tilespmem:v18+s1+$0x0], $0xffff  }
0x6f0: {  	v17 =	vadd.f32 v17, v16  }
0x6f1: {  	s12 =	simm.s32 $0x200  }
0x6f2: {  	v16 =	vor.u32 s12, v1;
	v19 =	vadd.f32 v20, v17  }
0x6f3: {  	s14 =	simm.s32 $0x300;
	v17 =	vor.u32 s12, v0  }
.LBB2_45:
0x6f4: {  	p0 =	sne.s32 s14, $0x700;
	v18 =	vadd.f32 v18, v19  }
0x6f5: {  	v19 =	vor.u32 s12, v2;
	s9 =	sadd.s32 $0x10, s9  }
0x6f6: {  	[tilespmem:s9+$0x0] =	vst v18  }
0x6f7: {  	v18 =	vor.u32 s12, v3;
	v16 =	vld.idx.msk [tilespmem:v16+s1+$0x0], $0xffff  }
0x6f8: {  	v17 =	vld.idx.msk [tilespmem:v17+s1+$0x0], $0xffff  }
0x6f9: {  	v20 =	vor.u32 s12, v4  }
0x6fa: {  	v19 =	vld.idx.msk [tilespmem:v19+s1+$0x0], $0xffff  }
0x6fb: {  	v21 =	vor.u32 s12, v5  }
0x6fc: {  	v18 =	vld.idx.msk [tilespmem:v18+s1+$0x0], $0xffff  }
0x6fd: {  	v22 =	vor.u32 s12, v6  }
0x6fe: {  	v16 =	vadd.f32 v16, v17;
	v17 =	vld.idx.msk [tilespmem:v20+s1+$0x0], $0xffff  }
0x6ff: {  	v20 =	vor.u32 s12, v7  }
0x700: {  	v16 =	vadd.f32 v19, v16;
	v19 =	vld.idx.msk [tilespmem:v21+s1+$0x0], $0xffff  }
0x701: {  	v21 =	vor.u32 s12, v8  }
0x702: {  	v16 =	vadd.f32 v18, v16;
	v18 =	vld.idx.msk [tilespmem:v22+s1+$0x0], $0xffff  }
0x703: {  	v22 =	vor.u32 s12, v9  }
0x704: {  	v16 =	vadd.f32 v17, v16;
	v17 =	vld.idx.msk [tilespmem:v20+s1+$0x0], $0xffff  }
0x705: {  	v20 =	vor.u32 s12, v10  }
0x706: {  	v16 =	vadd.f32 v19, v16;
	v19 =	vld.idx.msk [tilespmem:v21+s1+$0x0], $0xffff  }
0x707: {  	v21 =	vor.u32 s12, v11  }
0x708: {  	v16 =	vadd.f32 v18, v16;
	v18 =	vld.idx.msk [tilespmem:v22+s1+$0x0], $0xffff  }
0x709: {  	v22 =	vor.u32 s12, v12  }
0x70a: {  	v16 =	vadd.f32 v17, v16;
	v17 =	vld.idx.msk [tilespmem:v20+s1+$0x0], $0xffff  }
0x70b: {  	v20 =	vor.u32 s12, v13  }
0x70c: {  	v16 =	vadd.f32 v19, v16;
	v19 =	vld.idx.msk [tilespmem:v21+s1+$0x0], $0xffff  }
0x70d: {  	v21 =	vor.u32 s12, v14  }
0x70e: {  	v16 =	vadd.f32 v18, v16;
	v18 =	vld.idx.msk [tilespmem:v22+s1+$0x0], $0xffff  }
0x70f: {  	v22 =	vor.u32 s12, v15;
	s12 =	smov.u32 s14  }
0x710: {  	v16 =	vadd.f32 v17, v16;
	v17 =	vld.idx.msk [tilespmem:v20+s1+$0x0], $0xffff;
	_ =	sdelay $0x1  }
0x711: {  	v16 =	vadd.f32 v19, v16;
	v19 =	vld.idx.msk [tilespmem:v21+s1+$0x0], $0xffff;
	_ =	sdelay $0x1  }
0x712: {  	v16 =	vadd.f32 v18, v16;
	v18 =	vld.idx.msk [tilespmem:v22+s1+$0x0], $0xffff  }
.Ltmp23:
0x713: {  	(pc) =	sbr.rel @p0 .LBB2_45-.Ltmp23, $3  }
0x714: {  	v17 =	vadd.f32 v17, v16;
	_ =	sdelay $0x1  }
0x715: {  	v16 =	vor.u32 s14, v1;
	v19 =	vadd.f32 v19, v17  }
0x716: {  	s14 =	sadd.s32 $0x100, s14;
	v17 =	vor.u32 s12, v0  }
0x717: {  	_ = 	snop  }
0x718: {  	v18 =	vadd.f32 v18, v19  }
0x719: {  	v19 =	vor.u32 s12, v2;
	s9 =	sadd.s32 $0x10, s9  }
0x71a: {  	[tilespmem:s9+$0x0] =	vst v18  }
0x71b: {  	v18 =	vor.u32 s12, v3;
	v16 =	vld.idx.msk [tilespmem:v16+s1+$0x0], $0xffff  }
0x71c: {  	v17 =	vld.idx.msk [tilespmem:v17+s1+$0x0], $0xffff  }
0x71d: {  	v20 =	vor.u32 s12, v4  }
0x71e: {  	v19 =	vld.idx.msk [tilespmem:v19+s1+$0x0], $0xffff  }
0x71f: {  	v21 =	vor.u32 s12, v5  }
0x720: {  	v18 =	vld.idx.msk [tilespmem:v18+s1+$0x0], $0xffff  }
0x721: {  	v22 =	vor.u32 s12, v6;
	v16 =	vadd.f32 v16, v17  }
0x722: {  	v17 =	vld.idx.msk [tilespmem:v20+s1+$0x0], $0xffff  }
0x723: {  	v20 =	vor.u32 s12, v7;
	v16 =	vadd.f32 v19, v16  }
0x724: {  	v19 =	vld.idx.msk [tilespmem:v21+s1+$0x0], $0xffff  }
0x725: {  	v56 =	vor.u32 s12, v8;
	v16 =	vadd.f32 v18, v16  }
0x726: {  	v18 =	vld.idx.msk [tilespmem:v22+s1+$0x0], $0xffff  }
0x727: {  	v57 =	vor.u32 s12, v9;
	v16 =	vadd.f32 v17, v16  }
0x728: {  	v17 =	vld.idx.msk [tilespmem:v20+s1+$0x0], $0xffff  }
0x729: {  	v20 =	vor.u32 s12, v10;
	v16 =	vadd.f32 v19, v16  }
0x72a: {  	v19 =	vld.idx.msk [tilespmem:v56+s1+$0x0], $0xffff  }
0x72b: {  	v58 =	vor.u32 s12, v11;
	v16 =	vadd.f32 v18, v16  }
0x72c: {  	v18 =	vld.idx.msk [tilespmem:v57+s1+$0x0], $0xffff  }
0x72d: {  	v59 =	vor.u32 s12, v12;
	v16 =	vadd.f32 v17, v16  }
0x72e: {  	v17 =	vld.idx.msk [tilespmem:v20+s1+$0x0], $0xffff  }
0x72f: {  	v20 =	vor.u32 s12, v13;
	v16 =	vadd.f32 v19, v16  }
0x730: {  	v19 =	vld.idx.msk [tilespmem:v58+s1+$0x0], $0xffff  }
0x731: {  	v60 =	vor.u32 s12, v14;
	v16 =	vadd.f32 v18, v16  }
0x732: {  	v18 =	vld.idx.msk [tilespmem:v59+s1+$0x0], $0xffff  }
0x733: {  	v61 =	vor.u32 s12, v15;
	v16 =	vadd.f32 v17, v16  }
0x734: {  	v17 =	vld.idx.msk [tilespmem:v20+s1+$0x0], $0xffff  }
0x735: {  	v16 =	vadd.f32 v19, v16  }
0x736: {  	v19 =	vld.idx.msk [tilespmem:v60+s1+$0x0], $0xffff  }
0x737: {  	v16 =	vadd.f32 v18, v16  }
0x738: {  	v18 =	vld.idx.msk [tilespmem:v61+s1+$0x0], $0xffff  }
0x739: {  	v16 =	vadd.f32 v17, v16;
	_ =	sdelay $0x1  }
0x73a: {  	v16 =	vadd.f32 v19, v16;
	_ =	sdelay $0x1  }
0x73b: {  	v16 =	vadd.f32 v18, v16  }
0x73c: {  	s9 =	sadd.s32 $0x10, s9  }
0x73d: {  	s20 =	simm.s32 $0x5800;
	s21 =	simm.s32 $0x50;
	s14 =	simm.s32 $0x2B00;
	[tilespmem:s9+$0x0] =	vst v16  }
0x73e: {  	[tilespmem:s20], [sflag:$0x3] =	stream.indirect.gather [hbm4b:s3+s21], $0x20, s14, s21, $0xb8;
	[tilespmem:$0x7800] =	vst v63  }
0x73f: {  	s25 =	simm.s32 $0x3800;
	s26 =	simm.s32 $0x300  }
0x740: {  	[tilespmem:s25], [sflag:$0x1] =	stream.indirect.gather [hbm4b:s4+s21], $0x20, s26, s21, $0xb8;
	[tilespmem:$0x7800] =	vst v63  }
0x741: {  	_ =	swait.ge [sflag:s10], $0x1000  }
0x742: {  	[sflag:s10] =	ssyncset.done $0x0  }
0x743: {  	[sflag:s10] =	ssyncadd.s32 $0xFFFFF000  }
0x744: {  	_ =	swait.ge [sflag:s11], $0x1000  }
0x745: {  	[sflag:s11] =	ssyncset.done $0x0  }
0x746: {  	s28 =	simm.s32 $0x0;
	[sflag:s11] =	ssyncadd.s32 $0xFFFFF000  }
0x747: {  	v16 =	vld [tilespmem:s28+$0x6800]  }
0x748: {  	v17 =	vld [tilespmem:s28+$0x4800]  }
0x749: {  	v19 =	vld [tilespmem:s28+$0x4810]  }
0x74a: {  	v18 =	vld [tilespmem:s28+$0x6810];
	_ =	sdelay $0x1  }
0x74b: {  	v20 =	vunpack.i.u.bf16.f32 v16  }
0x74c: {  	v16 =	vunpack.i.l.bf16.f32 v16;
	v62 =	vunpack.i.u.bf16.f32 v17;
	v17 =	vunpack.i.l.bf16.f32 v17  }
0x74d: {  	v63 =	vunpack.i.u.bf16.f32 v19;
	v19 =	vunpack.i.l.bf16.f32 v19;
	v16 =	vmul.f32 v17, v16  }
0x74e: {  	v17 =	vmul.f32 v62, v20;
	v20 =	vunpack.i.u.bf16.f32 v18;
	v18 =	vunpack.i.l.bf16.f32 v18  }
0x74f: {  	v18 =	vmul.f32 v19, v18;
	v19 =	vmul.f32 v63, v20;
	_ =	sdelay $0x1  }
0x750: {  	v16 =	vadd.f32 v16, v17;
	v17 =	vadd.f32 v18, v19;
	_ =	sdelay $0x1  }
0x751: {  	v16 =	vadd.f32 v17, v16  }
0x752: {  	s12 =	simm.s32 $0x2000  }
0x753: {  	s15 =	simm.s32 $0x20;
	[tilespmem:s12+$0x0] =	vst v16  }
0x754: {  	v18 =	vld [tilespmem:s15+$0x6800]  }
0x755: {  	v17 =	vld [tilespmem:s15+$0x4800]  }
0x756: {  	s9 =	simm.s32 $0x0;
	s14 =	simm.s32 $0x100;
	v16 =	vld [tilespmem:s15+$0x6810]  }
.LBB2_47:
0x757: {  	p0 =	sne.s32 s14, $0x3F80;
	v19 =	vld [tilespmem:s15+$0x4810];
	_ =	sdelay $0x1  }
0x758: {  	v20 =	vunpack.i.u.bf16.f32 v18  }
0x759: {  	v18 =	vunpack.i.l.bf16.f32 v18;
	v21 =	vunpack.i.u.bf16.f32 v17;
	v17 =	vunpack.i.l.bf16.f32 v17  }
0x75a: {  	v17 =	vmul.f32 v17, v18;
	v18 =	vmul.f32 v21, v20;
	v20 =	vunpack.i.u.bf16.f32 v16  }
0x75b: {  	v16 =	vunpack.i.l.bf16.f32 v16;
	v21 =	vunpack.i.u.bf16.f32 v19;
	v19 =	vunpack.i.l.bf16.f32 v19  }
0x75c: {  	v16 =	vmul.f32 v19, v16;
	v19 =	vmul.f32 v21, v20;
	_ =	sdelay $0x1  }
0x75d: {  	v17 =	vadd.f32 v17, v18;
	v16 =	vadd.f32 v16, v19;
	_ =	sdelay $0x1  }
0x75e: {  	v16 =	vadd.f32 v16, v17  }
.Ltmp24:
0x75f: {  	s12 =	sadd.s32 $0x10, s12;
	(pc) =	sbr.rel @p0 .LBB2_47-.Ltmp24, $4  }
0x760: {  	s15 =	sshra.s32 s14, $0x2;
	[tilespmem:s12+$0x0] =	vst v16  }
0x761: {  	v18 =	vld [tilespmem:s15+$0x6800]  }
0x762: {  	v17 =	vld [tilespmem:s15+$0x4800]  }
0x763: {  	s14 =	sadd.s32 $0x80, s14;
	v16 =	vld [tilespmem:s15+$0x6810]  }
0x764: {  	v19 =	vld [tilespmem:s15+$0x4810];
	_ =	sdelay $0x1  }
0x765: {  	v20 =	vunpack.i.u.bf16.f32 v18  }
0x766: {  	v18 =	vunpack.i.l.bf16.f32 v18;
	v21 =	vunpack.i.u.bf16.f32 v17;
	v17 =	vunpack.i.l.bf16.f32 v17  }
0x767: {  	v17 =	vmul.f32 v17, v18;
	v18 =	vmul.f32 v21, v20;
	v20 =	vunpack.i.u.bf16.f32 v16  }
0x768: {  	v16 =	vunpack.i.l.bf16.f32 v16;
	v49 =	vunpack.i.u.bf16.f32 v19;
	v19 =	vunpack.i.l.bf16.f32 v19  }
0x769: {  	v16 =	vmul.f32 v19, v16;
	v19 =	vmul.f32 v49, v20;
	_ =	sdelay $0x1  }
0x76a: {  	v17 =	vadd.f32 v17, v18;
	v18 =	vor.u32 s9, v1;
	v16 =	vadd.f32 v16, v19  }
0x76b: {  	v19 =	vor.u32 s9, v0  }
0x76c: {  	v16 =	vadd.f32 v16, v17  }
0x76d: {  	s12 =	sadd.s32 $0x10, s12;
	v17 =	vor.u32 s9, v2  }
0x76e: {  	[tilespmem:s12+$0x0] =	vst v16  }
0x76f: {  	v16 =	vld.idx.msk [tilespmem:v18+s1+$0x0], $0xffff;
	v18 =	vor.u32 s9, v3  }
0x770: {  	v19 =	vld.idx.msk [tilespmem:v19+s1+$0x0], $0xffff  }
0x771: {  	v20 =	vor.u32 s9, v4  }
0x772: {  	v17 =	vld.idx.msk [tilespmem:v17+s1+$0x0], $0xffff  }
0x773: {  	v50 =	vor.u32 s9, v5  }
0x774: {  	v18 =	vld.idx.msk [tilespmem:v18+s1+$0x0], $0xffff  }
0x775: {  	v22 =	vor.u32 s9, v6;
	v16 =	vadd.f32 v16, v19  }
0x776: {  	v19 =	vld.idx.msk [tilespmem:v20+s1+$0x0], $0xffff  }
0x777: {  	v20 =	vor.u32 s9, v7;
	v16 =	vadd.f32 v17, v16  }
0x778: {  	v17 =	vld.idx.msk [tilespmem:v50+s1+$0x0], $0xffff  }
0x779: {  	v51 =	vor.u32 s9, v8;
	v16 =	vadd.f32 v18, v16  }
0x77a: {  	v18 =	vld.idx.msk [tilespmem:v22+s1+$0x0], $0xffff  }
0x77b: {  	v52 =	vor.u32 s9, v9;
	v16 =	vadd.f32 v19, v16  }
0x77c: {  	v19 =	vld.idx.msk [tilespmem:v20+s1+$0x0], $0xffff  }
0x77d: {  	v20 =	vor.u32 s9, v10;
	v16 =	vadd.f32 v17, v16  }
0x77e: {  	v17 =	vld.idx.msk [tilespmem:v51+s1+$0x0], $0xffff  }
0x77f: {  	v53 =	vor.u32 s9, v11;
	v16 =	vadd.f32 v18, v16  }
0x780: {  	v18 =	vld.idx.msk [tilespmem:v52+s1+$0x0], $0xffff  }
0x781: {  	v54 =	vor.u32 s9, v12;
	v16 =	vadd.f32 v19, v16  }
0x782: {  	v19 =	vld.idx.msk [tilespmem:v20+s1+$0x0], $0xffff  }
0x783: {  	v20 =	vor.u32 s9, v13;
	v16 =	vadd.f32 v17, v16  }
0x784: {  	v17 =	vld.idx.msk [tilespmem:v53+s1+$0x0], $0xffff  }
0x785: {  	v55 =	vor.u32 s9, v14;
	v16 =	vadd.f32 v18, v16  }
0x786: {  	v18 =	vld.idx.msk [tilespmem:v54+s1+$0x0], $0xffff  }
0x787: {  	v56 =	vor.u32 s9, v15;
	v16 =	vadd.f32 v19, v16  }
0x788: {  	v19 =	vld.idx.msk [tilespmem:v20+s1+$0x0], $0xffff  }
0x789: {  	v16 =	vadd.f32 v17, v16  }
0x78a: {  	v17 =	vld.idx.msk [tilespmem:v55+s1+$0x0], $0xffff  }
0x78b: {  	v16 =	vadd.f32 v18, v16  }
0x78c: {  	v18 =	vld.idx.msk [tilespmem:v56+s1+$0x0], $0xffff  }
0x78d: {  	v16 =	vadd.f32 v19, v16  }
0x78e: {  	s28 =	simm.s32 $0x100  }
0x78f: {  	v19 =	vor.u32 s28, v1;
	v16 =	vadd.f32 v17, v16  }
0x790: {  	v17 =	vor.u32 s28, v0  }
0x791: {  	v16 =	vadd.f32 v18, v16  }
0x792: {  	s9 =	simm.s32 $0x1280;
	v18 =	vor.u32 s28, v2  }
0x793: {  	[tilespmem:s9+$0x0] =	vst v16  }
0x794: {  	v16 =	vld.idx.msk [tilespmem:v19+s1+$0x0], $0xffff;
	v19 =	vor.u32 s28, v3  }
0x795: {  	v17 =	vld.idx.msk [tilespmem:v17+s1+$0x0], $0xffff  }
0x796: {  	v20 =	vor.u32 s28, v4  }
0x797: {  	v18 =	vld.idx.msk [tilespmem:v18+s1+$0x0], $0xffff  }
0x798: {  	v57 =	vor.u32 s28, v5  }
0x799: {  	v19 =	vld.idx.msk [tilespmem:v19+s1+$0x0], $0xffff  }
0x79a: {  	v58 =	vor.u32 s28, v6;
	v16 =	vadd.f32 v16, v17  }
0x79b: {  	v17 =	vld.idx.msk [tilespmem:v20+s1+$0x0], $0xffff  }
0x79c: {  	v20 =	vor.u32 s28, v7;
	v16 =	vadd.f32 v18, v16  }
0x79d: {  	v18 =	vld.idx.msk [tilespmem:v57+s1+$0x0], $0xffff  }
0x79e: {  	v59 =	vor.u32 s28, v8;
	v16 =	vadd.f32 v19, v16  }
0x79f: {  	v19 =	vld.idx.msk [tilespmem:v58+s1+$0x0], $0xffff  }
0x7a0: {  	v60 =	vor.u32 s28, v9;
	v16 =	vadd.f32 v17, v16  }
0x7a1: {  	v17 =	vld.idx.msk [tilespmem:v20+s1+$0x0], $0xffff  }
0x7a2: {  	v20 =	vor.u32 s28, v10;
	v16 =	vadd.f32 v18, v16  }
0x7a3: {  	v18 =	vld.idx.msk [tilespmem:v59+s1+$0x0], $0xffff  }
0x7a4: {  	v61 =	vor.u32 s28, v11;
	v16 =	vadd.f32 v19, v16  }
0x7a5: {  	v19 =	vld.idx.msk [tilespmem:v60+s1+$0x0], $0xffff  }
0x7a6: {  	v16 =	vadd.f32 v17, v16  }
0x7a7: {  	v17 =	vld.idx.msk [tilespmem:v20+s1+$0x0], $0xffff  }
0x7a8: {  	v62 =	vor.u32 s28, v12;
	v16 =	vadd.f32 v18, v16  }
0x7a9: {  	v18 =	vld.idx.msk [tilespmem:v61+s1+$0x0], $0xffff  }
0x7aa: {  	v20 =	vor.u32 s28, v13;
	v16 =	vadd.f32 v19, v16;
	_ =	sdelay $0x1  }
0x7ab: {  	v63 =	vor.u32 s28, v14;
	v16 =	vadd.f32 v17, v16  }
0x7ac: {  	v19 =	vld.idx.msk [tilespmem:v62+s1+$0x0], $0xffff  }
0x7ad: {  	v16 =	vadd.f32 v18, v16;
	v18 =	vor.u32 s28, v15  }
0x7ae: {  	v17 =	vld.idx.msk [tilespmem:v20+s1+$0x0], $0xffff;
	_ =	sdelay $0x1  }
0x7af: {  	v20 =	vld.idx.msk [tilespmem:v63+s1+$0x0], $0xffff  }
0x7b0: {  	v16 =	vadd.f32 v19, v16  }
0x7b1: {  	v18 =	vld.idx.msk [tilespmem:v18+s1+$0x0], $0xffff  }
0x7b2: {  	v17 =	vadd.f32 v17, v16  }
0x7b3: {  	s12 =	simm.s32 $0x200  }
0x7b4: {  	v16 =	vor.u32 s12, v1;
	v19 =	vadd.f32 v20, v17  }
0x7b5: {  	s14 =	simm.s32 $0x300;
	v17 =	vor.u32 s12, v0  }
.LBB2_49:
0x7b6: {  	p0 =	sne.s32 s14, $0x700;
	v18 =	vadd.f32 v18, v19  }
0x7b7: {  	v19 =	vor.u32 s12, v2;
	s9 =	sadd.s32 $0x10, s9  }
0x7b8: {  	[tilespmem:s9+$0x0] =	vst v18  }
0x7b9: {  	v18 =	vor.u32 s12, v3;
	v16 =	vld.idx.msk [tilespmem:v16+s1+$0x0], $0xffff  }
0x7ba: {  	v17 =	vld.idx.msk [tilespmem:v17+s1+$0x0], $0xffff  }
0x7bb: {  	v20 =	vor.u32 s12, v4  }
0x7bc: {  	v19 =	vld.idx.msk [tilespmem:v19+s1+$0x0], $0xffff  }
0x7bd: {  	v21 =	vor.u32 s12, v5  }
0x7be: {  	v18 =	vld.idx.msk [tilespmem:v18+s1+$0x0], $0xffff  }
0x7bf: {  	v22 =	vor.u32 s12, v6  }
0x7c0: {  	v16 =	vadd.f32 v16, v17;
	v17 =	vld.idx.msk [tilespmem:v20+s1+$0x0], $0xffff  }
0x7c1: {  	v20 =	vor.u32 s12, v7  }
0x7c2: {  	v16 =	vadd.f32 v19, v16;
	v19 =	vld.idx.msk [tilespmem:v21+s1+$0x0], $0xffff  }
0x7c3: {  	v21 =	vor.u32 s12, v8  }
0x7c4: {  	v16 =	vadd.f32 v18, v16;
	v18 =	vld.idx.msk [tilespmem:v22+s1+$0x0], $0xffff  }
0x7c5: {  	v22 =	vor.u32 s12, v9  }
0x7c6: {  	v16 =	vadd.f32 v17, v16;
	v17 =	vld.idx.msk [tilespmem:v20+s1+$0x0], $0xffff  }
0x7c7: {  	v20 =	vor.u32 s12, v10  }
0x7c8: {  	v16 =	vadd.f32 v19, v16;
	v19 =	vld.idx.msk [tilespmem:v21+s1+$0x0], $0xffff  }
0x7c9: {  	v21 =	vor.u32 s12, v11  }
0x7ca: {  	v16 =	vadd.f32 v18, v16;
	v18 =	vld.idx.msk [tilespmem:v22+s1+$0x0], $0xffff  }
0x7cb: {  	v22 =	vor.u32 s12, v12  }
0x7cc: {  	v16 =	vadd.f32 v17, v16;
	v17 =	vld.idx.msk [tilespmem:v20+s1+$0x0], $0xffff  }
0x7cd: {  	v20 =	vor.u32 s12, v13  }
0x7ce: {  	v16 =	vadd.f32 v19, v16;
	v19 =	vld.idx.msk [tilespmem:v21+s1+$0x0], $0xffff  }
0x7cf: {  	v21 =	vor.u32 s12, v14  }
0x7d0: {  	v16 =	vadd.f32 v18, v16;
	v18 =	vld.idx.msk [tilespmem:v22+s1+$0x0], $0xffff  }
0x7d1: {  	v22 =	vor.u32 s12, v15;
	s12 =	smov.u32 s14  }
0x7d2: {  	v16 =	vadd.f32 v17, v16;
	v17 =	vld.idx.msk [tilespmem:v20+s1+$0x0], $0xffff;
	_ =	sdelay $0x1  }
0x7d3: {  	v16 =	vadd.f32 v19, v16;
	v19 =	vld.idx.msk [tilespmem:v21+s1+$0x0], $0xffff;
	_ =	sdelay $0x1  }
0x7d4: {  	v16 =	vadd.f32 v18, v16;
	v18 =	vld.idx.msk [tilespmem:v22+s1+$0x0], $0xffff  }
.Ltmp25:
0x7d5: {  	(pc) =	sbr.rel @p0 .LBB2_49-.Ltmp25, $3  }
0x7d6: {  	v17 =	vadd.f32 v17, v16;
	_ =	sdelay $0x1  }
0x7d7: {  	v16 =	vor.u32 s14, v1;
	v19 =	vadd.f32 v19, v17  }
0x7d8: {  	s14 =	sadd.s32 $0x100, s14;
	v17 =	vor.u32 s12, v0  }
0x7d9: {  	_ = 	snop  }
0x7da: {  	v18 =	vadd.f32 v18, v19  }
0x7db: {  	v19 =	vor.u32 s12, v2;
	s9 =	sadd.s32 $0x10, s9  }
0x7dc: {  	[tilespmem:s9+$0x0] =	vst v18  }
0x7dd: {  	v18 =	vor.u32 s12, v3;
	v16 =	vld.idx.msk [tilespmem:v16+s1+$0x0], $0xffff  }
0x7de: {  	v17 =	vld.idx.msk [tilespmem:v17+s1+$0x0], $0xffff  }
0x7df: {  	v20 =	vor.u32 s12, v4  }
0x7e0: {  	v19 =	vld.idx.msk [tilespmem:v19+s1+$0x0], $0xffff  }
0x7e1: {  	v21 =	vor.u32 s12, v5  }
0x7e2: {  	v18 =	vld.idx.msk [tilespmem:v18+s1+$0x0], $0xffff  }
0x7e3: {  	v22 =	vor.u32 s12, v6;
	v16 =	vadd.f32 v16, v17  }
0x7e4: {  	v17 =	vld.idx.msk [tilespmem:v20+s1+$0x0], $0xffff  }
0x7e5: {  	v20 =	vor.u32 s12, v7;
	v16 =	vadd.f32 v19, v16  }
0x7e6: {  	v19 =	vld.idx.msk [tilespmem:v21+s1+$0x0], $0xffff  }
0x7e7: {  	v56 =	vor.u32 s12, v8;
	v16 =	vadd.f32 v18, v16  }
0x7e8: {  	v18 =	vld.idx.msk [tilespmem:v22+s1+$0x0], $0xffff  }
0x7e9: {  	v57 =	vor.u32 s12, v9;
	v16 =	vadd.f32 v17, v16  }
0x7ea: {  	v17 =	vld.idx.msk [tilespmem:v20+s1+$0x0], $0xffff  }
0x7eb: {  	v20 =	vor.u32 s12, v10;
	v16 =	vadd.f32 v19, v16  }
0x7ec: {  	v19 =	vld.idx.msk [tilespmem:v56+s1+$0x0], $0xffff  }
0x7ed: {  	v58 =	vor.u32 s12, v11;
	v16 =	vadd.f32 v18, v16  }
0x7ee: {  	v18 =	vld.idx.msk [tilespmem:v57+s1+$0x0], $0xffff  }
0x7ef: {  	v59 =	vor.u32 s12, v12;
	v16 =	vadd.f32 v17, v16  }
0x7f0: {  	v17 =	vld.idx.msk [tilespmem:v20+s1+$0x0], $0xffff  }
0x7f1: {  	v20 =	vor.u32 s12, v13;
	v16 =	vadd.f32 v19, v16  }
0x7f2: {  	v19 =	vld.idx.msk [tilespmem:v58+s1+$0x0], $0xffff  }
0x7f3: {  	v60 =	vor.u32 s12, v14;
	v16 =	vadd.f32 v18, v16  }
0x7f4: {  	v18 =	vld.idx.msk [tilespmem:v59+s1+$0x0], $0xffff  }
0x7f5: {  	v61 =	vor.u32 s12, v15;
	v16 =	vadd.f32 v17, v16  }
0x7f6: {  	v17 =	vld.idx.msk [tilespmem:v20+s1+$0x0], $0xffff  }
0x7f7: {  	v16 =	vadd.f32 v19, v16  }
0x7f8: {  	v19 =	vld.idx.msk [tilespmem:v60+s1+$0x0], $0xffff  }
0x7f9: {  	v16 =	vadd.f32 v18, v16  }
0x7fa: {  	v18 =	vld.idx.msk [tilespmem:v61+s1+$0x0], $0xffff  }
0x7fb: {  	v16 =	vadd.f32 v17, v16;
	_ =	sdelay $0x1  }
0x7fc: {  	v16 =	vadd.f32 v19, v16;
	_ =	sdelay $0x1  }
0x7fd: {  	v16 =	vadd.f32 v18, v16  }
0x7fe: {  	s9 =	sadd.s32 $0x10, s9  }
0x7ff: {  	[tilespmem:s9+$0x0] =	vst v16  }
0x800: {  	_ =	swait.ge [sflag:s31], $0xA00  }
0x801: {  	[sflag:s31] =	ssyncset.done $0x0  }
0x802: {  	[sflag:s31] =	ssyncadd.s32 $0xFFFFF600  }
0x803: {  	_ =	swait.ge [sflag:s0], $0xA00  }
0x804: {  	[sflag:s0] =	ssyncset.done $0x0  }
0x805: {  	s28 =	simm.s32 $0x0;
	[sflag:s0] =	ssyncadd.s32 $0xFFFFF600  }
0x806: {  	v16 =	vld [tilespmem:s28+$0x5800]  }
0x807: {  	v17 =	vld [tilespmem:s28+$0x3800]  }
0x808: {  	v19 =	vld [tilespmem:s28+$0x3810]  }
0x809: {  	v18 =	vld [tilespmem:s28+$0x5810];
	_ =	sdelay $0x1  }
0x80a: {  	v20 =	vunpack.i.u.bf16.f32 v16  }
0x80b: {  	v16 =	vunpack.i.l.bf16.f32 v16;
	v62 =	vunpack.i.u.bf16.f32 v17;
	v17 =	vunpack.i.l.bf16.f32 v17  }
0x80c: {  	v63 =	vunpack.i.u.bf16.f32 v19;
	v19 =	vunpack.i.l.bf16.f32 v19;
	v16 =	vmul.f32 v17, v16  }
0x80d: {  	v17 =	vmul.f32 v62, v20;
	v20 =	vunpack.i.u.bf16.f32 v18;
	v18 =	vunpack.i.l.bf16.f32 v18  }
0x80e: {  	v18 =	vmul.f32 v19, v18;
	v19 =	vmul.f32 v63, v20;
	_ =	sdelay $0x1  }
0x80f: {  	v16 =	vadd.f32 v16, v17;
	v17 =	vadd.f32 v18, v19;
	_ =	sdelay $0x1  }
0x810: {  	v16 =	vadd.f32 v17, v16  }
0x811: {  	s12 =	simm.s32 $0x2000  }
0x812: {  	s15 =	simm.s32 $0x20;
	[tilespmem:s12+$0x0] =	vst v16  }
0x813: {  	v18 =	vld [tilespmem:s15+$0x5800]  }
0x814: {  	v17 =	vld [tilespmem:s15+$0x3800]  }
0x815: {  	s14 =	simm.s32 $0x100;
	s9 =	simm.s32 $0x0;
	v16 =	vld [tilespmem:s15+$0x5810]  }
.LBB2_51:
0x816: {  	p0 =	sne.s32 s14, $0x2780;
	v19 =	vld [tilespmem:s15+$0x3810];
	_ =	sdelay $0x1  }
0x817: {  	v20 =	vunpack.i.u.bf16.f32 v18  }
0x818: {  	v18 =	vunpack.i.l.bf16.f32 v18;
	v21 =	vunpack.i.u.bf16.f32 v17;
	v17 =	vunpack.i.l.bf16.f32 v17  }
0x819: {  	v17 =	vmul.f32 v17, v18;
	v18 =	vmul.f32 v21, v20;
	v20 =	vunpack.i.u.bf16.f32 v16  }
0x81a: {  	v16 =	vunpack.i.l.bf16.f32 v16;
	v21 =	vunpack.i.u.bf16.f32 v19;
	v19 =	vunpack.i.l.bf16.f32 v19  }
0x81b: {  	v16 =	vmul.f32 v19, v16;
	v19 =	vmul.f32 v21, v20;
	_ =	sdelay $0x1  }
0x81c: {  	v17 =	vadd.f32 v17, v18;
	v16 =	vadd.f32 v16, v19;
	_ =	sdelay $0x1  }
0x81d: {  	v16 =	vadd.f32 v16, v17  }
.Ltmp26:
0x81e: {  	s12 =	sadd.s32 $0x10, s12;
	(pc) =	sbr.rel @p0 .LBB2_51-.Ltmp26, $4  }
0x81f: {  	s15 =	sshra.s32 s14, $0x2;
	[tilespmem:s12+$0x0] =	vst v16  }
0x820: {  	v18 =	vld [tilespmem:s15+$0x5800]  }
0x821: {  	v17 =	vld [tilespmem:s15+$0x3800]  }
0x822: {  	s14 =	sadd.s32 $0x80, s14;
	v16 =	vld [tilespmem:s15+$0x5810]  }
0x823: {  	v19 =	vld [tilespmem:s15+$0x3810];
	_ =	sdelay $0x1  }
0x824: {  	v20 =	vunpack.i.u.bf16.f32 v18  }
0x825: {  	v18 =	vunpack.i.l.bf16.f32 v18;
	v21 =	vunpack.i.u.bf16.f32 v17;
	v17 =	vunpack.i.l.bf16.f32 v17  }
0x826: {  	v17 =	vmul.f32 v17, v18;
	v18 =	vmul.f32 v21, v20;
	v20 =	vunpack.i.u.bf16.f32 v16  }
0x827: {  	v16 =	vunpack.i.l.bf16.f32 v16;
	v49 =	vunpack.i.u.bf16.f32 v19;
	v19 =	vunpack.i.l.bf16.f32 v19  }
0x828: {  	v16 =	vmul.f32 v19, v16;
	v19 =	vmul.f32 v49, v20;
	_ =	sdelay $0x1  }
0x829: {  	v17 =	vadd.f32 v17, v18;
	v18 =	vor.u32 s9, v1;
	v16 =	vadd.f32 v16, v19  }
0x82a: {  	v19 =	vor.u32 s9, v0  }
0x82b: {  	v16 =	vadd.f32 v16, v17  }
0x82c: {  	s12 =	sadd.s32 $0x10, s12;
	v17 =	vor.u32 s9, v2  }
0x82d: {  	[tilespmem:s12+$0x0] =	vst v16  }
0x82e: {  	v16 =	vld.idx.msk [tilespmem:v18+s1+$0x0], $0xffff;
	v18 =	vor.u32 s9, v3  }
0x82f: {  	v19 =	vld.idx.msk [tilespmem:v19+s1+$0x0], $0xffff  }
0x830: {  	v20 =	vor.u32 s9, v4  }
0x831: {  	v17 =	vld.idx.msk [tilespmem:v17+s1+$0x0], $0xffff  }
0x832: {  	v50 =	vor.u32 s9, v5  }
0x833: {  	v18 =	vld.idx.msk [tilespmem:v18+s1+$0x0], $0xffff  }
0x834: {  	v22 =	vor.u32 s9, v6;
	v16 =	vadd.f32 v16, v19  }
0x835: {  	v19 =	vld.idx.msk [tilespmem:v20+s1+$0x0], $0xffff  }
0x836: {  	v20 =	vor.u32 s9, v7;
	v16 =	vadd.f32 v17, v16  }
0x837: {  	v17 =	vld.idx.msk [tilespmem:v50+s1+$0x0], $0xffff  }
0x838: {  	v51 =	vor.u32 s9, v8;
	v16 =	vadd.f32 v18, v16  }
0x839: {  	v18 =	vld.idx.msk [tilespmem:v22+s1+$0x0], $0xffff  }
0x83a: {  	v52 =	vor.u32 s9, v9;
	v16 =	vadd.f32 v19, v16  }
0x83b: {  	v19 =	vld.idx.msk [tilespmem:v20+s1+$0x0], $0xffff  }
0x83c: {  	v20 =	vor.u32 s9, v10;
	v16 =	vadd.f32 v17, v16  }
0x83d: {  	v17 =	vld.idx.msk [tilespmem:v51+s1+$0x0], $0xffff  }
0x83e: {  	v53 =	vor.u32 s9, v11;
	v16 =	vadd.f32 v18, v16  }
0x83f: {  	v18 =	vld.idx.msk [tilespmem:v52+s1+$0x0], $0xffff  }
0x840: {  	v54 =	vor.u32 s9, v12;
	v16 =	vadd.f32 v19, v16  }
0x841: {  	v19 =	vld.idx.msk [tilespmem:v20+s1+$0x0], $0xffff  }
0x842: {  	v20 =	vor.u32 s9, v13;
	v16 =	vadd.f32 v17, v16  }
0x843: {  	v17 =	vld.idx.msk [tilespmem:v53+s1+$0x0], $0xffff  }
0x844: {  	v55 =	vor.u32 s9, v14;
	v16 =	vadd.f32 v18, v16  }
0x845: {  	v18 =	vld.idx.msk [tilespmem:v54+s1+$0x0], $0xffff  }
0x846: {  	v56 =	vor.u32 s9, v15;
	v16 =	vadd.f32 v19, v16  }
0x847: {  	v19 =	vld.idx.msk [tilespmem:v20+s1+$0x0], $0xffff  }
0x848: {  	v16 =	vadd.f32 v17, v16  }
0x849: {  	v17 =	vld.idx.msk [tilespmem:v55+s1+$0x0], $0xffff  }
0x84a: {  	v16 =	vadd.f32 v18, v16  }
0x84b: {  	v18 =	vld.idx.msk [tilespmem:v56+s1+$0x0], $0xffff  }
0x84c: {  	v16 =	vadd.f32 v19, v16  }
0x84d: {  	s28 =	simm.s32 $0x100  }
0x84e: {  	v19 =	vor.u32 s28, v1;
	v16 =	vadd.f32 v17, v16  }
0x84f: {  	v17 =	vor.u32 s28, v0  }
0x850: {  	v16 =	vadd.f32 v18, v16  }
0x851: {  	s9 =	simm.s32 $0x1300;
	v18 =	vor.u32 s28, v2  }
0x852: {  	[tilespmem:s9+$0x0] =	vst v16  }
0x853: {  	v16 =	vld.idx.msk [tilespmem:v19+s1+$0x0], $0xffff;
	v19 =	vor.u32 s28, v3  }
0x854: {  	v17 =	vld.idx.msk [tilespmem:v17+s1+$0x0], $0xffff  }
0x855: {  	v20 =	vor.u32 s28, v4  }
0x856: {  	v18 =	vld.idx.msk [tilespmem:v18+s1+$0x0], $0xffff  }
0x857: {  	v57 =	vor.u32 s28, v5  }
0x858: {  	v19 =	vld.idx.msk [tilespmem:v19+s1+$0x0], $0xffff  }
0x859: {  	v58 =	vor.u32 s28, v6;
	v16 =	vadd.f32 v16, v17  }
0x85a: {  	v17 =	vld.idx.msk [tilespmem:v20+s1+$0x0], $0xffff  }
0x85b: {  	v20 =	vor.u32 s28, v7;
	v16 =	vadd.f32 v18, v16  }
0x85c: {  	v18 =	vld.idx.msk [tilespmem:v57+s1+$0x0], $0xffff  }
0x85d: {  	v59 =	vor.u32 s28, v8;
	v16 =	vadd.f32 v19, v16  }
0x85e: {  	v19 =	vld.idx.msk [tilespmem:v58+s1+$0x0], $0xffff  }
0x85f: {  	v60 =	vor.u32 s28, v9;
	v16 =	vadd.f32 v17, v16  }
0x860: {  	v17 =	vld.idx.msk [tilespmem:v20+s1+$0x0], $0xffff  }
0x861: {  	v20 =	vor.u32 s28, v10;
	v16 =	vadd.f32 v18, v16  }
0x862: {  	v18 =	vld.idx.msk [tilespmem:v59+s1+$0x0], $0xffff  }
0x863: {  	v61 =	vor.u32 s28, v11;
	v16 =	vadd.f32 v19, v16  }
0x864: {  	v19 =	vld.idx.msk [tilespmem:v60+s1+$0x0], $0xffff  }
0x865: {  	v16 =	vadd.f32 v17, v16  }
0x866: {  	v17 =	vld.idx.msk [tilespmem:v20+s1+$0x0], $0xffff  }
0x867: {  	v62 =	vor.u32 s28, v12;
	v16 =	vadd.f32 v18, v16  }
0x868: {  	v18 =	vld.idx.msk [tilespmem:v61+s1+$0x0], $0xffff  }
0x869: {  	v20 =	vor.u32 s28, v13;
	v16 =	vadd.f32 v19, v16;
	_ =	sdelay $0x1  }
0x86a: {  	v63 =	vor.u32 s28, v14;
	v16 =	vadd.f32 v17, v16  }
0x86b: {  	v19 =	vld.idx.msk [tilespmem:v62+s1+$0x0], $0xffff  }
0x86c: {  	v16 =	vadd.f32 v18, v16;
	v18 =	vor.u32 s28, v15  }
0x86d: {  	v17 =	vld.idx.msk [tilespmem:v20+s1+$0x0], $0xffff;
	_ =	sdelay $0x1  }
0x86e: {  	v20 =	vld.idx.msk [tilespmem:v63+s1+$0x0], $0xffff  }
0x86f: {  	v16 =	vadd.f32 v19, v16  }
0x870: {  	v18 =	vld.idx.msk [tilespmem:v18+s1+$0x0], $0xffff  }
0x871: {  	v17 =	vadd.f32 v17, v16  }
0x872: {  	s12 =	simm.s32 $0x200  }
0x873: {  	v16 =	vor.u32 s12, v1;
	v19 =	vadd.f32 v20, v17  }
0x874: {  	s14 =	simm.s32 $0x300;
	v17 =	vor.u32 s12, v0  }
.LBB2_53:
0x875: {  	p0 =	sne.s32 s14, $0x400;
	v18 =	vadd.f32 v18, v19  }
0x876: {  	v19 =	vor.u32 s12, v2;
	s9 =	sadd.s32 $0x10, s9  }
0x877: {  	[tilespmem:s9+$0x0] =	vst v18  }
0x878: {  	v18 =	vor.u32 s12, v3;
	v16 =	vld.idx.msk [tilespmem:v16+s1+$0x0], $0xffff  }
0x879: {  	v17 =	vld.idx.msk [tilespmem:v17+s1+$0x0], $0xffff  }
0x87a: {  	v20 =	vor.u32 s12, v4  }
0x87b: {  	v19 =	vld.idx.msk [tilespmem:v19+s1+$0x0], $0xffff  }
0x87c: {  	v21 =	vor.u32 s12, v5  }
0x87d: {  	v18 =	vld.idx.msk [tilespmem:v18+s1+$0x0], $0xffff  }
0x87e: {  	v22 =	vor.u32 s12, v6  }
0x87f: {  	v16 =	vadd.f32 v16, v17;
	v17 =	vld.idx.msk [tilespmem:v20+s1+$0x0], $0xffff  }
0x880: {  	v20 =	vor.u32 s12, v7  }
0x881: {  	v16 =	vadd.f32 v19, v16;
	v19 =	vld.idx.msk [tilespmem:v21+s1+$0x0], $0xffff  }
0x882: {  	v21 =	vor.u32 s12, v8  }
0x883: {  	v16 =	vadd.f32 v18, v16;
	v18 =	vld.idx.msk [tilespmem:v22+s1+$0x0], $0xffff  }
0x884: {  	v22 =	vor.u32 s12, v9  }
0x885: {  	v16 =	vadd.f32 v17, v16;
	v17 =	vld.idx.msk [tilespmem:v20+s1+$0x0], $0xffff  }
0x886: {  	v20 =	vor.u32 s12, v10  }
0x887: {  	v16 =	vadd.f32 v19, v16;
	v19 =	vld.idx.msk [tilespmem:v21+s1+$0x0], $0xffff  }
0x888: {  	v21 =	vor.u32 s12, v11  }
0x889: {  	v16 =	vadd.f32 v18, v16;
	v18 =	vld.idx.msk [tilespmem:v22+s1+$0x0], $0xffff  }
0x88a: {  	v22 =	vor.u32 s12, v12  }
0x88b: {  	v16 =	vadd.f32 v17, v16;
	v17 =	vld.idx.msk [tilespmem:v20+s1+$0x0], $0xffff  }
0x88c: {  	v20 =	vor.u32 s12, v13  }
0x88d: {  	v16 =	vadd.f32 v19, v16;
	v19 =	vld.idx.msk [tilespmem:v21+s1+$0x0], $0xffff  }
0x88e: {  	v21 =	vor.u32 s12, v14  }
0x88f: {  	v16 =	vadd.f32 v18, v16;
	v18 =	vld.idx.msk [tilespmem:v22+s1+$0x0], $0xffff  }
0x890: {  	v22 =	vor.u32 s12, v15;
	s12 =	smov.u32 s14  }
0x891: {  	v16 =	vadd.f32 v17, v16;
	v17 =	vld.idx.msk [tilespmem:v20+s1+$0x0], $0xffff;
	_ =	sdelay $0x1  }
0x892: {  	v16 =	vadd.f32 v19, v16;
	v19 =	vld.idx.msk [tilespmem:v21+s1+$0x0], $0xffff;
	_ =	sdelay $0x1  }
0x893: {  	v16 =	vadd.f32 v18, v16;
	v18 =	vld.idx.msk [tilespmem:v22+s1+$0x0], $0xffff  }
.Ltmp27:
0x894: {  	(pc) =	sbr.rel @p0 .LBB2_53-.Ltmp27, $3  }
0x895: {  	v17 =	vadd.f32 v17, v16;
	_ =	sdelay $0x1  }
0x896: {  	v16 =	vor.u32 s14, v1;
	v19 =	vadd.f32 v19, v17  }
0x897: {  	s14 =	sadd.s32 $0x100, s14;
	v17 =	vor.u32 s12, v0  }
0x898: {  	_ = 	snop  }
0x899: {  	v18 =	vadd.f32 v18, v19  }
0x89a: {  	v45 =	vor.u32 s12, v2;
	s9 =	sadd.s32 $0x10, s9  }
0x89b: {  	[tilespmem:s9+$0x0] =	vst v18  }
0x89c: {  	v46 =	vor.u32 s12, v3;
	v16 =	vld.idx.msk [tilespmem:v16+s1+$0x0], $0xffff  }
0x89d: {  	v17 =	vld.idx.msk [tilespmem:v17+s1+$0x0], $0xffff  }
0x89e: {  	v20 =	vor.u32 s12, v4  }
0x89f: {  	v19 =	vld.idx.msk [tilespmem:v45+s1+$0x0], $0xffff  }
0x8a0: {  	v21 =	vor.u32 s12, v5  }
0x8a1: {  	v18 =	vld.idx.msk [tilespmem:v46+s1+$0x0], $0xffff  }
0x8a2: {  	v22 =	vor.u32 s12, v6;
	v16 =	vadd.f32 v16, v17  }
0x8a3: {  	v17 =	vld.idx.msk [tilespmem:v20+s1+$0x0], $0xffff  }
0x8a4: {  	v47 =	vor.u32 s12, v7;
	v16 =	vadd.f32 v19, v16  }
0x8a5: {  	v48 =	vld.idx.msk [tilespmem:v21+s1+$0x0], $0xffff  }
0x8a6: {  	v49 =	vor.u32 s12, v8;
	v16 =	vadd.f32 v18, v16  }
0x8a7: {  	v50 =	vld.idx.msk [tilespmem:v22+s1+$0x0], $0xffff  }
0x8a8: {  	v51 =	vor.u32 s12, v9;
	v16 =	vadd.f32 v17, v16  }
0x8a9: {  	v17 =	vld.idx.msk [tilespmem:v47+s1+$0x0], $0xffff  }
0x8aa: {  	v52 =	vor.u32 s12, v10;
	v16 =	vadd.f32 v48, v16  }
0x8ab: {  	v53 =	vld.idx.msk [tilespmem:v49+s1+$0x0], $0xffff  }
0x8ac: {  	v54 =	vor.u32 s12, v11;
	v16 =	vadd.f32 v50, v16  }
0x8ad: {  	v55 =	vld.idx.msk [tilespmem:v51+s1+$0x0], $0xffff  }
0x8ae: {  	v56 =	vor.u32 s12, v12;
	v16 =	vadd.f32 v17, v16  }
0x8af: {  	v17 =	vld.idx.msk [tilespmem:v52+s1+$0x0], $0xffff  }
0x8b0: {  	v57 =	vor.u32 s12, v13;
	v16 =	vadd.f32 v53, v16  }
0x8b1: {  	v58 =	vld.idx.msk [tilespmem:v54+s1+$0x0], $0xffff  }
0x8b2: {  	v59 =	vor.u32 s12, v14;
	v16 =	vadd.f32 v55, v16  }
0x8b3: {  	v60 =	vld.idx.msk [tilespmem:v56+s1+$0x0], $0xffff  }
0x8b4: {  	v61 =	vor.u32 s12, v15;
	v16 =	vadd.f32 v17, v16  }
0x8b5: {  	v17 =	vld.idx.msk [tilespmem:v57+s1+$0x0], $0xffff  }
0x8b6: {  	v16 =	vadd.f32 v58, v16  }
0x8b7: {  	v62 =	vld.idx.msk [tilespmem:v59+s1+$0x0], $0xffff  }
0x8b8: {  	v16 =	vadd.f32 v60, v16  }
0x8b9: {  	v63 =	vld.idx.msk [tilespmem:v61+s1+$0x0], $0xffff  }
0x8ba: {  	v16 =	vadd.f32 v17, v16;
	_ =	sdelay $0x1  }
0x8bb: {  	v16 =	vadd.f32 v62, v16;
	_ =	sdelay $0x1  }
0x8bc: {  	v16 =	vadd.f32 v63, v16  }
0x8bd: {  	s9 =	sadd.s32 $0x10, s9  }
0x8be: {  	s20 =	rddreg [dreg:$0xa];
	s21 =	simm.s32 $0x1000;
	s25 =	simm.s32 $0xA;
	[tilespmem:s9+$0x0] =	vst v16  }
0x8bf: {  	[hbm4b:s20+s2] =	stream.linear.scatter [tilespmem:s21], [sflag:$0x9], $0x350, $0x38;
	[tilespmem:$0x7800] =	vst v63  }
0x8c0: {  	_ =	swait.ge [sflag:s25], $0x800  }
0x8c1: {  	[sflag:s25] =	ssyncset.done $0x0  }
0x8c2: {  	[sflag:s25] =	ssyncadd.s32 $0xFFFFF800  }
0x8c3: {  	_ =	swait.ge [sflag:s16], $0x350  }
0x8c4: {  	s26 =	rddreg [dreg:$0xc]  }
0x8c5: {  	s28 =	rddreg [dreg:$0xb];
	s12 =	sadd.s32 $0x1, s26  }
0x8c6: {  	p0 =	sne.s32 s12, s28  }
.Ltmp28:
0x8c7: {  	_ = 	snop;
	(pc) =	sbr.rel @p0 .LBB2_1-.Ltmp28, $3  }
0x8c8: {  	_ =	sdelay $0x1  }
0x8c9: {  	[sflag:s16] =	ssyncset.done $0x0  }
0x8ca: {  	[sflag:s16] =	ssyncadd.s32 $0xFFFFFCB0  }
0x8cb: {  	_ =	sfence.sel $0x180000  }
0x8cc: {  	[bflag:$0x0] =	sbarrier.arrive $0xFFFF  }
0x8cd: {  	_ =	strace $0x90000047  }
0x8ce: {  	s0 =	stileid.u32;
	[bflag:$0x2] =	sbarrier.arrive $0xFFFF  }
0x8cf: {  	p0 =	sne.s32 s0, $0x0;
	s0 =	rddreg [dreg:$0x1]  }
0x8d0: {  	s0 =	sadd.s32 @!p0 $0x100000, s0  }
0x8d1: {  	[sflag:s0] =	ssyncadd.tile.s32 @!p0 $0x1;
	_ =	shalt  }
.Lfunc_end2:
_tile_overlayer_lowered:
.L_overlay_start_2:
0x8d2: {  	(tag) =	ssettag $0x2  }
0x8d3: {  	s0 =	rddreg [dreg:$0x0];
	s2 =	stileid.u32  }
0x8d4: {  	s1 =	rddreg [dreg:$0x1];
	p0 =	sne.s32 s2, $0x0  }
0x8d5: {  	s3 =	rddreg [dreg:$0x2];
	[bflag:$0x3] =	sbarrier.arrive $0xFFFF;
	s2 =	simm.s32 @!p0 $0x1C0B  }
0x8d6: {  	[timem:s3], [sflag:s2] =	dma.local @!p0 [hbm:s0], s1  }
0x8d7: {  	s0 =	simm.s32 @!p0 $0xB  }
0x8d8: {  	_ =	swait.ge @!p0 [sflag:s0], s1  }
0x8d9: {  	s1 =	ssub.s32 @!p0 $0x0, s1;
	[sflag:s0] =	ssyncset.done @!p0 $0x0  }
0x8da: {  	[sflag:s0] =	ssyncadd.s32 @!p0 s1  }
0x8db: {  	[bflag:$0x3] =	sbarrier.arrive $0xFFFF  }
0x8dc: {  	_ =	shalt  }

</sc_bundles>
